<compile_context>
chip_gen: v7x
topology: tpu7x:2x2x1
jax: 0.10.2.dev20260603
libtpu: 0.0.44.dev20260713+nightly
codegen_flags: <defaults>
</compile_context>

<pallas_src>
import jax
import jax.numpy as jnp
from jax import lax
from jax.experimental import pallas as pl
from jax.experimental.pallas import tpu as pltpu
from jax.experimental.pallas import tpu_sc as plsc

T, C, E, H = 2048, 768, 8, 2688
BN = 128
NPAD = 4096 + E * BN
NW = 32
CH = T // NW
CG = CH // 16

_f32 = jnp.float32
_i32 = jnp.int32


def _router_body(x_ref, wr1_ref, br1_ref, wr2_ref, br2_ref,
                 idx_ref, w_ref, hist_ref):
    x = x_ref[...]
    rh = jnp.dot(x, wr1_ref[...], preferred_element_type=_f32)
    rh = jnp.maximum(rh + br1_ref[...], 0.0)
    logits = jnp.dot(rh, wr2_ref[...], preferred_element_type=_f32)
    logits = logits + br2_ref[...]
    m = jnp.max(logits, axis=-1, keepdims=True)
    ex = jnp.exp(logits - m)
    probs = ex / jnp.sum(ex, axis=-1, keepdims=True)
    lane = lax.broadcasted_iota(_i32, probs.shape, 1)
    m1 = jnp.max(probs, axis=-1, keepdims=True)
    i1 = jnp.min(jnp.where(probs == m1, lane, E), axis=-1, keepdims=True)
    pm = jnp.where(lane == i1, -jnp.inf, probs)
    m2 = jnp.max(pm, axis=-1, keepdims=True)
    i2 = jnp.min(jnp.where(pm == m2, lane, E), axis=-1, keepdims=True)
    idx_ref[...] = jnp.where(lane == 0, i1, jnp.where(lane == 1, i2, 0))
    wsum = m1 + m2
    w_ref[...] = jnp.where(lane == 0, m1 / wsum,
                           jnp.where(lane == 1, m2 / wsum, 0.0))
    lane16 = lax.broadcasted_iota(_i32, (T, 16), 1)
    oh = ((lane16 == i1) | (lane16 == i2)).astype(_i32)
    for j in range(NW):
        seg = oh[j * CH:(j + 1) * CH, :]
        hist_ref[j:j + 1, :] = jnp.sum(seg, axis=0, keepdims=True)


def _router(x2, Wr1, br1, Wr2, br2):
    return pl.pallas_call(
        _router_body,
        out_shape=(jax.ShapeDtypeStruct((T, E), _i32),
                   jax.ShapeDtypeStruct((T, E), _f32),
                   jax.ShapeDtypeStruct((NW, 16), _i32)),
    )(x2, Wr1, br1.reshape(1, C // 2), Wr2, br2.reshape(1, E))


_SC_MESH = plsc.VectorSubcoreMesh(core_axis_name="c", subcore_axis_name="s")
_SC_PARAMS = pltpu.CompilerParams(needs_layout_passes=False)


def _sort_body(idx_hbm, hist_hbm, pos_hbm, off_hbm,
               idxw, posv, allh, offv):
    c = lax.axis_index("c")
    s = lax.axis_index("s")
    w = s * 2 + c
    iota = lax.iota(_i32, 16)
    pltpu.sync_copy(idx_hbm.at[pl.ds(w * CH, CH), :], idxw)
    zeros = jnp.zeros((16,), _i32)
    ones = zeros + 1
    kvecs = []
    for k in range(2):
        col = zeros if k == 0 else ones
        for g in range(CG):
            kvecs.append(plsc.load_gather(idxw, [iota + g * 16, col]))
    pltpu.sync_copy(hist_hbm, allh)
    totals = jnp.zeros((16,), _i32)
    pre = jnp.zeros((16,), _i32)
    for r in range(NW):
        hv = allh[r, :]
        totals = totals + hv
        pre = pre + jnp.where(r < w, hv, 0)
    rounded = (totals + BN - 1) // BN * BN
    off_incl = plsc.cumsum(rounded)
    off_store = jnp.where(iota < E, off_incl - rounded, off_incl)
    offv[...] = off_store

    @pl.when(w == 0)
    def _():
        pltpu.sync_copy(offv, off_hbm)

    base_vec = (off_incl - rounded) + pre
    carries = [jnp.sum(jnp.where(iota == e, base_vec, 0))
               for e in range(E)]

    for k in range(2):
        for g in range(CG):
            kv = kvecs[k * CG + g]
            pos = jnp.zeros((16,), _i32)
            for e in range(E):
                mi = jnp.where(kv == e, 1, 0)
                cms = plsc.cumsum(mi)
                pos = pos + mi * (carries[e] + cms - 1)
                carries[e] = carries[e] + jnp.sum(mi)
            posv[k, pl.ds(g * 16, 16)] = pos
    for k in range(2):
        pltpu.sync_copy(posv.at[k], pos_hbm.at[k, pl.ds(w * CH, CH)])


def _sort(route_idx, hist):
    f = pl.kernel(
        _sort_body,
        out_type=(jax.ShapeDtypeStruct((2, T), _i32),
                  jax.ShapeDtypeStruct((16,), _i32)),
        mesh=_SC_MESH,
        scratch_types=[
            pltpu.VMEM((CH, E), _i32),
            pltpu.VMEM((2, CH), _i32),
            pltpu.VMEM((NW, 16), _i32),
            pltpu.VMEM((16,), _i32),
        ],
        compiler_params=_SC_PARAMS,
    )
    return f(route_idx, hist)


HB = 3
HBK = H // HB


def _mm_body(off_ref, pos_ref, xb_ref, w1_ref, b1_ref, w2_ref, b2_ref,
             yg_ref, xbg_ref):
    e = pl.program_id(0)
    hb = pl.program_id(1)
    w1 = w1_ref[0].astype(jnp.bfloat16)
    w2 = w2_ref[0].astype(jnp.bfloat16)
    b1 = b1_ref[0]
    b2 = b2_ref[0]
    start = off_ref[e]
    nb = (off_ref[e + 1] - start) // BN

    def body_fn(i, _):
        r0 = pl.multiple_of(start + i * BN, BN)
        rows = pl.ds(r0, BN)

        @pl.when(hb == 0)
        def _():
            p0 = pos_ref[0:1, :]
            p1 = pos_ref[1:2, :]
            rowpos = lax.broadcasted_iota(_i32, (BN, T), 0) + r0
            oh = ((rowpos == p0) | (rowpos == p1)).astype(jnp.bfloat16)
            xbg_ref[rows, :] = jnp.dot(
                oh, xb_ref[...],
                preferred_element_type=_f32).astype(jnp.bfloat16)

        xb = xbg_ref[rows, :]
        h = jnp.dot(xb, w1, preferred_element_type=_f32)
        h = jnp.maximum(h + b1, 0.0).astype(jnp.bfloat16)
        part = jnp.dot(h, w2, preferred_element_type=_f32)

        @pl.when(hb == 0)
        def _():
            yg_ref[rows, :] = part

        @pl.when(hb == 1)
        def _():
            yg_ref[rows, :] += part

        @pl.when(hb == HB - 1)
        def _():
            yg_ref[rows, :] = yg_ref[rows, :] + part + b2
        return 0

    lax.fori_loop(0, nb, body_fn, 0)


def _grouped_mm(off, pos, xb16, W1, b1, W2, b2):
    grid_spec = pltpu.PrefetchScalarGridSpec(
        num_scalar_prefetch=1,
        grid=(E, HB),
        in_specs=[
            pl.BlockSpec((2, T), lambda e, hb, off: (0, 0)),
            pl.BlockSpec((T, C), lambda e, hb, off: (0, 0)),
            pl.BlockSpec((1, C, HBK), lambda e, hb, off: (e, 0, hb)),
            pl.BlockSpec((1, 1, HBK), lambda e, hb, off: (e, 0, hb)),
            pl.BlockSpec((1, HBK, C), lambda e, hb, off: (e, hb, 0)),
            pl.BlockSpec((1, 1, C), lambda e, hb, off: (e, 0, 0)),
        ],
        out_specs=pl.BlockSpec((NPAD, C), lambda e, hb, off: (0, 0)),
        scratch_shapes=[pltpu.VMEM((NPAD, C), jnp.bfloat16)],
    )
    return pl.pallas_call(
        _mm_body,
        grid_spec=grid_spec,
        out_shape=jax.ShapeDtypeStruct((NPAD, C), _f32),
        compiler_params=pltpu.CompilerParams(
            dimension_semantics=("arbitrary", "arbitrary"),
        ),
    )(off, pos, xb16, W1, b1.reshape(E, 1, H), W2, b2.reshape(E, 1, C))


TR = T // 32


def _gather_y_body(yg_hbm, pos_hbm, g0_hbm, g1_hbm, idx0, idx1, r0, r1, sem):
    c = lax.axis_index("c")
    s = lax.axis_index("s")
    wid = s * 2 + c
    base = wid * TR
    i1 = pltpu.async_copy(pos_hbm.at[0, pl.ds(base, TR)], idx0, sem)
    i2 = pltpu.async_copy(pos_hbm.at[1, pl.ds(base, TR)], idx1, sem)
    i1.wait()
    i2.wait()
    cp1 = pltpu.async_copy(yg_hbm.at[idx0], r0, sem)
    cp2 = pltpu.async_copy(yg_hbm.at[idx1], r1, sem)
    cp1.wait()
    cp2.wait()
    w1 = pltpu.async_copy(r0, g0_hbm.at[pl.ds(base, TR), :], sem)
    w2 = pltpu.async_copy(r1, g1_hbm.at[pl.ds(base, TR), :], sem)
    w1.wait()
    w2.wait()


def _gather_y(yg, pos):
    f = pl.kernel(
        _gather_y_body,
        out_type=(jax.ShapeDtypeStruct((T, C), _f32),
                  jax.ShapeDtypeStruct((T, C), _f32)),
        mesh=_SC_MESH,
        scratch_types=[pltpu.VMEM((TR,), _i32),
                       pltpu.VMEM((TR,), _i32),
                       pltpu.VMEM((TR, C), _f32),
                       pltpu.VMEM((TR, C), _f32),
                       pltpu.SemaphoreType.DMA],
        compiler_params=_SC_PARAMS,
    )
    return f(yg, pos)


def _combine_body(x_ref, w_ref, g0_ref, g1_ref, out_ref):
    w0 = w_ref[:, 0:1]
    w1 = w_ref[:, 1:2]
    out_ref[...] = x_ref[...] + w0 * g0_ref[...] + w1 * g1_ref[...]


def _combine(x2, route_w, g0, g1):
    return pl.pallas_call(
        _combine_body,
        out_shape=jax.ShapeDtypeStruct((T, C), _f32),
    )(x2, route_w, g0, g1)


def kernel(x, Wr1, br1, Wr2, br2, W1, b1, W2, b2):
    x2 = x.reshape(T, C)
    xb16 = x2.astype(jnp.bfloat16)
    route_idx, route_w, hist = _router(x2, Wr1, br1, Wr2, br2)
    pos, off = _sort(route_idx, hist)
    yg = _grouped_mm(off, pos, xb16, W1, b1, W2, b2)
    g0, g1 = _gather_y(yg, pos)
    out = _combine(x2, route_w, g0, g1)
    return out.reshape(1, T, C)

# --- scband reference (transcript-rebuilt; emitter-appended) ---
"""Pipeline reference for scband-optimized-mo-e-29901562315094 (READ-ONLY COPY).

The authoritative reference and input builder live on the scoring server;
editing this copy changes nothing except your own understanding.
"""

import jax, jax.numpy as jnp
import numpy as np

B, T, C, E, H, K = 1, 2048, 768, 8, 2688, 2

def setup_inputs(seed: int = 0) -> dict:
    key = jax.random.key(seed)
    ks = jax.random.split(key, 10)
    def u(k, shape, fan):
        b = 1.0 / np.sqrt(fan)
        return jax.random.uniform(k, shape, jnp.float32, -b, b)
    x = jax.random.normal(ks[0], (B, T, C), jnp.float32)
    Wr1 = u(ks[1], (C, C // 2), C)
    br1 = u(ks[2], (C // 2,), C)
    Wr2 = u(ks[3], (C // 2, E), C // 2)
    br2 = u(ks[4], (E,), C // 2)
    W1 = u(ks[5], (E, C, H), C)
    b1 = u(ks[6], (E, H), C)
    W2 = u(ks[7], (E, H, C), H)
    b2 = u(ks[8], (E, C), H)
    return {"x": x, "Wr1": Wr1, "br1": br1, "Wr2": Wr2, "br2": br2,
            "W1": W1, "b1": b1, "W2": W2, "b2": b2}

def reference(x, Wr1, br1, Wr2, br2, W1, b1, W2, b2):
    # Router: Linear -> ReLU -> Linear (eval mode: no noise)
    rh = jnp.maximum(x @ Wr1 + br1, 0.0)
    logits = rh @ Wr2 + br2
    probs = jax.nn.softmax(logits, axis=-1)
    # top-k mask + renormalize
    topv, topi = jax.lax.top_k(probs, K)
    mask = jnp.sum(jax.nn.one_hot(topi, E, dtype=probs.dtype), axis=-2)
    w = probs * mask
    w = w / jnp.sum(w, axis=-1, keepdims=True)
    # Experts: Linear -> ReLU -> (Dropout eval = identity) -> Linear
    # Dense-per-expert compute weighted by w (zero for inactive experts) is
    # mathematically identical to torch's masked gather/scatter loop.
    out = x
    for e in range(E):
        he = jnp.maximum(x @ W1[e] + b1[e], 0.0)
        ye = he @ W2[e] + b2[e]
        out = out + w[..., e:e + 1] * ye
    return out

if __name__ == "__main__":
    import jax
    _d = setup_inputs()
    print(jax.jit(kernel)(*tuple(_d.values())))

</pallas_src>

<mosaic_0001>
#map = affine_map<(d0, d1) -> (0, 0)>
module attributes {stable_mosaic.version = 14 : i64} {
  func.func @_gather_y_body(%arg0: i32, %arg1: i32, %arg2: memref<5120x768xf32, #tpu.memory_space<hbm>>, %arg3: memref<2x2048xi32, #tpu.memory_space<hbm>>, %arg4: memref<2048x768xf32, #tpu.memory_space<hbm>>, %arg5: memref<2048x768xf32, #tpu.memory_space<hbm>>, %arg6: memref<64xi32, #tpu.memory_space<vmem>>, %arg7: memref<64xi32, #tpu.memory_space<vmem>>, %arg8: memref<64x768xf32, #tpu.memory_space<vmem>>, %arg9: memref<64x768xf32, #tpu.memory_space<vmem>>, %arg10: memref<!tpu.dma_semaphore, #tpu.memory_space<semaphore_mem>>) attributes {dimension_semantics = [#tpu.dimension_semantics<core_parallel>, #tpu.dimension_semantics<subcore_parallel>], iteration_bounds = array<i64: 2, 16>, scalar_prefetch = 0 : i64, scratch_operands = 5 : i64, tpu.core_type = #tpu.core_type<sc_vector_subcore>, window_params = [{transform_indices = #map}, {transform_indices = #map}, {transform_indices = #map}, {transform_indices = #map}]} {
    %mul3A = arith.constant 2 : i32
    %mul3A_0 = arith.muli %arg1, %mul3A : i32
    %add3A = arith.addi %mul3A_0, %arg0 : i32
    %mul3A_1 = arith.constant 64 : i32
    %mul3A_2 = arith.muli %add3A, %mul3A_1 : i32
    %dma_start3A = arith.constant 0 : i32
    %dma_start3A_3 = tpu.memref_slice %arg3[%dma_start3A, %mul3A_2] : memref<2x2048xi32, #tpu.memory_space<hbm>> -> memref<1x64xi32, #tpu.memory_space<hbm>>
    %dma_start3A_4 = tpu.memref_squeeze %dma_start3A_3 : memref<1x64xi32, #tpu.memory_space<hbm>> -> memref<64xi32, #tpu.memory_space<hbm>>
    %dma_start3A_5 = tpu.memref_slice %arg3[%dma_start3A, %mul3A_2] : memref<2x2048xi32, #tpu.memory_space<hbm>> -> memref<1x64xi32, #tpu.memory_space<hbm>>
    %dma_start3A_6 = tpu.memref_squeeze %dma_start3A_5 : memref<1x64xi32, #tpu.memory_space<hbm>> -> memref<64xi32, #tpu.memory_space<hbm>>
    tpu.enqueue_dma source(%dma_start3A_6 : memref<64xi32, #tpu.memory_space<hbm>>) target(%arg6 : memref<64xi32, #tpu.memory_space<vmem>>) target_semaphore(%arg10 : memref<!tpu.dma_semaphore, #tpu.memory_space<semaphore_mem>>)
    %dma_start3A_7 = arith.constant 1 : i32
    %dma_start3A_8 = tpu.memref_slice %arg3[%dma_start3A_7, %mul3A_2] : memref<2x2048xi32, #tpu.memory_space<hbm>> -> memref<1x64xi32, #tpu.memory_space<hbm>>
    %dma_start3A_9 = tpu.memref_squeeze %dma_start3A_8 : memref<1x64xi32, #tpu.memory_space<hbm>> -> memref<64xi32, #tpu.memory_space<hbm>>
    %dma_start3A_10 = tpu.memref_slice %arg3[%dma_start3A_7, %mul3A_2] : memref<2x2048xi32, #tpu.memory_space<hbm>> -> memref<1x64xi32, #tpu.memory_space<hbm>>
    %dma_start3A_11 = tpu.memref_squeeze %dma_start3A_10 : memref<1x64xi32, #tpu.memory_space<hbm>> -> memref<64xi32, #tpu.memory_space<hbm>>
    tpu.enqueue_dma source(%dma_start3A_11 : memref<64xi32, #tpu.memory_space<hbm>>) target(%arg7 : memref<64xi32, #tpu.memory_space<vmem>>) target_semaphore(%arg10 : memref<!tpu.dma_semaphore, #tpu.memory_space<semaphore_mem>>)
    %dma_wait3A = arith.constant 0 : i32
    %dma_wait3A_12 = tpu.memref_slice %arg3[%dma_wait3A, %mul3A_2] : memref<2x2048xi32, #tpu.memory_space<hbm>> -> memref<1x64xi32, #tpu.memory_space<hbm>>
    %dma_wait3A_13 = tpu.memref_squeeze %dma_wait3A_12 : memref<1x64xi32, #tpu.memory_space<hbm>> -> memref<64xi32, #tpu.memory_space<hbm>>
    %dma_wait3A_14 = tpu.memref_slice %arg3[%dma_wait3A, %mul3A_2] : memref<2x2048xi32, #tpu.memory_space<hbm>> -> memref<1x64xi32, #tpu.memory_space<hbm>>
    %dma_wait3A_15 = tpu.memref_squeeze %dma_wait3A_14 : memref<1x64xi32, #tpu.memory_space<hbm>> -> memref<64xi32, #tpu.memory_space<hbm>>
    tpu.wait_dma2 semaphore(%arg10 : memref<!tpu.dma_semaphore, #tpu.memory_space<semaphore_mem>>) src(%dma_wait3A_15 : memref<64xi32, #tpu.memory_space<hbm>>) dst(%arg6 : memref<64xi32, #tpu.memory_space<vmem>>)
    %dma_wait3A_16 = arith.constant 1 : i32
    %dma_wait3A_17 = tpu.memref_slice %arg3[%dma_wait3A_16, %mul3A_2] : memref<2x2048xi32, #tpu.memory_space<hbm>> -> memref<1x64xi32, #tpu.memory_space<hbm>>
    %dma_wait3A_18 = tpu.memref_squeeze %dma_wait3A_17 : memref<1x64xi32, #tpu.memory_space<hbm>> -> memref<64xi32, #tpu.memory_space<hbm>>
    %dma_wait3A_19 = tpu.memref_slice %arg3[%dma_wait3A_16, %mul3A_2] : memref<2x2048xi32, #tpu.memory_space<hbm>> -> memref<1x64xi32, #tpu.memory_space<hbm>>
    %dma_wait3A_20 = tpu.memref_squeeze %dma_wait3A_19 : memref<1x64xi32, #tpu.memory_space<hbm>> -> memref<64xi32, #tpu.memory_space<hbm>>
    tpu.wait_dma2 semaphore(%arg10 : memref<!tpu.dma_semaphore, #tpu.memory_space<semaphore_mem>>) src(%dma_wait3A_20 : memref<64xi32, #tpu.memory_space<hbm>>) dst(%arg7 : memref<64xi32, #tpu.memory_space<vmem>>)
    %dma_start3A_21 = arith.constant 0 : i32
    %dma_start3A_22 = arith.constant 0 : i32
    %dma_start3A_23 = tpu.memref_slice %arg2[%dma_start3A_21, %dma_start3A_22] : memref<5120x768xf32, #tpu.memory_space<hbm>> -> memref<5120x768xf32, #tpu.memory_space<hbm>>
    tpu.enqueue_indirect_dma source(%dma_start3A_23 : memref<5120x768xf32, #tpu.memory_space<hbm>>) target(%arg8 : memref<64x768xf32, #tpu.memory_space<vmem>>) offsets(%arg6 : memref<64xi32, #tpu.memory_space<vmem>>) semaphore(%arg10 : memref<!tpu.dma_semaphore, #tpu.memory_space<semaphore_mem>>)
    %dma_start3A_24 = arith.constant 0 : i32
    %dma_start3A_25 = arith.constant 0 : i32
    %dma_start3A_26 = tpu.memref_slice %arg2[%dma_start3A_24, %dma_start3A_25] : memref<5120x768xf32, #tpu.memory_space<hbm>> -> memref<5120x768xf32, #tpu.memory_space<hbm>>
    tpu.enqueue_indirect_dma source(%dma_start3A_26 : memref<5120x768xf32, #tpu.memory_space<hbm>>) target(%arg9 : memref<64x768xf32, #tpu.memory_space<vmem>>) offsets(%arg7 : memref<64xi32, #tpu.memory_space<vmem>>) semaphore(%arg10 : memref<!tpu.dma_semaphore, #tpu.memory_space<semaphore_mem>>)
    %dma_wait3A_27 = arith.constant 0 : i32
    %dma_wait3A_28 = arith.constant 0 : i32
    %dma_wait3A_29 = tpu.memref_slice %arg2[%dma_wait3A_27, %dma_wait3A_28] : memref<5120x768xf32, #tpu.memory_space<hbm>> -> memref<5120x768xf32, #tpu.memory_space<hbm>>
    tpu.wait_indirect_dma semaphore(%arg10 : memref<!tpu.dma_semaphore, #tpu.memory_space<semaphore_mem>>) src(%dma_wait3A_29 : memref<5120x768xf32, #tpu.memory_space<hbm>>) dst(%arg8 : memref<64x768xf32, #tpu.memory_space<vmem>>)
    %dma_wait3A_30 = arith.constant 0 : i32
    %dma_wait3A_31 = arith.constant 0 : i32
    %dma_wait3A_32 = tpu.memref_slice %arg2[%dma_wait3A_30, %dma_wait3A_31] : memref<5120x768xf32, #tpu.memory_space<hbm>> -> memref<5120x768xf32, #tpu.memory_space<hbm>>
    tpu.wait_indirect_dma semaphore(%arg10 : memref<!tpu.dma_semaphore, #tpu.memory_space<semaphore_mem>>) src(%dma_wait3A_32 : memref<5120x768xf32, #tpu.memory_space<hbm>>) dst(%arg9 : memref<64x768xf32, #tpu.memory_space<vmem>>)
    %dma_start3A_33 = arith.constant 0 : i32
    %dma_start3A_34 = tpu.memref_slice %arg4[%mul3A_2, %dma_start3A_33] : memref<2048x768xf32, #tpu.memory_space<hbm>> -> memref<64x768xf32, #tpu.memory_space<hbm>>
    %dma_start3A_35 = arith.constant 0 : i32
    %dma_start3A_36 = tpu.memref_slice %arg4[%mul3A_2, %dma_start3A_35] : memref<2048x768xf32, #tpu.memory_space<hbm>> -> memref<64x768xf32, #tpu.memory_space<hbm>>
    tpu.enqueue_dma source(%arg8 : memref<64x768xf32, #tpu.memory_space<vmem>>) target(%dma_start3A_36 : memref<64x768xf32, #tpu.memory_space<hbm>>) target_semaphore(%arg10 : memref<!tpu.dma_semaphore, #tpu.memory_space<semaphore_mem>>)
    %dma_start3A_37 = arith.constant 0 : i32
    %dma_start3A_38 = tpu.memref_slice %arg5[%mul3A_2, %dma_start3A_37] : memref<2048x768xf32, #tpu.memory_space<hbm>> -> memref<64x768xf32, #tpu.memory_space<hbm>>
    %dma_start3A_39 = arith.constant 0 : i32
    %dma_start3A_40 = tpu.memref_slice %arg5[%mul3A_2, %dma_start3A_39] : memref<2048x768xf32, #tpu.memory_space<hbm>> -> memref<64x768xf32, #tpu.memory_space<hbm>>
    tpu.enqueue_dma source(%arg9 : memref<64x768xf32, #tpu.memory_space<vmem>>) target(%dma_start3A_40 : memref<64x768xf32, #tpu.memory_space<hbm>>) target_semaphore(%arg10 : memref<!tpu.dma_semaphore, #tpu.memory_space<semaphore_mem>>)
    %dma_wait3A_41 = arith.constant 0 : i32
    %dma_wait3A_42 = tpu.memref_slice %arg4[%mul3A_2, %dma_wait3A_41] : memref<2048x768xf32, #tpu.memory_space<hbm>> -> memref<64x768xf32, #tpu.memory_space<hbm>>
    %dma_wait3A_43 = arith.constant 0 : i32
    %dma_wait3A_44 = tpu.memref_slice %arg4[%mul3A_2, %dma_wait3A_43] : memref<2048x768xf32, #tpu.memory_space<hbm>> -> memref<64x768xf32, #tpu.memory_space<hbm>>
    tpu.wait_dma2 semaphore(%arg10 : memref<!tpu.dma_semaphore, #tpu.memory_space<semaphore_mem>>) src(%arg8 : memref<64x768xf32, #tpu.memory_space<vmem>>) dst(%dma_wait3A_44 : memref<64x768xf32, #tpu.memory_space<hbm>>)
    %dma_wait3A_45 = arith.constant 0 : i32
    %dma_wait3A_46 = tpu.memref_slice %arg5[%mul3A_2, %dma_wait3A_45] : memref<2048x768xf32, #tpu.memory_space<hbm>> -> memref<64x768xf32, #tpu.memory_space<hbm>>
    %dma_wait3A_47 = arith.constant 0 : i32
    %dma_wait3A_48 = tpu.memref_slice %arg5[%mul3A_2, %dma_wait3A_47] : memref<2048x768xf32, #tpu.memory_space<hbm>> -> memref<64x768xf32, #tpu.memory_space<hbm>>
    tpu.wait_dma2 semaphore(%arg10 : memref<!tpu.dma_semaphore, #tpu.memory_space<semaphore_mem>>) src(%arg9 : memref<64x768xf32, #tpu.memory_space<vmem>>) dst(%dma_wait3A_48 : memref<64x768xf32, #tpu.memory_space<hbm>>)
    return
  }
}

#map = affine_map<(d0, d1) -> (0, 0)>
#map1 = affine_map<(d0, d1) -> (0)>
module attributes {stable_mosaic.version = 14 : i64} {
  func.func @_sort_body(%arg0: i32, %arg1: i32, %arg2: memref<2048x8xi32, #tpu.memory_space<hbm>>, %arg3: memref<32x16xi32, #tpu.memory_space<hbm>>, %arg4: memref<2x2048xi32, #tpu.memory_space<hbm>>, %arg5: memref<16xi32, #tpu.memory_space<hbm>>, %arg6: memref<64x8xi32, #tpu.memory_space<vmem>>, %arg7: memref<2x64xi32, #tpu.memory_space<vmem>>, %arg8: memref<32x16xi32, #tpu.memory_space<vmem>>, %arg9: memref<16xi32, #tpu.memory_space<vmem>>) attributes {dimension_semantics = [#tpu.dimension_semantics<core_parallel>, #tpu.dimension_semantics<subcore_parallel>], iteration_bounds = array<i64: 2, 16>, scalar_prefetch = 0 : i64, scratch_operands = 4 : i64, tpu.core_type = #tpu.core_type<sc_vector_subcore>, window_params = [{transform_indices = #map}, {transform_indices = #map}, {transform_indices = #map}, {transform_indices = #map1}]} {
    %mul3A = arith.constant 2 : i32
    %mul3A_0 = arith.muli %arg1, %mul3A : i32
    %add3A = arith.addi %mul3A_0, %arg0 : i32
    %iota3A = tpu.iota {dimensions = array<i32: 0>} : vector<16xi32>
    %mul3A_1 = arith.constant 64 : i32
    %mul3A_2 = arith.muli %add3A, %mul3A_1 : i32
    "tpu.region"() ({
      %run_scoped3A_2041 = tpu.sem_alloc : memref<!tpu.dma_semaphore, #tpu.memory_space<semaphore_mem>>
      %dma_start3A = arith.constant 0 : i32
      %dma_start3A_2042 = tpu.memref_slice %arg2[%mul3A_2, %dma_start3A] : memref<2048x8xi32, #tpu.memory_space<hbm>> -> memref<64x8xi32, #tpu.memory_space<hbm>>
      %dma_start3A_2043 = arith.constant 0 : i32
      %dma_start3A_2044 = tpu.memref_slice %arg2[%mul3A_2, %dma_start3A_2043] : memref<2048x8xi32, #tpu.memory_space<hbm>> -> memref<64x8xi32, #tpu.memory_space<hbm>>
      tpu.enqueue_dma source(%dma_start3A_2044 : memref<64x8xi32, #tpu.memory_space<hbm>>) target(%arg6 : memref<64x8xi32, #tpu.memory_space<vmem>>) target_semaphore(%run_scoped3A_2041 : memref<!tpu.dma_semaphore, #tpu.memory_space<semaphore_mem>>)
      %dma_wait3A = arith.constant 0 : i32
      %dma_wait3A_2045 = tpu.memref_slice %arg2[%mul3A_2, %dma_wait3A] : memref<2048x8xi32, #tpu.memory_space<hbm>> -> memref<64x8xi32, #tpu.memory_space<hbm>>
      %dma_wait3A_2046 = arith.constant 0 : i32
      %dma_wait3A_2047 = tpu.memref_slice %arg2[%mul3A_2, %dma_wait3A_2046] : memref<2048x8xi32, #tpu.memory_space<hbm>> -> memref<64x8xi32, #tpu.memory_space<hbm>>
      tpu.wait_dma2 semaphore(%run_scoped3A_2041 : memref<!tpu.dma_semaphore, #tpu.memory_space<semaphore_mem>>) src(%dma_wait3A_2047 : memref<64x8xi32, #tpu.memory_space<hbm>>) dst(%arg6 : memref<64x8xi32, #tpu.memory_space<vmem>>)
      tpu.yield
    }) : () -> ()
    %broadcast_in_dim3A = arith.constant 0 : i32
    %broadcast_in_dim3A_3 = vector.broadcast %broadcast_in_dim3A : i32 to vector<16xi32>
    %add3A_4 = arith.constant 1 : i32
    %add3A_5 = vector.broadcast %add3A_4 : i32 to vector<16xi32>
    %add3A_6 = arith.addi %broadcast_in_dim3A_3, %add3A_5 : vector<16xi32>
    %add3A_7 = arith.constant 0 : i32
    %add3A_8 = vector.broadcast %add3A_7 : i32 to vector<16xi32>
    %add3A_9 = arith.addi %iota3A, %add3A_8 : vector<16xi32>
    %gather3A = tpu.vector_load_idx %arg6[%add3A_9, %broadcast_in_dim3A_3] : memref<64x8xi32, #tpu.memory_space<vmem>>[vector<16xi32>, vector<16xi32>], vector<16xi32>,
    %add3A_10 = arith.constant 16 : i32
    %add3A_11 = vector.broadcast %add3A_10 : i32 to vector<16xi32>
    %add3A_12 = arith.addi %iota3A, %add3A_11 : vector<16xi32>
    %gather3A_13 = tpu.vector_load_idx %arg6[%add3A_12, %broadcast_in_dim3A_3] : memref<64x8xi32, #tpu.memory_space<vmem>>[vector<16xi32>, vector<16xi32>], vector<16xi32>,
    %add3A_14 = arith.constant 32 : i32
    %add3A_15 = vector.broadcast %add3A_14 : i32 to vector<16xi32>
    %add3A_16 = arith.addi %iota3A, %add3A_15 : vector<16xi32>
    %gather3A_17 = tpu.vector_load_idx %arg6[%add3A_16, %broadcast_in_dim3A_3] : memref<64x8xi32, #tpu.memory_space<vmem>>[vector<16xi32>, vector<16xi32>], vector<16xi32>,
    %add3A_18 = arith.constant 48 : i32
    %add3A_19 = vector.broadcast %add3A_18 : i32 to vector<16xi32>
    %add3A_20 = arith.addi %iota3A, %add3A_19 : vector<16xi32>
    %gather3A_21 = tpu.vector_load_idx %arg6[%add3A_20, %broadcast_in_dim3A_3] : memref<64x8xi32, #tpu.memory_space<vmem>>[vector<16xi32>, vector<16xi32>], vector<16xi32>,
    %add3A_22 = arith.constant 0 : i32
    %add3A_23 = vector.broadcast %add3A_22 : i32 to vector<16xi32>
    %add3A_24 = arith.addi %iota3A, %add3A_23 : vector<16xi32>
    %gather3A_25 = tpu.vector_load_idx %arg6[%add3A_24, %add3A_6] : memref<64x8xi32, #tpu.memory_space<vmem>>[vector<16xi32>, vector<16xi32>], vector<16xi32>,
    %add3A_26 = arith.constant 16 : i32
    %add3A_27 = vector.broadcast %add3A_26 : i32 to vector<16xi32>
    %add3A_28 = arith.addi %iota3A, %add3A_27 : vector<16xi32>
    %gather3A_29 = tpu.vector_load_idx %arg6[%add3A_28, %add3A_6] : memref<64x8xi32, #tpu.memory_space<vmem>>[vector<16xi32>, vector<16xi32>], vector<16xi32>,
    %add3A_30 = arith.constant 32 : i32
    %add3A_31 = vector.broadcast %add3A_30 : i32 to vector<16xi32>
    %add3A_32 = arith.addi %iota3A, %add3A_31 : vector<16xi32>
    %gather3A_33 = tpu.vector_load_idx %arg6[%add3A_32, %add3A_6] : memref<64x8xi32, #tpu.memory_space<vmem>>[vector<16xi32>, vector<16xi32>], vector<16xi32>,
    %add3A_34 = arith.constant 48 : i32
    %add3A_35 = vector.broadcast %add3A_34 : i32 to vector<16xi32>
    %add3A_36 = arith.addi %iota3A, %add3A_35 : vector<16xi32>
    %gather3A_37 = tpu.vector_load_idx %arg6[%add3A_36, %add3A_6] : memref<64x8xi32, #tpu.memory_space<vmem>>[vector<16xi32>, vector<16xi32>], vector<16xi32>,
    "tpu.region"() ({
      %run_scoped3A_2041 = tpu.sem_alloc : memref<!tpu.dma_semaphore, #tpu.memory_space<semaphore_mem>>
      tpu.enqueue_dma source(%arg3 : memref<32x16xi32, #tpu.memory_space<hbm>>) target(%arg8 : memref<32x16xi32, #tpu.memory_space<vmem>>) target_semaphore(%run_scoped3A_2041 : memref<!tpu.dma_semaphore, #tpu.memory_space<semaphore_mem>>)
      tpu.wait_dma2 semaphore(%run_scoped3A_2041 : memref<!tpu.dma_semaphore, #tpu.memory_space<semaphore_mem>>) src(%arg3 : memref<32x16xi32, #tpu.memory_space<hbm>>) dst(%arg8 : memref<32x16xi32, #tpu.memory_space<vmem>>)
      tpu.yield
    }) : () -> ()
    %broadcast_in_dim3A_38 = arith.constant 0 : i32
    %broadcast_in_dim3A_39 = vector.broadcast %broadcast_in_dim3A_38 : i32 to vector<16xi32>
    %broadcast_in_dim3A_40 = arith.constant 0 : i32
    %broadcast_in_dim3A_41 = vector.broadcast %broadcast_in_dim3A_40 : i32 to vector<16xi32>
    %get3A = arith.constant 0 : i32
    %get3A_42 = arith.index_cast %get3A : i32 to index
    %get3A_43 = arith.constant 0 : index
    %get3A_44 = tpu.vector_load %arg8[%get3A_42, %get3A_43] {strides = array<i32>} : memref<32x16xi32, #tpu.memory_space<vmem>>, vector<16xi32>,
    %add3A_45 = arith.addi %broadcast_in_dim3A_39, %get3A_44 : vector<16xi32>
    %gt3A = arith.constant 0 : i32
    %gt3A_46 = arith.cmpi sgt, %add3A, %gt3A : i32
    %jit3A = arith.constant 0 : i32
    %broadcast_in_dim3A_47 = vector.broadcast %jit3A : i32 to vector<16xi32>
    %select_n3A = arith.select %gt3A_46, %get3A_44, %broadcast_in_dim3A_47 : vector<16xi32>
    %add3A_48 = arith.addi %broadcast_in_dim3A_41, %select_n3A : vector<16xi32>
    %get3A_49 = arith.constant 1 : i32
    %get3A_50 = arith.index_cast %get3A_49 : i32 to index
    %get3A_51 = arith.constant 0 : index
    %get3A_52 = tpu.vector_load %arg8[%get3A_50, %get3A_51] {strides = array<i32>} : memref<32x16xi32, #tpu.memory_space<vmem>>, vector<16xi32>,
    %add3A_53 = arith.addi %add3A_45, %get3A_52 : vector<16xi32>
    %gt3A_54 = arith.constant 1 : i32
    %gt3A_55 = arith.cmpi sgt, %add3A, %gt3A_54 : i32
    %jit3A_56 = arith.constant 0 : i32
    %broadcast_in_dim3A_57 = vector.broadcast %jit3A_56 : i32 to vector<16xi32>
    %select_n3A_58 = arith.select %gt3A_55, %get3A_52, %broadcast_in_dim3A_57 : vector<16xi32>
    %add3A_59 = arith.addi %add3A_48, %select_n3A_58 : vector<16xi32>
    %get3A_60 = arith.constant 2 : i32
    %get3A_61 = arith.index_cast %get3A_60 : i32 to index
    %get3A_62 = arith.constant 0 : index
    %get3A_63 = tpu.vector_load %arg8[%get3A_61, %get3A_62] {strides = array<i32>} : memref<32x16xi32, #tpu.memory_space<vmem>>, vector<16xi32>,
    %add3A_64 = arith.addi %add3A_53, %get3A_63 : vector<16xi32>
    %gt3A_65 = arith.constant 2 : i32
    %gt3A_66 = arith.cmpi sgt, %add3A, %gt3A_65 : i32
    %jit3A_67 = arith.constant 0 : i32
    %broadcast_in_dim3A_68 = vector.broadcast %jit3A_67 : i32 to vector<16xi32>
    %select_n3A_69 = arith.select %gt3A_66, %get3A_63, %broadcast_in_dim3A_68 : vector<16xi32>
    %add3A_70 = arith.addi %add3A_59, %select_n3A_69 : vector<16xi32>
    %get3A_71 = arith.constant 3 : i32
    %get3A_72 = arith.index_cast %get3A_71 : i32 to index
    %get3A_73 = arith.constant 0 : index
    %get3A_74 = tpu.vector_load %arg8[%get3A_72, %get3A_73] {strides = array<i32>} : memref<32x16xi32, #tpu.memory_space<vmem>>, vector<16xi32>,
    %add3A_75 = arith.addi %add3A_64, %get3A_74 : vector<16xi32>
    %gt3A_76 = arith.constant 3 : i32
    %gt3A_77 = arith.cmpi sgt, %add3A, %gt3A_76 : i32
    %jit3A_78 = arith.constant 0 : i32
    %broadcast_in_dim3A_79 = vector.broadcast %jit3A_78 : i32 to vector<16xi32>
    %select_n3A_80 = arith.select %gt3A_77, %get3A_74, %broadcast_in_dim3A_79 : vector<16xi32>
    %add3A_81 = arith.addi %add3A_70, %select_n3A_80 : vector<16xi32>
    %get3A_82 = arith.constant 4 : i32
    %get3A_83 = arith.index_cast %get3A_82 : i32 to index
    %get3A_84 = arith.constant 0 : index
    %get3A_85 = tpu.vector_load %arg8[%get3A_83, %get3A_84] {strides = array<i32>} : memref<32x16xi32, #tpu.memory_space<vmem>>, vector<16xi32>,
    %add3A_86 = arith.addi %add3A_75, %get3A_85 : vector<16xi32>
    %gt3A_87 = arith.constant 4 : i32
    %gt3A_88 = arith.cmpi sgt, %add3A, %gt3A_87 : i32
    %jit3A_89 = arith.constant 0 : i32
    %broadcast_in_dim3A_90 = vector.broadcast %jit3A_89 : i32 to vector<16xi32>
    %select_n3A_91 = arith.select %gt3A_88, %get3A_85, %broadcast_in_dim3A_90 : vector<16xi32>
    %add3A_92 = arith.addi %add3A_81, %select_n3A_91 : vector<16xi32>
    %get3A_93 = arith.constant 5 : i32
    %get3A_94 = arith.index_cast %get3A_93 : i32 to index
    %get3A_95 = arith.constant 0 : index
    %get3A_96 = tpu.vector_load %arg8[%get3A_94, %get3A_95] {strides = array<i32>} : memref<32x16xi32, #tpu.memory_space<vmem>>, vector<16xi32>,
    %add3A_97 = arith.addi %add3A_86, %get3A_96 : vector<16xi32>
    %gt3A_98 = arith.constant 5 : i32
    %gt3A_99 = arith.cmpi sgt, %add3A, %gt3A_98 : i32
    %jit3A_100 = arith.constant 0 : i32
    %broadcast_in_dim3A_101 = vector.broadcast %jit3A_100 : i32 to vector<16xi32>
    %select_n3A_102 = arith.select %gt3A_99, %get3A_96, %broadcast_in_dim3A_101 : vector<16xi32>
    %add3A_103 = arith.addi %add3A_92, %select_n3A_102 : vector<16xi32>
    %get3A_104 = arith.constant 6 : i32
    %get3A_105 = arith.index_cast %get3A_104 : i32 to index
    %get3A_106 = arith.constant 0 : index
    %get3A_107 = tpu.vector_load %arg8[%get3A_105, %get3A_106] {strides = array<i32>} : memref<32x16xi32, #tpu.memory_space<vmem>>, vector<16xi32>,
    %add3A_108 = arith.addi %add3A_97, %get3A_107 : vector<16xi32>
    %gt3A_109 = arith.constant 6 : i32
    %gt3A_110 = arith.cmpi sgt, %add3A, %gt3A_109 : i32
    %jit3A_111 = arith.constant 0 : i32
    %broadcast_in_dim3A_112 = vector.broadcast %jit3A_111 : i32 to vector<16xi32>
    %select_n3A_113 = arith.select %gt3A_110, %get3A_107, %broadcast_in_dim3A_112 : vector<16xi32>
    %add3A_114 = arith.addi %add3A_103, %select_n3A_113 : vector<16xi32>
    %get3A_115 = arith.constant 7 : i32
    %get3A_116 = arith.index_cast %get3A_115 : i32 to index
    %get3A_117 = arith.constant 0 : index
    %get3A_118 = tpu.vector_load %arg8[%get3A_116, %get3A_117] {strides = array<i32>} : memref<32x16xi32, #tpu.memory_space<vmem>>, vector<16xi32>,
    %add3A_119 = arith.addi %add3A_108, %get3A_118 : vector<16xi32>
    %gt3A_120 = arith.constant 7 : i32
    %gt3A_121 = arith.cmpi sgt, %add3A, %gt3A_120 : i32
    %jit3A_122 = arith.constant 0 : i32
    %broadcast_in_dim3A_123 = vector.broadcast %jit3A_122 : i32 to vector<16xi32>
    %select_n3A_124 = arith.select %gt3A_121, %get3A_118, %broadcast_in_dim3A_123 : vector<16xi32>
    %add3A_125 = arith.addi %add3A_114, %select_n3A_124 : vector<16xi32>
    %get3A_126 = arith.constant 8 : i32
    %get3A_127 = arith.index_cast %get3A_126 : i32 to index
    %get3A_128 = arith.constant 0 : index
    %get3A_129 = tpu.vector_load %arg8[%get3A_127, %get3A_128] {strides = array<i32>} : memref<32x16xi32, #tpu.memory_space<vmem>>, vector<16xi32>,
    %add3A_130 = arith.addi %add3A_119, %get3A_129 : vector<16xi32>
    %gt3A_131 = arith.constant 8 : i32
    %gt3A_132 = arith.cmpi sgt, %add3A, %gt3A_131 : i32
    %jit3A_133 = arith.constant 0 : i32
    %broadcast_in_dim3A_134 = vector.broadcast %jit3A_133 : i32 to vector<16xi32>
    %select_n3A_135 = arith.select %gt3A_132, %get3A_129, %broadcast_in_dim3A_134 : vector<16xi32>
    %add3A_136 = arith.addi %add3A_125, %select_n3A_135 : vector<16xi32>
    %get3A_137 = arith.constant 9 : i32
    %get3A_138 = arith.index_cast %get3A_137 : i32 to index
    %get3A_139 = arith.constant 0 : index
    %get3A_140 = tpu.vector_load %arg8[%get3A_138, %get3A_139] {strides = array<i32>} : memref<32x16xi32, #tpu.memory_space<vmem>>, vector<16xi32>,
    %add3A_141 = arith.addi %add3A_130, %get3A_140 : vector<16xi32>
    %gt3A_142 = arith.constant 9 : i32
    %gt3A_143 = arith.cmpi sgt, %add3A, %gt3A_142 : i32
    %jit3A_144 = arith.constant 0 : i32
    %broadcast_in_dim3A_145 = vector.broadcast %jit3A_144 : i32 to vector<16xi32>
    %select_n3A_146 = arith.select %gt3A_143, %get3A_140, %broadcast_in_dim3A_145 : vector<16xi32>
    %add3A_147 = arith.addi %add3A_136, %select_n3A_146 : vector<16xi32>
    %get3A_148 = arith.constant 10 : i32
    %get3A_149 = arith.index_cast %get3A_148 : i32 to index
    %get3A_150 = arith.constant 0 : index
    %get3A_151 = tpu.vector_load %arg8[%get3A_149, %get3A_150] {strides = array<i32>} : memref<32x16xi32, #tpu.memory_space<vmem>>, vector<16xi32>,
    %add3A_152 = arith.addi %add3A_141, %get3A_151 : vector<16xi32>
    %gt3A_153 = arith.constant 10 : i32
    %gt3A_154 = arith.cmpi sgt, %add3A, %gt3A_153 : i32
    %jit3A_155 = arith.constant 0 : i32
    %broadcast_in_dim3A_156 = vector.broadcast %jit3A_155 : i32 to vector<16xi32>
    %select_n3A_157 = arith.select %gt3A_154, %get3A_151, %broadcast_in_dim3A_156 : vector<16xi32>
    %add3A_158 = arith.addi %add3A_147, %select_n3A_157 : vector<16xi32>
    %get3A_159 = arith.constant 11 : i32
    %get3A_160 = arith.index_cast %get3A_159 : i32 to index
    %get3A_161 = arith.constant 0 : index
    %get3A_162 = tpu.vector_load %arg8[%get3A_160, %get3A_161] {strides = array<i32>} : memref<32x16xi32, #tpu.memory_space<vmem>>, vector<16xi32>,
    %add3A_163 = arith.addi %add3A_152, %get3A_162 : vector<16xi32>
    %gt3A_164 = arith.constant 11 : i32
    %gt3A_165 = arith.cmpi sgt, %add3A, %gt3A_164 : i32
    %jit3A_166 = arith.constant 0 : i32
    %broadcast_in_dim3A_167 = vector.broadcast %jit3A_166 : i32 to vector<16xi32>
    %select_n3A_168 = arith.select %gt3A_165, %get3A_162, %broadcast_in_dim3A_167 : vector<16xi32>
    %add3A_169 = arith.addi %add3A_158, %select_n3A_168 : vector<16xi32>
    %get3A_170 = arith.constant 12 : i32
    %get3A_171 = arith.index_cast %get3A_170 : i32 to index
    %get3A_172 = arith.constant 0 : index
    %get3A_173 = tpu.vector_load %arg8[%get3A_171, %get3A_172] {strides = array<i32>} : memref<32x16xi32, #tpu.memory_space<vmem>>, vector<16xi32>,
    %add3A_174 = arith.addi %add3A_163, %get3A_173 : vector<16xi32>
    %gt3A_175 = arith.constant 12 : i32
    %gt3A_176 = arith.cmpi sgt, %add3A, %gt3A_175 : i32
    %jit3A_177 = arith.constant 0 : i32
    %broadcast_in_dim3A_178 = vector.broadcast %jit3A_177 : i32 to vector<16xi32>
    %select_n3A_179 = arith.select %gt3A_176, %get3A_173, %broadcast_in_dim3A_178 : vector<16xi32>
    %add3A_180 = arith.addi %add3A_169, %select_n3A_179 : vector<16xi32>
    %get3A_181 = arith.constant 13 : i32
    %get3A_182 = arith.index_cast %get3A_181 : i32 to index
    %get3A_183 = arith.constant 0 : index
    %get3A_184 = tpu.vector_load %arg8[%get3A_182, %get3A_183] {strides = array<i32>} : memref<32x16xi32, #tpu.memory_space<vmem>>, vector<16xi32>,
    %add3A_185 = arith.addi %add3A_174, %get3A_184 : vector<16xi32>
    %gt3A_186 = arith.constant 13 : i32
    %gt3A_187 = arith.cmpi sgt, %add3A, %gt3A_186 : i32
    %jit3A_188 = arith.constant 0 : i32
    %broadcast_in_dim3A_189 = vector.broadcast %jit3A_188 : i32 to vector<16xi32>
    %select_n3A_190 = arith.select %gt3A_187, %get3A_184, %broadcast_in_dim3A_189 : vector<16xi32>
    %add3A_191 = arith.addi %add3A_180, %select_n3A_190 : vector<16xi32>
    %get3A_192 = arith.constant 14 : i32
    %get3A_193 = arith.index_cast %get3A_192 : i32 to index
    %get3A_194 = arith.constant 0 : index
    %get3A_195 = tpu.vector_load %arg8[%get3A_193, %get3A_194] {strides = array<i32>} : memref<32x16xi32, #tpu.memory_space<vmem>>, vector<16xi32>,
    %add3A_196 = arith.addi %add3A_185, %get3A_195 : vector<16xi32>
    %gt3A_197 = arith.constant 14 : i32
    %gt3A_198 = arith.cmpi sgt, %add3A, %gt3A_197 : i32
    %jit3A_199 = arith.constant 0 : i32
    %broadcast_in_dim3A_200 = vector.broadcast %jit3A_199 : i32 to vector<16xi32>
    %select_n3A_201 = arith.select %gt3A_198, %get3A_195, %broadcast_in_dim3A_200 : vector<16xi32>
    %add3A_202 = arith.addi %add3A_191, %select_n3A_201 : vector<16xi32>
    %get3A_203 = arith.constant 15 : i32
    %get3A_204 = arith.index_cast %get3A_203 : i32 to index
    %get3A_205 = arith.constant 0 : index
    %get3A_206 = tpu.vector_load %arg8[%get3A_204, %get3A_205] {strides = array<i32>} : memref<32x16xi32, #tpu.memory_space<vmem>>, vector<16xi32>,
    %add3A_207 = arith.addi %add3A_196, %get3A_206 : vector<16xi32>
    %gt3A_208 = arith.constant 15 : i32
    %gt3A_209 = arith.cmpi sgt, %add3A, %gt3A_208 : i32
    %jit3A_210 = arith.constant 0 : i32
    %broadcast_in_dim3A_211 = vector.broadcast %jit3A_210 : i32 to vector<16xi32>
    %select_n3A_212 = arith.select %gt3A_209, %get3A_206, %broadcast_in_dim3A_211 : vector<16xi32>
    %add3A_213 = arith.addi %add3A_202, %select_n3A_212 : vector<16xi32>
    %get3A_214 = arith.constant 16 : i32
    %get3A_215 = arith.index_cast %get3A_214 : i32 to index
    %get3A_216 = arith.constant 0 : index
    %get3A_217 = tpu.vector_load %arg8[%get3A_215, %get3A_216] {strides = array<i32>} : memref<32x16xi32, #tpu.memory_space<vmem>>, vector<16xi32>,
    %add3A_218 = arith.addi %add3A_207, %get3A_217 : vector<16xi32>
    %gt3A_219 = arith.constant 16 : i32
    %gt3A_220 = arith.cmpi sgt, %add3A, %gt3A_219 : i32
    %jit3A_221 = arith.constant 0 : i32
    %broadcast_in_dim3A_222 = vector.broadcast %jit3A_221 : i32 to vector<16xi32>
    %select_n3A_223 = arith.select %gt3A_220, %get3A_217, %broadcast_in_dim3A_222 : vector<16xi32>
    %add3A_224 = arith.addi %add3A_213, %select_n3A_223 : vector<16xi32>
    %get3A_225 = arith.constant 17 : i32
    %get3A_226 = arith.index_cast %get3A_225 : i32 to index
    %get3A_227 = arith.constant 0 : index
    %get3A_228 = tpu.vector_load %arg8[%get3A_226, %get3A_227] {strides = array<i32>} : memref<32x16xi32, #tpu.memory_space<vmem>>, vector<16xi32>,
    %add3A_229 = arith.addi %add3A_218, %get3A_228 : vector<16xi32>
    %gt3A_230 = arith.constant 17 : i32
    %gt3A_231 = arith.cmpi sgt, %add3A, %gt3A_230 : i32
    %jit3A_232 = arith.constant 0 : i32
    %broadcast_in_dim3A_233 = vector.broadcast %jit3A_232 : i32 to vector<16xi32>
    %select_n3A_234 = arith.select %gt3A_231, %get3A_228, %broadcast_in_dim3A_233 : vector<16xi32>
    %add3A_235 = arith.addi %add3A_224, %select_n3A_234 : vector<16xi32>
    %get3A_236 = arith.constant 18 : i32
    %get3A_237 = arith.index_cast %get3A_236 : i32 to index
    %get3A_238 = arith.constant 0 : index
    %get3A_239 = tpu.vector_load %arg8[%get3A_237, %get3A_238] {strides = array<i32>} : memref<32x16xi32, #tpu.memory_space<vmem>>, vector<16xi32>,
    %add3A_240 = arith.addi %add3A_229, %get3A_239 : vector<16xi32>
    %gt3A_241 = arith.constant 18 : i32
    %gt3A_242 = arith.cmpi sgt, %add3A, %gt3A_241 : i32
    %jit3A_243 = arith.constant 0 : i32
    %broadcast_in_dim3A_244 = vector.broadcast %jit3A_243 : i32 to vector<16xi32>
    %select_n3A_245 = arith.select %gt3A_242, %get3A_239, %broadcast_in_dim3A_244 : vector<16xi32>
    %add3A_246 = arith.addi %add3A_235, %select_n3A_245 : vector<16xi32>
    %get3A_247 = arith.constant 19 : i32
    %get3A_248 = arith.index_cast %get3A_247 : i32 to index
    %get3A_249 = arith.constant 0 : index
    %get3A_250 = tpu.vector_load %arg8[%get3A_248, %get3A_249] {strides = array<i32>} : memref<32x16xi32, #tpu.memory_space<vmem>>, vector<16xi32>,
    %add3A_251 = arith.addi %add3A_240, %get3A_250 : vector<16xi32>
    %gt3A_252 = arith.constant 19 : i32
    %gt3A_253 = arith.cmpi sgt, %add3A, %gt3A_252 : i32
    %jit3A_254 = arith.constant 0 : i32
    %broadcast_in_dim3A_255 = vector.broadcast %jit3A_254 : i32 to vector<16xi32>
    %select_n3A_256 = arith.select %gt3A_253, %get3A_250, %broadcast_in_dim3A_255 : vector<16xi32>
    %add3A_257 = arith.addi %add3A_246, %select_n3A_256 : vector<16xi32>
    %get3A_258 = arith.constant 20 : i32
    %get3A_259 = arith.index_cast %get3A_258 : i32 to index
    %get3A_260 = arith.constant 0 : index
    %get3A_261 = tpu.vector_load %arg8[%get3A_259, %get3A_260] {strides = array<i32>} : memref<32x16xi32, #tpu.memory_space<vmem>>, vector<16xi32>,
    %add3A_262 = arith.addi %add3A_251, %get3A_261 : vector<16xi32>
    %gt3A_263 = arith.constant 20 : i32
    %gt3A_264 = arith.cmpi sgt, %add3A, %gt3A_263 : i32
    %jit3A_265 = arith.constant 0 : i32
    %broadcast_in_dim3A_266 = vector.broadcast %jit3A_265 : i32 to vector<16xi32>
    %select_n3A_267 = arith.select %gt3A_264, %get3A_261, %broadcast_in_dim3A_266 : vector<16xi32>
    %add3A_268 = arith.addi %add3A_257, %select_n3A_267 : vector<16xi32>
    %get3A_269 = arith.constant 21 : i32
    %get3A_270 = arith.index_cast %get3A_269 : i32 to index
    %get3A_271 = arith.constant 0 : index
    %get3A_272 = tpu.vector_load %arg8[%get3A_270, %get3A_271] {strides = array<i32>} : memref<32x16xi32, #tpu.memory_space<vmem>>, vector<16xi32>,
    %add3A_273 = arith.addi %add3A_262, %get3A_272 : vector<16xi32>
    %gt3A_274 = arith.constant 21 : i32
    %gt3A_275 = arith.cmpi sgt, %add3A, %gt3A_274 : i32
    %jit3A_276 = arith.constant 0 : i32
    %broadcast_in_dim3A_277 = vector.broadcast %jit3A_276 : i32 to vector<16xi32>
    %select_n3A_278 = arith.select %gt3A_275, %get3A_272, %broadcast_in_dim3A_277 : vector<16xi32>
    %add3A_279 = arith.addi %add3A_268, %select_n3A_278 : vector<16xi32>
    %get3A_280 = arith.constant 22 : i32
    %get3A_281 = arith.index_cast %get3A_280 : i32 to index
    %get3A_282 = arith.constant 0 : index
    %get3A_283 = tpu.vector_load %arg8[%get3A_281, %get3A_282] {strides = array<i32>} : memref<32x16xi32, #tpu.memory_space<vmem>>, vector<16xi32>,
    %add3A_284 = arith.addi %add3A_273, %get3A_283 : vector<16xi32>
    %gt3A_285 = arith.constant 22 : i32
    %gt3A_286 = arith.cmpi sgt, %add3A, %gt3A_285 : i32
    %jit3A_287 = arith.constant 0 : i32
    %broadcast_in_dim3A_288 = vector.broadcast %jit3A_287 : i32 to vector<16xi32>
    %select_n3A_289 = arith.select %gt3A_286, %get3A_283, %broadcast_in_dim3A_288 : vector<16xi32>
    %add3A_290 = arith.addi %add3A_279, %select_n3A_289 : vector<16xi32>
    %get3A_291 = arith.constant 23 : i32
    %get3A_292 = arith.index_cast %get3A_291 : i32 to index
    %get3A_293 = arith.constant 0 : index
    %get3A_294 = tpu.vector_load %arg8[%get3A_292, %get3A_293] {strides = array<i32>} : memref<32x16xi32, #tpu.memory_space<vmem>>, vector<16xi32>,
    %add3A_295 = arith.addi %add3A_284, %get3A_294 : vector<16xi32>
    %gt3A_296 = arith.constant 23 : i32
    %gt3A_297 = arith.cmpi sgt, %add3A, %gt3A_296 : i32
    %jit3A_298 = arith.constant 0 : i32
    %broadcast_in_dim3A_299 = vector.broadcast %jit3A_298 : i32 to vector<16xi32>
    %select_n3A_300 = arith.select %gt3A_297, %get3A_294, %broadcast_in_dim3A_299 : vector<16xi32>
    %add3A_301 = arith.addi %add3A_290, %select_n3A_300 : vector<16xi32>
    %get3A_302 = arith.constant 24 : i32
    %get3A_303 = arith.index_cast %get3A_302 : i32 to index
    %get3A_304 = arith.constant 0 : index
    %get3A_305 = tpu.vector_load %arg8[%get3A_303, %get3A_304] {strides = array<i32>} : memref<32x16xi32, #tpu.memory_space<vmem>>, vector<16xi32>,
    %add3A_306 = arith.addi %add3A_295, %get3A_305 : vector<16xi32>
    %gt3A_307 = arith.constant 24 : i32
    %gt3A_308 = arith.cmpi sgt, %add3A, %gt3A_307 : i32
    %jit3A_309 = arith.constant 0 : i32
    %broadcast_in_dim3A_310 = vector.broadcast %jit3A_309 : i32 to vector<16xi32>
    %select_n3A_311 = arith.select %gt3A_308, %get3A_305, %broadcast_in_dim3A_310 : vector<16xi32>
    %add3A_312 = arith.addi %add3A_301, %select_n3A_311 : vector<16xi32>
    %get3A_313 = arith.constant 25 : i32
    %get3A_314 = arith.index_cast %get3A_313 : i32 to index
    %get3A_315 = arith.constant 0 : index
    %get3A_316 = tpu.vector_load %arg8[%get3A_314, %get3A_315] {strides = array<i32>} : memref<32x16xi32, #tpu.memory_space<vmem>>, vector<16xi32>,
    %add3A_317 = arith.addi %add3A_306, %get3A_316 : vector<16xi32>
    %gt3A_318 = arith.constant 25 : i32
    %gt3A_319 = arith.cmpi sgt, %add3A, %gt3A_318 : i32
    %jit3A_320 = arith.constant 0 : i32
    %broadcast_in_dim3A_321 = vector.broadcast %jit3A_320 : i32 to vector<16xi32>
    %select_n3A_322 = arith.select %gt3A_319, %get3A_316, %broadcast_in_dim3A_321 : vector<16xi32>
    %add3A_323 = arith.addi %add3A_312, %select_n3A_322 : vector<16xi32>
    %get3A_324 = arith.constant 26 : i32
    %get3A_325 = arith.index_cast %get3A_324 : i32 to index
    %get3A_326 = arith.constant 0 : index
    %get3A_327 = tpu.vector_load %arg8[%get3A_325, %get3A_326] {strides = array<i32>} : memref<32x16xi32, #tpu.memory_space<vmem>>, vector<16xi32>,
    %add3A_328 = arith.addi %add3A_317, %get3A_327 : vector<16xi32>
    %gt3A_329 = arith.constant 26 : i32
    %gt3A_330 = arith.cmpi sgt, %add3A, %gt3A_329 : i32
    %jit3A_331 = arith.constant 0 : i32
    %broadcast_in_dim3A_332 = vector.broadcast %jit3A_331 : i32 to vector<16xi32>
    %select_n3A_333 = arith.select %gt3A_330, %get3A_327, %broadcast_in_dim3A_332 : vector<16xi32>
    %add3A_334 = arith.addi %add3A_323, %select_n3A_333 : vector<16xi32>
    %get3A_335 = arith.constant 27 : i32
    %get3A_336 = arith.index_cast %get3A_335 : i32 to index
    %get3A_337 = arith.constant 0 : index
    %get3A_338 = tpu.vector_load %arg8[%get3A_336, %get3A_337] {strides = array<i32>} : memref<32x16xi32, #tpu.memory_space<vmem>>, vector<16xi32>,
    %add3A_339 = arith.addi %add3A_328, %get3A_338 : vector<16xi32>
    %gt3A_340 = arith.constant 27 : i32
    %gt3A_341 = arith.cmpi sgt, %add3A, %gt3A_340 : i32
    %jit3A_342 = arith.constant 0 : i32
    %broadcast_in_dim3A_343 = vector.broadcast %jit3A_342 : i32 to vector<16xi32>
    %select_n3A_344 = arith.select %gt3A_341, %get3A_338, %broadcast_in_dim3A_343 : vector<16xi32>
    %add3A_345 = arith.addi %add3A_334, %select_n3A_344 : vector<16xi32>
    %get3A_346 = arith.constant 28 : i32
    %get3A_347 = arith.index_cast %get3A_346 : i32 to index
    %get3A_348 = arith.constant 0 : index
    %get3A_349 = tpu.vector_load %arg8[%get3A_347, %get3A_348] {strides = array<i32>} : memref<32x16xi32, #tpu.memory_space<vmem>>, vector<16xi32>,
    %add3A_350 = arith.addi %add3A_339, %get3A_349 : vector<16xi32>
    %gt3A_351 = arith.constant 28 : i32
    %gt3A_352 = arith.cmpi sgt, %add3A, %gt3A_351 : i32
    %jit3A_353 = arith.constant 0 : i32
    %broadcast_in_dim3A_354 = vector.broadcast %jit3A_353 : i32 to vector<16xi32>
    %select_n3A_355 = arith.select %gt3A_352, %get3A_349, %broadcast_in_dim3A_354 : vector<16xi32>
    %add3A_356 = arith.addi %add3A_345, %select_n3A_355 : vector<16xi32>
    %get3A_357 = arith.constant 29 : i32
    %get3A_358 = arith.index_cast %get3A_357 : i32 to index
    %get3A_359 = arith.constant 0 : index
    %get3A_360 = tpu.vector_load %arg8[%get3A_358, %get3A_359] {strides = array<i32>} : memref<32x16xi32, #tpu.memory_space<vmem>>, vector<16xi32>,
    %add3A_361 = arith.addi %add3A_350, %get3A_360 : vector<16xi32>
    %gt3A_362 = arith.constant 29 : i32
    %gt3A_363 = arith.cmpi sgt, %add3A, %gt3A_362 : i32
    %jit3A_364 = arith.constant 0 : i32
    %broadcast_in_dim3A_365 = vector.broadcast %jit3A_364 : i32 to vector<16xi32>
    %select_n3A_366 = arith.select %gt3A_363, %get3A_360, %broadcast_in_dim3A_365 : vector<16xi32>
    %add3A_367 = arith.addi %add3A_356, %select_n3A_366 : vector<16xi32>
    %get3A_368 = arith.constant 30 : i32
    %get3A_369 = arith.index_cast %get3A_368 : i32 to index
    %get3A_370 = arith.constant 0 : index
    %get3A_371 = tpu.vector_load %arg8[%get3A_369, %get3A_370] {strides = array<i32>} : memref<32x16xi32, #tpu.memory_space<vmem>>, vector<16xi32>,
    %add3A_372 = arith.addi %add3A_361, %get3A_371 : vector<16xi32>
    %gt3A_373 = arith.constant 30 : i32
    %gt3A_374 = arith.cmpi sgt, %add3A, %gt3A_373 : i32
    %jit3A_375 = arith.constant 0 : i32
    %broadcast_in_dim3A_376 = vector.broadcast %jit3A_375 : i32 to vector<16xi32>
    %select_n3A_377 = arith.select %gt3A_374, %get3A_371, %broadcast_in_dim3A_376 : vector<16xi32>
    %add3A_378 = arith.addi %add3A_367, %select_n3A_377 : vector<16xi32>
    %get3A_379 = arith.constant 31 : i32
    %get3A_380 = arith.index_cast %get3A_379 : i32 to index
    %get3A_381 = arith.constant 0 : index
    %get3A_382 = tpu.vector_load %arg8[%get3A_380, %get3A_381] {strides = array<i32>} : memref<32x16xi32, #tpu.memory_space<vmem>>, vector<16xi32>,
    %add3A_383 = arith.addi %add3A_372, %get3A_382 : vector<16xi32>
    %gt3A_384 = arith.constant 31 : i32
    %gt3A_385 = arith.cmpi sgt, %add3A, %gt3A_384 : i32
    %jit3A_386 = arith.constant 0 : i32
    %broadcast_in_dim3A_387 = vector.broadcast %jit3A_386 : i32 to vector<16xi32>
    %select_n3A_388 = arith.select %gt3A_385, %get3A_382, %broadcast_in_dim3A_387 : vector<16xi32>
    %add3A_389 = arith.addi %add3A_378, %select_n3A_388 : vector<16xi32>
    %add3A_390 = arith.constant 128 : i32
    %add3A_391 = vector.broadcast %add3A_390 : i32 to vector<16xi32>
    %add3A_392 = arith.addi %add3A_383, %add3A_391 : vector<16xi32>
    %sub3A = arith.constant 1 : i32
    %sub3A_393 = vector.broadcast %sub3A : i32 to vector<16xi32>
    %sub3A_394 = arith.subi %add3A_392, %sub3A_393 : vector<16xi32>
    %jit3A_395 = arith.constant 128 : i32
    %div3A = vector.broadcast %jit3A_395 : i32 to vector<16xi32>
    %div3A_396 = arith.divsi %sub3A_394, %div3A : vector<16xi32>
    %sign3A = arith.constant 0 : i32
    %sign3A_397 = vector.broadcast %sign3A : i32 to vector<16xi32>
    %sign3A_398 = arith.cmpi sgt, %sub3A_394, %sign3A_397 : vector<16xi32>
    %sign3A_399 = arith.extui %sign3A_398 : vector<16xi1> to vector<16xi32>
    %sign3A_400 = arith.constant 0 : i32
    %sign3A_401 = vector.broadcast %sign3A_400 : i32 to vector<16xi32>
    %sign3A_402 = arith.cmpi slt, %sub3A_394, %sign3A_401 : vector<16xi32>
    %sign3A_403 = arith.extui %sign3A_402 : vector<16xi1> to vector<16xi32>
    %sign3A_404 = arith.subi %sign3A_399, %sign3A_403 : vector<16xi32>
    %sign3A_405 = arith.constant 0 : i32
    %sign3A_406 = arith.cmpi sgt, %jit3A_395, %sign3A_405 : i32
    %sign3A_407 = arith.extui %sign3A_406 : i1 to i32
    %sign3A_408 = arith.constant 0 : i32
    %sign3A_409 = arith.cmpi slt, %jit3A_395, %sign3A_408 : i32
    %sign3A_410 = arith.extui %sign3A_409 : i1 to i32
    %sign3A_411 = arith.subi %sign3A_407, %sign3A_410 : i32
    %ne3A = vector.broadcast %sign3A_411 : i32 to vector<16xi32>
    %ne3A_412 = arith.cmpi ne, %sign3A_404, %ne3A : vector<16xi32>
    %rem3A = vector.broadcast %jit3A_395 : i32 to vector<16xi32>
    %rem3A_413 = arith.remsi %sub3A_394, %rem3A : vector<16xi32>
    %ne3A_414 = arith.constant 0 : i32
    %ne3A_415 = vector.broadcast %ne3A_414 : i32 to vector<16xi32>
    %ne3A_416 = arith.cmpi ne, %rem3A_413, %ne3A_415 : vector<16xi32>
    %and3A = arith.andi %ne3A_412, %ne3A_416 : vector<16xi1>
    %sub3A_417 = arith.constant 1 : i32
    %sub3A_418 = vector.broadcast %sub3A_417 : i32 to vector<16xi32>
    %sub3A_419 = arith.subi %div3A_396, %sub3A_418 : vector<16xi32>
    %select_n3A_420 = arith.select %and3A, %sub3A_419, %div3A_396 : vector<16xi1>, vector<16xi32>
    %mul3A_421 = arith.constant 128 : i32
    %mul3A_422 = vector.broadcast %mul3A_421 : i32 to vector<16xi32>
    %mul3A_423 = arith.muli %select_n3A_420, %mul3A_422 : vector<16xi32>
    %broadcast_in_dim3A_424 = arith.constant true
    %broadcast_in_dim3A_425 = vector.broadcast %broadcast_in_dim3A_424 : i1 to vector<16xi1>
    %masked_cumsum3A = tpu.scan <sum>, %mul3A_423 masked %broadcast_in_dim3A_425 : vector<16xi32>, vector<16xi1> -> vector<16xi32>
    %lt3A = arith.constant 8 : i32
    %lt3A_426 = vector.broadcast %lt3A : i32 to vector<16xi32>
    %lt3A_427 = arith.cmpi slt, %iota3A, %lt3A_426 : vector<16xi32>
    %sub3A_428 = arith.subi %masked_cumsum3A, %mul3A_423 : vector<16xi32>
    %select_n3A_429 = arith.select %lt3A_427, %sub3A_428, %masked_cumsum3A : vector<16xi1>, vector<16xi32>
    %swap3A = arith.constant 0 : index
    %swap3A_430 = tpu.vector_load %arg9[%swap3A] {strides = array<i32>} : memref<16xi32, #tpu.memory_space<vmem>>, vector<16xi32>,
    tpu.vector_store %arg9[%swap3A], %select_n3A_429 {strides = array<i32>} : memref<16xi32, #tpu.memory_space<vmem>>, vector<16xi32>,
    %eq3A = arith.constant 0 : i32
    %eq3A_431 = arith.cmpi eq, %add3A, %eq3A : i32
    %convert_element_type3A = arith.extui %eq3A_431 : i1 to i32
    %cond3A = arith.constant 0 : i32
    %cond3A_432 = arith.cmpi ne, %convert_element_type3A, %cond3A : i32
    scf.if %cond3A_432 {
      "tpu.region"() ({
        %run_scoped3A_2041 = tpu.sem_alloc : memref<!tpu.dma_semaphore, #tpu.memory_space<semaphore_mem>>
        tpu.enqueue_dma source(%arg9 : memref<16xi32, #tpu.memory_space<vmem>>) target(%arg5 : memref<16xi32, #tpu.memory_space<hbm>>) target_semaphore(%run_scoped3A_2041 : memref<!tpu.dma_semaphore, #tpu.memory_space<semaphore_mem>>)
        tpu.wait_dma2 semaphore(%run_scoped3A_2041 : memref<!tpu.dma_semaphore, #tpu.memory_space<semaphore_mem>>) src(%arg9 : memref<16xi32, #tpu.memory_space<vmem>>) dst(%arg5 : memref<16xi32, #tpu.memory_space<hbm>>)
        tpu.yield
      }) : () -> ()
    } else {
    }
    %sub3A_433 = arith.subi %masked_cumsum3A, %mul3A_423 : vector<16xi32>
    %add3A_434 = arith.addi %sub3A_433, %add3A_389 : vector<16xi32>
    %eq3A_435 = arith.constant 0 : i32
    %eq3A_436 = vector.broadcast %eq3A_435 : i32 to vector<16xi32>
    %eq3A_437 = arith.cmpi eq, %iota3A, %eq3A_436 : vector<16xi32>
    %jit3A_438 = arith.constant 0 : i32
    %broadcast_in_dim3A_439 = vector.broadcast %jit3A_438 : i32 to vector<16xi32>
    %select_n3A_440 = arith.select %eq3A_437, %add3A_434, %broadcast_in_dim3A_439 : vector<16xi1>, vector<16xi32>
    %reduce_sum3A = arith.constant true
    %reduce_sum3A_441 = vector.broadcast %reduce_sum3A : i1 to vector<16xi1>
    %reduce_sum3A_442 = tpu.scan <sum>, %select_n3A_440 masked %reduce_sum3A_441 : vector<16xi32>, vector<16xi1> -> vector<16xi32>
    %reduce_sum3A_443 = vector.extract %reduce_sum3A_442[15] : i32 from vector<16xi32>
    %eq3A_444 = arith.constant 1 : i32
    %eq3A_445 = vector.broadcast %eq3A_444 : i32 to vector<16xi32>
    %eq3A_446 = arith.cmpi eq, %iota3A, %eq3A_445 : vector<16xi32>
    %jit3A_447 = arith.constant 0 : i32
    %broadcast_in_dim3A_448 = vector.broadcast %jit3A_447 : i32 to vector<16xi32>
    %select_n3A_449 = arith.select %eq3A_446, %add3A_434, %broadcast_in_dim3A_448 : vector<16xi1>, vector<16xi32>
    %reduce_sum3A_450 = arith.constant true
    %reduce_sum3A_451 = vector.broadcast %reduce_sum3A_450 : i1 to vector<16xi1>
    %reduce_sum3A_452 = tpu.scan <sum>, %select_n3A_449 masked %reduce_sum3A_451 : vector<16xi32>, vector<16xi1> -> vector<16xi32>
    %reduce_sum3A_453 = vector.extract %reduce_sum3A_452[15] : i32 from vector<16xi32>
    %eq3A_454 = arith.constant 2 : i32
    %eq3A_455 = vector.broadcast %eq3A_454 : i32 to vector<16xi32>
    %eq3A_456 = arith.cmpi eq, %iota3A, %eq3A_455 : vector<16xi32>
    %jit3A_457 = arith.constant 0 : i32
    %broadcast_in_dim3A_458 = vector.broadcast %jit3A_457 : i32 to vector<16xi32>
    %select_n3A_459 = arith.select %eq3A_456, %add3A_434, %broadcast_in_dim3A_458 : vector<16xi1>, vector<16xi32>
    %reduce_sum3A_460 = arith.constant true
    %reduce_sum3A_461 = vector.broadcast %reduce_sum3A_460 : i1 to vector<16xi1>
    %reduce_sum3A_462 = tpu.scan <sum>, %select_n3A_459 masked %reduce_sum3A_461 : vector<16xi32>, vector<16xi1> -> vector<16xi32>
    %reduce_sum3A_463 = vector.extract %reduce_sum3A_462[15] : i32 from vector<16xi32>
    %eq3A_464 = arith.constant 3 : i32
    %eq3A_465 = vector.broadcast %eq3A_464 : i32 to vector<16xi32>
    %eq3A_466 = arith.cmpi eq, %iota3A, %eq3A_465 : vector<16xi32>
    %jit3A_467 = arith.constant 0 : i32
    %broadcast_in_dim3A_468 = vector.broadcast %jit3A_467 : i32 to vector<16xi32>
    %select_n3A_469 = arith.select %eq3A_466, %add3A_434, %broadcast_in_dim3A_468 : vector<16xi1>, vector<16xi32>
    %reduce_sum3A_470 = arith.constant true
    %reduce_sum3A_471 = vector.broadcast %reduce_sum3A_470 : i1 to vector<16xi1>
    %reduce_sum3A_472 = tpu.scan <sum>, %select_n3A_469 masked %reduce_sum3A_471 : vector<16xi32>, vector<16xi1> -> vector<16xi32>
    %reduce_sum3A_473 = vector.extract %reduce_sum3A_472[15] : i32 from vector<16xi32>
    %eq3A_474 = arith.constant 4 : i32
    %eq3A_475 = vector.broadcast %eq3A_474 : i32 to vector<16xi32>
    %eq3A_476 = arith.cmpi eq, %iota3A, %eq3A_475 : vector<16xi32>
    %jit3A_477 = arith.constant 0 : i32
    %broadcast_in_dim3A_478 = vector.broadcast %jit3A_477 : i32 to vector<16xi32>
    %select_n3A_479 = arith.select %eq3A_476, %add3A_434, %broadcast_in_dim3A_478 : vector<16xi1>, vector<16xi32>
    %reduce_sum3A_480 = arith.constant true
    %reduce_sum3A_481 = vector.broadcast %reduce_sum3A_480 : i1 to vector<16xi1>
    %reduce_sum3A_482 = tpu.scan <sum>, %select_n3A_479 masked %reduce_sum3A_481 : vector<16xi32>, vector<16xi1> -> vector<16xi32>
    %reduce_sum3A_483 = vector.extract %reduce_sum3A_482[15] : i32 from vector<16xi32>
    %eq3A_484 = arith.constant 5 : i32
    %eq3A_485 = vector.broadcast %eq3A_484 : i32 to vector<16xi32>
    %eq3A_486 = arith.cmpi eq, %iota3A, %eq3A_485 : vector<16xi32>
    %jit3A_487 = arith.constant 0 : i32
    %broadcast_in_dim3A_488 = vector.broadcast %jit3A_487 : i32 to vector<16xi32>
    %select_n3A_489 = arith.select %eq3A_486, %add3A_434, %broadcast_in_dim3A_488 : vector<16xi1>, vector<16xi32>
    %reduce_sum3A_490 = arith.constant true
    %reduce_sum3A_491 = vector.broadcast %reduce_sum3A_490 : i1 to vector<16xi1>
    %reduce_sum3A_492 = tpu.scan <sum>, %select_n3A_489 masked %reduce_sum3A_491 : vector<16xi32>, vector<16xi1> -> vector<16xi32>
    %reduce_sum3A_493 = vector.extract %reduce_sum3A_492[15] : i32 from vector<16xi32>
    %eq3A_494 = arith.constant 6 : i32
    %eq3A_495 = vector.broadcast %eq3A_494 : i32 to vector<16xi32>
    %eq3A_496 = arith.cmpi eq, %iota3A, %eq3A_495 : vector<16xi32>
    %jit3A_497 = arith.constant 0 : i32
    %broadcast_in_dim3A_498 = vector.broadcast %jit3A_497 : i32 to vector<16xi32>
    %select_n3A_499 = arith.select %eq3A_496, %add3A_434, %broadcast_in_dim3A_498 : vector<16xi1>, vector<16xi32>
    %reduce_sum3A_500 = arith.constant true
    %reduce_sum3A_501 = vector.broadcast %reduce_sum3A_500 : i1 to vector<16xi1>
    %reduce_sum3A_502 = tpu.scan <sum>, %select_n3A_499 masked %reduce_sum3A_501 : vector<16xi32>, vector<16xi1> -> vector<16xi32>
    %reduce_sum3A_503 = vector.extract %reduce_sum3A_502[15] : i32 from vector<16xi32>
    %eq3A_504 = arith.constant 7 : i32
    %eq3A_505 = vector.broadcast %eq3A_504 : i32 to vector<16xi32>
    %eq3A_506 = arith.cmpi eq, %iota3A, %eq3A_505 : vector<16xi32>
    %jit3A_507 = arith.constant 0 : i32
    %broadcast_in_dim3A_508 = vector.broadcast %jit3A_507 : i32 to vector<16xi32>
    %select_n3A_509 = arith.select %eq3A_506, %add3A_434, %broadcast_in_dim3A_508 : vector<16xi1>, vector<16xi32>
    %reduce_sum3A_510 = arith.constant true
    %reduce_sum3A_511 = vector.broadcast %reduce_sum3A_510 : i1 to vector<16xi1>
    %reduce_sum3A_512 = tpu.scan <sum>, %select_n3A_509 masked %reduce_sum3A_511 : vector<16xi32>, vector<16xi1> -> vector<16xi32>
    %reduce_sum3A_513 = vector.extract %reduce_sum3A_512[15] : i32 from vector<16xi32>
    %broadcast_in_dim3A_514 = arith.constant 0 : i32
    %broadcast_in_dim3A_515 = vector.broadcast %broadcast_in_dim3A_514 : i32 to vector<16xi32>
    %eq3A_516 = arith.constant 0 : i32
    %eq3A_517 = vector.broadcast %eq3A_516 : i32 to vector<16xi32>
    %eq3A_518 = arith.cmpi eq, %gather3A, %eq3A_517 : vector<16xi32>
    %jit3A_519 = arith.constant 1 : i32
    %jit3A_520 = arith.constant 0 : i32
    %broadcast_in_dim3A_521 = vector.broadcast %jit3A_519 : i32 to vector<16xi32>
    %broadcast_in_dim3A_522 = vector.broadcast %jit3A_520 : i32 to vector<16xi32>
    %select_n3A_523 = arith.select %eq3A_518, %broadcast_in_dim3A_521, %broadcast_in_dim3A_522 : vector<16xi1>, vector<16xi32>
    %broadcast_in_dim3A_524 = arith.constant true
    %broadcast_in_dim3A_525 = vector.broadcast %broadcast_in_dim3A_524 : i1 to vector<16xi1>
    %masked_cumsum3A_526 = tpu.scan <sum>, %select_n3A_523 masked %broadcast_in_dim3A_525 : vector<16xi32>, vector<16xi1> -> vector<16xi32>
    %add3A_527 = vector.broadcast %reduce_sum3A_443 : i32 to vector<16xi32>
    %add3A_528 = arith.addi %add3A_527, %masked_cumsum3A_526 : vector<16xi32>
    %sub3A_529 = arith.constant 1 : i32
    %sub3A_530 = vector.broadcast %sub3A_529 : i32 to vector<16xi32>
    %sub3A_531 = arith.subi %add3A_528, %sub3A_530 : vector<16xi32>
    %mul3A_532 = arith.muli %select_n3A_523, %sub3A_531 : vector<16xi32>
    %add3A_533 = arith.addi %broadcast_in_dim3A_515, %mul3A_532 : vector<16xi32>
    %reduce_sum3A_534 = arith.constant true
    %reduce_sum3A_535 = vector.broadcast %reduce_sum3A_534 : i1 to vector<16xi1>
    %reduce_sum3A_536 = tpu.scan <sum>, %select_n3A_523 masked %reduce_sum3A_535 : vector<16xi32>, vector<16xi1> -> vector<16xi32>
    %reduce_sum3A_537 = vector.extract %reduce_sum3A_536[15] : i32 from vector<16xi32>
    %add3A_538 = arith.addi %reduce_sum3A_443, %reduce_sum3A_537 : i32
    %eq3A_539 = arith.constant 1 : i32
    %eq3A_540 = vector.broadcast %eq3A_539 : i32 to vector<16xi32>
    %eq3A_541 = arith.cmpi eq, %gather3A, %eq3A_540 : vector<16xi32>
    %jit3A_542 = arith.constant 1 : i32
    %jit3A_543 = arith.constant 0 : i32
    %broadcast_in_dim3A_544 = vector.broadcast %jit3A_542 : i32 to vector<16xi32>
    %broadcast_in_dim3A_545 = vector.broadcast %jit3A_543 : i32 to vector<16xi32>
    %select_n3A_546 = arith.select %eq3A_541, %broadcast_in_dim3A_544, %broadcast_in_dim3A_545 : vector<16xi1>, vector<16xi32>
    %broadcast_in_dim3A_547 = arith.constant true
    %broadcast_in_dim3A_548 = vector.broadcast %broadcast_in_dim3A_547 : i1 to vector<16xi1>
    %masked_cumsum3A_549 = tpu.scan <sum>, %select_n3A_546 masked %broadcast_in_dim3A_548 : vector<16xi32>, vector<16xi1> -> vector<16xi32>
    %add3A_550 = vector.broadcast %reduce_sum3A_453 : i32 to vector<16xi32>
    %add3A_551 = arith.addi %add3A_550, %masked_cumsum3A_549 : vector<16xi32>
    %sub3A_552 = arith.constant 1 : i32
    %sub3A_553 = vector.broadcast %sub3A_552 : i32 to vector<16xi32>
    %sub3A_554 = arith.subi %add3A_551, %sub3A_553 : vector<16xi32>
    %mul3A_555 = arith.muli %select_n3A_546, %sub3A_554 : vector<16xi32>
    %add3A_556 = arith.addi %add3A_533, %mul3A_555 : vector<16xi32>
    %reduce_sum3A_557 = arith.constant true
    %reduce_sum3A_558 = vector.broadcast %reduce_sum3A_557 : i1 to vector<16xi1>
    %reduce_sum3A_559 = tpu.scan <sum>, %select_n3A_546 masked %reduce_sum3A_558 : vector<16xi32>, vector<16xi1> -> vector<16xi32>
    %reduce_sum3A_560 = vector.extract %reduce_sum3A_559[15] : i32 from vector<16xi32>
    %add3A_561 = arith.addi %reduce_sum3A_453, %reduce_sum3A_560 : i32
    %eq3A_562 = arith.constant 2 : i32
    %eq3A_563 = vector.broadcast %eq3A_562 : i32 to vector<16xi32>
    %eq3A_564 = arith.cmpi eq, %gather3A, %eq3A_563 : vector<16xi32>
    %jit3A_565 = arith.constant 1 : i32
    %jit3A_566 = arith.constant 0 : i32
    %broadcast_in_dim3A_567 = vector.broadcast %jit3A_565 : i32 to vector<16xi32>
    %broadcast_in_dim3A_568 = vector.broadcast %jit3A_566 : i32 to vector<16xi32>
    %select_n3A_569 = arith.select %eq3A_564, %broadcast_in_dim3A_567, %broadcast_in_dim3A_568 : vector<16xi1>, vector<16xi32>
    %broadcast_in_dim3A_570 = arith.constant true
    %broadcast_in_dim3A_571 = vector.broadcast %broadcast_in_dim3A_570 : i1 to vector<16xi1>
    %masked_cumsum3A_572 = tpu.scan <sum>, %select_n3A_569 masked %broadcast_in_dim3A_571 : vector<16xi32>, vector<16xi1> -> vector<16xi32>
    %add3A_573 = vector.broadcast %reduce_sum3A_463 : i32 to vector<16xi32>
    %add3A_574 = arith.addi %add3A_573, %masked_cumsum3A_572 : vector<16xi32>
    %sub3A_575 = arith.constant 1 : i32
    %sub3A_576 = vector.broadcast %sub3A_575 : i32 to vector<16xi32>
    %sub3A_577 = arith.subi %add3A_574, %sub3A_576 : vector<16xi32>
    %mul3A_578 = arith.muli %select_n3A_569, %sub3A_577 : vector<16xi32>
    %add3A_579 = arith.addi %add3A_556, %mul3A_578 : vector<16xi32>
    %reduce_sum3A_580 = arith.constant true
    %reduce_sum3A_581 = vector.broadcast %reduce_sum3A_580 : i1 to vector<16xi1>
    %reduce_sum3A_582 = tpu.scan <sum>, %select_n3A_569 masked %reduce_sum3A_581 : vector<16xi32>, vector<16xi1> -> vector<16xi32>
    %reduce_sum3A_583 = vector.extract %reduce_sum3A_582[15] : i32 from vector<16xi32>
    %add3A_584 = arith.addi %reduce_sum3A_463, %reduce_sum3A_583 : i32
    %eq3A_585 = arith.constant 3 : i32
    %eq3A_586 = vector.broadcast %eq3A_585 : i32 to vector<16xi32>
    %eq3A_587 = arith.cmpi eq, %gather3A, %eq3A_586 : vector<16xi32>
    %jit3A_588 = arith.constant 1 : i32
    %jit3A_589 = arith.constant 0 : i32
    %broadcast_in_dim3A_590 = vector.broadcast %jit3A_588 : i32 to vector<16xi32>
    %broadcast_in_dim3A_591 = vector.broadcast %jit3A_589 : i32 to vector<16xi32>
    %select_n3A_592 = arith.select %eq3A_587, %broadcast_in_dim3A_590, %broadcast_in_dim3A_591 : vector<16xi1>, vector<16xi32>
    %broadcast_in_dim3A_593 = arith.constant true
    %broadcast_in_dim3A_594 = vector.broadcast %broadcast_in_dim3A_593 : i1 to vector<16xi1>
    %masked_cumsum3A_595 = tpu.scan <sum>, %select_n3A_592 masked %broadcast_in_dim3A_594 : vector<16xi32>, vector<16xi1> -> vector<16xi32>
    %add3A_596 = vector.broadcast %reduce_sum3A_473 : i32 to vector<16xi32>
    %add3A_597 = arith.addi %add3A_596, %masked_cumsum3A_595 : vector<16xi32>
    %sub3A_598 = arith.constant 1 : i32
    %sub3A_599 = vector.broadcast %sub3A_598 : i32 to vector<16xi32>
    %sub3A_600 = arith.subi %add3A_597, %sub3A_599 : vector<16xi32>
    %mul3A_601 = arith.muli %select_n3A_592, %sub3A_600 : vector<16xi32>
    %add3A_602 = arith.addi %add3A_579, %mul3A_601 : vector<16xi32>
    %reduce_sum3A_603 = arith.constant true
    %reduce_sum3A_604 = vector.broadcast %reduce_sum3A_603 : i1 to vector<16xi1>
    %reduce_sum3A_605 = tpu.scan <sum>, %select_n3A_592 masked %reduce_sum3A_604 : vector<16xi32>, vector<16xi1> -> vector<16xi32>
    %reduce_sum3A_606 = vector.extract %reduce_sum3A_605[15] : i32 from vector<16xi32>
    %add3A_607 = arith.addi %reduce_sum3A_473, %reduce_sum3A_606 : i32
    %eq3A_608 = arith.constant 4 : i32
    %eq3A_609 = vector.broadcast %eq3A_608 : i32 to vector<16xi32>
    %eq3A_610 = arith.cmpi eq, %gather3A, %eq3A_609 : vector<16xi32>
    %jit3A_611 = arith.constant 1 : i32
    %jit3A_612 = arith.constant 0 : i32
    %broadcast_in_dim3A_613 = vector.broadcast %jit3A_611 : i32 to vector<16xi32>
    %broadcast_in_dim3A_614 = vector.broadcast %jit3A_612 : i32 to vector<16xi32>
    %select_n3A_615 = arith.select %eq3A_610, %broadcast_in_dim3A_613, %broadcast_in_dim3A_614 : vector<16xi1>, vector<16xi32>
    %broadcast_in_dim3A_616 = arith.constant true
    %broadcast_in_dim3A_617 = vector.broadcast %broadcast_in_dim3A_616 : i1 to vector<16xi1>
    %masked_cumsum3A_618 = tpu.scan <sum>, %select_n3A_615 masked %broadcast_in_dim3A_617 : vector<16xi32>, vector<16xi1> -> vector<16xi32>
    %add3A_619 = vector.broadcast %reduce_sum3A_483 : i32 to vector<16xi32>
    %add3A_620 = arith.addi %add3A_619, %masked_cumsum3A_618 : vector<16xi32>
    %sub3A_621 = arith.constant 1 : i32
    %sub3A_622 = vector.broadcast %sub3A_621 : i32 to vector<16xi32>
    %sub3A_623 = arith.subi %add3A_620, %sub3A_622 : vector<16xi32>
    %mul3A_624 = arith.muli %select_n3A_615, %sub3A_623 : vector<16xi32>
    %add3A_625 = arith.addi %add3A_602, %mul3A_624 : vector<16xi32>
    %reduce_sum3A_626 = arith.constant true
    %reduce_sum3A_627 = vector.broadcast %reduce_sum3A_626 : i1 to vector<16xi1>
    %reduce_sum3A_628 = tpu.scan <sum>, %select_n3A_615 masked %reduce_sum3A_627 : vector<16xi32>, vector<16xi1> -> vector<16xi32>
    %reduce_sum3A_629 = vector.extract %reduce_sum3A_628[15] : i32 from vector<16xi32>
    %add3A_630 = arith.addi %reduce_sum3A_483, %reduce_sum3A_629 : i32
    %eq3A_631 = arith.constant 5 : i32
    %eq3A_632 = vector.broadcast %eq3A_631 : i32 to vector<16xi32>
    %eq3A_633 = arith.cmpi eq, %gather3A, %eq3A_632 : vector<16xi32>
    %jit3A_634 = arith.constant 1 : i32
    %jit3A_635 = arith.constant 0 : i32
    %broadcast_in_dim3A_636 = vector.broadcast %jit3A_634 : i32 to vector<16xi32>
    %broadcast_in_dim3A_637 = vector.broadcast %jit3A_635 : i32 to vector<16xi32>
    %select_n3A_638 = arith.select %eq3A_633, %broadcast_in_dim3A_636, %broadcast_in_dim3A_637 : vector<16xi1>, vector<16xi32>
    %broadcast_in_dim3A_639 = arith.constant true
    %broadcast_in_dim3A_640 = vector.broadcast %broadcast_in_dim3A_639 : i1 to vector<16xi1>
    %masked_cumsum3A_641 = tpu.scan <sum>, %select_n3A_638 masked %broadcast_in_dim3A_640 : vector<16xi32>, vector<16xi1> -> vector<16xi32>
    %add3A_642 = vector.broadcast %reduce_sum3A_493 : i32 to vector<16xi32>
    %add3A_643 = arith.addi %add3A_642, %masked_cumsum3A_641 : vector<16xi32>
    %sub3A_644 = arith.constant 1 : i32
    %sub3A_645 = vector.broadcast %sub3A_644 : i32 to vector<16xi32>
    %sub3A_646 = arith.subi %add3A_643, %sub3A_645 : vector<16xi32>
    %mul3A_647 = arith.muli %select_n3A_638, %sub3A_646 : vector<16xi32>
    %add3A_648 = arith.addi %add3A_625, %mul3A_647 : vector<16xi32>
    %reduce_sum3A_649 = arith.constant true
    %reduce_sum3A_650 = vector.broadcast %reduce_sum3A_649 : i1 to vector<16xi1>
    %reduce_sum3A_651 = tpu.scan <sum>, %select_n3A_638 masked %reduce_sum3A_650 : vector<16xi32>, vector<16xi1> -> vector<16xi32>
    %reduce_sum3A_652 = vector.extract %reduce_sum3A_651[15] : i32 from vector<16xi32>
    %add3A_653 = arith.addi %reduce_sum3A_493, %reduce_sum3A_652 : i32
    %eq3A_654 = arith.constant 6 : i32
    %eq3A_655 = vector.broadcast %eq3A_654 : i32 to vector<16xi32>
    %eq3A_656 = arith.cmpi eq, %gather3A, %eq3A_655 : vector<16xi32>
    %jit3A_657 = arith.constant 1 : i32
    %jit3A_658 = arith.constant 0 : i32
    %broadcast_in_dim3A_659 = vector.broadcast %jit3A_657 : i32 to vector<16xi32>
    %broadcast_in_dim3A_660 = vector.broadcast %jit3A_658 : i32 to vector<16xi32>
    %select_n3A_661 = arith.select %eq3A_656, %broadcast_in_dim3A_659, %broadcast_in_dim3A_660 : vector<16xi1>, vector<16xi32>
    %broadcast_in_dim3A_662 = arith.constant true
    %broadcast_in_dim3A_663 = vector.broadcast %broadcast_in_dim3A_662 : i1 to vector<16xi1>
    %masked_cumsum3A_664 = tpu.scan <sum>, %select_n3A_661 masked %broadcast_in_dim3A_663 : vector<16xi32>, vector<16xi1> -> vector<16xi32>
    %add3A_665 = vector.broadcast %reduce_sum3A_503 : i32 to vector<16xi32>
    %add3A_666 = arith.addi %add3A_665, %masked_cumsum3A_664 : vector<16xi32>
    %sub3A_667 = arith.constant 1 : i32
    %sub3A_668 = vector.broadcast %sub3A_667 : i32 to vector<16xi32>
    %sub3A_669 = arith.subi %add3A_666, %sub3A_668 : vector<16xi32>
    %mul3A_670 = arith.muli %select_n3A_661, %sub3A_669 : vector<16xi32>
    %add3A_671 = arith.addi %add3A_648, %mul3A_670 : vector<16xi32>
    %reduce_sum3A_672 = arith.constant true
    %reduce_sum3A_673 = vector.broadcast %reduce_sum3A_672 : i1 to vector<16xi1>
    %reduce_sum3A_674 = tpu.scan <sum>, %select_n3A_661 masked %reduce_sum3A_673 : vector<16xi32>, vector<16xi1> -> vector<16xi32>
    %reduce_sum3A_675 = vector.extract %reduce_sum3A_674[15] : i32 from vector<16xi32>
    %add3A_676 = arith.addi %reduce_sum3A_503, %reduce_sum3A_675 : i32
    %eq3A_677 = arith.constant 7 : i32
    %eq3A_678 = vector.broadcast %eq3A_677 : i32 to vector<16xi32>
    %eq3A_679 = arith.cmpi eq, %gather3A, %eq3A_678 : vector<16xi32>
    %jit3A_680 = arith.constant 1 : i32
    %jit3A_681 = arith.constant 0 : i32
    %broadcast_in_dim3A_682 = vector.broadcast %jit3A_680 : i32 to vector<16xi32>
    %broadcast_in_dim3A_683 = vector.broadcast %jit3A_681 : i32 to vector<16xi32>
    %select_n3A_684 = arith.select %eq3A_679, %broadcast_in_dim3A_682, %broadcast_in_dim3A_683 : vector<16xi1>, vector<16xi32>
    %broadcast_in_dim3A_685 = arith.constant true
    %broadcast_in_dim3A_686 = vector.broadcast %broadcast_in_dim3A_685 : i1 to vector<16xi1>
    %masked_cumsum3A_687 = tpu.scan <sum>, %select_n3A_684 masked %broadcast_in_dim3A_686 : vector<16xi32>, vector<16xi1> -> vector<16xi32>
    %add3A_688 = vector.broadcast %reduce_sum3A_513 : i32 to vector<16xi32>
    %add3A_689 = arith.addi %add3A_688, %masked_cumsum3A_687 : vector<16xi32>
    %sub3A_690 = arith.constant 1 : i32
    %sub3A_691 = vector.broadcast %sub3A_690 : i32 to vector<16xi32>
    %sub3A_692 = arith.subi %add3A_689, %sub3A_691 : vector<16xi32>
    %mul3A_693 = arith.muli %select_n3A_684, %sub3A_692 : vector<16xi32>
    %add3A_694 = arith.addi %add3A_671, %mul3A_693 : vector<16xi32>
    %reduce_sum3A_695 = arith.constant true
    %reduce_sum3A_696 = vector.broadcast %reduce_sum3A_695 : i1 to vector<16xi1>
    %reduce_sum3A_697 = tpu.scan <sum>, %select_n3A_684 masked %reduce_sum3A_696 : vector<16xi32>, vector<16xi1> -> vector<16xi32>
    %reduce_sum3A_698 = vector.extract %reduce_sum3A_697[15] : i32 from vector<16xi32>
    %add3A_699 = arith.addi %reduce_sum3A_513, %reduce_sum3A_698 : i32
    %swap3A_700 = arith.constant 0 : i32
    %swap3A_701 = arith.index_cast %swap3A_700 : i32 to index
    %swap3A_702 = arith.constant 0 : index
    %swap3A_703 = tpu.vector_load %arg7[%swap3A_701, %swap3A_702] {strides = array<i32>} : memref<2x64xi32, #tpu.memory_space<vmem>>, vector<16xi32>,
    tpu.vector_store %arg7[%swap3A_701, %swap3A_702], %add3A_694 {strides = array<i32>} : memref<2x64xi32, #tpu.memory_space<vmem>>, vector<16xi32>,
    %broadcast_in_dim3A_704 = arith.constant 0 : i32
    %broadcast_in_dim3A_705 = vector.broadcast %broadcast_in_dim3A_704 : i32 to vector<16xi32>
    %eq3A_706 = arith.constant 0 : i32
    %eq3A_707 = vector.broadcast %eq3A_706 : i32 to vector<16xi32>
    %eq3A_708 = arith.cmpi eq, %gather3A_13, %eq3A_707 : vector<16xi32>
    %jit3A_709 = arith.constant 1 : i32
    %jit3A_710 = arith.constant 0 : i32
    %broadcast_in_dim3A_711 = vector.broadcast %jit3A_709 : i32 to vector<16xi32>
    %broadcast_in_dim3A_712 = vector.broadcast %jit3A_710 : i32 to vector<16xi32>
    %select_n3A_713 = arith.select %eq3A_708, %broadcast_in_dim3A_711, %broadcast_in_dim3A_712 : vector<16xi1>, vector<16xi32>
    %broadcast_in_dim3A_714 = arith.constant true
    %broadcast_in_dim3A_715 = vector.broadcast %broadcast_in_dim3A_714 : i1 to vector<16xi1>
    %masked_cumsum3A_716 = tpu.scan <sum>, %select_n3A_713 masked %broadcast_in_dim3A_715 : vector<16xi32>, vector<16xi1> -> vector<16xi32>
    %add3A_717 = vector.broadcast %add3A_538 : i32 to vector<16xi32>
    %add3A_718 = arith.addi %add3A_717, %masked_cumsum3A_716 : vector<16xi32>
    %sub3A_719 = arith.constant 1 : i32
    %sub3A_720 = vector.broadcast %sub3A_719 : i32 to vector<16xi32>
    %sub3A_721 = arith.subi %add3A_718, %sub3A_720 : vector<16xi32>
    %mul3A_722 = arith.muli %select_n3A_713, %sub3A_721 : vector<16xi32>
    %add3A_723 = arith.addi %broadcast_in_dim3A_705, %mul3A_722 : vector<16xi32>
    %reduce_sum3A_724 = arith.constant true
    %reduce_sum3A_725 = vector.broadcast %reduce_sum3A_724 : i1 to vector<16xi1>
    %reduce_sum3A_726 = tpu.scan <sum>, %select_n3A_713 masked %reduce_sum3A_725 : vector<16xi32>, vector<16xi1> -> vector<16xi32>
    %reduce_sum3A_727 = vector.extract %reduce_sum3A_726[15] : i32 from vector<16xi32>
    %add3A_728 = arith.addi %add3A_538, %reduce_sum3A_727 : i32
    %eq3A_729 = arith.constant 1 : i32
    %eq3A_730 = vector.broadcast %eq3A_729 : i32 to vector<16xi32>
    %eq3A_731 = arith.cmpi eq, %gather3A_13, %eq3A_730 : vector<16xi32>
    %jit3A_732 = arith.constant 1 : i32
    %jit3A_733 = arith.constant 0 : i32
    %broadcast_in_dim3A_734 = vector.broadcast %jit3A_732 : i32 to vector<16xi32>
    %broadcast_in_dim3A_735 = vector.broadcast %jit3A_733 : i32 to vector<16xi32>
    %select_n3A_736 = arith.select %eq3A_731, %broadcast_in_dim3A_734, %broadcast_in_dim3A_735 : vector<16xi1>, vector<16xi32>
    %broadcast_in_dim3A_737 = arith.constant true
    %broadcast_in_dim3A_738 = vector.broadcast %broadcast_in_dim3A_737 : i1 to vector<16xi1>
    %masked_cumsum3A_739 = tpu.scan <sum>, %select_n3A_736 masked %broadcast_in_dim3A_738 : vector<16xi32>, vector<16xi1> -> vector<16xi32>
    %add3A_740 = vector.broadcast %add3A_561 : i32 to vector<16xi32>
    %add3A_741 = arith.addi %add3A_740, %masked_cumsum3A_739 : vector<16xi32>
    %sub3A_742 = arith.constant 1 : i32
    %sub3A_743 = vector.broadcast %sub3A_742 : i32 to vector<16xi32>
    %sub3A_744 = arith.subi %add3A_741, %sub3A_743 : vector<16xi32>
    %mul3A_745 = arith.muli %select_n3A_736, %sub3A_744 : vector<16xi32>
    %add3A_746 = arith.addi %add3A_723, %mul3A_745 : vector<16xi32>
    %reduce_sum3A_747 = arith.constant true
    %reduce_sum3A_748 = vector.broadcast %reduce_sum3A_747 : i1 to vector<16xi1>
    %reduce_sum3A_749 = tpu.scan <sum>, %select_n3A_736 masked %reduce_sum3A_748 : vector<16xi32>, vector<16xi1> -> vector<16xi32>
    %reduce_sum3A_750 = vector.extract %reduce_sum3A_749[15] : i32 from vector<16xi32>
    %add3A_751 = arith.addi %add3A_561, %reduce_sum3A_750 : i32
    %eq3A_752 = arith.constant 2 : i32
    %eq3A_753 = vector.broadcast %eq3A_752 : i32 to vector<16xi32>
    %eq3A_754 = arith.cmpi eq, %gather3A_13, %eq3A_753 : vector<16xi32>
    %jit3A_755 = arith.constant 1 : i32
    %jit3A_756 = arith.constant 0 : i32
    %broadcast_in_dim3A_757 = vector.broadcast %jit3A_755 : i32 to vector<16xi32>
    %broadcast_in_dim3A_758 = vector.broadcast %jit3A_756 : i32 to vector<16xi32>
    %select_n3A_759 = arith.select %eq3A_754, %broadcast_in_dim3A_757, %broadcast_in_dim3A_758 : vector<16xi1>, vector<16xi32>
    %broadcast_in_dim3A_760 = arith.constant true
    %broadcast_in_dim3A_761 = vector.broadcast %broadcast_in_dim3A_760 : i1 to vector<16xi1>
    %masked_cumsum3A_762 = tpu.scan <sum>, %select_n3A_759 masked %broadcast_in_dim3A_761 : vector<16xi32>, vector<16xi1> -> vector<16xi32>
    %add3A_763 = vector.broadcast %add3A_584 : i32 to vector<16xi32>
    %add3A_764 = arith.addi %add3A_763, %masked_cumsum3A_762 : vector<16xi32>
    %sub3A_765 = arith.constant 1 : i32
    %sub3A_766 = vector.broadcast %sub3A_765 : i32 to vector<16xi32>
    %sub3A_767 = arith.subi %add3A_764, %sub3A_766 : vector<16xi32>
    %mul3A_768 = arith.muli %select_n3A_759, %sub3A_767 : vector<16xi32>
    %add3A_769 = arith.addi %add3A_746, %mul3A_768 : vector<16xi32>
    %reduce_sum3A_770 = arith.constant true
    %reduce_sum3A_771 = vector.broadcast %reduce_sum3A_770 : i1 to vector<16xi1>
    %reduce_sum3A_772 = tpu.scan <sum>, %select_n3A_759 masked %reduce_sum3A_771 : vector<16xi32>, vector<16xi1> -> vector<16xi32>
    %reduce_sum3A_773 = vector.extract %reduce_sum3A_772[15] : i32 from vector<16xi32>
    %add3A_774 = arith.addi %add3A_584, %reduce_sum3A_773 : i32
    %eq3A_775 = arith.constant 3 : i32
    %eq3A_776 = vector.broadcast %eq3A_775 : i32 to vector<16xi32>
    %eq3A_777 = arith.cmpi eq, %gather3A_13, %eq3A_776 : vector<16xi32>
    %jit3A_778 = arith.constant 1 : i32
    %jit3A_779 = arith.constant 0 : i32
    %broadcast_in_dim3A_780 = vector.broadcast %jit3A_778 : i32 to vector<16xi32>
    %broadcast_in_dim3A_781 = vector.broadcast %jit3A_779 : i32 to vector<16xi32>
    %select_n3A_782 = arith.select %eq3A_777, %broadcast_in_dim3A_780, %broadcast_in_dim3A_781 : vector<16xi1>, vector<16xi32>
    %broadcast_in_dim3A_783 = arith.constant true
    %broadcast_in_dim3A_784 = vector.broadcast %broadcast_in_dim3A_783 : i1 to vector<16xi1>
    %masked_cumsum3A_785 = tpu.scan <sum>, %select_n3A_782 masked %broadcast_in_dim3A_784 : vector<16xi32>, vector<16xi1> -> vector<16xi32>
    %add3A_786 = vector.broadcast %add3A_607 : i32 to vector<16xi32>
    %add3A_787 = arith.addi %add3A_786, %masked_cumsum3A_785 : vector<16xi32>
    %sub3A_788 = arith.constant 1 : i32
    %sub3A_789 = vector.broadcast %sub3A_788 : i32 to vector<16xi32>
    %sub3A_790 = arith.subi %add3A_787, %sub3A_789 : vector<16xi32>
    %mul3A_791 = arith.muli %select_n3A_782, %sub3A_790 : vector<16xi32>
    %add3A_792 = arith.addi %add3A_769, %mul3A_791 : vector<16xi32>
    %reduce_sum3A_793 = arith.constant true
    %reduce_sum3A_794 = vector.broadcast %reduce_sum3A_793 : i1 to vector<16xi1>
    %reduce_sum3A_795 = tpu.scan <sum>, %select_n3A_782 masked %reduce_sum3A_794 : vector<16xi32>, vector<16xi1> -> vector<16xi32>
    %reduce_sum3A_796 = vector.extract %reduce_sum3A_795[15] : i32 from vector<16xi32>
    %add3A_797 = arith.addi %add3A_607, %reduce_sum3A_796 : i32
    %eq3A_798 = arith.constant 4 : i32
    %eq3A_799 = vector.broadcast %eq3A_798 : i32 to vector<16xi32>
    %eq3A_800 = arith.cmpi eq, %gather3A_13, %eq3A_799 : vector<16xi32>
    %jit3A_801 = arith.constant 1 : i32
    %jit3A_802 = arith.constant 0 : i32
    %broadcast_in_dim3A_803 = vector.broadcast %jit3A_801 : i32 to vector<16xi32>
    %broadcast_in_dim3A_804 = vector.broadcast %jit3A_802 : i32 to vector<16xi32>
    %select_n3A_805 = arith.select %eq3A_800, %broadcast_in_dim3A_803, %broadcast_in_dim3A_804 : vector<16xi1>, vector<16xi32>
    %broadcast_in_dim3A_806 = arith.constant true
    %broadcast_in_dim3A_807 = vector.broadcast %broadcast_in_dim3A_806 : i1 to vector<16xi1>
    %masked_cumsum3A_808 = tpu.scan <sum>, %select_n3A_805 masked %broadcast_in_dim3A_807 : vector<16xi32>, vector<16xi1> -> vector<16xi32>
    %add3A_809 = vector.broadcast %add3A_630 : i32 to vector<16xi32>
    %add3A_810 = arith.addi %add3A_809, %masked_cumsum3A_808 : vector<16xi32>
    %sub3A_811 = arith.constant 1 : i32
    %sub3A_812 = vector.broadcast %sub3A_811 : i32 to vector<16xi32>
    %sub3A_813 = arith.subi %add3A_810, %sub3A_812 : vector<16xi32>
    %mul3A_814 = arith.muli %select_n3A_805, %sub3A_813 : vector<16xi32>
    %add3A_815 = arith.addi %add3A_792, %mul3A_814 : vector<16xi32>
    %reduce_sum3A_816 = arith.constant true
    %reduce_sum3A_817 = vector.broadcast %reduce_sum3A_816 : i1 to vector<16xi1>
    %reduce_sum3A_818 = tpu.scan <sum>, %select_n3A_805 masked %reduce_sum3A_817 : vector<16xi32>, vector<16xi1> -> vector<16xi32>
    %reduce_sum3A_819 = vector.extract %reduce_sum3A_818[15] : i32 from vector<16xi32>
    %add3A_820 = arith.addi %add3A_630, %reduce_sum3A_819 : i32
    %eq3A_821 = arith.constant 5 : i32
    %eq3A_822 = vector.broadcast %eq3A_821 : i32 to vector<16xi32>
    %eq3A_823 = arith.cmpi eq, %gather3A_13, %eq3A_822 : vector<16xi32>
    %jit3A_824 = arith.constant 1 : i32
    %jit3A_825 = arith.constant 0 : i32
    %broadcast_in_dim3A_826 = vector.broadcast %jit3A_824 : i32 to vector<16xi32>
    %broadcast_in_dim3A_827 = vector.broadcast %jit3A_825 : i32 to vector<16xi32>
    %select_n3A_828 = arith.select %eq3A_823, %broadcast_in_dim3A_826, %broadcast_in_dim3A_827 : vector<16xi1>, vector<16xi32>
    %broadcast_in_dim3A_829 = arith.constant true
    %broadcast_in_dim3A_830 = vector.broadcast %broadcast_in_dim3A_829 : i1 to vector<16xi1>
    %masked_cumsum3A_831 = tpu.scan <sum>, %select_n3A_828 masked %broadcast_in_dim3A_830 : vector<16xi32>, vector<16xi1> -> vector<16xi32>
    %add3A_832 = vector.broadcast %add3A_653 : i32 to vector<16xi32>
    %add3A_833 = arith.addi %add3A_832, %masked_cumsum3A_831 : vector<16xi32>
    %sub3A_834 = arith.constant 1 : i32
    %sub3A_835 = vector.broadcast %sub3A_834 : i32 to vector<16xi32>
    %sub3A_836 = arith.subi %add3A_833, %sub3A_835 : vector<16xi32>
    %mul3A_837 = arith.muli %select_n3A_828, %sub3A_836 : vector<16xi32>
    %add3A_838 = arith.addi %add3A_815, %mul3A_837 : vector<16xi32>
    %reduce_sum3A_839 = arith.constant true
    %reduce_sum3A_840 = vector.broadcast %reduce_sum3A_839 : i1 to vector<16xi1>
    %reduce_sum3A_841 = tpu.scan <sum>, %select_n3A_828 masked %reduce_sum3A_840 : vector<16xi32>, vector<16xi1> -> vector<16xi32>
    %reduce_sum3A_842 = vector.extract %reduce_sum3A_841[15] : i32 from vector<16xi32>
    %add3A_843 = arith.addi %add3A_653, %reduce_sum3A_842 : i32
    %eq3A_844 = arith.constant 6 : i32
    %eq3A_845 = vector.broadcast %eq3A_844 : i32 to vector<16xi32>
    %eq3A_846 = arith.cmpi eq, %gather3A_13, %eq3A_845 : vector<16xi32>
    %jit3A_847 = arith.constant 1 : i32
    %jit3A_848 = arith.constant 0 : i32
    %broadcast_in_dim3A_849 = vector.broadcast %jit3A_847 : i32 to vector<16xi32>
    %broadcast_in_dim3A_850 = vector.broadcast %jit3A_848 : i32 to vector<16xi32>
    %select_n3A_851 = arith.select %eq3A_846, %broadcast_in_dim3A_849, %broadcast_in_dim3A_850 : vector<16xi1>, vector<16xi32>
    %broadcast_in_dim3A_852 = arith.constant true
    %broadcast_in_dim3A_853 = vector.broadcast %broadcast_in_dim3A_852 : i1 to vector<16xi1>
    %masked_cumsum3A_854 = tpu.scan <sum>, %select_n3A_851 masked %broadcast_in_dim3A_853 : vector<16xi32>, vector<16xi1> -> vector<16xi32>
    %add3A_855 = vector.broadcast %add3A_676 : i32 to vector<16xi32>
    %add3A_856 = arith.addi %add3A_855, %masked_cumsum3A_854 : vector<16xi32>
    %sub3A_857 = arith.constant 1 : i32
    %sub3A_858 = vector.broadcast %sub3A_857 : i32 to vector<16xi32>
    %sub3A_859 = arith.subi %add3A_856, %sub3A_858 : vector<16xi32>
    %mul3A_860 = arith.muli %select_n3A_851, %sub3A_859 : vector<16xi32>
    %add3A_861 = arith.addi %add3A_838, %mul3A_860 : vector<16xi32>
    %reduce_sum3A_862 = arith.constant true
    %reduce_sum3A_863 = vector.broadcast %reduce_sum3A_862 : i1 to vector<16xi1>
    %reduce_sum3A_864 = tpu.scan <sum>, %select_n3A_851 masked %reduce_sum3A_863 : vector<16xi32>, vector<16xi1> -> vector<16xi32>
    %reduce_sum3A_865 = vector.extract %reduce_sum3A_864[15] : i32 from vector<16xi32>
    %add3A_866 = arith.addi %add3A_676, %reduce_sum3A_865 : i32
    %eq3A_867 = arith.constant 7 : i32
    %eq3A_868 = vector.broadcast %eq3A_867 : i32 to vector<16xi32>
    %eq3A_869 = arith.cmpi eq, %gather3A_13, %eq3A_868 : vector<16xi32>
    %jit3A_870 = arith.constant 1 : i32
    %jit3A_871 = arith.constant 0 : i32
    %broadcast_in_dim3A_872 = vector.broadcast %jit3A_870 : i32 to vector<16xi32>
    %broadcast_in_dim3A_873 = vector.broadcast %jit3A_871 : i32 to vector<16xi32>
    %select_n3A_874 = arith.select %eq3A_869, %broadcast_in_dim3A_872, %broadcast_in_dim3A_873 : vector<16xi1>, vector<16xi32>
    %broadcast_in_dim3A_875 = arith.constant true
    %broadcast_in_dim3A_876 = vector.broadcast %broadcast_in_dim3A_875 : i1 to vector<16xi1>
    %masked_cumsum3A_877 = tpu.scan <sum>, %select_n3A_874 masked %broadcast_in_dim3A_876 : vector<16xi32>, vector<16xi1> -> vector<16xi32>
    %add3A_878 = vector.broadcast %add3A_699 : i32 to vector<16xi32>
    %add3A_879 = arith.addi %add3A_878, %masked_cumsum3A_877 : vector<16xi32>
    %sub3A_880 = arith.constant 1 : i32
    %sub3A_881 = vector.broadcast %sub3A_880 : i32 to vector<16xi32>
    %sub3A_882 = arith.subi %add3A_879, %sub3A_881 : vector<16xi32>
    %mul3A_883 = arith.muli %select_n3A_874, %sub3A_882 : vector<16xi32>
    %add3A_884 = arith.addi %add3A_861, %mul3A_883 : vector<16xi32>
    %reduce_sum3A_885 = arith.constant true
    %reduce_sum3A_886 = vector.broadcast %reduce_sum3A_885 : i1 to vector<16xi1>
    %reduce_sum3A_887 = tpu.scan <sum>, %select_n3A_874 masked %reduce_sum3A_886 : vector<16xi32>, vector<16xi1> -> vector<16xi32>
    %reduce_sum3A_888 = vector.extract %reduce_sum3A_887[15] : i32 from vector<16xi32>
    %add3A_889 = arith.addi %add3A_699, %reduce_sum3A_888 : i32
    %swap3A_890 = arith.constant 0 : i32
    %swap3A_891 = arith.index_cast %swap3A_890 : i32 to index
    %swap3A_892 = arith.constant 16 : index
    %swap3A_893 = tpu.vector_load %arg7[%swap3A_891, %swap3A_892] {strides = array<i32>} : memref<2x64xi32, #tpu.memory_space<vmem>>, vector<16xi32>,
    tpu.vector_store %arg7[%swap3A_891, %swap3A_892], %add3A_884 {strides = array<i32>} : memref<2x64xi32, #tpu.memory_space<vmem>>, vector<16xi32>,
    %broadcast_in_dim3A_894 = arith.constant 0 : i32
    %broadcast_in_dim3A_895 = vector.broadcast %broadcast_in_dim3A_894 : i32 to vector<16xi32>
    %eq3A_896 = arith.constant 0 : i32
    %eq3A_897 = vector.broadcast %eq3A_896 : i32 to vector<16xi32>
    %eq3A_898 = arith.cmpi eq, %gather3A_17, %eq3A_897 : vector<16xi32>
    %jit3A_899 = arith.constant 1 : i32
    %jit3A_900 = arith.constant 0 : i32
    %broadcast_in_dim3A_901 = vector.broadcast %jit3A_899 : i32 to vector<16xi32>
    %broadcast_in_dim3A_902 = vector.broadcast %jit3A_900 : i32 to vector<16xi32>
    %select_n3A_903 = arith.select %eq3A_898, %broadcast_in_dim3A_901, %broadcast_in_dim3A_902 : vector<16xi1>, vector<16xi32>
    %broadcast_in_dim3A_904 = arith.constant true
    %broadcast_in_dim3A_905 = vector.broadcast %broadcast_in_dim3A_904 : i1 to vector<16xi1>
    %masked_cumsum3A_906 = tpu.scan <sum>, %select_n3A_903 masked %broadcast_in_dim3A_905 : vector<16xi32>, vector<16xi1> -> vector<16xi32>
    %add3A_907 = vector.broadcast %add3A_728 : i32 to vector<16xi32>
    %add3A_908 = arith.addi %add3A_907, %masked_cumsum3A_906 : vector<16xi32>
    %sub3A_909 = arith.constant 1 : i32
    %sub3A_910 = vector.broadcast %sub3A_909 : i32 to vector<16xi32>
    %sub3A_911 = arith.subi %add3A_908, %sub3A_910 : vector<16xi32>
    %mul3A_912 = arith.muli %select_n3A_903, %sub3A_911 : vector<16xi32>
    %add3A_913 = arith.addi %broadcast_in_dim3A_895, %mul3A_912 : vector<16xi32>
    %reduce_sum3A_914 = arith.constant true
    %reduce_sum3A_915 = vector.broadcast %reduce_sum3A_914 : i1 to vector<16xi1>
    %reduce_sum3A_916 = tpu.scan <sum>, %select_n3A_903 masked %reduce_sum3A_915 : vector<16xi32>, vector<16xi1> -> vector<16xi32>
    %reduce_sum3A_917 = vector.extract %reduce_sum3A_916[15] : i32 from vector<16xi32>
    %add3A_918 = arith.addi %add3A_728, %reduce_sum3A_917 : i32
    %eq3A_919 = arith.constant 1 : i32
    %eq3A_920 = vector.broadcast %eq3A_919 : i32 to vector<16xi32>
    %eq3A_921 = arith.cmpi eq, %gather3A_17, %eq3A_920 : vector<16xi32>
    %jit3A_922 = arith.constant 1 : i32
    %jit3A_923 = arith.constant 0 : i32
    %broadcast_in_dim3A_924 = vector.broadcast %jit3A_922 : i32 to vector<16xi32>
    %broadcast_in_dim3A_925 = vector.broadcast %jit3A_923 : i32 to vector<16xi32>
    %select_n3A_926 = arith.select %eq3A_921, %broadcast_in_dim3A_924, %broadcast_in_dim3A_925 : vector<16xi1>, vector<16xi32>
    %broadcast_in_dim3A_927 = arith.constant true
    %broadcast_in_dim3A_928 = vector.broadcast %broadcast_in_dim3A_927 : i1 to vector<16xi1>
    %masked_cumsum3A_929 = tpu.scan <sum>, %select_n3A_926 masked %broadcast_in_dim3A_928 : vector<16xi32>, vector<16xi1> -> vector<16xi32>
    %add3A_930 = vector.broadcast %add3A_751 : i32 to vector<16xi32>
    %add3A_931 = arith.addi %add3A_930, %masked_cumsum3A_929 : vector<16xi32>
    %sub3A_932 = arith.constant 1 : i32
    %sub3A_933 = vector.broadcast %sub3A_932 : i32 to vector<16xi32>
    %sub3A_934 = arith.subi %add3A_931, %sub3A_933 : vector<16xi32>
    %mul3A_935 = arith.muli %select_n3A_926, %sub3A_934 : vector<16xi32>
    %add3A_936 = arith.addi %add3A_913, %mul3A_935 : vector<16xi32>
    %reduce_sum3A_937 = arith.constant true
    %reduce_sum3A_938 = vector.broadcast %reduce_sum3A_937 : i1 to vector<16xi1>
    %reduce_sum3A_939 = tpu.scan <sum>, %select_n3A_926 masked %reduce_sum3A_938 : vector<16xi32>, vector<16xi1> -> vector<16xi32>
    %reduce_sum3A_940 = vector.extract %reduce_sum3A_939[15] : i32 from vector<16xi32>
    %add3A_941 = arith.addi %add3A_751, %reduce_sum3A_940 : i32
    %eq3A_942 = arith.constant 2 : i32
    %eq3A_943 = vector.broadcast %eq3A_942 : i32 to vector<16xi32>
    %eq3A_944 = arith.cmpi eq, %gather3A_17, %eq3A_943 : vector<16xi32>
    %jit3A_945 = arith.constant 1 : i32
    %jit3A_946 = arith.constant 0 : i32
    %broadcast_in_dim3A_947 = vector.broadcast %jit3A_945 : i32 to vector<16xi32>
    %broadcast_in_dim3A_948 = vector.broadcast %jit3A_946 : i32 to vector<16xi32>
    %select_n3A_949 = arith.select %eq3A_944, %broadcast_in_dim3A_947, %broadcast_in_dim3A_948 : vector<16xi1>, vector<16xi32>
    %broadcast_in_dim3A_950 = arith.constant true
    %broadcast_in_dim3A_951 = vector.broadcast %broadcast_in_dim3A_950 : i1 to vector<16xi1>
    %masked_cumsum3A_952 = tpu.scan <sum>, %select_n3A_949 masked %broadcast_in_dim3A_951 : vector<16xi32>, vector<16xi1> -> vector<16xi32>
    %add3A_953 = vector.broadcast %add3A_774 : i32 to vector<16xi32>
    %add3A_954 = arith.addi %add3A_953, %masked_cumsum3A_952 : vector<16xi32>
    %sub3A_955 = arith.constant 1 : i32
    %sub3A_956 = vector.broadcast %sub3A_955 : i32 to vector<16xi32>
    %sub3A_957 = arith.subi %add3A_954, %sub3A_956 : vector<16xi32>
    %mul3A_958 = arith.muli %select_n3A_949, %sub3A_957 : vector<16xi32>
    %add3A_959 = arith.addi %add3A_936, %mul3A_958 : vector<16xi32>
    %reduce_sum3A_960 = arith.constant true
    %reduce_sum3A_961 = vector.broadcast %reduce_sum3A_960 : i1 to vector<16xi1>
    %reduce_sum3A_962 = tpu.scan <sum>, %select_n3A_949 masked %reduce_sum3A_961 : vector<16xi32>, vector<16xi1> -> vector<16xi32>
    %reduce_sum3A_963 = vector.extract %reduce_sum3A_962[15] : i32 from vector<16xi32>
    %add3A_964 = arith.addi %add3A_774, %reduce_sum3A_963 : i32
    %eq3A_965 = arith.constant 3 : i32
    %eq3A_966 = vector.broadcast %eq3A_965 : i32 to vector<16xi32>
    %eq3A_967 = arith.cmpi eq, %gather3A_17, %eq3A_966 : vector<16xi32>
    %jit3A_968 = arith.constant 1 : i32
    %jit3A_969 = arith.constant 0 : i32
    %broadcast_in_dim3A_970 = vector.broadcast %jit3A_968 : i32 to vector<16xi32>
    %broadcast_in_dim3A_971 = vector.broadcast %jit3A_969 : i32 to vector<16xi32>
    %select_n3A_972 = arith.select %eq3A_967, %broadcast_in_dim3A_970, %broadcast_in_dim3A_971 : vector<16xi1>, vector<16xi32>
    %broadcast_in_dim3A_973 = arith.constant true
    %broadcast_in_dim3A_974 = vector.broadcast %broadcast_in_dim3A_973 : i1 to vector<16xi1>
    %masked_cumsum3A_975 = tpu.scan <sum>, %select_n3A_972 masked %broadcast_in_dim3A_974 : vector<16xi32>, vector<16xi1> -> vector<16xi32>
    %add3A_976 = vector.broadcast %add3A_797 : i32 to vector<16xi32>
    %add3A_977 = arith.addi %add3A_976, %masked_cumsum3A_975 : vector<16xi32>
    %sub3A_978 = arith.constant 1 : i32
    %sub3A_979 = vector.broadcast %sub3A_978 : i32 to vector<16xi32>
    %sub3A_980 = arith.subi %add3A_977, %sub3A_979 : vector<16xi32>
    %mul3A_981 = arith.muli %select_n3A_972, %sub3A_980 : vector<16xi32>
    %add3A_982 = arith.addi %add3A_959, %mul3A_981 : vector<16xi32>
    %reduce_sum3A_983 = arith.constant true
    %reduce_sum3A_984 = vector.broadcast %reduce_sum3A_983 : i1 to vector<16xi1>
    %reduce_sum3A_985 = tpu.scan <sum>, %select_n3A_972 masked %reduce_sum3A_984 : vector<16xi32>, vector<16xi1> -> vector<16xi32>
    %reduce_sum3A_986 = vector.extract %reduce_sum3A_985[15] : i32 from vector<16xi32>
    %add3A_987 = arith.addi %add3A_797, %reduce_sum3A_986 : i32
    %eq3A_988 = arith.constant 4 : i32
    %eq3A_989 = vector.broadcast %eq3A_988 : i32 to vector<16xi32>
    %eq3A_990 = arith.cmpi eq, %gather3A_17, %eq3A_989 : vector<16xi32>
    %jit3A_991 = arith.constant 1 : i32
    %jit3A_992 = arith.constant 0 : i32
    %broadcast_in_dim3A_993 = vector.broadcast %jit3A_991 : i32 to vector<16xi32>
    %broadcast_in_dim3A_994 = vector.broadcast %jit3A_992 : i32 to vector<16xi32>
    %select_n3A_995 = arith.select %eq3A_990, %broadcast_in_dim3A_993, %broadcast_in_dim3A_994 : vector<16xi1>, vector<16xi32>
    %broadcast_in_dim3A_996 = arith.constant true
    %broadcast_in_dim3A_997 = vector.broadcast %broadcast_in_dim3A_996 : i1 to vector<16xi1>
    %masked_cumsum3A_998 = tpu.scan <sum>, %select_n3A_995 masked %broadcast_in_dim3A_997 : vector<16xi32>, vector<16xi1> -> vector<16xi32>
    %add3A_999 = vector.broadcast %add3A_820 : i32 to vector<16xi32>
    %add3A_1000 = arith.addi %add3A_999, %masked_cumsum3A_998 : vector<16xi32>
    %sub3A_1001 = arith.constant 1 : i32
    %sub3A_1002 = vector.broadcast %sub3A_1001 : i32 to vector<16xi32>
    %sub3A_1003 = arith.subi %add3A_1000, %sub3A_1002 : vector<16xi32>
    %mul3A_1004 = arith.muli %select_n3A_995, %sub3A_1003 : vector<16xi32>
    %add3A_1005 = arith.addi %add3A_982, %mul3A_1004 : vector<16xi32>
    %reduce_sum3A_1006 = arith.constant true
    %reduce_sum3A_1007 = vector.broadcast %reduce_sum3A_1006 : i1 to vector<16xi1>
    %reduce_sum3A_1008 = tpu.scan <sum>, %select_n3A_995 masked %reduce_sum3A_1007 : vector<16xi32>, vector<16xi1> -> vector<16xi32>
    %reduce_sum3A_1009 = vector.extract %reduce_sum3A_1008[15] : i32 from vector<16xi32>
    %add3A_1010 = arith.addi %add3A_820, %reduce_sum3A_1009 : i32
    %eq3A_1011 = arith.constant 5 : i32
    %eq3A_1012 = vector.broadcast %eq3A_1011 : i32 to vector<16xi32>
    %eq3A_1013 = arith.cmpi eq, %gather3A_17, %eq3A_1012 : vector<16xi32>
    %jit3A_1014 = arith.constant 1 : i32
    %jit3A_1015 = arith.constant 0 : i32
    %broadcast_in_dim3A_1016 = vector.broadcast %jit3A_1014 : i32 to vector<16xi32>
    %broadcast_in_dim3A_1017 = vector.broadcast %jit3A_1015 : i32 to vector<16xi32>
    %select_n3A_1018 = arith.select %eq3A_1013, %broadcast_in_dim3A_1016, %broadcast_in_dim3A_1017 : vector<16xi1>, vector<16xi32>
    %broadcast_in_dim3A_1019 = arith.constant true
    %broadcast_in_dim3A_1020 = vector.broadcast %broadcast_in_dim3A_1019 : i1 to vector<16xi1>
    %masked_cumsum3A_1021 = tpu.scan <sum>, %select_n3A_1018 masked %broadcast_in_dim3A_1020 : vector<16xi32>, vector<16xi1> -> vector<16xi32>
    %add3A_1022 = vector.broadcast %add3A_843 : i32 to vector<16xi32>
    %add3A_1023 = arith.addi %add3A_1022, %masked_cumsum3A_1021 : vector<16xi32>
    %sub3A_1024 = arith.constant 1 : i32
    %sub3A_1025 = vector.broadcast %sub3A_1024 : i32 to vector<16xi32>
    %sub3A_1026 = arith.subi %add3A_1023, %sub3A_1025 : vector<16xi32>
    %mul3A_1027 = arith.muli %select_n3A_1018, %sub3A_1026 : vector<16xi32>
    %add3A_1028 = arith.addi %add3A_1005, %mul3A_1027 : vector<16xi32>
    %reduce_sum3A_1029 = arith.constant true
    %reduce_sum3A_1030 = vector.broadcast %reduce_sum3A_1029 : i1 to vector<16xi1>
    %reduce_sum3A_1031 = tpu.scan <sum>, %select_n3A_1018 masked %reduce_sum3A_1030 : vector<16xi32>, vector<16xi1> -> vector<16xi32>
    %reduce_sum3A_1032 = vector.extract %reduce_sum3A_1031[15] : i32 from vector<16xi32>
    %add3A_1033 = arith.addi %add3A_843, %reduce_sum3A_1032 : i32
    %eq3A_1034 = arith.constant 6 : i32
    %eq3A_1035 = vector.broadcast %eq3A_1034 : i32 to vector<16xi32>
    %eq3A_1036 = arith.cmpi eq, %gather3A_17, %eq3A_1035 : vector<16xi32>
    %jit3A_1037 = arith.constant 1 : i32
    %jit3A_1038 = arith.constant 0 : i32
    %broadcast_in_dim3A_1039 = vector.broadcast %jit3A_1037 : i32 to vector<16xi32>
    %broadcast_in_dim3A_1040 = vector.broadcast %jit3A_1038 : i32 to vector<16xi32>
    %select_n3A_1041 = arith.select %eq3A_1036, %broadcast_in_dim3A_1039, %broadcast_in_dim3A_1040 : vector<16xi1>, vector<16xi32>
    %broadcast_in_dim3A_1042 = arith.constant true
    %broadcast_in_dim3A_1043 = vector.broadcast %broadcast_in_dim3A_1042 : i1 to vector<16xi1>
    %masked_cumsum3A_1044 = tpu.scan <sum>, %select_n3A_1041 masked %broadcast_in_dim3A_1043 : vector<16xi32>, vector<16xi1> -> vector<16xi32>
    %add3A_1045 = vector.broadcast %add3A_866 : i32 to vector<16xi32>
    %add3A_1046 = arith.addi %add3A_1045, %masked_cumsum3A_1044 : vector<16xi32>
    %sub3A_1047 = arith.constant 1 : i32
    %sub3A_1048 = vector.broadcast %sub3A_1047 : i32 to vector<16xi32>
    %sub3A_1049 = arith.subi %add3A_1046, %sub3A_1048 : vector<16xi32>
    %mul3A_1050 = arith.muli %select_n3A_1041, %sub3A_1049 : vector<16xi32>
    %add3A_1051 = arith.addi %add3A_1028, %mul3A_1050 : vector<16xi32>
    %reduce_sum3A_1052 = arith.constant true
    %reduce_sum3A_1053 = vector.broadcast %reduce_sum3A_1052 : i1 to vector<16xi1>
    %reduce_sum3A_1054 = tpu.scan <sum>, %select_n3A_1041 masked %reduce_sum3A_1053 : vector<16xi32>, vector<16xi1> -> vector<16xi32>
    %reduce_sum3A_1055 = vector.extract %reduce_sum3A_1054[15] : i32 from vector<16xi32>
    %add3A_1056 = arith.addi %add3A_866, %reduce_sum3A_1055 : i32
    %eq3A_1057 = arith.constant 7 : i32
    %eq3A_1058 = vector.broadcast %eq3A_1057 : i32 to vector<16xi32>
    %eq3A_1059 = arith.cmpi eq, %gather3A_17, %eq3A_1058 : vector<16xi32>
    %jit3A_1060 = arith.constant 1 : i32
    %jit3A_1061 = arith.constant 0 : i32
    %broadcast_in_dim3A_1062 = vector.broadcast %jit3A_1060 : i32 to vector<16xi32>
    %broadcast_in_dim3A_1063 = vector.broadcast %jit3A_1061 : i32 to vector<16xi32>
    %select_n3A_1064 = arith.select %eq3A_1059, %broadcast_in_dim3A_1062, %broadcast_in_dim3A_1063 : vector<16xi1>, vector<16xi32>
    %broadcast_in_dim3A_1065 = arith.constant true
    %broadcast_in_dim3A_1066 = vector.broadcast %broadcast_in_dim3A_1065 : i1 to vector<16xi1>
    %masked_cumsum3A_1067 = tpu.scan <sum>, %select_n3A_1064 masked %broadcast_in_dim3A_1066 : vector<16xi32>, vector<16xi1> -> vector<16xi32>
    %add3A_1068 = vector.broadcast %add3A_889 : i32 to vector<16xi32>
    %add3A_1069 = arith.addi %add3A_1068, %masked_cumsum3A_1067 : vector<16xi32>
    %sub3A_1070 = arith.constant 1 : i32
    %sub3A_1071 = vector.broadcast %sub3A_1070 : i32 to vector<16xi32>
    %sub3A_1072 = arith.subi %add3A_1069, %sub3A_1071 : vector<16xi32>
    %mul3A_1073 = arith.muli %select_n3A_1064, %sub3A_1072 : vector<16xi32>
    %add3A_1074 = arith.addi %add3A_1051, %mul3A_1073 : vector<16xi32>
    %reduce_sum3A_1075 = arith.constant true
    %reduce_sum3A_1076 = vector.broadcast %reduce_sum3A_1075 : i1 to vector<16xi1>
    %reduce_sum3A_1077 = tpu.scan <sum>, %select_n3A_1064 masked %reduce_sum3A_1076 : vector<16xi32>, vector<16xi1> -> vector<16xi32>
    %reduce_sum3A_1078 = vector.extract %reduce_sum3A_1077[15] : i32 from vector<16xi32>
    %add3A_1079 = arith.addi %add3A_889, %reduce_sum3A_1078 : i32
    %swap3A_1080 = arith.constant 0 : i32
    %swap3A_1081 = arith.index_cast %swap3A_1080 : i32 to index
    %swap3A_1082 = arith.constant 32 : index
    %swap3A_1083 = tpu.vector_load %arg7[%swap3A_1081, %swap3A_1082] {strides = array<i32>} : memref<2x64xi32, #tpu.memory_space<vmem>>, vector<16xi32>,
    tpu.vector_store %arg7[%swap3A_1081, %swap3A_1082], %add3A_1074 {strides = array<i32>} : memref<2x64xi32, #tpu.memory_space<vmem>>, vector<16xi32>,
    %broadcast_in_dim3A_1084 = arith.constant 0 : i32
    %broadcast_in_dim3A_1085 = vector.broadcast %broadcast_in_dim3A_1084 : i32 to vector<16xi32>
    %eq3A_1086 = arith.constant 0 : i32
    %eq3A_1087 = vector.broadcast %eq3A_1086 : i32 to vector<16xi32>
    %eq3A_1088 = arith.cmpi eq, %gather3A_21, %eq3A_1087 : vector<16xi32>
    %jit3A_1089 = arith.constant 1 : i32
    %jit3A_1090 = arith.constant 0 : i32
    %broadcast_in_dim3A_1091 = vector.broadcast %jit3A_1089 : i32 to vector<16xi32>
    %broadcast_in_dim3A_1092 = vector.broadcast %jit3A_1090 : i32 to vector<16xi32>
    %select_n3A_1093 = arith.select %eq3A_1088, %broadcast_in_dim3A_1091, %broadcast_in_dim3A_1092 : vector<16xi1>, vector<16xi32>
    %broadcast_in_dim3A_1094 = arith.constant true
    %broadcast_in_dim3A_1095 = vector.broadcast %broadcast_in_dim3A_1094 : i1 to vector<16xi1>
    %masked_cumsum3A_1096 = tpu.scan <sum>, %select_n3A_1093 masked %broadcast_in_dim3A_1095 : vector<16xi32>, vector<16xi1> -> vector<16xi32>
    %add3A_1097 = vector.broadcast %add3A_918 : i32 to vector<16xi32>
    %add3A_1098 = arith.addi %add3A_1097, %masked_cumsum3A_1096 : vector<16xi32>
    %sub3A_1099 = arith.constant 1 : i32
    %sub3A_1100 = vector.broadcast %sub3A_1099 : i32 to vector<16xi32>
    %sub3A_1101 = arith.subi %add3A_1098, %sub3A_1100 : vector<16xi32>
    %mul3A_1102 = arith.muli %select_n3A_1093, %sub3A_1101 : vector<16xi32>
    %add3A_1103 = arith.addi %broadcast_in_dim3A_1085, %mul3A_1102 : vector<16xi32>
    %reduce_sum3A_1104 = arith.constant true
    %reduce_sum3A_1105 = vector.broadcast %reduce_sum3A_1104 : i1 to vector<16xi1>
    %reduce_sum3A_1106 = tpu.scan <sum>, %select_n3A_1093 masked %reduce_sum3A_1105 : vector<16xi32>, vector<16xi1> -> vector<16xi32>
    %reduce_sum3A_1107 = vector.extract %reduce_sum3A_1106[15] : i32 from vector<16xi32>
    %add3A_1108 = arith.addi %add3A_918, %reduce_sum3A_1107 : i32
    %eq3A_1109 = arith.constant 1 : i32
    %eq3A_1110 = vector.broadcast %eq3A_1109 : i32 to vector<16xi32>
    %eq3A_1111 = arith.cmpi eq, %gather3A_21, %eq3A_1110 : vector<16xi32>
    %jit3A_1112 = arith.constant 1 : i32
    %jit3A_1113 = arith.constant 0 : i32
    %broadcast_in_dim3A_1114 = vector.broadcast %jit3A_1112 : i32 to vector<16xi32>
    %broadcast_in_dim3A_1115 = vector.broadcast %jit3A_1113 : i32 to vector<16xi32>
    %select_n3A_1116 = arith.select %eq3A_1111, %broadcast_in_dim3A_1114, %broadcast_in_dim3A_1115 : vector<16xi1>, vector<16xi32>
    %broadcast_in_dim3A_1117 = arith.constant true
    %broadcast_in_dim3A_1118 = vector.broadcast %broadcast_in_dim3A_1117 : i1 to vector<16xi1>
    %masked_cumsum3A_1119 = tpu.scan <sum>, %select_n3A_1116 masked %broadcast_in_dim3A_1118 : vector<16xi32>, vector<16xi1> -> vector<16xi32>
    %add3A_1120 = vector.broadcast %add3A_941 : i32 to vector<16xi32>
    %add3A_1121 = arith.addi %add3A_1120, %masked_cumsum3A_1119 : vector<16xi32>
    %sub3A_1122 = arith.constant 1 : i32
    %sub3A_1123 = vector.broadcast %sub3A_1122 : i32 to vector<16xi32>
    %sub3A_1124 = arith.subi %add3A_1121, %sub3A_1123 : vector<16xi32>
    %mul3A_1125 = arith.muli %select_n3A_1116, %sub3A_1124 : vector<16xi32>
    %add3A_1126 = arith.addi %add3A_1103, %mul3A_1125 : vector<16xi32>
    %reduce_sum3A_1127 = arith.constant true
    %reduce_sum3A_1128 = vector.broadcast %reduce_sum3A_1127 : i1 to vector<16xi1>
    %reduce_sum3A_1129 = tpu.scan <sum>, %select_n3A_1116 masked %reduce_sum3A_1128 : vector<16xi32>, vector<16xi1> -> vector<16xi32>
    %reduce_sum3A_1130 = vector.extract %reduce_sum3A_1129[15] : i32 from vector<16xi32>
    %add3A_1131 = arith.addi %add3A_941, %reduce_sum3A_1130 : i32
    %eq3A_1132 = arith.constant 2 : i32
    %eq3A_1133 = vector.broadcast %eq3A_1132 : i32 to vector<16xi32>
    %eq3A_1134 = arith.cmpi eq, %gather3A_21, %eq3A_1133 : vector<16xi32>
    %jit3A_1135 = arith.constant 1 : i32
    %jit3A_1136 = arith.constant 0 : i32
    %broadcast_in_dim3A_1137 = vector.broadcast %jit3A_1135 : i32 to vector<16xi32>
    %broadcast_in_dim3A_1138 = vector.broadcast %jit3A_1136 : i32 to vector<16xi32>
    %select_n3A_1139 = arith.select %eq3A_1134, %broadcast_in_dim3A_1137, %broadcast_in_dim3A_1138 : vector<16xi1>, vector<16xi32>
    %broadcast_in_dim3A_1140 = arith.constant true
    %broadcast_in_dim3A_1141 = vector.broadcast %broadcast_in_dim3A_1140 : i1 to vector<16xi1>
    %masked_cumsum3A_1142 = tpu.scan <sum>, %select_n3A_1139 masked %broadcast_in_dim3A_1141 : vector<16xi32>, vector<16xi1> -> vector<16xi32>
    %add3A_1143 = vector.broadcast %add3A_964 : i32 to vector<16xi32>
    %add3A_1144 = arith.addi %add3A_1143, %masked_cumsum3A_1142 : vector<16xi32>
    %sub3A_1145 = arith.constant 1 : i32
    %sub3A_1146 = vector.broadcast %sub3A_1145 : i32 to vector<16xi32>
    %sub3A_1147 = arith.subi %add3A_1144, %sub3A_1146 : vector<16xi32>
    %mul3A_1148 = arith.muli %select_n3A_1139, %sub3A_1147 : vector<16xi32>
    %add3A_1149 = arith.addi %add3A_1126, %mul3A_1148 : vector<16xi32>
    %reduce_sum3A_1150 = arith.constant true
    %reduce_sum3A_1151 = vector.broadcast %reduce_sum3A_1150 : i1 to vector<16xi1>
    %reduce_sum3A_1152 = tpu.scan <sum>, %select_n3A_1139 masked %reduce_sum3A_1151 : vector<16xi32>, vector<16xi1> -> vector<16xi32>
    %reduce_sum3A_1153 = vector.extract %reduce_sum3A_1152[15] : i32 from vector<16xi32>
    %add3A_1154 = arith.addi %add3A_964, %reduce_sum3A_1153 : i32
    %eq3A_1155 = arith.constant 3 : i32
    %eq3A_1156 = vector.broadcast %eq3A_1155 : i32 to vector<16xi32>
    %eq3A_1157 = arith.cmpi eq, %gather3A_21, %eq3A_1156 : vector<16xi32>
    %jit3A_1158 = arith.constant 1 : i32
    %jit3A_1159 = arith.constant 0 : i32
    %broadcast_in_dim3A_1160 = vector.broadcast %jit3A_1158 : i32 to vector<16xi32>
    %broadcast_in_dim3A_1161 = vector.broadcast %jit3A_1159 : i32 to vector<16xi32>
    %select_n3A_1162 = arith.select %eq3A_1157, %broadcast_in_dim3A_1160, %broadcast_in_dim3A_1161 : vector<16xi1>, vector<16xi32>
    %broadcast_in_dim3A_1163 = arith.constant true
    %broadcast_in_dim3A_1164 = vector.broadcast %broadcast_in_dim3A_1163 : i1 to vector<16xi1>
    %masked_cumsum3A_1165 = tpu.scan <sum>, %select_n3A_1162 masked %broadcast_in_dim3A_1164 : vector<16xi32>, vector<16xi1> -> vector<16xi32>
    %add3A_1166 = vector.broadcast %add3A_987 : i32 to vector<16xi32>
    %add3A_1167 = arith.addi %add3A_1166, %masked_cumsum3A_1165 : vector<16xi32>
    %sub3A_1168 = arith.constant 1 : i32
    %sub3A_1169 = vector.broadcast %sub3A_1168 : i32 to vector<16xi32>
    %sub3A_1170 = arith.subi %add3A_1167, %sub3A_1169 : vector<16xi32>
    %mul3A_1171 = arith.muli %select_n3A_1162, %sub3A_1170 : vector<16xi32>
    %add3A_1172 = arith.addi %add3A_1149, %mul3A_1171 : vector<16xi32>
    %reduce_sum3A_1173 = arith.constant true
    %reduce_sum3A_1174 = vector.broadcast %reduce_sum3A_1173 : i1 to vector<16xi1>
    %reduce_sum3A_1175 = tpu.scan <sum>, %select_n3A_1162 masked %reduce_sum3A_1174 : vector<16xi32>, vector<16xi1> -> vector<16xi32>
    %reduce_sum3A_1176 = vector.extract %reduce_sum3A_1175[15] : i32 from vector<16xi32>
    %add3A_1177 = arith.addi %add3A_987, %reduce_sum3A_1176 : i32
    %eq3A_1178 = arith.constant 4 : i32
    %eq3A_1179 = vector.broadcast %eq3A_1178 : i32 to vector<16xi32>
    %eq3A_1180 = arith.cmpi eq, %gather3A_21, %eq3A_1179 : vector<16xi32>
    %jit3A_1181 = arith.constant 1 : i32
    %jit3A_1182 = arith.constant 0 : i32
    %broadcast_in_dim3A_1183 = vector.broadcast %jit3A_1181 : i32 to vector<16xi32>
    %broadcast_in_dim3A_1184 = vector.broadcast %jit3A_1182 : i32 to vector<16xi32>
    %select_n3A_1185 = arith.select %eq3A_1180, %broadcast_in_dim3A_1183, %broadcast_in_dim3A_1184 : vector<16xi1>, vector<16xi32>
    %broadcast_in_dim3A_1186 = arith.constant true
    %broadcast_in_dim3A_1187 = vector.broadcast %broadcast_in_dim3A_1186 : i1 to vector<16xi1>
    %masked_cumsum3A_1188 = tpu.scan <sum>, %select_n3A_1185 masked %broadcast_in_dim3A_1187 : vector<16xi32>, vector<16xi1> -> vector<16xi32>
    %add3A_1189 = vector.broadcast %add3A_1010 : i32 to vector<16xi32>
    %add3A_1190 = arith.addi %add3A_1189, %masked_cumsum3A_1188 : vector<16xi32>
    %sub3A_1191 = arith.constant 1 : i32
    %sub3A_1192 = vector.broadcast %sub3A_1191 : i32 to vector<16xi32>
    %sub3A_1193 = arith.subi %add3A_1190, %sub3A_1192 : vector<16xi32>
    %mul3A_1194 = arith.muli %select_n3A_1185, %sub3A_1193 : vector<16xi32>
    %add3A_1195 = arith.addi %add3A_1172, %mul3A_1194 : vector<16xi32>
    %reduce_sum3A_1196 = arith.constant true
    %reduce_sum3A_1197 = vector.broadcast %reduce_sum3A_1196 : i1 to vector<16xi1>
    %reduce_sum3A_1198 = tpu.scan <sum>, %select_n3A_1185 masked %reduce_sum3A_1197 : vector<16xi32>, vector<16xi1> -> vector<16xi32>
    %reduce_sum3A_1199 = vector.extract %reduce_sum3A_1198[15] : i32 from vector<16xi32>
    %add3A_1200 = arith.addi %add3A_1010, %reduce_sum3A_1199 : i32
    %eq3A_1201 = arith.constant 5 : i32
    %eq3A_1202 = vector.broadcast %eq3A_1201 : i32 to vector<16xi32>
    %eq3A_1203 = arith.cmpi eq, %gather3A_21, %eq3A_1202 : vector<16xi32>
    %jit3A_1204 = arith.constant 1 : i32
    %jit3A_1205 = arith.constant 0 : i32
    %broadcast_in_dim3A_1206 = vector.broadcast %jit3A_1204 : i32 to vector<16xi32>
    %broadcast_in_dim3A_1207 = vector.broadcast %jit3A_1205 : i32 to vector<16xi32>
    %select_n3A_1208 = arith.select %eq3A_1203, %broadcast_in_dim3A_1206, %broadcast_in_dim3A_1207 : vector<16xi1>, vector<16xi32>
    %broadcast_in_dim3A_1209 = arith.constant true
    %broadcast_in_dim3A_1210 = vector.broadcast %broadcast_in_dim3A_1209 : i1 to vector<16xi1>
    %masked_cumsum3A_1211 = tpu.scan <sum>, %select_n3A_1208 masked %broadcast_in_dim3A_1210 : vector<16xi32>, vector<16xi1> -> vector<16xi32>
    %add3A_1212 = vector.broadcast %add3A_1033 : i32 to vector<16xi32>
    %add3A_1213 = arith.addi %add3A_1212, %masked_cumsum3A_1211 : vector<16xi32>
    %sub3A_1214 = arith.constant 1 : i32
    %sub3A_1215 = vector.broadcast %sub3A_1214 : i32 to vector<16xi32>
    %sub3A_1216 = arith.subi %add3A_1213, %sub3A_1215 : vector<16xi32>
    %mul3A_1217 = arith.muli %select_n3A_1208, %sub3A_1216 : vector<16xi32>
    %add3A_1218 = arith.addi %add3A_1195, %mul3A_1217 : vector<16xi32>
    %reduce_sum3A_1219 = arith.constant true
    %reduce_sum3A_1220 = vector.broadcast %reduce_sum3A_1219 : i1 to vector<16xi1>
    %reduce_sum3A_1221 = tpu.scan <sum>, %select_n3A_1208 masked %reduce_sum3A_1220 : vector<16xi32>, vector<16xi1> -> vector<16xi32>
    %reduce_sum3A_1222 = vector.extract %reduce_sum3A_1221[15] : i32 from vector<16xi32>
    %add3A_1223 = arith.addi %add3A_1033, %reduce_sum3A_1222 : i32
    %eq3A_1224 = arith.constant 6 : i32
    %eq3A_1225 = vector.broadcast %eq3A_1224 : i32 to vector<16xi32>
    %eq3A_1226 = arith.cmpi eq, %gather3A_21, %eq3A_1225 : vector<16xi32>
    %jit3A_1227 = arith.constant 1 : i32
    %jit3A_1228 = arith.constant 0 : i32
    %broadcast_in_dim3A_1229 = vector.broadcast %jit3A_1227 : i32 to vector<16xi32>
    %broadcast_in_dim3A_1230 = vector.broadcast %jit3A_1228 : i32 to vector<16xi32>
    %select_n3A_1231 = arith.select %eq3A_1226, %broadcast_in_dim3A_1229, %broadcast_in_dim3A_1230 : vector<16xi1>, vector<16xi32>
    %broadcast_in_dim3A_1232 = arith.constant true
    %broadcast_in_dim3A_1233 = vector.broadcast %broadcast_in_dim3A_1232 : i1 to vector<16xi1>
    %masked_cumsum3A_1234 = tpu.scan <sum>, %select_n3A_1231 masked %broadcast_in_dim3A_1233 : vector<16xi32>, vector<16xi1> -> vector<16xi32>
    %add3A_1235 = vector.broadcast %add3A_1056 : i32 to vector<16xi32>
    %add3A_1236 = arith.addi %add3A_1235, %masked_cumsum3A_1234 : vector<16xi32>
    %sub3A_1237 = arith.constant 1 : i32
    %sub3A_1238 = vector.broadcast %sub3A_1237 : i32 to vector<16xi32>
    %sub3A_1239 = arith.subi %add3A_1236, %sub3A_1238 : vector<16xi32>
    %mul3A_1240 = arith.muli %select_n3A_1231, %sub3A_1239 : vector<16xi32>
    %add3A_1241 = arith.addi %add3A_1218, %mul3A_1240 : vector<16xi32>
    %reduce_sum3A_1242 = arith.constant true
    %reduce_sum3A_1243 = vector.broadcast %reduce_sum3A_1242 : i1 to vector<16xi1>
    %reduce_sum3A_1244 = tpu.scan <sum>, %select_n3A_1231 masked %reduce_sum3A_1243 : vector<16xi32>, vector<16xi1> -> vector<16xi32>
    %reduce_sum3A_1245 = vector.extract %reduce_sum3A_1244[15] : i32 from vector<16xi32>
    %add3A_1246 = arith.addi %add3A_1056, %reduce_sum3A_1245 : i32
    %eq3A_1247 = arith.constant 7 : i32
    %eq3A_1248 = vector.broadcast %eq3A_1247 : i32 to vector<16xi32>
    %eq3A_1249 = arith.cmpi eq, %gather3A_21, %eq3A_1248 : vector<16xi32>
    %jit3A_1250 = arith.constant 1 : i32
    %jit3A_1251 = arith.constant 0 : i32
    %broadcast_in_dim3A_1252 = vector.broadcast %jit3A_1250 : i32 to vector<16xi32>
    %broadcast_in_dim3A_1253 = vector.broadcast %jit3A_1251 : i32 to vector<16xi32>
    %select_n3A_1254 = arith.select %eq3A_1249, %broadcast_in_dim3A_1252, %broadcast_in_dim3A_1253 : vector<16xi1>, vector<16xi32>
    %broadcast_in_dim3A_1255 = arith.constant true
    %broadcast_in_dim3A_1256 = vector.broadcast %broadcast_in_dim3A_1255 : i1 to vector<16xi1>
    %masked_cumsum3A_1257 = tpu.scan <sum>, %select_n3A_1254 masked %broadcast_in_dim3A_1256 : vector<16xi32>, vector<16xi1> -> vector<16xi32>
    %add3A_1258 = vector.broadcast %add3A_1079 : i32 to vector<16xi32>
    %add3A_1259 = arith.addi %add3A_1258, %masked_cumsum3A_1257 : vector<16xi32>
    %sub3A_1260 = arith.constant 1 : i32
    %sub3A_1261 = vector.broadcast %sub3A_1260 : i32 to vector<16xi32>
    %sub3A_1262 = arith.subi %add3A_1259, %sub3A_1261 : vector<16xi32>
    %mul3A_1263 = arith.muli %select_n3A_1254, %sub3A_1262 : vector<16xi32>
    %add3A_1264 = arith.addi %add3A_1241, %mul3A_1263 : vector<16xi32>
    %reduce_sum3A_1265 = arith.constant true
    %reduce_sum3A_1266 = vector.broadcast %reduce_sum3A_1265 : i1 to vector<16xi1>
    %reduce_sum3A_1267 = tpu.scan <sum>, %select_n3A_1254 masked %reduce_sum3A_1266 : vector<16xi32>, vector<16xi1> -> vector<16xi32>
    %reduce_sum3A_1268 = vector.extract %reduce_sum3A_1267[15] : i32 from vector<16xi32>
    %add3A_1269 = arith.addi %add3A_1079, %reduce_sum3A_1268 : i32
    %swap3A_1270 = arith.constant 0 : i32
    %swap3A_1271 = arith.index_cast %swap3A_1270 : i32 to index
    %swap3A_1272 = arith.constant 48 : index
    %swap3A_1273 = tpu.vector_load %arg7[%swap3A_1271, %swap3A_1272] {strides = array<i32>} : memref<2x64xi32, #tpu.memory_space<vmem>>, vector<16xi32>,
    tpu.vector_store %arg7[%swap3A_1271, %swap3A_1272], %add3A_1264 {strides = array<i32>} : memref<2x64xi32, #tpu.memory_space<vmem>>, vector<16xi32>,
    %broadcast_in_dim3A_1274 = arith.constant 0 : i32
    %broadcast_in_dim3A_1275 = vector.broadcast %broadcast_in_dim3A_1274 : i32 to vector<16xi32>
    %eq3A_1276 = arith.constant 0 : i32
    %eq3A_1277 = vector.broadcast %eq3A_1276 : i32 to vector<16xi32>
    %eq3A_1278 = arith.cmpi eq, %gather3A_25, %eq3A_1277 : vector<16xi32>
    %jit3A_1279 = arith.constant 1 : i32
    %jit3A_1280 = arith.constant 0 : i32
    %broadcast_in_dim3A_1281 = vector.broadcast %jit3A_1279 : i32 to vector<16xi32>
    %broadcast_in_dim3A_1282 = vector.broadcast %jit3A_1280 : i32 to vector<16xi32>
    %select_n3A_1283 = arith.select %eq3A_1278, %broadcast_in_dim3A_1281, %broadcast_in_dim3A_1282 : vector<16xi1>, vector<16xi32>
    %broadcast_in_dim3A_1284 = arith.constant true
    %broadcast_in_dim3A_1285 = vector.broadcast %broadcast_in_dim3A_1284 : i1 to vector<16xi1>
    %masked_cumsum3A_1286 = tpu.scan <sum>, %select_n3A_1283 masked %broadcast_in_dim3A_1285 : vector<16xi32>, vector<16xi1> -> vector<16xi32>
    %add3A_1287 = vector.broadcast %add3A_1108 : i32 to vector<16xi32>
    %add3A_1288 = arith.addi %add3A_1287, %masked_cumsum3A_1286 : vector<16xi32>
    %sub3A_1289 = arith.constant 1 : i32
    %sub3A_1290 = vector.broadcast %sub3A_1289 : i32 to vector<16xi32>
    %sub3A_1291 = arith.subi %add3A_1288, %sub3A_1290 : vector<16xi32>
    %mul3A_1292 = arith.muli %select_n3A_1283, %sub3A_1291 : vector<16xi32>
    %add3A_1293 = arith.addi %broadcast_in_dim3A_1275, %mul3A_1292 : vector<16xi32>
    %reduce_sum3A_1294 = arith.constant true
    %reduce_sum3A_1295 = vector.broadcast %reduce_sum3A_1294 : i1 to vector<16xi1>
    %reduce_sum3A_1296 = tpu.scan <sum>, %select_n3A_1283 masked %reduce_sum3A_1295 : vector<16xi32>, vector<16xi1> -> vector<16xi32>
    %reduce_sum3A_1297 = vector.extract %reduce_sum3A_1296[15] : i32 from vector<16xi32>
    %add3A_1298 = arith.addi %add3A_1108, %reduce_sum3A_1297 : i32
    %eq3A_1299 = arith.constant 1 : i32
    %eq3A_1300 = vector.broadcast %eq3A_1299 : i32 to vector<16xi32>
    %eq3A_1301 = arith.cmpi eq, %gather3A_25, %eq3A_1300 : vector<16xi32>
    %jit3A_1302 = arith.constant 1 : i32
    %jit3A_1303 = arith.constant 0 : i32
    %broadcast_in_dim3A_1304 = vector.broadcast %jit3A_1302 : i32 to vector<16xi32>
    %broadcast_in_dim3A_1305 = vector.broadcast %jit3A_1303 : i32 to vector<16xi32>
    %select_n3A_1306 = arith.select %eq3A_1301, %broadcast_in_dim3A_1304, %broadcast_in_dim3A_1305 : vector<16xi1>, vector<16xi32>
    %broadcast_in_dim3A_1307 = arith.constant true
    %broadcast_in_dim3A_1308 = vector.broadcast %broadcast_in_dim3A_1307 : i1 to vector<16xi1>
    %masked_cumsum3A_1309 = tpu.scan <sum>, %select_n3A_1306 masked %broadcast_in_dim3A_1308 : vector<16xi32>, vector<16xi1> -> vector<16xi32>
    %add3A_1310 = vector.broadcast %add3A_1131 : i32 to vector<16xi32>
    %add3A_1311 = arith.addi %add3A_1310, %masked_cumsum3A_1309 : vector<16xi32>
    %sub3A_1312 = arith.constant 1 : i32
    %sub3A_1313 = vector.broadcast %sub3A_1312 : i32 to vector<16xi32>
    %sub3A_1314 = arith.subi %add3A_1311, %sub3A_1313 : vector<16xi32>
    %mul3A_1315 = arith.muli %select_n3A_1306, %sub3A_1314 : vector<16xi32>
    %add3A_1316 = arith.addi %add3A_1293, %mul3A_1315 : vector<16xi32>
    %reduce_sum3A_1317 = arith.constant true
    %reduce_sum3A_1318 = vector.broadcast %reduce_sum3A_1317 : i1 to vector<16xi1>
    %reduce_sum3A_1319 = tpu.scan <sum>, %select_n3A_1306 masked %reduce_sum3A_1318 : vector<16xi32>, vector<16xi1> -> vector<16xi32>
    %reduce_sum3A_1320 = vector.extract %reduce_sum3A_1319[15] : i32 from vector<16xi32>
    %add3A_1321 = arith.addi %add3A_1131, %reduce_sum3A_1320 : i32
    %eq3A_1322 = arith.constant 2 : i32
    %eq3A_1323 = vector.broadcast %eq3A_1322 : i32 to vector<16xi32>
    %eq3A_1324 = arith.cmpi eq, %gather3A_25, %eq3A_1323 : vector<16xi32>
    %jit3A_1325 = arith.constant 1 : i32
    %jit3A_1326 = arith.constant 0 : i32
    %broadcast_in_dim3A_1327 = vector.broadcast %jit3A_1325 : i32 to vector<16xi32>
    %broadcast_in_dim3A_1328 = vector.broadcast %jit3A_1326 : i32 to vector<16xi32>
    %select_n3A_1329 = arith.select %eq3A_1324, %broadcast_in_dim3A_1327, %broadcast_in_dim3A_1328 : vector<16xi1>, vector<16xi32>
    %broadcast_in_dim3A_1330 = arith.constant true
    %broadcast_in_dim3A_1331 = vector.broadcast %broadcast_in_dim3A_1330 : i1 to vector<16xi1>
    %masked_cumsum3A_1332 = tpu.scan <sum>, %select_n3A_1329 masked %broadcast_in_dim3A_1331 : vector<16xi32>, vector<16xi1> -> vector<16xi32>
    %add3A_1333 = vector.broadcast %add3A_1154 : i32 to vector<16xi32>
    %add3A_1334 = arith.addi %add3A_1333, %masked_cumsum3A_1332 : vector<16xi32>
    %sub3A_1335 = arith.constant 1 : i32
    %sub3A_1336 = vector.broadcast %sub3A_1335 : i32 to vector<16xi32>
    %sub3A_1337 = arith.subi %add3A_1334, %sub3A_1336 : vector<16xi32>
    %mul3A_1338 = arith.muli %select_n3A_1329, %sub3A_1337 : vector<16xi32>
    %add3A_1339 = arith.addi %add3A_1316, %mul3A_1338 : vector<16xi32>
    %reduce_sum3A_1340 = arith.constant true
    %reduce_sum3A_1341 = vector.broadcast %reduce_sum3A_1340 : i1 to vector<16xi1>
    %reduce_sum3A_1342 = tpu.scan <sum>, %select_n3A_1329 masked %reduce_sum3A_1341 : vector<16xi32>, vector<16xi1> -> vector<16xi32>
    %reduce_sum3A_1343 = vector.extract %reduce_sum3A_1342[15] : i32 from vector<16xi32>
    %add3A_1344 = arith.addi %add3A_1154, %reduce_sum3A_1343 : i32
    %eq3A_1345 = arith.constant 3 : i32
    %eq3A_1346 = vector.broadcast %eq3A_1345 : i32 to vector<16xi32>
    %eq3A_1347 = arith.cmpi eq, %gather3A_25, %eq3A_1346 : vector<16xi32>
    %jit3A_1348 = arith.constant 1 : i32
    %jit3A_1349 = arith.constant 0 : i32
    %broadcast_in_dim3A_1350 = vector.broadcast %jit3A_1348 : i32 to vector<16xi32>
    %broadcast_in_dim3A_1351 = vector.broadcast %jit3A_1349 : i32 to vector<16xi32>
    %select_n3A_1352 = arith.select %eq3A_1347, %broadcast_in_dim3A_1350, %broadcast_in_dim3A_1351 : vector<16xi1>, vector<16xi32>
    %broadcast_in_dim3A_1353 = arith.constant true
    %broadcast_in_dim3A_1354 = vector.broadcast %broadcast_in_dim3A_1353 : i1 to vector<16xi1>
    %masked_cumsum3A_1355 = tpu.scan <sum>, %select_n3A_1352 masked %broadcast_in_dim3A_1354 : vector<16xi32>, vector<16xi1> -> vector<16xi32>
    %add3A_1356 = vector.broadcast %add3A_1177 : i32 to vector<16xi32>
    %add3A_1357 = arith.addi %add3A_1356, %masked_cumsum3A_1355 : vector<16xi32>
    %sub3A_1358 = arith.constant 1 : i32
    %sub3A_1359 = vector.broadcast %sub3A_1358 : i32 to vector<16xi32>
    %sub3A_1360 = arith.subi %add3A_1357, %sub3A_1359 : vector<16xi32>
    %mul3A_1361 = arith.muli %select_n3A_1352, %sub3A_1360 : vector<16xi32>
    %add3A_1362 = arith.addi %add3A_1339, %mul3A_1361 : vector<16xi32>
    %reduce_sum3A_1363 = arith.constant true
    %reduce_sum3A_1364 = vector.broadcast %reduce_sum3A_1363 : i1 to vector<16xi1>
    %reduce_sum3A_1365 = tpu.scan <sum>, %select_n3A_1352 masked %reduce_sum3A_1364 : vector<16xi32>, vector<16xi1> -> vector<16xi32>
    %reduce_sum3A_1366 = vector.extract %reduce_sum3A_1365[15] : i32 from vector<16xi32>
    %add3A_1367 = arith.addi %add3A_1177, %reduce_sum3A_1366 : i32
    %eq3A_1368 = arith.constant 4 : i32
    %eq3A_1369 = vector.broadcast %eq3A_1368 : i32 to vector<16xi32>
    %eq3A_1370 = arith.cmpi eq, %gather3A_25, %eq3A_1369 : vector<16xi32>
    %jit3A_1371 = arith.constant 1 : i32
    %jit3A_1372 = arith.constant 0 : i32
    %broadcast_in_dim3A_1373 = vector.broadcast %jit3A_1371 : i32 to vector<16xi32>
    %broadcast_in_dim3A_1374 = vector.broadcast %jit3A_1372 : i32 to vector<16xi32>
    %select_n3A_1375 = arith.select %eq3A_1370, %broadcast_in_dim3A_1373, %broadcast_in_dim3A_1374 : vector<16xi1>, vector<16xi32>
    %broadcast_in_dim3A_1376 = arith.constant true
    %broadcast_in_dim3A_1377 = vector.broadcast %broadcast_in_dim3A_1376 : i1 to vector<16xi1>
    %masked_cumsum3A_1378 = tpu.scan <sum>, %select_n3A_1375 masked %broadcast_in_dim3A_1377 : vector<16xi32>, vector<16xi1> -> vector<16xi32>
    %add3A_1379 = vector.broadcast %add3A_1200 : i32 to vector<16xi32>
    %add3A_1380 = arith.addi %add3A_1379, %masked_cumsum3A_1378 : vector<16xi32>
    %sub3A_1381 = arith.constant 1 : i32
    %sub3A_1382 = vector.broadcast %sub3A_1381 : i32 to vector<16xi32>
    %sub3A_1383 = arith.subi %add3A_1380, %sub3A_1382 : vector<16xi32>
    %mul3A_1384 = arith.muli %select_n3A_1375, %sub3A_1383 : vector<16xi32>
    %add3A_1385 = arith.addi %add3A_1362, %mul3A_1384 : vector<16xi32>
    %reduce_sum3A_1386 = arith.constant true
    %reduce_sum3A_1387 = vector.broadcast %reduce_sum3A_1386 : i1 to vector<16xi1>
    %reduce_sum3A_1388 = tpu.scan <sum>, %select_n3A_1375 masked %reduce_sum3A_1387 : vector<16xi32>, vector<16xi1> -> vector<16xi32>
    %reduce_sum3A_1389 = vector.extract %reduce_sum3A_1388[15] : i32 from vector<16xi32>
    %add3A_1390 = arith.addi %add3A_1200, %reduce_sum3A_1389 : i32
    %eq3A_1391 = arith.constant 5 : i32
    %eq3A_1392 = vector.broadcast %eq3A_1391 : i32 to vector<16xi32>
    %eq3A_1393 = arith.cmpi eq, %gather3A_25, %eq3A_1392 : vector<16xi32>
    %jit3A_1394 = arith.constant 1 : i32
    %jit3A_1395 = arith.constant 0 : i32
    %broadcast_in_dim3A_1396 = vector.broadcast %jit3A_1394 : i32 to vector<16xi32>
    %broadcast_in_dim3A_1397 = vector.broadcast %jit3A_1395 : i32 to vector<16xi32>
    %select_n3A_1398 = arith.select %eq3A_1393, %broadcast_in_dim3A_1396, %broadcast_in_dim3A_1397 : vector<16xi1>, vector<16xi32>
    %broadcast_in_dim3A_1399 = arith.constant true
    %broadcast_in_dim3A_1400 = vector.broadcast %broadcast_in_dim3A_1399 : i1 to vector<16xi1>
    %masked_cumsum3A_1401 = tpu.scan <sum>, %select_n3A_1398 masked %broadcast_in_dim3A_1400 : vector<16xi32>, vector<16xi1> -> vector<16xi32>
    %add3A_1402 = vector.broadcast %add3A_1223 : i32 to vector<16xi32>
    %add3A_1403 = arith.addi %add3A_1402, %masked_cumsum3A_1401 : vector<16xi32>
    %sub3A_1404 = arith.constant 1 : i32
    %sub3A_1405 = vector.broadcast %sub3A_1404 : i32 to vector<16xi32>
    %sub3A_1406 = arith.subi %add3A_1403, %sub3A_1405 : vector<16xi32>
    %mul3A_1407 = arith.muli %select_n3A_1398, %sub3A_1406 : vector<16xi32>
    %add3A_1408 = arith.addi %add3A_1385, %mul3A_1407 : vector<16xi32>
    %reduce_sum3A_1409 = arith.constant true
    %reduce_sum3A_1410 = vector.broadcast %reduce_sum3A_1409 : i1 to vector<16xi1>
    %reduce_sum3A_1411 = tpu.scan <sum>, %select_n3A_1398 masked %reduce_sum3A_1410 : vector<16xi32>, vector<16xi1> -> vector<16xi32>
    %reduce_sum3A_1412 = vector.extract %reduce_sum3A_1411[15] : i32 from vector<16xi32>
    %add3A_1413 = arith.addi %add3A_1223, %reduce_sum3A_1412 : i32
    %eq3A_1414 = arith.constant 6 : i32
    %eq3A_1415 = vector.broadcast %eq3A_1414 : i32 to vector<16xi32>
    %eq3A_1416 = arith.cmpi eq, %gather3A_25, %eq3A_1415 : vector<16xi32>
    %jit3A_1417 = arith.constant 1 : i32
    %jit3A_1418 = arith.constant 0 : i32
    %broadcast_in_dim3A_1419 = vector.broadcast %jit3A_1417 : i32 to vector<16xi32>
    %broadcast_in_dim3A_1420 = vector.broadcast %jit3A_1418 : i32 to vector<16xi32>
    %select_n3A_1421 = arith.select %eq3A_1416, %broadcast_in_dim3A_1419, %broadcast_in_dim3A_1420 : vector<16xi1>, vector<16xi32>
    %broadcast_in_dim3A_1422 = arith.constant true
    %broadcast_in_dim3A_1423 = vector.broadcast %broadcast_in_dim3A_1422 : i1 to vector<16xi1>
    %masked_cumsum3A_1424 = tpu.scan <sum>, %select_n3A_1421 masked %broadcast_in_dim3A_1423 : vector<16xi32>, vector<16xi1> -> vector<16xi32>
    %add3A_1425 = vector.broadcast %add3A_1246 : i32 to vector<16xi32>
    %add3A_1426 = arith.addi %add3A_1425, %masked_cumsum3A_1424 : vector<16xi32>
    %sub3A_1427 = arith.constant 1 : i32
    %sub3A_1428 = vector.broadcast %sub3A_1427 : i32 to vector<16xi32>
    %sub3A_1429 = arith.subi %add3A_1426, %sub3A_1428 : vector<16xi32>
    %mul3A_1430 = arith.muli %select_n3A_1421, %sub3A_1429 : vector<16xi32>
    %add3A_1431 = arith.addi %add3A_1408, %mul3A_1430 : vector<16xi32>
    %reduce_sum3A_1432 = arith.constant true
    %reduce_sum3A_1433 = vector.broadcast %reduce_sum3A_1432 : i1 to vector<16xi1>
    %reduce_sum3A_1434 = tpu.scan <sum>, %select_n3A_1421 masked %reduce_sum3A_1433 : vector<16xi32>, vector<16xi1> -> vector<16xi32>
    %reduce_sum3A_1435 = vector.extract %reduce_sum3A_1434[15] : i32 from vector<16xi32>
    %add3A_1436 = arith.addi %add3A_1246, %reduce_sum3A_1435 : i32
    %eq3A_1437 = arith.constant 7 : i32
    %eq3A_1438 = vector.broadcast %eq3A_1437 : i32 to vector<16xi32>
    %eq3A_1439 = arith.cmpi eq, %gather3A_25, %eq3A_1438 : vector<16xi32>
    %jit3A_1440 = arith.constant 1 : i32
    %jit3A_1441 = arith.constant 0 : i32
    %broadcast_in_dim3A_1442 = vector.broadcast %jit3A_1440 : i32 to vector<16xi32>
    %broadcast_in_dim3A_1443 = vector.broadcast %jit3A_1441 : i32 to vector<16xi32>
    %select_n3A_1444 = arith.select %eq3A_1439, %broadcast_in_dim3A_1442, %broadcast_in_dim3A_1443 : vector<16xi1>, vector<16xi32>
    %broadcast_in_dim3A_1445 = arith.constant true
    %broadcast_in_dim3A_1446 = vector.broadcast %broadcast_in_dim3A_1445 : i1 to vector<16xi1>
    %masked_cumsum3A_1447 = tpu.scan <sum>, %select_n3A_1444 masked %broadcast_in_dim3A_1446 : vector<16xi32>, vector<16xi1> -> vector<16xi32>
    %add3A_1448 = vector.broadcast %add3A_1269 : i32 to vector<16xi32>
    %add3A_1449 = arith.addi %add3A_1448, %masked_cumsum3A_1447 : vector<16xi32>
    %sub3A_1450 = arith.constant 1 : i32
    %sub3A_1451 = vector.broadcast %sub3A_1450 : i32 to vector<16xi32>
    %sub3A_1452 = arith.subi %add3A_1449, %sub3A_1451 : vector<16xi32>
    %mul3A_1453 = arith.muli %select_n3A_1444, %sub3A_1452 : vector<16xi32>
    %add3A_1454 = arith.addi %add3A_1431, %mul3A_1453 : vector<16xi32>
    %reduce_sum3A_1455 = arith.constant true
    %reduce_sum3A_1456 = vector.broadcast %reduce_sum3A_1455 : i1 to vector<16xi1>
    %reduce_sum3A_1457 = tpu.scan <sum>, %select_n3A_1444 masked %reduce_sum3A_1456 : vector<16xi32>, vector<16xi1> -> vector<16xi32>
    %reduce_sum3A_1458 = vector.extract %reduce_sum3A_1457[15] : i32 from vector<16xi32>
    %add3A_1459 = arith.addi %add3A_1269, %reduce_sum3A_1458 : i32
    %swap3A_1460 = arith.constant 1 : i32
    %swap3A_1461 = arith.index_cast %swap3A_1460 : i32 to index
    %swap3A_1462 = arith.constant 0 : index
    %swap3A_1463 = tpu.vector_load %arg7[%swap3A_1461, %swap3A_1462] {strides = array<i32>} : memref<2x64xi32, #tpu.memory_space<vmem>>, vector<16xi32>,
    tpu.vector_store %arg7[%swap3A_1461, %swap3A_1462], %add3A_1454 {strides = array<i32>} : memref<2x64xi32, #tpu.memory_space<vmem>>, vector<16xi32>,
    %broadcast_in_dim3A_1464 = arith.constant 0 : i32
    %broadcast_in_dim3A_1465 = vector.broadcast %broadcast_in_dim3A_1464 : i32 to vector<16xi32>
    %eq3A_1466 = arith.constant 0 : i32
    %eq3A_1467 = vector.broadcast %eq3A_1466 : i32 to vector<16xi32>
    %eq3A_1468 = arith.cmpi eq, %gather3A_29, %eq3A_1467 : vector<16xi32>
    %jit3A_1469 = arith.constant 1 : i32
    %jit3A_1470 = arith.constant 0 : i32
    %broadcast_in_dim3A_1471 = vector.broadcast %jit3A_1469 : i32 to vector<16xi32>
    %broadcast_in_dim3A_1472 = vector.broadcast %jit3A_1470 : i32 to vector<16xi32>
    %select_n3A_1473 = arith.select %eq3A_1468, %broadcast_in_dim3A_1471, %broadcast_in_dim3A_1472 : vector<16xi1>, vector<16xi32>
    %broadcast_in_dim3A_1474 = arith.constant true
    %broadcast_in_dim3A_1475 = vector.broadcast %broadcast_in_dim3A_1474 : i1 to vector<16xi1>
    %masked_cumsum3A_1476 = tpu.scan <sum>, %select_n3A_1473 masked %broadcast_in_dim3A_1475 : vector<16xi32>, vector<16xi1> -> vector<16xi32>
    %add3A_1477 = vector.broadcast %add3A_1298 : i32 to vector<16xi32>
    %add3A_1478 = arith.addi %add3A_1477, %masked_cumsum3A_1476 : vector<16xi32>
    %sub3A_1479 = arith.constant 1 : i32
    %sub3A_1480 = vector.broadcast %sub3A_1479 : i32 to vector<16xi32>
    %sub3A_1481 = arith.subi %add3A_1478, %sub3A_1480 : vector<16xi32>
    %mul3A_1482 = arith.muli %select_n3A_1473, %sub3A_1481 : vector<16xi32>
    %add3A_1483 = arith.addi %broadcast_in_dim3A_1465, %mul3A_1482 : vector<16xi32>
    %reduce_sum3A_1484 = arith.constant true
    %reduce_sum3A_1485 = vector.broadcast %reduce_sum3A_1484 : i1 to vector<16xi1>
    %reduce_sum3A_1486 = tpu.scan <sum>, %select_n3A_1473 masked %reduce_sum3A_1485 : vector<16xi32>, vector<16xi1> -> vector<16xi32>
    %reduce_sum3A_1487 = vector.extract %reduce_sum3A_1486[15] : i32 from vector<16xi32>
    %add3A_1488 = arith.addi %add3A_1298, %reduce_sum3A_1487 : i32
    %eq3A_1489 = arith.constant 1 : i32
    %eq3A_1490 = vector.broadcast %eq3A_1489 : i32 to vector<16xi32>
    %eq3A_1491 = arith.cmpi eq, %gather3A_29, %eq3A_1490 : vector<16xi32>
    %jit3A_1492 = arith.constant 1 : i32
    %jit3A_1493 = arith.constant 0 : i32
    %broadcast_in_dim3A_1494 = vector.broadcast %jit3A_1492 : i32 to vector<16xi32>
    %broadcast_in_dim3A_1495 = vector.broadcast %jit3A_1493 : i32 to vector<16xi32>
    %select_n3A_1496 = arith.select %eq3A_1491, %broadcast_in_dim3A_1494, %broadcast_in_dim3A_1495 : vector<16xi1>, vector<16xi32>
    %broadcast_in_dim3A_1497 = arith.constant true
    %broadcast_in_dim3A_1498 = vector.broadcast %broadcast_in_dim3A_1497 : i1 to vector<16xi1>
    %masked_cumsum3A_1499 = tpu.scan <sum>, %select_n3A_1496 masked %broadcast_in_dim3A_1498 : vector<16xi32>, vector<16xi1> -> vector<16xi32>
    %add3A_1500 = vector.broadcast %add3A_1321 : i32 to vector<16xi32>
    %add3A_1501 = arith.addi %add3A_1500, %masked_cumsum3A_1499 : vector<16xi32>
    %sub3A_1502 = arith.constant 1 : i32
    %sub3A_1503 = vector.broadcast %sub3A_1502 : i32 to vector<16xi32>
    %sub3A_1504 = arith.subi %add3A_1501, %sub3A_1503 : vector<16xi32>
    %mul3A_1505 = arith.muli %select_n3A_1496, %sub3A_1504 : vector<16xi32>
    %add3A_1506 = arith.addi %add3A_1483, %mul3A_1505 : vector<16xi32>
    %reduce_sum3A_1507 = arith.constant true
    %reduce_sum3A_1508 = vector.broadcast %reduce_sum3A_1507 : i1 to vector<16xi1>
    %reduce_sum3A_1509 = tpu.scan <sum>, %select_n3A_1496 masked %reduce_sum3A_1508 : vector<16xi32>, vector<16xi1> -> vector<16xi32>
    %reduce_sum3A_1510 = vector.extract %reduce_sum3A_1509[15] : i32 from vector<16xi32>
    %add3A_1511 = arith.addi %add3A_1321, %reduce_sum3A_1510 : i32
    %eq3A_1512 = arith.constant 2 : i32
    %eq3A_1513 = vector.broadcast %eq3A_1512 : i32 to vector<16xi32>
    %eq3A_1514 = arith.cmpi eq, %gather3A_29, %eq3A_1513 : vector<16xi32>
    %jit3A_1515 = arith.constant 1 : i32
    %jit3A_1516 = arith.constant 0 : i32
    %broadcast_in_dim3A_1517 = vector.broadcast %jit3A_1515 : i32 to vector<16xi32>
    %broadcast_in_dim3A_1518 = vector.broadcast %jit3A_1516 : i32 to vector<16xi32>
    %select_n3A_1519 = arith.select %eq3A_1514, %broadcast_in_dim3A_1517, %broadcast_in_dim3A_1518 : vector<16xi1>, vector<16xi32>
    %broadcast_in_dim3A_1520 = arith.constant true
    %broadcast_in_dim3A_1521 = vector.broadcast %broadcast_in_dim3A_1520 : i1 to vector<16xi1>
    %masked_cumsum3A_1522 = tpu.scan <sum>, %select_n3A_1519 masked %broadcast_in_dim3A_1521 : vector<16xi32>, vector<16xi1> -> vector<16xi32>
    %add3A_1523 = vector.broadcast %add3A_1344 : i32 to vector<16xi32>
    %add3A_1524 = arith.addi %add3A_1523, %masked_cumsum3A_1522 : vector<16xi32>
    %sub3A_1525 = arith.constant 1 : i32
    %sub3A_1526 = vector.broadcast %sub3A_1525 : i32 to vector<16xi32>
    %sub3A_1527 = arith.subi %add3A_1524, %sub3A_1526 : vector<16xi32>
    %mul3A_1528 = arith.muli %select_n3A_1519, %sub3A_1527 : vector<16xi32>
    %add3A_1529 = arith.addi %add3A_1506, %mul3A_1528 : vector<16xi32>
    %reduce_sum3A_1530 = arith.constant true
    %reduce_sum3A_1531 = vector.broadcast %reduce_sum3A_1530 : i1 to vector<16xi1>
    %reduce_sum3A_1532 = tpu.scan <sum>, %select_n3A_1519 masked %reduce_sum3A_1531 : vector<16xi32>, vector<16xi1> -> vector<16xi32>
    %reduce_sum3A_1533 = vector.extract %reduce_sum3A_1532[15] : i32 from vector<16xi32>
    %add3A_1534 = arith.addi %add3A_1344, %reduce_sum3A_1533 : i32
    %eq3A_1535 = arith.constant 3 : i32
    %eq3A_1536 = vector.broadcast %eq3A_1535 : i32 to vector<16xi32>
    %eq3A_1537 = arith.cmpi eq, %gather3A_29, %eq3A_1536 : vector<16xi32>
    %jit3A_1538 = arith.constant 1 : i32
    %jit3A_1539 = arith.constant 0 : i32
    %broadcast_in_dim3A_1540 = vector.broadcast %jit3A_1538 : i32 to vector<16xi32>
    %broadcast_in_dim3A_1541 = vector.broadcast %jit3A_1539 : i32 to vector<16xi32>
    %select_n3A_1542 = arith.select %eq3A_1537, %broadcast_in_dim3A_1540, %broadcast_in_dim3A_1541 : vector<16xi1>, vector<16xi32>
    %broadcast_in_dim3A_1543 = arith.constant true
    %broadcast_in_dim3A_1544 = vector.broadcast %broadcast_in_dim3A_1543 : i1 to vector<16xi1>
    %masked_cumsum3A_1545 = tpu.scan <sum>, %select_n3A_1542 masked %broadcast_in_dim3A_1544 : vector<16xi32>, vector<16xi1> -> vector<16xi32>
    %add3A_1546 = vector.broadcast %add3A_1367 : i32 to vector<16xi32>
    %add3A_1547 = arith.addi %add3A_1546, %masked_cumsum3A_1545 : vector<16xi32>
    %sub3A_1548 = arith.constant 1 : i32
    %sub3A_1549 = vector.broadcast %sub3A_1548 : i32 to vector<16xi32>
    %sub3A_1550 = arith.subi %add3A_1547, %sub3A_1549 : vector<16xi32>
    %mul3A_1551 = arith.muli %select_n3A_1542, %sub3A_1550 : vector<16xi32>
    %add3A_1552 = arith.addi %add3A_1529, %mul3A_1551 : vector<16xi32>
    %reduce_sum3A_1553 = arith.constant true
    %reduce_sum3A_1554 = vector.broadcast %reduce_sum3A_1553 : i1 to vector<16xi1>
    %reduce_sum3A_1555 = tpu.scan <sum>, %select_n3A_1542 masked %reduce_sum3A_1554 : vector<16xi32>, vector<16xi1> -> vector<16xi32>
    %reduce_sum3A_1556 = vector.extract %reduce_sum3A_1555[15] : i32 from vector<16xi32>
    %add3A_1557 = arith.addi %add3A_1367, %reduce_sum3A_1556 : i32
    %eq3A_1558 = arith.constant 4 : i32
    %eq3A_1559 = vector.broadcast %eq3A_1558 : i32 to vector<16xi32>
    %eq3A_1560 = arith.cmpi eq, %gather3A_29, %eq3A_1559 : vector<16xi32>
    %jit3A_1561 = arith.constant 1 : i32
    %jit3A_1562 = arith.constant 0 : i32
    %broadcast_in_dim3A_1563 = vector.broadcast %jit3A_1561 : i32 to vector<16xi32>
    %broadcast_in_dim3A_1564 = vector.broadcast %jit3A_1562 : i32 to vector<16xi32>
    %select_n3A_1565 = arith.select %eq3A_1560, %broadcast_in_dim3A_1563, %broadcast_in_dim3A_1564 : vector<16xi1>, vector<16xi32>
    %broadcast_in_dim3A_1566 = arith.constant true
    %broadcast_in_dim3A_1567 = vector.broadcast %broadcast_in_dim3A_1566 : i1 to vector<16xi1>
    %masked_cumsum3A_1568 = tpu.scan <sum>, %select_n3A_1565 masked %broadcast_in_dim3A_1567 : vector<16xi32>, vector<16xi1> -> vector<16xi32>
    %add3A_1569 = vector.broadcast %add3A_1390 : i32 to vector<16xi32>
    %add3A_1570 = arith.addi %add3A_1569, %masked_cumsum3A_1568 : vector<16xi32>
    %sub3A_1571 = arith.constant 1 : i32
    %sub3A_1572 = vector.broadcast %sub3A_1571 : i32 to vector<16xi32>
    %sub3A_1573 = arith.subi %add3A_1570, %sub3A_1572 : vector<16xi32>
    %mul3A_1574 = arith.muli %select_n3A_1565, %sub3A_1573 : vector<16xi32>
    %add3A_1575 = arith.addi %add3A_1552, %mul3A_1574 : vector<16xi32>
    %reduce_sum3A_1576 = arith.constant true
    %reduce_sum3A_1577 = vector.broadcast %reduce_sum3A_1576 : i1 to vector<16xi1>
    %reduce_sum3A_1578 = tpu.scan <sum>, %select_n3A_1565 masked %reduce_sum3A_1577 : vector<16xi32>, vector<16xi1> -> vector<16xi32>
    %reduce_sum3A_1579 = vector.extract %reduce_sum3A_1578[15] : i32 from vector<16xi32>
    %add3A_1580 = arith.addi %add3A_1390, %reduce_sum3A_1579 : i32
    %eq3A_1581 = arith.constant 5 : i32
    %eq3A_1582 = vector.broadcast %eq3A_1581 : i32 to vector<16xi32>
    %eq3A_1583 = arith.cmpi eq, %gather3A_29, %eq3A_1582 : vector<16xi32>
    %jit3A_1584 = arith.constant 1 : i32
    %jit3A_1585 = arith.constant 0 : i32
    %broadcast_in_dim3A_1586 = vector.broadcast %jit3A_1584 : i32 to vector<16xi32>
    %broadcast_in_dim3A_1587 = vector.broadcast %jit3A_1585 : i32 to vector<16xi32>
    %select_n3A_1588 = arith.select %eq3A_1583, %broadcast_in_dim3A_1586, %broadcast_in_dim3A_1587 : vector<16xi1>, vector<16xi32>
    %broadcast_in_dim3A_1589 = arith.constant true
    %broadcast_in_dim3A_1590 = vector.broadcast %broadcast_in_dim3A_1589 : i1 to vector<16xi1>
    %masked_cumsum3A_1591 = tpu.scan <sum>, %select_n3A_1588 masked %broadcast_in_dim3A_1590 : vector<16xi32>, vector<16xi1> -> vector<16xi32>
    %add3A_1592 = vector.broadcast %add3A_1413 : i32 to vector<16xi32>
    %add3A_1593 = arith.addi %add3A_1592, %masked_cumsum3A_1591 : vector<16xi32>
    %sub3A_1594 = arith.constant 1 : i32
    %sub3A_1595 = vector.broadcast %sub3A_1594 : i32 to vector<16xi32>
    %sub3A_1596 = arith.subi %add3A_1593, %sub3A_1595 : vector<16xi32>
    %mul3A_1597 = arith.muli %select_n3A_1588, %sub3A_1596 : vector<16xi32>
    %add3A_1598 = arith.addi %add3A_1575, %mul3A_1597 : vector<16xi32>
    %reduce_sum3A_1599 = arith.constant true
    %reduce_sum3A_1600 = vector.broadcast %reduce_sum3A_1599 : i1 to vector<16xi1>
    %reduce_sum3A_1601 = tpu.scan <sum>, %select_n3A_1588 masked %reduce_sum3A_1600 : vector<16xi32>, vector<16xi1> -> vector<16xi32>
    %reduce_sum3A_1602 = vector.extract %reduce_sum3A_1601[15] : i32 from vector<16xi32>
    %add3A_1603 = arith.addi %add3A_1413, %reduce_sum3A_1602 : i32
    %eq3A_1604 = arith.constant 6 : i32
    %eq3A_1605 = vector.broadcast %eq3A_1604 : i32 to vector<16xi32>
    %eq3A_1606 = arith.cmpi eq, %gather3A_29, %eq3A_1605 : vector<16xi32>
    %jit3A_1607 = arith.constant 1 : i32
    %jit3A_1608 = arith.constant 0 : i32
    %broadcast_in_dim3A_1609 = vector.broadcast %jit3A_1607 : i32 to vector<16xi32>
    %broadcast_in_dim3A_1610 = vector.broadcast %jit3A_1608 : i32 to vector<16xi32>
    %select_n3A_1611 = arith.select %eq3A_1606, %broadcast_in_dim3A_1609, %broadcast_in_dim3A_1610 : vector<16xi1>, vector<16xi32>
    %broadcast_in_dim3A_1612 = arith.constant true
    %broadcast_in_dim3A_1613 = vector.broadcast %broadcast_in_dim3A_1612 : i1 to vector<16xi1>
    %masked_cumsum3A_1614 = tpu.scan <sum>, %select_n3A_1611 masked %broadcast_in_dim3A_1613 : vector<16xi32>, vector<16xi1> -> vector<16xi32>
    %add3A_1615 = vector.broadcast %add3A_1436 : i32 to vector<16xi32>
    %add3A_1616 = arith.addi %add3A_1615, %masked_cumsum3A_1614 : vector<16xi32>
    %sub3A_1617 = arith.constant 1 : i32
    %sub3A_1618 = vector.broadcast %sub3A_1617 : i32 to vector<16xi32>
    %sub3A_1619 = arith.subi %add3A_1616, %sub3A_1618 : vector<16xi32>
    %mul3A_1620 = arith.muli %select_n3A_1611, %sub3A_1619 : vector<16xi32>
    %add3A_1621 = arith.addi %add3A_1598, %mul3A_1620 : vector<16xi32>
    %reduce_sum3A_1622 = arith.constant true
    %reduce_sum3A_1623 = vector.broadcast %reduce_sum3A_1622 : i1 to vector<16xi1>
    %reduce_sum3A_1624 = tpu.scan <sum>, %select_n3A_1611 masked %reduce_sum3A_1623 : vector<16xi32>, vector<16xi1> -> vector<16xi32>
    %reduce_sum3A_1625 = vector.extract %reduce_sum3A_1624[15] : i32 from vector<16xi32>
    %add3A_1626 = arith.addi %add3A_1436, %reduce_sum3A_1625 : i32
    %eq3A_1627 = arith.constant 7 : i32
    %eq3A_1628 = vector.broadcast %eq3A_1627 : i32 to vector<16xi32>
    %eq3A_1629 = arith.cmpi eq, %gather3A_29, %eq3A_1628 : vector<16xi32>
    %jit3A_1630 = arith.constant 1 : i32
    %jit3A_1631 = arith.constant 0 : i32
    %broadcast_in_dim3A_1632 = vector.broadcast %jit3A_1630 : i32 to vector<16xi32>
    %broadcast_in_dim3A_1633 = vector.broadcast %jit3A_1631 : i32 to vector<16xi32>
    %select_n3A_1634 = arith.select %eq3A_1629, %broadcast_in_dim3A_1632, %broadcast_in_dim3A_1633 : vector<16xi1>, vector<16xi32>
    %broadcast_in_dim3A_1635 = arith.constant true
    %broadcast_in_dim3A_1636 = vector.broadcast %broadcast_in_dim3A_1635 : i1 to vector<16xi1>
    %masked_cumsum3A_1637 = tpu.scan <sum>, %select_n3A_1634 masked %broadcast_in_dim3A_1636 : vector<16xi32>, vector<16xi1> -> vector<16xi32>
    %add3A_1638 = vector.broadcast %add3A_1459 : i32 to vector<16xi32>
    %add3A_1639 = arith.addi %add3A_1638, %masked_cumsum3A_1637 : vector<16xi32>
    %sub3A_1640 = arith.constant 1 : i32
    %sub3A_1641 = vector.broadcast %sub3A_1640 : i32 to vector<16xi32>
    %sub3A_1642 = arith.subi %add3A_1639, %sub3A_1641 : vector<16xi32>
    %mul3A_1643 = arith.muli %select_n3A_1634, %sub3A_1642 : vector<16xi32>
    %add3A_1644 = arith.addi %add3A_1621, %mul3A_1643 : vector<16xi32>
    %reduce_sum3A_1645 = arith.constant true
    %reduce_sum3A_1646 = vector.broadcast %reduce_sum3A_1645 : i1 to vector<16xi1>
    %reduce_sum3A_1647 = tpu.scan <sum>, %select_n3A_1634 masked %reduce_sum3A_1646 : vector<16xi32>, vector<16xi1> -> vector<16xi32>
    %reduce_sum3A_1648 = vector.extract %reduce_sum3A_1647[15] : i32 from vector<16xi32>
    %add3A_1649 = arith.addi %add3A_1459, %reduce_sum3A_1648 : i32
    %swap3A_1650 = arith.constant 1 : i32
    %swap3A_1651 = arith.index_cast %swap3A_1650 : i32 to index
    %swap3A_1652 = arith.constant 16 : index
    %swap3A_1653 = tpu.vector_load %arg7[%swap3A_1651, %swap3A_1652] {strides = array<i32>} : memref<2x64xi32, #tpu.memory_space<vmem>>, vector<16xi32>,
    tpu.vector_store %arg7[%swap3A_1651, %swap3A_1652], %add3A_1644 {strides = array<i32>} : memref<2x64xi32, #tpu.memory_space<vmem>>, vector<16xi32>,
    %broadcast_in_dim3A_1654 = arith.constant 0 : i32
    %broadcast_in_dim3A_1655 = vector.broadcast %broadcast_in_dim3A_1654 : i32 to vector<16xi32>
    %eq3A_1656 = arith.constant 0 : i32
    %eq3A_1657 = vector.broadcast %eq3A_1656 : i32 to vector<16xi32>
    %eq3A_1658 = arith.cmpi eq, %gather3A_33, %eq3A_1657 : vector<16xi32>
    %jit3A_1659 = arith.constant 1 : i32
    %jit3A_1660 = arith.constant 0 : i32
    %broadcast_in_dim3A_1661 = vector.broadcast %jit3A_1659 : i32 to vector<16xi32>
    %broadcast_in_dim3A_1662 = vector.broadcast %jit3A_1660 : i32 to vector<16xi32>
    %select_n3A_1663 = arith.select %eq3A_1658, %broadcast_in_dim3A_1661, %broadcast_in_dim3A_1662 : vector<16xi1>, vector<16xi32>
    %broadcast_in_dim3A_1664 = arith.constant true
    %broadcast_in_dim3A_1665 = vector.broadcast %broadcast_in_dim3A_1664 : i1 to vector<16xi1>
    %masked_cumsum3A_1666 = tpu.scan <sum>, %select_n3A_1663 masked %broadcast_in_dim3A_1665 : vector<16xi32>, vector<16xi1> -> vector<16xi32>
    %add3A_1667 = vector.broadcast %add3A_1488 : i32 to vector<16xi32>
    %add3A_1668 = arith.addi %add3A_1667, %masked_cumsum3A_1666 : vector<16xi32>
    %sub3A_1669 = arith.constant 1 : i32
    %sub3A_1670 = vector.broadcast %sub3A_1669 : i32 to vector<16xi32>
    %sub3A_1671 = arith.subi %add3A_1668, %sub3A_1670 : vector<16xi32>
    %mul3A_1672 = arith.muli %select_n3A_1663, %sub3A_1671 : vector<16xi32>
    %add3A_1673 = arith.addi %broadcast_in_dim3A_1655, %mul3A_1672 : vector<16xi32>
    %reduce_sum3A_1674 = arith.constant true
    %reduce_sum3A_1675 = vector.broadcast %reduce_sum3A_1674 : i1 to vector<16xi1>
    %reduce_sum3A_1676 = tpu.scan <sum>, %select_n3A_1663 masked %reduce_sum3A_1675 : vector<16xi32>, vector<16xi1> -> vector<16xi32>
    %reduce_sum3A_1677 = vector.extract %reduce_sum3A_1676[15] : i32 from vector<16xi32>
    %add3A_1678 = arith.addi %add3A_1488, %reduce_sum3A_1677 : i32
    %eq3A_1679 = arith.constant 1 : i32
    %eq3A_1680 = vector.broadcast %eq3A_1679 : i32 to vector<16xi32>
    %eq3A_1681 = arith.cmpi eq, %gather3A_33, %eq3A_1680 : vector<16xi32>
    %jit3A_1682 = arith.constant 1 : i32
    %jit3A_1683 = arith.constant 0 : i32
    %broadcast_in_dim3A_1684 = vector.broadcast %jit3A_1682 : i32 to vector<16xi32>
    %broadcast_in_dim3A_1685 = vector.broadcast %jit3A_1683 : i32 to vector<16xi32>
    %select_n3A_1686 = arith.select %eq3A_1681, %broadcast_in_dim3A_1684, %broadcast_in_dim3A_1685 : vector<16xi1>, vector<16xi32>
    %broadcast_in_dim3A_1687 = arith.constant true
    %broadcast_in_dim3A_1688 = vector.broadcast %broadcast_in_dim3A_1687 : i1 to vector<16xi1>
    %masked_cumsum3A_1689 = tpu.scan <sum>, %select_n3A_1686 masked %broadcast_in_dim3A_1688 : vector<16xi32>, vector<16xi1> -> vector<16xi32>
    %add3A_1690 = vector.broadcast %add3A_1511 : i32 to vector<16xi32>
    %add3A_1691 = arith.addi %add3A_1690, %masked_cumsum3A_1689 : vector<16xi32>
    %sub3A_1692 = arith.constant 1 : i32
    %sub3A_1693 = vector.broadcast %sub3A_1692 : i32 to vector<16xi32>
    %sub3A_1694 = arith.subi %add3A_1691, %sub3A_1693 : vector<16xi32>
    %mul3A_1695 = arith.muli %select_n3A_1686, %sub3A_1694 : vector<16xi32>
    %add3A_1696 = arith.addi %add3A_1673, %mul3A_1695 : vector<16xi32>
    %reduce_sum3A_1697 = arith.constant true
    %reduce_sum3A_1698 = vector.broadcast %reduce_sum3A_1697 : i1 to vector<16xi1>
    %reduce_sum3A_1699 = tpu.scan <sum>, %select_n3A_1686 masked %reduce_sum3A_1698 : vector<16xi32>, vector<16xi1> -> vector<16xi32>
    %reduce_sum3A_1700 = vector.extract %reduce_sum3A_1699[15] : i32 from vector<16xi32>
    %add3A_1701 = arith.addi %add3A_1511, %reduce_sum3A_1700 : i32
    %eq3A_1702 = arith.constant 2 : i32
    %eq3A_1703 = vector.broadcast %eq3A_1702 : i32 to vector<16xi32>
    %eq3A_1704 = arith.cmpi eq, %gather3A_33, %eq3A_1703 : vector<16xi32>
    %jit3A_1705 = arith.constant 1 : i32
    %jit3A_1706 = arith.constant 0 : i32
    %broadcast_in_dim3A_1707 = vector.broadcast %jit3A_1705 : i32 to vector<16xi32>
    %broadcast_in_dim3A_1708 = vector.broadcast %jit3A_1706 : i32 to vector<16xi32>
    %select_n3A_1709 = arith.select %eq3A_1704, %broadcast_in_dim3A_1707, %broadcast_in_dim3A_1708 : vector<16xi1>, vector<16xi32>
    %broadcast_in_dim3A_1710 = arith.constant true
    %broadcast_in_dim3A_1711 = vector.broadcast %broadcast_in_dim3A_1710 : i1 to vector<16xi1>
    %masked_cumsum3A_1712 = tpu.scan <sum>, %select_n3A_1709 masked %broadcast_in_dim3A_1711 : vector<16xi32>, vector<16xi1> -> vector<16xi32>
    %add3A_1713 = vector.broadcast %add3A_1534 : i32 to vector<16xi32>
    %add3A_1714 = arith.addi %add3A_1713, %masked_cumsum3A_1712 : vector<16xi32>
    %sub3A_1715 = arith.constant 1 : i32
    %sub3A_1716 = vector.broadcast %sub3A_1715 : i32 to vector<16xi32>
    %sub3A_1717 = arith.subi %add3A_1714, %sub3A_1716 : vector<16xi32>
    %mul3A_1718 = arith.muli %select_n3A_1709, %sub3A_1717 : vector<16xi32>
    %add3A_1719 = arith.addi %add3A_1696, %mul3A_1718 : vector<16xi32>
    %reduce_sum3A_1720 = arith.constant true
    %reduce_sum3A_1721 = vector.broadcast %reduce_sum3A_1720 : i1 to vector<16xi1>
    %reduce_sum3A_1722 = tpu.scan <sum>, %select_n3A_1709 masked %reduce_sum3A_1721 : vector<16xi32>, vector<16xi1> -> vector<16xi32>
    %reduce_sum3A_1723 = vector.extract %reduce_sum3A_1722[15] : i32 from vector<16xi32>
    %add3A_1724 = arith.addi %add3A_1534, %reduce_sum3A_1723 : i32
    %eq3A_1725 = arith.constant 3 : i32
    %eq3A_1726 = vector.broadcast %eq3A_1725 : i32 to vector<16xi32>
    %eq3A_1727 = arith.cmpi eq, %gather3A_33, %eq3A_1726 : vector<16xi32>
    %jit3A_1728 = arith.constant 1 : i32
    %jit3A_1729 = arith.constant 0 : i32
    %broadcast_in_dim3A_1730 = vector.broadcast %jit3A_1728 : i32 to vector<16xi32>
    %broadcast_in_dim3A_1731 = vector.broadcast %jit3A_1729 : i32 to vector<16xi32>
    %select_n3A_1732 = arith.select %eq3A_1727, %broadcast_in_dim3A_1730, %broadcast_in_dim3A_1731 : vector<16xi1>, vector<16xi32>
    %broadcast_in_dim3A_1733 = arith.constant true
    %broadcast_in_dim3A_1734 = vector.broadcast %broadcast_in_dim3A_1733 : i1 to vector<16xi1>
    %masked_cumsum3A_1735 = tpu.scan <sum>, %select_n3A_1732 masked %broadcast_in_dim3A_1734 : vector<16xi32>, vector<16xi1> -> vector<16xi32>
    %add3A_1736 = vector.broadcast %add3A_1557 : i32 to vector<16xi32>
    %add3A_1737 = arith.addi %add3A_1736, %masked_cumsum3A_1735 : vector<16xi32>
    %sub3A_1738 = arith.constant 1 : i32
    %sub3A_1739 = vector.broadcast %sub3A_1738 : i32 to vector<16xi32>
    %sub3A_1740 = arith.subi %add3A_1737, %sub3A_1739 : vector<16xi32>
    %mul3A_1741 = arith.muli %select_n3A_1732, %sub3A_1740 : vector<16xi32>
    %add3A_1742 = arith.addi %add3A_1719, %mul3A_1741 : vector<16xi32>
    %reduce_sum3A_1743 = arith.constant true
    %reduce_sum3A_1744 = vector.broadcast %reduce_sum3A_1743 : i1 to vector<16xi1>
    %reduce_sum3A_1745 = tpu.scan <sum>, %select_n3A_1732 masked %reduce_sum3A_1744 : vector<16xi32>, vector<16xi1> -> vector<16xi32>
    %reduce_sum3A_1746 = vector.extract %reduce_sum3A_1745[15] : i32 from vector<16xi32>
    %add3A_1747 = arith.addi %add3A_1557, %reduce_sum3A_1746 : i32
    %eq3A_1748 = arith.constant 4 : i32
    %eq3A_1749 = vector.broadcast %eq3A_1748 : i32 to vector<16xi32>
    %eq3A_1750 = arith.cmpi eq, %gather3A_33, %eq3A_1749 : vector<16xi32>
    %jit3A_1751 = arith.constant 1 : i32
    %jit3A_1752 = arith.constant 0 : i32
    %broadcast_in_dim3A_1753 = vector.broadcast %jit3A_1751 : i32 to vector<16xi32>
    %broadcast_in_dim3A_1754 = vector.broadcast %jit3A_1752 : i32 to vector<16xi32>
    %select_n3A_1755 = arith.select %eq3A_1750, %broadcast_in_dim3A_1753, %broadcast_in_dim3A_1754 : vector<16xi1>, vector<16xi32>
    %broadcast_in_dim3A_1756 = arith.constant true
    %broadcast_in_dim3A_1757 = vector.broadcast %broadcast_in_dim3A_1756 : i1 to vector<16xi1>
    %masked_cumsum3A_1758 = tpu.scan <sum>, %select_n3A_1755 masked %broadcast_in_dim3A_1757 : vector<16xi32>, vector<16xi1> -> vector<16xi32>
    %add3A_1759 = vector.broadcast %add3A_1580 : i32 to vector<16xi32>
    %add3A_1760 = arith.addi %add3A_1759, %masked_cumsum3A_1758 : vector<16xi32>
    %sub3A_1761 = arith.constant 1 : i32
    %sub3A_1762 = vector.broadcast %sub3A_1761 : i32 to vector<16xi32>
    %sub3A_1763 = arith.subi %add3A_1760, %sub3A_1762 : vector<16xi32>
    %mul3A_1764 = arith.muli %select_n3A_1755, %sub3A_1763 : vector<16xi32>
    %add3A_1765 = arith.addi %add3A_1742, %mul3A_1764 : vector<16xi32>
    %reduce_sum3A_1766 = arith.constant true
    %reduce_sum3A_1767 = vector.broadcast %reduce_sum3A_1766 : i1 to vector<16xi1>
    %reduce_sum3A_1768 = tpu.scan <sum>, %select_n3A_1755 masked %reduce_sum3A_1767 : vector<16xi32>, vector<16xi1> -> vector<16xi32>
    %reduce_sum3A_1769 = vector.extract %reduce_sum3A_1768[15] : i32 from vector<16xi32>
    %add3A_1770 = arith.addi %add3A_1580, %reduce_sum3A_1769 : i32
    %eq3A_1771 = arith.constant 5 : i32
    %eq3A_1772 = vector.broadcast %eq3A_1771 : i32 to vector<16xi32>
    %eq3A_1773 = arith.cmpi eq, %gather3A_33, %eq3A_1772 : vector<16xi32>
    %jit3A_1774 = arith.constant 1 : i32
    %jit3A_1775 = arith.constant 0 : i32
    %broadcast_in_dim3A_1776 = vector.broadcast %jit3A_1774 : i32 to vector<16xi32>
    %broadcast_in_dim3A_1777 = vector.broadcast %jit3A_1775 : i32 to vector<16xi32>
    %select_n3A_1778 = arith.select %eq3A_1773, %broadcast_in_dim3A_1776, %broadcast_in_dim3A_1777 : vector<16xi1>, vector<16xi32>
    %broadcast_in_dim3A_1779 = arith.constant true
    %broadcast_in_dim3A_1780 = vector.broadcast %broadcast_in_dim3A_1779 : i1 to vector<16xi1>
    %masked_cumsum3A_1781 = tpu.scan <sum>, %select_n3A_1778 masked %broadcast_in_dim3A_1780 : vector<16xi32>, vector<16xi1> -> vector<16xi32>
    %add3A_1782 = vector.broadcast %add3A_1603 : i32 to vector<16xi32>
    %add3A_1783 = arith.addi %add3A_1782, %masked_cumsum3A_1781 : vector<16xi32>
    %sub3A_1784 = arith.constant 1 : i32
    %sub3A_1785 = vector.broadcast %sub3A_1784 : i32 to vector<16xi32>
    %sub3A_1786 = arith.subi %add3A_1783, %sub3A_1785 : vector<16xi32>
    %mul3A_1787 = arith.muli %select_n3A_1778, %sub3A_1786 : vector<16xi32>
    %add3A_1788 = arith.addi %add3A_1765, %mul3A_1787 : vector<16xi32>
    %reduce_sum3A_1789 = arith.constant true
    %reduce_sum3A_1790 = vector.broadcast %reduce_sum3A_1789 : i1 to vector<16xi1>
    %reduce_sum3A_1791 = tpu.scan <sum>, %select_n3A_1778 masked %reduce_sum3A_1790 : vector<16xi32>, vector<16xi1> -> vector<16xi32>
    %reduce_sum3A_1792 = vector.extract %reduce_sum3A_1791[15] : i32 from vector<16xi32>
    %add3A_1793 = arith.addi %add3A_1603, %reduce_sum3A_1792 : i32
    %eq3A_1794 = arith.constant 6 : i32
    %eq3A_1795 = vector.broadcast %eq3A_1794 : i32 to vector<16xi32>
    %eq3A_1796 = arith.cmpi eq, %gather3A_33, %eq3A_1795 : vector<16xi32>
    %jit3A_1797 = arith.constant 1 : i32
    %jit3A_1798 = arith.constant 0 : i32
    %broadcast_in_dim3A_1799 = vector.broadcast %jit3A_1797 : i32 to vector<16xi32>
    %broadcast_in_dim3A_1800 = vector.broadcast %jit3A_1798 : i32 to vector<16xi32>
    %select_n3A_1801 = arith.select %eq3A_1796, %broadcast_in_dim3A_1799, %broadcast_in_dim3A_1800 : vector<16xi1>, vector<16xi32>
    %broadcast_in_dim3A_1802 = arith.constant true
    %broadcast_in_dim3A_1803 = vector.broadcast %broadcast_in_dim3A_1802 : i1 to vector<16xi1>
    %masked_cumsum3A_1804 = tpu.scan <sum>, %select_n3A_1801 masked %broadcast_in_dim3A_1803 : vector<16xi32>, vector<16xi1> -> vector<16xi32>
    %add3A_1805 = vector.broadcast %add3A_1626 : i32 to vector<16xi32>
    %add3A_1806 = arith.addi %add3A_1805, %masked_cumsum3A_1804 : vector<16xi32>
    %sub3A_1807 = arith.constant 1 : i32
    %sub3A_1808 = vector.broadcast %sub3A_1807 : i32 to vector<16xi32>
    %sub3A_1809 = arith.subi %add3A_1806, %sub3A_1808 : vector<16xi32>
    %mul3A_1810 = arith.muli %select_n3A_1801, %sub3A_1809 : vector<16xi32>
    %add3A_1811 = arith.addi %add3A_1788, %mul3A_1810 : vector<16xi32>
    %reduce_sum3A_1812 = arith.constant true
    %reduce_sum3A_1813 = vector.broadcast %reduce_sum3A_1812 : i1 to vector<16xi1>
    %reduce_sum3A_1814 = tpu.scan <sum>, %select_n3A_1801 masked %reduce_sum3A_1813 : vector<16xi32>, vector<16xi1> -> vector<16xi32>
    %reduce_sum3A_1815 = vector.extract %reduce_sum3A_1814[15] : i32 from vector<16xi32>
    %add3A_1816 = arith.addi %add3A_1626, %reduce_sum3A_1815 : i32
    %eq3A_1817 = arith.constant 7 : i32
    %eq3A_1818 = vector.broadcast %eq3A_1817 : i32 to vector<16xi32>
    %eq3A_1819 = arith.cmpi eq, %gather3A_33, %eq3A_1818 : vector<16xi32>
    %jit3A_1820 = arith.constant 1 : i32
    %jit3A_1821 = arith.constant 0 : i32
    %broadcast_in_dim3A_1822 = vector.broadcast %jit3A_1820 : i32 to vector<16xi32>
    %broadcast_in_dim3A_1823 = vector.broadcast %jit3A_1821 : i32 to vector<16xi32>
    %select_n3A_1824 = arith.select %eq3A_1819, %broadcast_in_dim3A_1822, %broadcast_in_dim3A_1823 : vector<16xi1>, vector<16xi32>
    %broadcast_in_dim3A_1825 = arith.constant true
    %broadcast_in_dim3A_1826 = vector.broadcast %broadcast_in_dim3A_1825 : i1 to vector<16xi1>
    %masked_cumsum3A_1827 = tpu.scan <sum>, %select_n3A_1824 masked %broadcast_in_dim3A_1826 : vector<16xi32>, vector<16xi1> -> vector<16xi32>
    %add3A_1828 = vector.broadcast %add3A_1649 : i32 to vector<16xi32>
    %add3A_1829 = arith.addi %add3A_1828, %masked_cumsum3A_1827 : vector<16xi32>
    %sub3A_1830 = arith.constant 1 : i32
    %sub3A_1831 = vector.broadcast %sub3A_1830 : i32 to vector<16xi32>
    %sub3A_1832 = arith.subi %add3A_1829, %sub3A_1831 : vector<16xi32>
    %mul3A_1833 = arith.muli %select_n3A_1824, %sub3A_1832 : vector<16xi32>
    %add3A_1834 = arith.addi %add3A_1811, %mul3A_1833 : vector<16xi32>
    %reduce_sum3A_1835 = arith.constant true
    %reduce_sum3A_1836 = vector.broadcast %reduce_sum3A_1835 : i1 to vector<16xi1>
    %reduce_sum3A_1837 = tpu.scan <sum>, %select_n3A_1824 masked %reduce_sum3A_1836 : vector<16xi32>, vector<16xi1> -> vector<16xi32>
    %reduce_sum3A_1838 = vector.extract %reduce_sum3A_1837[15] : i32 from vector<16xi32>
    %add3A_1839 = arith.addi %add3A_1649, %reduce_sum3A_1838 : i32
    %swap3A_1840 = arith.constant 1 : i32
    %swap3A_1841 = arith.index_cast %swap3A_1840 : i32 to index
    %swap3A_1842 = arith.constant 32 : index
    %swap3A_1843 = tpu.vector_load %arg7[%swap3A_1841, %swap3A_1842] {strides = array<i32>} : memref<2x64xi32, #tpu.memory_space<vmem>>, vector<16xi32>,
    tpu.vector_store %arg7[%swap3A_1841, %swap3A_1842], %add3A_1834 {strides = array<i32>} : memref<2x64xi32, #tpu.memory_space<vmem>>, vector<16xi32>,
    %broadcast_in_dim3A_1844 = arith.constant 0 : i32
    %broadcast_in_dim3A_1845 = vector.broadcast %broadcast_in_dim3A_1844 : i32 to vector<16xi32>
    %eq3A_1846 = arith.constant 0 : i32
    %eq3A_1847 = vector.broadcast %eq3A_1846 : i32 to vector<16xi32>
    %eq3A_1848 = arith.cmpi eq, %gather3A_37, %eq3A_1847 : vector<16xi32>
    %jit3A_1849 = arith.constant 1 : i32
    %jit3A_1850 = arith.constant 0 : i32
    %broadcast_in_dim3A_1851 = vector.broadcast %jit3A_1849 : i32 to vector<16xi32>
    %broadcast_in_dim3A_1852 = vector.broadcast %jit3A_1850 : i32 to vector<16xi32>
    %select_n3A_1853 = arith.select %eq3A_1848, %broadcast_in_dim3A_1851, %broadcast_in_dim3A_1852 : vector<16xi1>, vector<16xi32>
    %broadcast_in_dim3A_1854 = arith.constant true
    %broadcast_in_dim3A_1855 = vector.broadcast %broadcast_in_dim3A_1854 : i1 to vector<16xi1>
    %masked_cumsum3A_1856 = tpu.scan <sum>, %select_n3A_1853 masked %broadcast_in_dim3A_1855 : vector<16xi32>, vector<16xi1> -> vector<16xi32>
    %add3A_1857 = vector.broadcast %add3A_1678 : i32 to vector<16xi32>
    %add3A_1858 = arith.addi %add3A_1857, %masked_cumsum3A_1856 : vector<16xi32>
    %sub3A_1859 = arith.constant 1 : i32
    %sub3A_1860 = vector.broadcast %sub3A_1859 : i32 to vector<16xi32>
    %sub3A_1861 = arith.subi %add3A_1858, %sub3A_1860 : vector<16xi32>
    %mul3A_1862 = arith.muli %select_n3A_1853, %sub3A_1861 : vector<16xi32>
    %add3A_1863 = arith.addi %broadcast_in_dim3A_1845, %mul3A_1862 : vector<16xi32>
    %reduce_sum3A_1864 = arith.constant true
    %reduce_sum3A_1865 = vector.broadcast %reduce_sum3A_1864 : i1 to vector<16xi1>
    %reduce_sum3A_1866 = tpu.scan <sum>, %select_n3A_1853 masked %reduce_sum3A_1865 : vector<16xi32>, vector<16xi1> -> vector<16xi32>
    %reduce_sum3A_1867 = vector.extract %reduce_sum3A_1866[15] : i32 from vector<16xi32>
    %add3A_1868 = arith.addi %add3A_1678, %reduce_sum3A_1867 : i32
    %eq3A_1869 = arith.constant 1 : i32
    %eq3A_1870 = vector.broadcast %eq3A_1869 : i32 to vector<16xi32>
    %eq3A_1871 = arith.cmpi eq, %gather3A_37, %eq3A_1870 : vector<16xi32>
    %jit3A_1872 = arith.constant 1 : i32
    %jit3A_1873 = arith.constant 0 : i32
    %broadcast_in_dim3A_1874 = vector.broadcast %jit3A_1872 : i32 to vector<16xi32>
    %broadcast_in_dim3A_1875 = vector.broadcast %jit3A_1873 : i32 to vector<16xi32>
    %select_n3A_1876 = arith.select %eq3A_1871, %broadcast_in_dim3A_1874, %broadcast_in_dim3A_1875 : vector<16xi1>, vector<16xi32>
    %broadcast_in_dim3A_1877 = arith.constant true
    %broadcast_in_dim3A_1878 = vector.broadcast %broadcast_in_dim3A_1877 : i1 to vector<16xi1>
    %masked_cumsum3A_1879 = tpu.scan <sum>, %select_n3A_1876 masked %broadcast_in_dim3A_1878 : vector<16xi32>, vector<16xi1> -> vector<16xi32>
    %add3A_1880 = vector.broadcast %add3A_1701 : i32 to vector<16xi32>
    %add3A_1881 = arith.addi %add3A_1880, %masked_cumsum3A_1879 : vector<16xi32>
    %sub3A_1882 = arith.constant 1 : i32
    %sub3A_1883 = vector.broadcast %sub3A_1882 : i32 to vector<16xi32>
    %sub3A_1884 = arith.subi %add3A_1881, %sub3A_1883 : vector<16xi32>
    %mul3A_1885 = arith.muli %select_n3A_1876, %sub3A_1884 : vector<16xi32>
    %add3A_1886 = arith.addi %add3A_1863, %mul3A_1885 : vector<16xi32>
    %reduce_sum3A_1887 = arith.constant true
    %reduce_sum3A_1888 = vector.broadcast %reduce_sum3A_1887 : i1 to vector<16xi1>
    %reduce_sum3A_1889 = tpu.scan <sum>, %select_n3A_1876 masked %reduce_sum3A_1888 : vector<16xi32>, vector<16xi1> -> vector<16xi32>
    %reduce_sum3A_1890 = vector.extract %reduce_sum3A_1889[15] : i32 from vector<16xi32>
    %add3A_1891 = arith.addi %add3A_1701, %reduce_sum3A_1890 : i32
    %eq3A_1892 = arith.constant 2 : i32
    %eq3A_1893 = vector.broadcast %eq3A_1892 : i32 to vector<16xi32>
    %eq3A_1894 = arith.cmpi eq, %gather3A_37, %eq3A_1893 : vector<16xi32>
    %jit3A_1895 = arith.constant 1 : i32
    %jit3A_1896 = arith.constant 0 : i32
    %broadcast_in_dim3A_1897 = vector.broadcast %jit3A_1895 : i32 to vector<16xi32>
    %broadcast_in_dim3A_1898 = vector.broadcast %jit3A_1896 : i32 to vector<16xi32>
    %select_n3A_1899 = arith.select %eq3A_1894, %broadcast_in_dim3A_1897, %broadcast_in_dim3A_1898 : vector<16xi1>, vector<16xi32>
    %broadcast_in_dim3A_1900 = arith.constant true
    %broadcast_in_dim3A_1901 = vector.broadcast %broadcast_in_dim3A_1900 : i1 to vector<16xi1>
    %masked_cumsum3A_1902 = tpu.scan <sum>, %select_n3A_1899 masked %broadcast_in_dim3A_1901 : vector<16xi32>, vector<16xi1> -> vector<16xi32>
    %add3A_1903 = vector.broadcast %add3A_1724 : i32 to vector<16xi32>
    %add3A_1904 = arith.addi %add3A_1903, %masked_cumsum3A_1902 : vector<16xi32>
    %sub3A_1905 = arith.constant 1 : i32
    %sub3A_1906 = vector.broadcast %sub3A_1905 : i32 to vector<16xi32>
    %sub3A_1907 = arith.subi %add3A_1904, %sub3A_1906 : vector<16xi32>
    %mul3A_1908 = arith.muli %select_n3A_1899, %sub3A_1907 : vector<16xi32>
    %add3A_1909 = arith.addi %add3A_1886, %mul3A_1908 : vector<16xi32>
    %reduce_sum3A_1910 = arith.constant true
    %reduce_sum3A_1911 = vector.broadcast %reduce_sum3A_1910 : i1 to vector<16xi1>
    %reduce_sum3A_1912 = tpu.scan <sum>, %select_n3A_1899 masked %reduce_sum3A_1911 : vector<16xi32>, vector<16xi1> -> vector<16xi32>
    %reduce_sum3A_1913 = vector.extract %reduce_sum3A_1912[15] : i32 from vector<16xi32>
    %add3A_1914 = arith.addi %add3A_1724, %reduce_sum3A_1913 : i32
    %eq3A_1915 = arith.constant 3 : i32
    %eq3A_1916 = vector.broadcast %eq3A_1915 : i32 to vector<16xi32>
    %eq3A_1917 = arith.cmpi eq, %gather3A_37, %eq3A_1916 : vector<16xi32>
    %jit3A_1918 = arith.constant 1 : i32
    %jit3A_1919 = arith.constant 0 : i32
    %broadcast_in_dim3A_1920 = vector.broadcast %jit3A_1918 : i32 to vector<16xi32>
    %broadcast_in_dim3A_1921 = vector.broadcast %jit3A_1919 : i32 to vector<16xi32>
    %select_n3A_1922 = arith.select %eq3A_1917, %broadcast_in_dim3A_1920, %broadcast_in_dim3A_1921 : vector<16xi1>, vector<16xi32>
    %broadcast_in_dim3A_1923 = arith.constant true
    %broadcast_in_dim3A_1924 = vector.broadcast %broadcast_in_dim3A_1923 : i1 to vector<16xi1>
    %masked_cumsum3A_1925 = tpu.scan <sum>, %select_n3A_1922 masked %broadcast_in_dim3A_1924 : vector<16xi32>, vector<16xi1> -> vector<16xi32>
    %add3A_1926 = vector.broadcast %add3A_1747 : i32 to vector<16xi32>
    %add3A_1927 = arith.addi %add3A_1926, %masked_cumsum3A_1925 : vector<16xi32>
    %sub3A_1928 = arith.constant 1 : i32
    %sub3A_1929 = vector.broadcast %sub3A_1928 : i32 to vector<16xi32>
    %sub3A_1930 = arith.subi %add3A_1927, %sub3A_1929 : vector<16xi32>
    %mul3A_1931 = arith.muli %select_n3A_1922, %sub3A_1930 : vector<16xi32>
    %add3A_1932 = arith.addi %add3A_1909, %mul3A_1931 : vector<16xi32>
    %reduce_sum3A_1933 = arith.constant true
    %reduce_sum3A_1934 = vector.broadcast %reduce_sum3A_1933 : i1 to vector<16xi1>
    %reduce_sum3A_1935 = tpu.scan <sum>, %select_n3A_1922 masked %reduce_sum3A_1934 : vector<16xi32>, vector<16xi1> -> vector<16xi32>
    %reduce_sum3A_1936 = vector.extract %reduce_sum3A_1935[15] : i32 from vector<16xi32>
    %add3A_1937 = arith.addi %add3A_1747, %reduce_sum3A_1936 : i32
    %eq3A_1938 = arith.constant 4 : i32
    %eq3A_1939 = vector.broadcast %eq3A_1938 : i32 to vector<16xi32>
    %eq3A_1940 = arith.cmpi eq, %gather3A_37, %eq3A_1939 : vector<16xi32>
    %jit3A_1941 = arith.constant 1 : i32
    %jit3A_1942 = arith.constant 0 : i32
    %broadcast_in_dim3A_1943 = vector.broadcast %jit3A_1941 : i32 to vector<16xi32>
    %broadcast_in_dim3A_1944 = vector.broadcast %jit3A_1942 : i32 to vector<16xi32>
    %select_n3A_1945 = arith.select %eq3A_1940, %broadcast_in_dim3A_1943, %broadcast_in_dim3A_1944 : vector<16xi1>, vector<16xi32>
    %broadcast_in_dim3A_1946 = arith.constant true
    %broadcast_in_dim3A_1947 = vector.broadcast %broadcast_in_dim3A_1946 : i1 to vector<16xi1>
    %masked_cumsum3A_1948 = tpu.scan <sum>, %select_n3A_1945 masked %broadcast_in_dim3A_1947 : vector<16xi32>, vector<16xi1> -> vector<16xi32>
    %add3A_1949 = vector.broadcast %add3A_1770 : i32 to vector<16xi32>
    %add3A_1950 = arith.addi %add3A_1949, %masked_cumsum3A_1948 : vector<16xi32>
    %sub3A_1951 = arith.constant 1 : i32
    %sub3A_1952 = vector.broadcast %sub3A_1951 : i32 to vector<16xi32>
    %sub3A_1953 = arith.subi %add3A_1950, %sub3A_1952 : vector<16xi32>
    %mul3A_1954 = arith.muli %select_n3A_1945, %sub3A_1953 : vector<16xi32>
    %add3A_1955 = arith.addi %add3A_1932, %mul3A_1954 : vector<16xi32>
    %reduce_sum3A_1956 = arith.constant true
    %reduce_sum3A_1957 = vector.broadcast %reduce_sum3A_1956 : i1 to vector<16xi1>
    %reduce_sum3A_1958 = tpu.scan <sum>, %select_n3A_1945 masked %reduce_sum3A_1957 : vector<16xi32>, vector<16xi1> -> vector<16xi32>
    %reduce_sum3A_1959 = vector.extract %reduce_sum3A_1958[15] : i32 from vector<16xi32>
    %add3A_1960 = arith.addi %add3A_1770, %reduce_sum3A_1959 : i32
    %eq3A_1961 = arith.constant 5 : i32
    %eq3A_1962 = vector.broadcast %eq3A_1961 : i32 to vector<16xi32>
    %eq3A_1963 = arith.cmpi eq, %gather3A_37, %eq3A_1962 : vector<16xi32>
    %jit3A_1964 = arith.constant 1 : i32
    %jit3A_1965 = arith.constant 0 : i32
    %broadcast_in_dim3A_1966 = vector.broadcast %jit3A_1964 : i32 to vector<16xi32>
    %broadcast_in_dim3A_1967 = vector.broadcast %jit3A_1965 : i32 to vector<16xi32>
    %select_n3A_1968 = arith.select %eq3A_1963, %broadcast_in_dim3A_1966, %broadcast_in_dim3A_1967 : vector<16xi1>, vector<16xi32>
    %broadcast_in_dim3A_1969 = arith.constant true
    %broadcast_in_dim3A_1970 = vector.broadcast %broadcast_in_dim3A_1969 : i1 to vector<16xi1>
    %masked_cumsum3A_1971 = tpu.scan <sum>, %select_n3A_1968 masked %broadcast_in_dim3A_1970 : vector<16xi32>, vector<16xi1> -> vector<16xi32>
    %add3A_1972 = vector.broadcast %add3A_1793 : i32 to vector<16xi32>
    %add3A_1973 = arith.addi %add3A_1972, %masked_cumsum3A_1971 : vector<16xi32>
    %sub3A_1974 = arith.constant 1 : i32
    %sub3A_1975 = vector.broadcast %sub3A_1974 : i32 to vector<16xi32>
    %sub3A_1976 = arith.subi %add3A_1973, %sub3A_1975 : vector<16xi32>
    %mul3A_1977 = arith.muli %select_n3A_1968, %sub3A_1976 : vector<16xi32>
    %add3A_1978 = arith.addi %add3A_1955, %mul3A_1977 : vector<16xi32>
    %reduce_sum3A_1979 = arith.constant true
    %reduce_sum3A_1980 = vector.broadcast %reduce_sum3A_1979 : i1 to vector<16xi1>
    %reduce_sum3A_1981 = tpu.scan <sum>, %select_n3A_1968 masked %reduce_sum3A_1980 : vector<16xi32>, vector<16xi1> -> vector<16xi32>
    %reduce_sum3A_1982 = vector.extract %reduce_sum3A_1981[15] : i32 from vector<16xi32>
    %add3A_1983 = arith.addi %add3A_1793, %reduce_sum3A_1982 : i32
    %eq3A_1984 = arith.constant 6 : i32
    %eq3A_1985 = vector.broadcast %eq3A_1984 : i32 to vector<16xi32>
    %eq3A_1986 = arith.cmpi eq, %gather3A_37, %eq3A_1985 : vector<16xi32>
    %jit3A_1987 = arith.constant 1 : i32
    %jit3A_1988 = arith.constant 0 : i32
    %broadcast_in_dim3A_1989 = vector.broadcast %jit3A_1987 : i32 to vector<16xi32>
    %broadcast_in_dim3A_1990 = vector.broadcast %jit3A_1988 : i32 to vector<16xi32>
    %select_n3A_1991 = arith.select %eq3A_1986, %broadcast_in_dim3A_1989, %broadcast_in_dim3A_1990 : vector<16xi1>, vector<16xi32>
    %broadcast_in_dim3A_1992 = arith.constant true
    %broadcast_in_dim3A_1993 = vector.broadcast %broadcast_in_dim3A_1992 : i1 to vector<16xi1>
    %masked_cumsum3A_1994 = tpu.scan <sum>, %select_n3A_1991 masked %broadcast_in_dim3A_1993 : vector<16xi32>, vector<16xi1> -> vector<16xi32>
    %add3A_1995 = vector.broadcast %add3A_1816 : i32 to vector<16xi32>
    %add3A_1996 = arith.addi %add3A_1995, %masked_cumsum3A_1994 : vector<16xi32>
    %sub3A_1997 = arith.constant 1 : i32
    %sub3A_1998 = vector.broadcast %sub3A_1997 : i32 to vector<16xi32>
    %sub3A_1999 = arith.subi %add3A_1996, %sub3A_1998 : vector<16xi32>
    %mul3A_2000 = arith.muli %select_n3A_1991, %sub3A_1999 : vector<16xi32>
    %add3A_2001 = arith.addi %add3A_1978, %mul3A_2000 : vector<16xi32>
    %reduce_sum3A_2002 = arith.constant true
    %reduce_sum3A_2003 = vector.broadcast %reduce_sum3A_2002 : i1 to vector<16xi1>
    %reduce_sum3A_2004 = tpu.scan <sum>, %select_n3A_1991 masked %reduce_sum3A_2003 : vector<16xi32>, vector<16xi1> -> vector<16xi32>
    %reduce_sum3A_2005 = vector.extract %reduce_sum3A_2004[15] : i32 from vector<16xi32>
    %add3A_2006 = arith.addi %add3A_1816, %reduce_sum3A_2005 : i32
    %eq3A_2007 = arith.constant 7 : i32
    %eq3A_2008 = vector.broadcast %eq3A_2007 : i32 to vector<16xi32>
    %eq3A_2009 = arith.cmpi eq, %gather3A_37, %eq3A_2008 : vector<16xi32>
    %jit3A_2010 = arith.constant 1 : i32
    %jit3A_2011 = arith.constant 0 : i32
    %broadcast_in_dim3A_2012 = vector.broadcast %jit3A_2010 : i32 to vector<16xi32>
    %broadcast_in_dim3A_2013 = vector.broadcast %jit3A_2011 : i32 to vector<16xi32>
    %select_n3A_2014 = arith.select %eq3A_2009, %broadcast_in_dim3A_2012, %broadcast_in_dim3A_2013 : vector<16xi1>, vector<16xi32>
    %broadcast_in_dim3A_2015 = arith.constant true
    %broadcast_in_dim3A_2016 = vector.broadcast %broadcast_in_dim3A_2015 : i1 to vector<16xi1>
    %masked_cumsum3A_2017 = tpu.scan <sum>, %select_n3A_2014 masked %broadcast_in_dim3A_2016 : vector<16xi32>, vector<16xi1> -> vector<16xi32>
    %add3A_2018 = vector.broadcast %add3A_1839 : i32 to vector<16xi32>
    %add3A_2019 = arith.addi %add3A_2018, %masked_cumsum3A_2017 : vector<16xi32>
    %sub3A_2020 = arith.constant 1 : i32
    %sub3A_2021 = vector.broadcast %sub3A_2020 : i32 to vector<16xi32>
    %sub3A_2022 = arith.subi %add3A_2019, %sub3A_2021 : vector<16xi32>
    %mul3A_2023 = arith.muli %select_n3A_2014, %sub3A_2022 : vector<16xi32>
    %add3A_2024 = arith.addi %add3A_2001, %mul3A_2023 : vector<16xi32>
    %reduce_sum3A_2025 = arith.constant true
    %reduce_sum3A_2026 = vector.broadcast %reduce_sum3A_2025 : i1 to vector<16xi1>
    %reduce_sum3A_2027 = tpu.scan <sum>, %select_n3A_2014 masked %reduce_sum3A_2026 : vector<16xi32>, vector<16xi1> -> vector<16xi32>
    %reduce_sum3A_2028 = vector.extract %reduce_sum3A_2027[15] : i32 from vector<16xi32>
    %add3A_2029 = arith.addi %add3A_1839, %reduce_sum3A_2028 : i32
    %swap3A_2030 = arith.constant 1 : i32
    %swap3A_2031 = arith.index_cast %swap3A_2030 : i32 to index
    %swap3A_2032 = arith.constant 48 : index
    %swap3A_2033 = tpu.vector_load %arg7[%swap3A_2031, %swap3A_2032] {strides = array<i32>} : memref<2x64xi32, #tpu.memory_space<vmem>>, vector<16xi32>,
    tpu.vector_store %arg7[%swap3A_2031, %swap3A_2032], %add3A_2024 {strides = array<i32>} : memref<2x64xi32, #tpu.memory_space<vmem>>, vector<16xi32>,
    %mul3A_2034 = arith.constant 64 : i32
    %mul3A_2035 = arith.muli %add3A, %mul3A_2034 : i32
    %run_scoped3A = arith.constant 0 : i32
    %run_scoped3A_2036 = arith.constant 0 : i32
    "tpu.region"() ({
      %run_scoped3A_2041 = tpu.sem_alloc : memref<!tpu.dma_semaphore, #tpu.memory_space<semaphore_mem>>
      %dma_start3A = arith.constant 0 : i32
      %dma_start3A_2042 = tpu.memref_slice %arg7[%run_scoped3A, %dma_start3A] : memref<2x64xi32, #tpu.memory_space<vmem>> -> memref<1x64xi32, #tpu.memory_space<vmem>>
      %dma_start3A_2043 = tpu.memref_squeeze %dma_start3A_2042 : memref<1x64xi32, #tpu.memory_space<vmem>> -> memref<64xi32, #tpu.memory_space<vmem>>
      %dma_start3A_2044 = tpu.memref_slice %arg4[%run_scoped3A_2036, %mul3A_2035] : memref<2x2048xi32, #tpu.memory_space<hbm>> -> memref<1x64xi32, #tpu.memory_space<hbm>>
      %dma_start3A_2045 = tpu.memref_squeeze %dma_start3A_2044 : memref<1x64xi32, #tpu.memory_space<hbm>> -> memref<64xi32, #tpu.memory_space<hbm>>
      %dma_start3A_2046 = tpu.memref_slice %arg4[%run_scoped3A_2036, %mul3A_2035] : memref<2x2048xi32, #tpu.memory_space<hbm>> -> memref<1x64xi32, #tpu.memory_space<hbm>>
      %dma_start3A_2047 = tpu.memref_squeeze %dma_start3A_2046 : memref<1x64xi32, #tpu.memory_space<hbm>> -> memref<64xi32, #tpu.memory_space<hbm>>
      %dma_start3A_2048 = arith.constant 0 : i32
      %dma_start3A_2049 = tpu.memref_slice %arg7[%run_scoped3A, %dma_start3A_2048] : memref<2x64xi32, #tpu.memory_space<vmem>> -> memref<1x64xi32, #tpu.memory_space<vmem>>
      %dma_start3A_2050 = tpu.memref_squeeze %dma_start3A_2049 : memref<1x64xi32, #tpu.memory_space<vmem>> -> memref<64xi32, #tpu.memory_space<vmem>>
      tpu.enqueue_dma source(%dma_start3A_2050 : memref<64xi32, #tpu.memory_space<vmem>>) target(%dma_start3A_2047 : memref<64xi32, #tpu.memory_space<hbm>>) target_semaphore(%run_scoped3A_2041 : memref<!tpu.dma_semaphore, #tpu.memory_space<semaphore_mem>>)
      %dma_wait3A = arith.constant 0 : i32
      %dma_wait3A_2051 = tpu.memref_slice %arg7[%run_scoped3A, %dma_wait3A] : memref<2x64xi32, #tpu.memory_space<vmem>> -> memref<1x64xi32, #tpu.memory_space<vmem>>
      %dma_wait3A_2052 = tpu.memref_squeeze %dma_wait3A_2051 : memref<1x64xi32, #tpu.memory_space<vmem>> -> memref<64xi32, #tpu.memory_space<vmem>>
      %dma_wait3A_2053 = tpu.memref_slice %arg4[%run_scoped3A_2036, %mul3A_2035] : memref<2x2048xi32, #tpu.memory_space<hbm>> -> memref<1x64xi32, #tpu.memory_space<hbm>>
      %dma_wait3A_2054 = tpu.memref_squeeze %dma_wait3A_2053 : memref<1x64xi32, #tpu.memory_space<hbm>> -> memref<64xi32, #tpu.memory_space<hbm>>
      %dma_wait3A_2055 = tpu.memref_slice %arg4[%run_scoped3A_2036, %mul3A_2035] : memref<2x2048xi32, #tpu.memory_space<hbm>> -> memref<1x64xi32, #tpu.memory_space<hbm>>
      %dma_wait3A_2056 = tpu.memref_squeeze %dma_wait3A_2055 : memref<1x64xi32, #tpu.memory_space<hbm>> -> memref<64xi32, #tpu.memory_space<hbm>>
      %dma_wait3A_2057 = arith.constant 0 : i32
      %dma_wait3A_2058 = tpu.memref_slice %arg7[%run_scoped3A, %dma_wait3A_2057] : memref<2x64xi32, #tpu.memory_space<vmem>> -> memref<1x64xi32, #tpu.memory_space<vmem>>
      %dma_wait3A_2059 = tpu.memref_squeeze %dma_wait3A_2058 : memref<1x64xi32, #tpu.memory_space<vmem>> -> memref<64xi32, #tpu.memory_space<vmem>>
      tpu.wait_dma2 semaphore(%run_scoped3A_2041 : memref<!tpu.dma_semaphore, #tpu.memory_space<semaphore_mem>>) src(%dma_wait3A_2059 : memref<64xi32, #tpu.memory_space<vmem>>) dst(%dma_wait3A_2056 : memref<64xi32, #tpu.memory_space<hbm>>)
      tpu.yield
    }) : () -> ()
    %mul3A_2037 = arith.constant 64 : i32
    %mul3A_2038 = arith.muli %add3A, %mul3A_2037 : i32
    %run_scoped3A_2039 = arith.constant 1 : i32
    %run_scoped3A_2040 = arith.constant 1 : i32
    "tpu.region"() ({
      %run_scoped3A_2041 = tpu.sem_alloc : memref<!tpu.dma_semaphore, #tpu.memory_space<semaphore_mem>>
      %dma_start3A = arith.constant 0 : i32
      %dma_start3A_2042 = tpu.memref_slice %arg7[%run_scoped3A_2039, %dma_start3A] : memref<2x64xi32, #tpu.memory_space<vmem>> -> memref<1x64xi32, #tpu.memory_space<vmem>>
      %dma_start3A_2043 = tpu.memref_squeeze %dma_start3A_2042 : memref<1x64xi32, #tpu.memory_space<vmem>> -> memref<64xi32, #tpu.memory_space<vmem>>
      %dma_start3A_2044 = tpu.memref_slice %arg4[%run_scoped3A_2040, %mul3A_2038] : memref<2x2048xi32, #tpu.memory_space<hbm>> -> memref<1x64xi32, #tpu.memory_space<hbm>>
      %dma_start3A_2045 = tpu.memref_squeeze %dma_start3A_2044 : memref<1x64xi32, #tpu.memory_space<hbm>> -> memref<64xi32, #tpu.memory_space<hbm>>
      %dma_start3A_2046 = tpu.memref_slice %arg4[%run_scoped3A_2040, %mul3A_2038] : memref<2x2048xi32, #tpu.memory_space<hbm>> -> memref<1x64xi32, #tpu.memory_space<hbm>>
      %dma_start3A_2047 = tpu.memref_squeeze %dma_start3A_2046 : memref<1x64xi32, #tpu.memory_space<hbm>> -> memref<64xi32, #tpu.memory_space<hbm>>
      %dma_start3A_2048 = arith.constant 0 : i32
      %dma_start3A_2049 = tpu.memref_slice %arg7[%run_scoped3A_2039, %dma_start3A_2048] : memref<2x64xi32, #tpu.memory_space<vmem>> -> memref<1x64xi32, #tpu.memory_space<vmem>>
      %dma_start3A_2050 = tpu.memref_squeeze %dma_start3A_2049 : memref<1x64xi32, #tpu.memory_space<vmem>> -> memref<64xi32, #tpu.memory_space<vmem>>
      tpu.enqueue_dma source(%dma_start3A_2050 : memref<64xi32, #tpu.memory_space<vmem>>) target(%dma_start3A_2047 : memref<64xi32, #tpu.memory_space<hbm>>) target_semaphore(%run_scoped3A_2041 : memref<!tpu.dma_semaphore, #tpu.memory_space<semaphore_mem>>)
      %dma_wait3A = arith.constant 0 : i32
      %dma_wait3A_2051 = tpu.memref_slice %arg7[%run_scoped3A_2039, %dma_wait3A] : memref<2x64xi32, #tpu.memory_space<vmem>> -> memref<1x64xi32, #tpu.memory_space<vmem>>
      %dma_wait3A_2052 = tpu.memref_squeeze %dma_wait3A_2051 : memref<1x64xi32, #tpu.memory_space<vmem>> -> memref<64xi32, #tpu.memory_space<vmem>>
      %dma_wait3A_2053 = tpu.memref_slice %arg4[%run_scoped3A_2040, %mul3A_2038] : memref<2x2048xi32, #tpu.memory_space<hbm>> -> memref<1x64xi32, #tpu.memory_space<hbm>>
      %dma_wait3A_2054 = tpu.memref_squeeze %dma_wait3A_2053 : memref<1x64xi32, #tpu.memory_space<hbm>> -> memref<64xi32, #tpu.memory_space<hbm>>
      %dma_wait3A_2055 = tpu.memref_slice %arg4[%run_scoped3A_2040, %mul3A_2038] : memref<2x2048xi32, #tpu.memory_space<hbm>> -> memref<1x64xi32, #tpu.memory_space<hbm>>
      %dma_wait3A_2056 = tpu.memref_squeeze %dma_wait3A_2055 : memref<1x64xi32, #tpu.memory_space<hbm>> -> memref<64xi32, #tpu.memory_space<hbm>>
      %dma_wait3A_2057 = arith.constant 0 : i32
      %dma_wait3A_2058 = tpu.memref_slice %arg7[%run_scoped3A_2039, %dma_wait3A_2057] : memref<2x64xi32, #tpu.memory_space<vmem>> -> memref<1x64xi32, #tpu.memory_space<vmem>>
      %dma_wait3A_2059 = tpu.memref_squeeze %dma_wait3A_2058 : memref<1x64xi32, #tpu.memory_space<vmem>> -> memref<64xi32, #tpu.memory_space<vmem>>
      tpu.wait_dma2 semaphore(%run_scoped3A_2041 : memref<!tpu.dma_semaphore, #tpu.memory_space<semaphore_mem>>) src(%dma_wait3A_2059 : memref<64xi32, #tpu.memory_space<vmem>>) dst(%dma_wait3A_2056 : memref<64xi32, #tpu.memory_space<hbm>>)
      tpu.yield
    }) : () -> ()
    return
  }
}

module attributes {stable_mosaic.version = 14 : i64} {
  func.func @_router_body(%arg0: memref<2048x768xf32, #tpu.memory_space<vmem>>, %arg1: memref<768x384xf32, #tpu.memory_space<vmem>>, %arg2: memref<1x384xf32, #tpu.memory_space<vmem>>, %arg3: memref<384x8xf32, #tpu.memory_space<vmem>>, %arg4: memref<1x8xf32, #tpu.memory_space<vmem>>, %arg5: memref<2048x8xi32, #tpu.memory_space<vmem>>, %arg6: memref<2048x8xf32, #tpu.memory_space<vmem>>, %arg7: memref<32x16xi32, #tpu.memory_space<vmem>>) attributes {dimension_semantics = [], scalar_prefetch = 0 : i64, scratch_operands = 0 : i64, tpu.core_type = #tpu.core_type<tc>} {
    %get3A = arith.constant 0 : index
    %get3A_0 = arith.constant 0 : index
    %get3A_1 = vector.load %arg0[%get3A, %get3A_0] : memref<2048x768xf32, #tpu.memory_space<vmem>>, vector<2048x768xf32>
    %get3A_2 = arith.constant 0 : index
    %get3A_3 = arith.constant 0 : index
    %get3A_4 = vector.load %arg1[%get3A_2, %get3A_3] : memref<768x384xf32, #tpu.memory_space<vmem>>, vector<768x384xf32>
    %dot_general3A = arith.constant dense<0.000000e+00> : vector<2048x384xf32>
    %dot_general3A_5 = tpu.matmul %get3A_1, %get3A_4, %dot_general3A {dimension_numbers = #tpu.dot_dimension_numbers<[1], [0], [0], [1], [0, 0, 1, 1], [], []>, transpose_lhs_hint = false} : vector<2048x768xf32>, vector<768x384xf32>, vector<2048x384xf32> -> vector<2048x384xf32>
    %get3A_6 = arith.constant 0 : index
    %get3A_7 = arith.constant 0 : index
    %get3A_8 = vector.load %arg2[%get3A_6, %get3A_7] : memref<1x384xf32, #tpu.memory_space<vmem>>, vector<1x384xf32>
    %add3A = vector.broadcast %get3A_8 : vector<1x384xf32> to vector<2048x384xf32>
    %add3A_9 = arith.addf %dot_general3A_5, %add3A : vector<2048x384xf32>
    %max3A = arith.constant 0.000000e+00 : f32
    %max3A_10 = vector.broadcast %max3A : f32 to vector<2048x384xf32>
    %max3A_11 = arith.maximumf %add3A_9, %max3A_10 : vector<2048x384xf32>
    %get3A_12 = arith.constant 0 : index
    %get3A_13 = arith.constant 0 : index
    %get3A_14 = vector.load %arg3[%get3A_12, %get3A_13] : memref<384x8xf32, #tpu.memory_space<vmem>>, vector<384x8xf32>
    %dot_general3A_15 = arith.constant dense<0.000000e+00> : vector<2048x8xf32>
    %dot_general3A_16 = tpu.matmul %max3A_11, %get3A_14, %dot_general3A_15 {dimension_numbers = #tpu.dot_dimension_numbers<[1], [0], [0], [1], [0, 0, 1, 1], [], []>, transpose_lhs_hint = false} : vector<2048x384xf32>, vector<384x8xf32>, vector<2048x8xf32> -> vector<2048x8xf32>
    %get3A_17 = arith.constant 0 : index
    %get3A_18 = arith.constant 0 : index
    %get3A_19 = vector.load %arg4[%get3A_17, %get3A_18] : memref<1x8xf32, #tpu.memory_space<vmem>>, vector<1x8xf32>
    %add3A_20 = vector.broadcast %get3A_19 : vector<1x8xf32> to vector<2048x8xf32>
    %add3A_21 = arith.addf %dot_general3A_16, %add3A_20 : vector<2048x8xf32>
    %reduce_max3A = arith.constant dense<0xFF800000> : vector<2048xf32>
    %reduce_max3A_22 = vector.multi_reduction <maximumf>, %add3A_21, %reduce_max3A [1] : vector<2048x8xf32> to vector<2048xf32>
    %broadcast_in_dim3A = vector.shape_cast %reduce_max3A_22 : vector<2048xf32> to vector<2048x1xf32>
    %sub3A = vector.broadcast %broadcast_in_dim3A : vector<2048x1xf32> to vector<2048x8xf32>
    %sub3A_23 = arith.subf %add3A_21, %sub3A : vector<2048x8xf32>
    %exp3A = math.exp %sub3A_23 : vector<2048x8xf32>
    %reduce_sum3A = arith.constant dense<0.000000e+00> : vector<2048xf32>
    %reduce_sum3A_24 = vector.multi_reduction <add>, %exp3A, %reduce_sum3A [1] : vector<2048x8xf32> to vector<2048xf32>
    %broadcast_in_dim3A_25 = vector.shape_cast %reduce_sum3A_24 : vector<2048xf32> to vector<2048x1xf32>
    %div3A = vector.broadcast %broadcast_in_dim3A_25 : vector<2048x1xf32> to vector<2048x8xf32>
    %div3A_26 = arith.divf %exp3A, %div3A : vector<2048x8xf32>
    %iota3A = tpu.iota {dimensions = array<i32: 1>} : vector<2048x8xi32>
    %reduce_max3A_27 = arith.constant dense<0xFF800000> : vector<2048xf32>
    %reduce_max3A_28 = vector.multi_reduction <maximumf>, %div3A_26, %reduce_max3A_27 [1] : vector<2048x8xf32> to vector<2048xf32>
    %broadcast_in_dim3A_29 = vector.shape_cast %reduce_max3A_28 : vector<2048xf32> to vector<2048x1xf32>
    %eq3A = vector.broadcast %broadcast_in_dim3A_29 : vector<2048x1xf32> to vector<2048x8xf32>
    %eq3A_30 = arith.cmpf oeq, %div3A_26, %eq3A : vector<2048x8xf32>
    %jit3A = arith.constant 8 : i32
    %broadcast_in_dim3A_31 = vector.broadcast %jit3A : i32 to vector<2048x8xi32>
    %select_n3A = arith.select %eq3A_30, %iota3A, %broadcast_in_dim3A_31 : vector<2048x8xi1>, vector<2048x8xi32>
    %reduce_min3A = arith.constant dense<2147483647> : vector<2048xi32>
    %reduce_min3A_32 = vector.multi_reduction <minsi>, %select_n3A, %reduce_min3A [1] : vector<2048x8xi32> to vector<2048xi32>
    %broadcast_in_dim3A_33 = vector.shape_cast %reduce_min3A_32 : vector<2048xi32> to vector<2048x1xi32>
    %eq3A_34 = vector.broadcast %broadcast_in_dim3A_33 : vector<2048x1xi32> to vector<2048x8xi32>
    %eq3A_35 = arith.cmpi eq, %iota3A, %eq3A_34 : vector<2048x8xi32>
    %jit3A_36 = arith.constant 0xFF800000 : f32
    %broadcast_in_dim3A_37 = vector.broadcast %jit3A_36 : f32 to vector<2048x8xf32>
    %select_n3A_38 = arith.select %eq3A_35, %broadcast_in_dim3A_37, %div3A_26 : vector<2048x8xi1>, vector<2048x8xf32>
    %reduce_max3A_39 = arith.constant dense<0xFF800000> : vector<2048xf32>
    %reduce_max3A_40 = vector.multi_reduction <maximumf>, %select_n3A_38, %reduce_max3A_39 [1] : vector<2048x8xf32> to vector<2048xf32>
    %broadcast_in_dim3A_41 = vector.shape_cast %reduce_max3A_40 : vector<2048xf32> to vector<2048x1xf32>
    %eq3A_42 = vector.broadcast %broadcast_in_dim3A_41 : vector<2048x1xf32> to vector<2048x8xf32>
    %eq3A_43 = arith.cmpf oeq, %select_n3A_38, %eq3A_42 : vector<2048x8xf32>
    %jit3A_44 = arith.constant 8 : i32
    %broadcast_in_dim3A_45 = vector.broadcast %jit3A_44 : i32 to vector<2048x8xi32>
    %select_n3A_46 = arith.select %eq3A_43, %iota3A, %broadcast_in_dim3A_45 : vector<2048x8xi1>, vector<2048x8xi32>
    %reduce_min3A_47 = arith.constant dense<2147483647> : vector<2048xi32>
    %reduce_min3A_48 = vector.multi_reduction <minsi>, %select_n3A_46, %reduce_min3A_47 [1] : vector<2048x8xi32> to vector<2048xi32>
    %broadcast_in_dim3A_49 = vector.shape_cast %reduce_min3A_48 : vector<2048xi32> to vector<2048x1xi32>
    %eq3A_50 = arith.constant 0 : i32
    %eq3A_51 = vector.broadcast %eq3A_50 : i32 to vector<2048x8xi32>
    %eq3A_52 = arith.cmpi eq, %iota3A, %eq3A_51 : vector<2048x8xi32>
    %eq3A_53 = arith.constant 1 : i32
    %eq3A_54 = vector.broadcast %eq3A_53 : i32 to vector<2048x8xi32>
    %eq3A_55 = arith.cmpi eq, %iota3A, %eq3A_54 : vector<2048x8xi32>
    %jit3A_56 = arith.constant 0 : i32
    %broadcast_in_dim3A_57 = vector.shape_cast %broadcast_in_dim3A_49 : vector<2048x1xi32> to vector<2048x1xi32>
    %broadcast_in_dim3A_58 = vector.broadcast %broadcast_in_dim3A_57 : vector<2048x1xi32> to vector<2048x8xi32>
    %broadcast_in_dim3A_59 = vector.broadcast %jit3A_56 : i32 to vector<2048x8xi32>
    %select_n3A_60 = arith.select %eq3A_55, %broadcast_in_dim3A_58, %broadcast_in_dim3A_59 : vector<2048x8xi1>, vector<2048x8xi32>
    %broadcast_in_dim3A_61 = vector.shape_cast %broadcast_in_dim3A_33 : vector<2048x1xi32> to vector<2048x1xi32>
    %broadcast_in_dim3A_62 = vector.broadcast %broadcast_in_dim3A_61 : vector<2048x1xi32> to vector<2048x8xi32>
    %select_n3A_63 = arith.select %eq3A_52, %broadcast_in_dim3A_62, %select_n3A_60 : vector<2048x8xi1>, vector<2048x8xi32>
    %swap3A = arith.constant 0 : index
    %swap3A_64 = arith.constant 0 : index
    %swap3A_65 = vector.load %arg5[%swap3A, %swap3A_64] : memref<2048x8xi32, #tpu.memory_space<vmem>>, vector<2048x8xi32>
    tpu.vector_store %arg5[%swap3A, %swap3A_64], %select_n3A_63 {strides = array<i32>} : memref<2048x8xi32, #tpu.memory_space<vmem>>, vector<2048x8xi32>,
    %add3A_66 = arith.addf %broadcast_in_dim3A_29, %broadcast_in_dim3A_41 : vector<2048x1xf32>
    %eq3A_67 = arith.constant 0 : i32
    %eq3A_68 = vector.broadcast %eq3A_67 : i32 to vector<2048x8xi32>
    %eq3A_69 = arith.cmpi eq, %iota3A, %eq3A_68 : vector<2048x8xi32>
    %div3A_70 = arith.divf %broadcast_in_dim3A_29, %add3A_66 : vector<2048x1xf32>
    %eq3A_71 = arith.constant 1 : i32
    %eq3A_72 = vector.broadcast %eq3A_71 : i32 to vector<2048x8xi32>
    %eq3A_73 = arith.cmpi eq, %iota3A, %eq3A_72 : vector<2048x8xi32>
    %div3A_74 = arith.divf %broadcast_in_dim3A_41, %add3A_66 : vector<2048x1xf32>
    %jit3A_75 = arith.constant 0.000000e+00 : f32
    %broadcast_in_dim3A_76 = vector.shape_cast %div3A_74 : vector<2048x1xf32> to vector<2048x1xf32>
    %broadcast_in_dim3A_77 = vector.broadcast %broadcast_in_dim3A_76 : vector<2048x1xf32> to vector<2048x8xf32>
    %broadcast_in_dim3A_78 = vector.broadcast %jit3A_75 : f32 to vector<2048x8xf32>
    %select_n3A_79 = arith.select %eq3A_73, %broadcast_in_dim3A_77, %broadcast_in_dim3A_78 : vector<2048x8xi1>, vector<2048x8xf32>
    %broadcast_in_dim3A_80 = vector.shape_cast %div3A_70 : vector<2048x1xf32> to vector<2048x1xf32>
    %broadcast_in_dim3A_81 = vector.broadcast %broadcast_in_dim3A_80 : vector<2048x1xf32> to vector<2048x8xf32>
    %select_n3A_82 = arith.select %eq3A_69, %broadcast_in_dim3A_81, %select_n3A_79 : vector<2048x8xi1>, vector<2048x8xf32>
    %swap3A_83 = arith.constant 0 : index
    %swap3A_84 = arith.constant 0 : index
    %swap3A_85 = vector.load %arg6[%swap3A_83, %swap3A_84] : memref<2048x8xf32, #tpu.memory_space<vmem>>, vector<2048x8xf32>
    tpu.vector_store %arg6[%swap3A_83, %swap3A_84], %select_n3A_82 {strides = array<i32>} : memref<2048x8xf32, #tpu.memory_space<vmem>>, vector<2048x8xf32>,
    %iota3A_86 = tpu.iota {dimensions = array<i32: 1>} : vector<2048x16xi32>
    %eq3A_87 = vector.broadcast %broadcast_in_dim3A_33 : vector<2048x1xi32> to vector<2048x16xi32>
    %eq3A_88 = arith.cmpi eq, %iota3A_86, %eq3A_87 : vector<2048x16xi32>
    %eq3A_89 = vector.broadcast %broadcast_in_dim3A_49 : vector<2048x1xi32> to vector<2048x16xi32>
    %eq3A_90 = arith.cmpi eq, %iota3A_86, %eq3A_89 : vector<2048x16xi32>
    %or3A = arith.ori %eq3A_88, %eq3A_90 : vector<2048x16xi1>
    %convert_element_type3A = arith.extui %or3A : vector<2048x16xi1> to vector<2048x16xi32>
    %slice3A = vector.extract_strided_slice %convert_element_type3A {offsets = [0, 0], sizes = [64, 16], strides = [1, 1]} : vector<2048x16xi32> to vector<64x16xi32>
    %reduce_sum3A_91 = arith.constant dense<0> : vector<16xi32>
    %reduce_sum3A_92 = vector.multi_reduction <add>, %slice3A, %reduce_sum3A_91 [0] : vector<64x16xi32> to vector<16xi32>
    %broadcast_in_dim3A_93 = vector.shape_cast %reduce_sum3A_92 : vector<16xi32> to vector<1x16xi32>
    %swap3A_94 = arith.constant 0 : index
    %swap3A_95 = arith.constant 0 : index
    %swap3A_96 = vector.load %arg7[%swap3A_94, %swap3A_95] : memref<32x16xi32, #tpu.memory_space<vmem>>, vector<1x16xi32>
    tpu.vector_store %arg7[%swap3A_94, %swap3A_95], %broadcast_in_dim3A_93 {strides = array<i32>} : memref<32x16xi32, #tpu.memory_space<vmem>>, vector<1x16xi32>,
    %slice3A_97 = vector.extract_strided_slice %convert_element_type3A {offsets = [64, 0], sizes = [64, 16], strides = [1, 1]} : vector<2048x16xi32> to vector<64x16xi32>
    %reduce_sum3A_98 = arith.constant dense<0> : vector<16xi32>
    %reduce_sum3A_99 = vector.multi_reduction <add>, %slice3A_97, %reduce_sum3A_98 [0] : vector<64x16xi32> to vector<16xi32>
    %broadcast_in_dim3A_100 = vector.shape_cast %reduce_sum3A_99 : vector<16xi32> to vector<1x16xi32>
    %swap3A_101 = arith.constant 1 : index
    %swap3A_102 = arith.constant 0 : index
    %swap3A_103 = vector.load %arg7[%swap3A_101, %swap3A_102] : memref<32x16xi32, #tpu.memory_space<vmem>>, vector<1x16xi32>
    tpu.vector_store %arg7[%swap3A_101, %swap3A_102], %broadcast_in_dim3A_100 {strides = array<i32>} : memref<32x16xi32, #tpu.memory_space<vmem>>, vector<1x16xi32>,
    %slice3A_104 = vector.extract_strided_slice %convert_element_type3A {offsets = [128, 0], sizes = [64, 16], strides = [1, 1]} : vector<2048x16xi32> to vector<64x16xi32>
    %reduce_sum3A_105 = arith.constant dense<0> : vector<16xi32>
    %reduce_sum3A_106 = vector.multi_reduction <add>, %slice3A_104, %reduce_sum3A_105 [0] : vector<64x16xi32> to vector<16xi32>
    %broadcast_in_dim3A_107 = vector.shape_cast %reduce_sum3A_106 : vector<16xi32> to vector<1x16xi32>
    %swap3A_108 = arith.constant 2 : index
    %swap3A_109 = arith.constant 0 : index
    %swap3A_110 = vector.load %arg7[%swap3A_108, %swap3A_109] : memref<32x16xi32, #tpu.memory_space<vmem>>, vector<1x16xi32>
    tpu.vector_store %arg7[%swap3A_108, %swap3A_109], %broadcast_in_dim3A_107 {strides = array<i32>} : memref<32x16xi32, #tpu.memory_space<vmem>>, vector<1x16xi32>,
    %slice3A_111 = vector.extract_strided_slice %convert_element_type3A {offsets = [192, 0], sizes = [64, 16], strides = [1, 1]} : vector<2048x16xi32> to vector<64x16xi32>
    %reduce_sum3A_112 = arith.constant dense<0> : vector<16xi32>
    %reduce_sum3A_113 = vector.multi_reduction <add>, %slice3A_111, %reduce_sum3A_112 [0] : vector<64x16xi32> to vector<16xi32>
    %broadcast_in_dim3A_114 = vector.shape_cast %reduce_sum3A_113 : vector<16xi32> to vector<1x16xi32>
    %swap3A_115 = arith.constant 3 : index
    %swap3A_116 = arith.constant 0 : index
    %swap3A_117 = vector.load %arg7[%swap3A_115, %swap3A_116] : memref<32x16xi32, #tpu.memory_space<vmem>>, vector<1x16xi32>
    tpu.vector_store %arg7[%swap3A_115, %swap3A_116], %broadcast_in_dim3A_114 {strides = array<i32>} : memref<32x16xi32, #tpu.memory_space<vmem>>, vector<1x16xi32>,
    %slice3A_118 = vector.extract_strided_slice %convert_element_type3A {offsets = [256, 0], sizes = [64, 16], strides = [1, 1]} : vector<2048x16xi32> to vector<64x16xi32>
    %reduce_sum3A_119 = arith.constant dense<0> : vector<16xi32>
    %reduce_sum3A_120 = vector.multi_reduction <add>, %slice3A_118, %reduce_sum3A_119 [0] : vector<64x16xi32> to vector<16xi32>
    %broadcast_in_dim3A_121 = vector.shape_cast %reduce_sum3A_120 : vector<16xi32> to vector<1x16xi32>
    %swap3A_122 = arith.constant 4 : index
    %swap3A_123 = arith.constant 0 : index
    %swap3A_124 = vector.load %arg7[%swap3A_122, %swap3A_123] : memref<32x16xi32, #tpu.memory_space<vmem>>, vector<1x16xi32>
    tpu.vector_store %arg7[%swap3A_122, %swap3A_123], %broadcast_in_dim3A_121 {strides = array<i32>} : memref<32x16xi32, #tpu.memory_space<vmem>>, vector<1x16xi32>,
    %slice3A_125 = vector.extract_strided_slice %convert_element_type3A {offsets = [320, 0], sizes = [64, 16], strides = [1, 1]} : vector<2048x16xi32> to vector<64x16xi32>
    %reduce_sum3A_126 = arith.constant dense<0> : vector<16xi32>
    %reduce_sum3A_127 = vector.multi_reduction <add>, %slice3A_125, %reduce_sum3A_126 [0] : vector<64x16xi32> to vector<16xi32>
    %broadcast_in_dim3A_128 = vector.shape_cast %reduce_sum3A_127 : vector<16xi32> to vector<1x16xi32>
    %swap3A_129 = arith.constant 5 : index
    %swap3A_130 = arith.constant 0 : index
    %swap3A_131 = vector.load %arg7[%swap3A_129, %swap3A_130] : memref<32x16xi32, #tpu.memory_space<vmem>>, vector<1x16xi32>
    tpu.vector_store %arg7[%swap3A_129, %swap3A_130], %broadcast_in_dim3A_128 {strides = array<i32>} : memref<32x16xi32, #tpu.memory_space<vmem>>, vector<1x16xi32>,
    %slice3A_132 = vector.extract_strided_slice %convert_element_type3A {offsets = [384, 0], sizes = [64, 16], strides = [1, 1]} : vector<2048x16xi32> to vector<64x16xi32>
    %reduce_sum3A_133 = arith.constant dense<0> : vector<16xi32>
    %reduce_sum3A_134 = vector.multi_reduction <add>, %slice3A_132, %reduce_sum3A_133 [0] : vector<64x16xi32> to vector<16xi32>
    %broadcast_in_dim3A_135 = vector.shape_cast %reduce_sum3A_134 : vector<16xi32> to vector<1x16xi32>
    %swap3A_136 = arith.constant 6 : index
    %swap3A_137 = arith.constant 0 : index
    %swap3A_138 = vector.load %arg7[%swap3A_136, %swap3A_137] : memref<32x16xi32, #tpu.memory_space<vmem>>, vector<1x16xi32>
    tpu.vector_store %arg7[%swap3A_136, %swap3A_137], %broadcast_in_dim3A_135 {strides = array<i32>} : memref<32x16xi32, #tpu.memory_space<vmem>>, vector<1x16xi32>,
    %slice3A_139 = vector.extract_strided_slice %convert_element_type3A {offsets = [448, 0], sizes = [64, 16], strides = [1, 1]} : vector<2048x16xi32> to vector<64x16xi32>
    %reduce_sum3A_140 = arith.constant dense<0> : vector<16xi32>
    %reduce_sum3A_141 = vector.multi_reduction <add>, %slice3A_139, %reduce_sum3A_140 [0] : vector<64x16xi32> to vector<16xi32>
    %broadcast_in_dim3A_142 = vector.shape_cast %reduce_sum3A_141 : vector<16xi32> to vector<1x16xi32>
    %swap3A_143 = arith.constant 7 : index
    %swap3A_144 = arith.constant 0 : index
    %swap3A_145 = vector.load %arg7[%swap3A_143, %swap3A_144] : memref<32x16xi32, #tpu.memory_space<vmem>>, vector<1x16xi32>
    tpu.vector_store %arg7[%swap3A_143, %swap3A_144], %broadcast_in_dim3A_142 {strides = array<i32>} : memref<32x16xi32, #tpu.memory_space<vmem>>, vector<1x16xi32>,
    %slice3A_146 = vector.extract_strided_slice %convert_element_type3A {offsets = [512, 0], sizes = [64, 16], strides = [1, 1]} : vector<2048x16xi32> to vector<64x16xi32>
    %reduce_sum3A_147 = arith.constant dense<0> : vector<16xi32>
    %reduce_sum3A_148 = vector.multi_reduction <add>, %slice3A_146, %reduce_sum3A_147 [0] : vector<64x16xi32> to vector<16xi32>
    %broadcast_in_dim3A_149 = vector.shape_cast %reduce_sum3A_148 : vector<16xi32> to vector<1x16xi32>
    %swap3A_150 = arith.constant 8 : index
    %swap3A_151 = arith.constant 0 : index
    %swap3A_152 = vector.load %arg7[%swap3A_150, %swap3A_151] : memref<32x16xi32, #tpu.memory_space<vmem>>, vector<1x16xi32>
    tpu.vector_store %arg7[%swap3A_150, %swap3A_151], %broadcast_in_dim3A_149 {strides = array<i32>} : memref<32x16xi32, #tpu.memory_space<vmem>>, vector<1x16xi32>,
    %slice3A_153 = vector.extract_strided_slice %convert_element_type3A {offsets = [576, 0], sizes = [64, 16], strides = [1, 1]} : vector<2048x16xi32> to vector<64x16xi32>
    %reduce_sum3A_154 = arith.constant dense<0> : vector<16xi32>
    %reduce_sum3A_155 = vector.multi_reduction <add>, %slice3A_153, %reduce_sum3A_154 [0] : vector<64x16xi32> to vector<16xi32>
    %broadcast_in_dim3A_156 = vector.shape_cast %reduce_sum3A_155 : vector<16xi32> to vector<1x16xi32>
    %swap3A_157 = arith.constant 9 : index
    %swap3A_158 = arith.constant 0 : index
    %swap3A_159 = vector.load %arg7[%swap3A_157, %swap3A_158] : memref<32x16xi32, #tpu.memory_space<vmem>>, vector<1x16xi32>
    tpu.vector_store %arg7[%swap3A_157, %swap3A_158], %broadcast_in_dim3A_156 {strides = array<i32>} : memref<32x16xi32, #tpu.memory_space<vmem>>, vector<1x16xi32>,
    %slice3A_160 = vector.extract_strided_slice %convert_element_type3A {offsets = [640, 0], sizes = [64, 16], strides = [1, 1]} : vector<2048x16xi32> to vector<64x16xi32>
    %reduce_sum3A_161 = arith.constant dense<0> : vector<16xi32>
    %reduce_sum3A_162 = vector.multi_reduction <add>, %slice3A_160, %reduce_sum3A_161 [0] : vector<64x16xi32> to vector<16xi32>
    %broadcast_in_dim3A_163 = vector.shape_cast %reduce_sum3A_162 : vector<16xi32> to vector<1x16xi32>
    %swap3A_164 = arith.constant 10 : index
    %swap3A_165 = arith.constant 0 : index
    %swap3A_166 = vector.load %arg7[%swap3A_164, %swap3A_165] : memref<32x16xi32, #tpu.memory_space<vmem>>, vector<1x16xi32>
    tpu.vector_store %arg7[%swap3A_164, %swap3A_165], %broadcast_in_dim3A_163 {strides = array<i32>} : memref<32x16xi32, #tpu.memory_space<vmem>>, vector<1x16xi32>,
    %slice3A_167 = vector.extract_strided_slice %convert_element_type3A {offsets = [704, 0], sizes = [64, 16], strides = [1, 1]} : vector<2048x16xi32> to vector<64x16xi32>
    %reduce_sum3A_168 = arith.constant dense<0> : vector<16xi32>
    %reduce_sum3A_169 = vector.multi_reduction <add>, %slice3A_167, %reduce_sum3A_168 [0] : vector<64x16xi32> to vector<16xi32>
    %broadcast_in_dim3A_170 = vector.shape_cast %reduce_sum3A_169 : vector<16xi32> to vector<1x16xi32>
    %swap3A_171 = arith.constant 11 : index
    %swap3A_172 = arith.constant 0 : index
    %swap3A_173 = vector.load %arg7[%swap3A_171, %swap3A_172] : memref<32x16xi32, #tpu.memory_space<vmem>>, vector<1x16xi32>
    tpu.vector_store %arg7[%swap3A_171, %swap3A_172], %broadcast_in_dim3A_170 {strides = array<i32>} : memref<32x16xi32, #tpu.memory_space<vmem>>, vector<1x16xi32>,
    %slice3A_174 = vector.extract_strided_slice %convert_element_type3A {offsets = [768, 0], sizes = [64, 16], strides = [1, 1]} : vector<2048x16xi32> to vector<64x16xi32>
    %reduce_sum3A_175 = arith.constant dense<0> : vector<16xi32>
    %reduce_sum3A_176 = vector.multi_reduction <add>, %slice3A_174, %reduce_sum3A_175 [0] : vector<64x16xi32> to vector<16xi32>
    %broadcast_in_dim3A_177 = vector.shape_cast %reduce_sum3A_176 : vector<16xi32> to vector<1x16xi32>
    %swap3A_178 = arith.constant 12 : index
    %swap3A_179 = arith.constant 0 : index
    %swap3A_180 = vector.load %arg7[%swap3A_178, %swap3A_179] : memref<32x16xi32, #tpu.memory_space<vmem>>, vector<1x16xi32>
    tpu.vector_store %arg7[%swap3A_178, %swap3A_179], %broadcast_in_dim3A_177 {strides = array<i32>} : memref<32x16xi32, #tpu.memory_space<vmem>>, vector<1x16xi32>,
    %slice3A_181 = vector.extract_strided_slice %convert_element_type3A {offsets = [832, 0], sizes = [64, 16], strides = [1, 1]} : vector<2048x16xi32> to vector<64x16xi32>
    %reduce_sum3A_182 = arith.constant dense<0> : vector<16xi32>
    %reduce_sum3A_183 = vector.multi_reduction <add>, %slice3A_181, %reduce_sum3A_182 [0] : vector<64x16xi32> to vector<16xi32>
    %broadcast_in_dim3A_184 = vector.shape_cast %reduce_sum3A_183 : vector<16xi32> to vector<1x16xi32>
    %swap3A_185 = arith.constant 13 : index
    %swap3A_186 = arith.constant 0 : index
    %swap3A_187 = vector.load %arg7[%swap3A_185, %swap3A_186] : memref<32x16xi32, #tpu.memory_space<vmem>>, vector<1x16xi32>
    tpu.vector_store %arg7[%swap3A_185, %swap3A_186], %broadcast_in_dim3A_184 {strides = array<i32>} : memref<32x16xi32, #tpu.memory_space<vmem>>, vector<1x16xi32>,
    %slice3A_188 = vector.extract_strided_slice %convert_element_type3A {offsets = [896, 0], sizes = [64, 16], strides = [1, 1]} : vector<2048x16xi32> to vector<64x16xi32>
    %reduce_sum3A_189 = arith.constant dense<0> : vector<16xi32>
    %reduce_sum3A_190 = vector.multi_reduction <add>, %slice3A_188, %reduce_sum3A_189 [0] : vector<64x16xi32> to vector<16xi32>
    %broadcast_in_dim3A_191 = vector.shape_cast %reduce_sum3A_190 : vector<16xi32> to vector<1x16xi32>
    %swap3A_192 = arith.constant 14 : index
    %swap3A_193 = arith.constant 0 : index
    %swap3A_194 = vector.load %arg7[%swap3A_192, %swap3A_193] : memref<32x16xi32, #tpu.memory_space<vmem>>, vector<1x16xi32>
    tpu.vector_store %arg7[%swap3A_192, %swap3A_193], %broadcast_in_dim3A_191 {strides = array<i32>} : memref<32x16xi32, #tpu.memory_space<vmem>>, vector<1x16xi32>,
    %slice3A_195 = vector.extract_strided_slice %convert_element_type3A {offsets = [960, 0], sizes = [64, 16], strides = [1, 1]} : vector<2048x16xi32> to vector<64x16xi32>
    %reduce_sum3A_196 = arith.constant dense<0> : vector<16xi32>
    %reduce_sum3A_197 = vector.multi_reduction <add>, %slice3A_195, %reduce_sum3A_196 [0] : vector<64x16xi32> to vector<16xi32>
    %broadcast_in_dim3A_198 = vector.shape_cast %reduce_sum3A_197 : vector<16xi32> to vector<1x16xi32>
    %swap3A_199 = arith.constant 15 : index
    %swap3A_200 = arith.constant 0 : index
    %swap3A_201 = vector.load %arg7[%swap3A_199, %swap3A_200] : memref<32x16xi32, #tpu.memory_space<vmem>>, vector<1x16xi32>
    tpu.vector_store %arg7[%swap3A_199, %swap3A_200], %broadcast_in_dim3A_198 {strides = array<i32>} : memref<32x16xi32, #tpu.memory_space<vmem>>, vector<1x16xi32>,
    %slice3A_202 = vector.extract_strided_slice %convert_element_type3A {offsets = [1024, 0], sizes = [64, 16], strides = [1, 1]} : vector<2048x16xi32> to vector<64x16xi32>
    %reduce_sum3A_203 = arith.constant dense<0> : vector<16xi32>
    %reduce_sum3A_204 = vector.multi_reduction <add>, %slice3A_202, %reduce_sum3A_203 [0] : vector<64x16xi32> to vector<16xi32>
    %broadcast_in_dim3A_205 = vector.shape_cast %reduce_sum3A_204 : vector<16xi32> to vector<1x16xi32>
    %swap3A_206 = arith.constant 16 : index
    %swap3A_207 = arith.constant 0 : index
    %swap3A_208 = vector.load %arg7[%swap3A_206, %swap3A_207] : memref<32x16xi32, #tpu.memory_space<vmem>>, vector<1x16xi32>
    tpu.vector_store %arg7[%swap3A_206, %swap3A_207], %broadcast_in_dim3A_205 {strides = array<i32>} : memref<32x16xi32, #tpu.memory_space<vmem>>, vector<1x16xi32>,
    %slice3A_209 = vector.extract_strided_slice %convert_element_type3A {offsets = [1088, 0], sizes = [64, 16], strides = [1, 1]} : vector<2048x16xi32> to vector<64x16xi32>
    %reduce_sum3A_210 = arith.constant dense<0> : vector<16xi32>
    %reduce_sum3A_211 = vector.multi_reduction <add>, %slice3A_209, %reduce_sum3A_210 [0] : vector<64x16xi32> to vector<16xi32>
    %broadcast_in_dim3A_212 = vector.shape_cast %reduce_sum3A_211 : vector<16xi32> to vector<1x16xi32>
    %swap3A_213 = arith.constant 17 : index
    %swap3A_214 = arith.constant 0 : index
    %swap3A_215 = vector.load %arg7[%swap3A_213, %swap3A_214] : memref<32x16xi32, #tpu.memory_space<vmem>>, vector<1x16xi32>
    tpu.vector_store %arg7[%swap3A_213, %swap3A_214], %broadcast_in_dim3A_212 {strides = array<i32>} : memref<32x16xi32, #tpu.memory_space<vmem>>, vector<1x16xi32>,
    %slice3A_216 = vector.extract_strided_slice %convert_element_type3A {offsets = [1152, 0], sizes = [64, 16], strides = [1, 1]} : vector<2048x16xi32> to vector<64x16xi32>
    %reduce_sum3A_217 = arith.constant dense<0> : vector<16xi32>
    %reduce_sum3A_218 = vector.multi_reduction <add>, %slice3A_216, %reduce_sum3A_217 [0] : vector<64x16xi32> to vector<16xi32>
    %broadcast_in_dim3A_219 = vector.shape_cast %reduce_sum3A_218 : vector<16xi32> to vector<1x16xi32>
    %swap3A_220 = arith.constant 18 : index
    %swap3A_221 = arith.constant 0 : index
    %swap3A_222 = vector.load %arg7[%swap3A_220, %swap3A_221] : memref<32x16xi32, #tpu.memory_space<vmem>>, vector<1x16xi32>
    tpu.vector_store %arg7[%swap3A_220, %swap3A_221], %broadcast_in_dim3A_219 {strides = array<i32>} : memref<32x16xi32, #tpu.memory_space<vmem>>, vector<1x16xi32>,
    %slice3A_223 = vector.extract_strided_slice %convert_element_type3A {offsets = [1216, 0], sizes = [64, 16], strides = [1, 1]} : vector<2048x16xi32> to vector<64x16xi32>
    %reduce_sum3A_224 = arith.constant dense<0> : vector<16xi32>
    %reduce_sum3A_225 = vector.multi_reduction <add>, %slice3A_223, %reduce_sum3A_224 [0] : vector<64x16xi32> to vector<16xi32>
    %broadcast_in_dim3A_226 = vector.shape_cast %reduce_sum3A_225 : vector<16xi32> to vector<1x16xi32>
    %swap3A_227 = arith.constant 19 : index
    %swap3A_228 = arith.constant 0 : index
    %swap3A_229 = vector.load %arg7[%swap3A_227, %swap3A_228] : memref<32x16xi32, #tpu.memory_space<vmem>>, vector<1x16xi32>
    tpu.vector_store %arg7[%swap3A_227, %swap3A_228], %broadcast_in_dim3A_226 {strides = array<i32>} : memref<32x16xi32, #tpu.memory_space<vmem>>, vector<1x16xi32>,
    %slice3A_230 = vector.extract_strided_slice %convert_element_type3A {offsets = [1280, 0], sizes = [64, 16], strides = [1, 1]} : vector<2048x16xi32> to vector<64x16xi32>
    %reduce_sum3A_231 = arith.constant dense<0> : vector<16xi32>
    %reduce_sum3A_232 = vector.multi_reduction <add>, %slice3A_230, %reduce_sum3A_231 [0] : vector<64x16xi32> to vector<16xi32>
    %broadcast_in_dim3A_233 = vector.shape_cast %reduce_sum3A_232 : vector<16xi32> to vector<1x16xi32>
    %swap3A_234 = arith.constant 20 : index
    %swap3A_235 = arith.constant 0 : index
    %swap3A_236 = vector.load %arg7[%swap3A_234, %swap3A_235] : memref<32x16xi32, #tpu.memory_space<vmem>>, vector<1x16xi32>
    tpu.vector_store %arg7[%swap3A_234, %swap3A_235], %broadcast_in_dim3A_233 {strides = array<i32>} : memref<32x16xi32, #tpu.memory_space<vmem>>, vector<1x16xi32>,
    %slice3A_237 = vector.extract_strided_slice %convert_element_type3A {offsets = [1344, 0], sizes = [64, 16], strides = [1, 1]} : vector<2048x16xi32> to vector<64x16xi32>
    %reduce_sum3A_238 = arith.constant dense<0> : vector<16xi32>
    %reduce_sum3A_239 = vector.multi_reduction <add>, %slice3A_237, %reduce_sum3A_238 [0] : vector<64x16xi32> to vector<16xi32>
    %broadcast_in_dim3A_240 = vector.shape_cast %reduce_sum3A_239 : vector<16xi32> to vector<1x16xi32>
    %swap3A_241 = arith.constant 21 : index
    %swap3A_242 = arith.constant 0 : index
    %swap3A_243 = vector.load %arg7[%swap3A_241, %swap3A_242] : memref<32x16xi32, #tpu.memory_space<vmem>>, vector<1x16xi32>
    tpu.vector_store %arg7[%swap3A_241, %swap3A_242], %broadcast_in_dim3A_240 {strides = array<i32>} : memref<32x16xi32, #tpu.memory_space<vmem>>, vector<1x16xi32>,
    %slice3A_244 = vector.extract_strided_slice %convert_element_type3A {offsets = [1408, 0], sizes = [64, 16], strides = [1, 1]} : vector<2048x16xi32> to vector<64x16xi32>
    %reduce_sum3A_245 = arith.constant dense<0> : vector<16xi32>
    %reduce_sum3A_246 = vector.multi_reduction <add>, %slice3A_244, %reduce_sum3A_245 [0] : vector<64x16xi32> to vector<16xi32>
    %broadcast_in_dim3A_247 = vector.shape_cast %reduce_sum3A_246 : vector<16xi32> to vector<1x16xi32>
    %swap3A_248 = arith.constant 22 : index
    %swap3A_249 = arith.constant 0 : index
    %swap3A_250 = vector.load %arg7[%swap3A_248, %swap3A_249] : memref<32x16xi32, #tpu.memory_space<vmem>>, vector<1x16xi32>
    tpu.vector_store %arg7[%swap3A_248, %swap3A_249], %broadcast_in_dim3A_247 {strides = array<i32>} : memref<32x16xi32, #tpu.memory_space<vmem>>, vector<1x16xi32>,
    %slice3A_251 = vector.extract_strided_slice %convert_element_type3A {offsets = [1472, 0], sizes = [64, 16], strides = [1, 1]} : vector<2048x16xi32> to vector<64x16xi32>
    %reduce_sum3A_252 = arith.constant dense<0> : vector<16xi32>
    %reduce_sum3A_253 = vector.multi_reduction <add>, %slice3A_251, %reduce_sum3A_252 [0] : vector<64x16xi32> to vector<16xi32>
    %broadcast_in_dim3A_254 = vector.shape_cast %reduce_sum3A_253 : vector<16xi32> to vector<1x16xi32>
    %swap3A_255 = arith.constant 23 : index
    %swap3A_256 = arith.constant 0 : index
    %swap3A_257 = vector.load %arg7[%swap3A_255, %swap3A_256] : memref<32x16xi32, #tpu.memory_space<vmem>>, vector<1x16xi32>
    tpu.vector_store %arg7[%swap3A_255, %swap3A_256], %broadcast_in_dim3A_254 {strides = array<i32>} : memref<32x16xi32, #tpu.memory_space<vmem>>, vector<1x16xi32>,
    %slice3A_258 = vector.extract_strided_slice %convert_element_type3A {offsets = [1536, 0], sizes = [64, 16], strides = [1, 1]} : vector<2048x16xi32> to vector<64x16xi32>
    %reduce_sum3A_259 = arith.constant dense<0> : vector<16xi32>
    %reduce_sum3A_260 = vector.multi_reduction <add>, %slice3A_258, %reduce_sum3A_259 [0] : vector<64x16xi32> to vector<16xi32>
    %broadcast_in_dim3A_261 = vector.shape_cast %reduce_sum3A_260 : vector<16xi32> to vector<1x16xi32>
    %swap3A_262 = arith.constant 24 : index
    %swap3A_263 = arith.constant 0 : index
    %swap3A_264 = vector.load %arg7[%swap3A_262, %swap3A_263] : memref<32x16xi32, #tpu.memory_space<vmem>>, vector<1x16xi32>
    tpu.vector_store %arg7[%swap3A_262, %swap3A_263], %broadcast_in_dim3A_261 {strides = array<i32>} : memref<32x16xi32, #tpu.memory_space<vmem>>, vector<1x16xi32>,
    %slice3A_265 = vector.extract_strided_slice %convert_element_type3A {offsets = [1600, 0], sizes = [64, 16], strides = [1, 1]} : vector<2048x16xi32> to vector<64x16xi32>
    %reduce_sum3A_266 = arith.constant dense<0> : vector<16xi32>
    %reduce_sum3A_267 = vector.multi_reduction <add>, %slice3A_265, %reduce_sum3A_266 [0] : vector<64x16xi32> to vector<16xi32>
    %broadcast_in_dim3A_268 = vector.shape_cast %reduce_sum3A_267 : vector<16xi32> to vector<1x16xi32>
    %swap3A_269 = arith.constant 25 : index
    %swap3A_270 = arith.constant 0 : index
    %swap3A_271 = vector.load %arg7[%swap3A_269, %swap3A_270] : memref<32x16xi32, #tpu.memory_space<vmem>>, vector<1x16xi32>
    tpu.vector_store %arg7[%swap3A_269, %swap3A_270], %broadcast_in_dim3A_268 {strides = array<i32>} : memref<32x16xi32, #tpu.memory_space<vmem>>, vector<1x16xi32>,
    %slice3A_272 = vector.extract_strided_slice %convert_element_type3A {offsets = [1664, 0], sizes = [64, 16], strides = [1, 1]} : vector<2048x16xi32> to vector<64x16xi32>
    %reduce_sum3A_273 = arith.constant dense<0> : vector<16xi32>
    %reduce_sum3A_274 = vector.multi_reduction <add>, %slice3A_272, %reduce_sum3A_273 [0] : vector<64x16xi32> to vector<16xi32>
    %broadcast_in_dim3A_275 = vector.shape_cast %reduce_sum3A_274 : vector<16xi32> to vector<1x16xi32>
    %swap3A_276 = arith.constant 26 : index
    %swap3A_277 = arith.constant 0 : index
    %swap3A_278 = vector.load %arg7[%swap3A_276, %swap3A_277] : memref<32x16xi32, #tpu.memory_space<vmem>>, vector<1x16xi32>
    tpu.vector_store %arg7[%swap3A_276, %swap3A_277], %broadcast_in_dim3A_275 {strides = array<i32>} : memref<32x16xi32, #tpu.memory_space<vmem>>, vector<1x16xi32>,
    %slice3A_279 = vector.extract_strided_slice %convert_element_type3A {offsets = [1728, 0], sizes = [64, 16], strides = [1, 1]} : vector<2048x16xi32> to vector<64x16xi32>
    %reduce_sum3A_280 = arith.constant dense<0> : vector<16xi32>
    %reduce_sum3A_281 = vector.multi_reduction <add>, %slice3A_279, %reduce_sum3A_280 [0] : vector<64x16xi32> to vector<16xi32>
    %broadcast_in_dim3A_282 = vector.shape_cast %reduce_sum3A_281 : vector<16xi32> to vector<1x16xi32>
    %swap3A_283 = arith.constant 27 : index
    %swap3A_284 = arith.constant 0 : index
    %swap3A_285 = vector.load %arg7[%swap3A_283, %swap3A_284] : memref<32x16xi32, #tpu.memory_space<vmem>>, vector<1x16xi32>
    tpu.vector_store %arg7[%swap3A_283, %swap3A_284], %broadcast_in_dim3A_282 {strides = array<i32>} : memref<32x16xi32, #tpu.memory_space<vmem>>, vector<1x16xi32>,
    %slice3A_286 = vector.extract_strided_slice %convert_element_type3A {offsets = [1792, 0], sizes = [64, 16], strides = [1, 1]} : vector<2048x16xi32> to vector<64x16xi32>
    %reduce_sum3A_287 = arith.constant dense<0> : vector<16xi32>
    %reduce_sum3A_288 = vector.multi_reduction <add>, %slice3A_286, %reduce_sum3A_287 [0] : vector<64x16xi32> to vector<16xi32>
    %broadcast_in_dim3A_289 = vector.shape_cast %reduce_sum3A_288 : vector<16xi32> to vector<1x16xi32>
    %swap3A_290 = arith.constant 28 : index
    %swap3A_291 = arith.constant 0 : index
    %swap3A_292 = vector.load %arg7[%swap3A_290, %swap3A_291] : memref<32x16xi32, #tpu.memory_space<vmem>>, vector<1x16xi32>
    tpu.vector_store %arg7[%swap3A_290, %swap3A_291], %broadcast_in_dim3A_289 {strides = array<i32>} : memref<32x16xi32, #tpu.memory_space<vmem>>, vector<1x16xi32>,
    %slice3A_293 = vector.extract_strided_slice %convert_element_type3A {offsets = [1856, 0], sizes = [64, 16], strides = [1, 1]} : vector<2048x16xi32> to vector<64x16xi32>
    %reduce_sum3A_294 = arith.constant dense<0> : vector<16xi32>
    %reduce_sum3A_295 = vector.multi_reduction <add>, %slice3A_293, %reduce_sum3A_294 [0] : vector<64x16xi32> to vector<16xi32>
    %broadcast_in_dim3A_296 = vector.shape_cast %reduce_sum3A_295 : vector<16xi32> to vector<1x16xi32>
    %swap3A_297 = arith.constant 29 : index
    %swap3A_298 = arith.constant 0 : index
    %swap3A_299 = vector.load %arg7[%swap3A_297, %swap3A_298] : memref<32x16xi32, #tpu.memory_space<vmem>>, vector<1x16xi32>
    tpu.vector_store %arg7[%swap3A_297, %swap3A_298], %broadcast_in_dim3A_296 {strides = array<i32>} : memref<32x16xi32, #tpu.memory_space<vmem>>, vector<1x16xi32>,
    %slice3A_300 = vector.extract_strided_slice %convert_element_type3A {offsets = [1920, 0], sizes = [64, 16], strides = [1, 1]} : vector<2048x16xi32> to vector<64x16xi32>
    %reduce_sum3A_301 = arith.constant dense<0> : vector<16xi32>
    %reduce_sum3A_302 = vector.multi_reduction <add>, %slice3A_300, %reduce_sum3A_301 [0] : vector<64x16xi32> to vector<16xi32>
    %broadcast_in_dim3A_303 = vector.shape_cast %reduce_sum3A_302 : vector<16xi32> to vector<1x16xi32>
    %swap3A_304 = arith.constant 30 : index
    %swap3A_305 = arith.constant 0 : index
    %swap3A_306 = vector.load %arg7[%swap3A_304, %swap3A_305] : memref<32x16xi32, #tpu.memory_space<vmem>>, vector<1x16xi32>
    tpu.vector_store %arg7[%swap3A_304, %swap3A_305], %broadcast_in_dim3A_303 {strides = array<i32>} : memref<32x16xi32, #tpu.memory_space<vmem>>, vector<1x16xi32>,
    %slice3A_307 = vector.extract_strided_slice %convert_element_type3A {offsets = [1984, 0], sizes = [64, 16], strides = [1, 1]} : vector<2048x16xi32> to vector<64x16xi32>
    %reduce_sum3A_308 = arith.constant dense<0> : vector<16xi32>
    %reduce_sum3A_309 = vector.multi_reduction <add>, %slice3A_307, %reduce_sum3A_308 [0] : vector<64x16xi32> to vector<16xi32>
    %broadcast_in_dim3A_310 = vector.shape_cast %reduce_sum3A_309 : vector<16xi32> to vector<1x16xi32>
    %swap3A_311 = arith.constant 31 : index
    %swap3A_312 = arith.constant 0 : index
    %swap3A_313 = vector.load %arg7[%swap3A_311, %swap3A_312] : memref<32x16xi32, #tpu.memory_space<vmem>>, vector<1x16xi32>
    tpu.vector_store %arg7[%swap3A_311, %swap3A_312], %broadcast_in_dim3A_310 {strides = array<i32>} : memref<32x16xi32, #tpu.memory_space<vmem>>, vector<1x16xi32>,
    return
  }
}

module attributes {stable_mosaic.version = 14 : i64} {
  func.func @_mm_body(%arg0: i32, %arg1: i32, %arg2: memref<16xi32, #tpu.memory_space<smem>>, %arg3: memref<2x2048xi32, #tpu.memory_space<vmem>>, %arg4: memref<2048x768xbf16, #tpu.memory_space<vmem>>, %arg5: memref<1x768x896xf32, #tpu.memory_space<vmem>>, %arg6: memref<1x1x896xf32, #tpu.memory_space<vmem>>, %arg7: memref<1x896x768xf32, #tpu.memory_space<vmem>>, %arg8: memref<1x1x768xf32, #tpu.memory_space<vmem>>, %arg9: memref<5120x768xf32, #tpu.memory_space<vmem>>, %arg10: memref<5120x768xbf16, #tpu.memory_space<vmem>>) attributes {dimension_semantics = [#tpu.dimension_semantics<arbitrary>, #tpu.dimension_semantics<arbitrary>], iteration_bounds = array<i64: 8, 3>, scalar_prefetch = 1 : i64, scratch_operands = 1 : i64, tpu.core_type = #tpu.core_type<tc>, window_params = [{pipeline_mode = #tpu.pipeline_mode<synchronous>, transform_indices = @transform_0, window_bounds = array<i64: 2, 2048>}, {pipeline_mode = #tpu.pipeline_mode<synchronous>, transform_indices = @transform_1, window_bounds = array<i64: 2048, 768>}, {transform_indices = @transform_2, window_bounds = array<i64: 1, 768, 896>}, {transform_indices = @transform_3, window_bounds = array<i64: 1, 1, 896>}, {transform_indices = @transform_4, window_bounds = array<i64: 1, 896, 768>}, {transform_indices = @transform_5, window_bounds = array<i64: 1, 1, 768>}, {pipeline_mode = #tpu.pipeline_mode<synchronous>, transform_indices = @transform_6, window_bounds = array<i64: 5120, 768>}]} {
    %get3A = arith.constant 0 : index
    %get3A_0 = arith.constant 0 : index
    %get3A_1 = arith.constant 0 : index
    %get3A_2 = vector.load %arg5[%get3A, %get3A_0, %get3A_1] : memref<1x768x896xf32, #tpu.memory_space<vmem>>, vector<1x768x896xf32>
    %get3A_3 = vector.shape_cast %get3A_2 : vector<1x768x896xf32> to vector<768x896xf32>
    %convert_element_type3A = arith.truncf %get3A_3 : vector<768x896xf32> to vector<768x896xbf16>
    %get3A_4 = arith.constant 0 : index
    %get3A_5 = arith.constant 0 : index
    %get3A_6 = arith.constant 0 : index
    %get3A_7 = vector.load %arg7[%get3A_4, %get3A_5, %get3A_6] : memref<1x896x768xf32, #tpu.memory_space<vmem>>, vector<1x896x768xf32>
    %get3A_8 = vector.shape_cast %get3A_7 : vector<1x896x768xf32> to vector<896x768xf32>
    %convert_element_type3A_9 = arith.truncf %get3A_8 : vector<896x768xf32> to vector<896x768xbf16>
    %get3A_10 = arith.constant 0 : index
    %get3A_11 = arith.constant 0 : index
    %get3A_12 = arith.constant 0 : index
    %get3A_13 = vector.load %arg6[%get3A_10, %get3A_11, %get3A_12] : memref<1x1x896xf32, #tpu.memory_space<vmem>>, vector<1x1x896xf32>
    %get3A_14 = vector.shape_cast %get3A_13 : vector<1x1x896xf32> to vector<1x896xf32>
    %get3A_15 = arith.constant 0 : index
    %get3A_16 = arith.constant 0 : index
    %get3A_17 = arith.constant 0 : index
    %get3A_18 = vector.load %arg8[%get3A_15, %get3A_16, %get3A_17] : memref<1x1x768xf32, #tpu.memory_space<vmem>>, vector<1x1x768xf32>
    %get3A_19 = vector.shape_cast %get3A_18 : vector<1x1x768xf32> to vector<1x768xf32>
    %get3A_20 = arith.index_cast %arg0 : i32 to index
    %get3A_21 = memref.load %arg2[%get3A_20] : memref<16xi32, #tpu.memory_space<smem>>
    %add3A = arith.constant 1 : i32
    %add3A_22 = arith.addi %arg0, %add3A : i32
    %get3A_23 = arith.index_cast %add3A_22 : i32 to index
    %get3A_24 = memref.load %arg2[%get3A_23] : memref<16xi32, #tpu.memory_space<smem>>
    %sub3A = arith.subi %get3A_24, %get3A_21 : i32
    %jit3A = arith.constant 128 : i32
    %div3A = arith.divsi %sub3A, %jit3A : i32
    %sign3A = arith.constant 0 : i32
    %sign3A_25 = arith.cmpi sgt, %sub3A, %sign3A : i32
    %sign3A_26 = arith.extui %sign3A_25 : i1 to i32
    %sign3A_27 = arith.constant 0 : i32
    %sign3A_28 = arith.cmpi slt, %sub3A, %sign3A_27 : i32
    %sign3A_29 = arith.extui %sign3A_28 : i1 to i32
    %sign3A_30 = arith.subi %sign3A_26, %sign3A_29 : i32
    %sign3A_31 = arith.constant 0 : i32
    %sign3A_32 = arith.cmpi sgt, %jit3A, %sign3A_31 : i32
    %sign3A_33 = arith.extui %sign3A_32 : i1 to i32
    %sign3A_34 = arith.constant 0 : i32
    %sign3A_35 = arith.cmpi slt, %jit3A, %sign3A_34 : i32
    %sign3A_36 = arith.extui %sign3A_35 : i1 to i32
    %sign3A_37 = arith.subi %sign3A_33, %sign3A_36 : i32
    %ne3A = arith.cmpi ne, %sign3A_30, %sign3A_37 : i32
    %rem3A = arith.remsi %sub3A, %jit3A : i32
    %ne3A_38 = arith.constant 0 : i32
    %ne3A_39 = arith.cmpi ne, %rem3A, %ne3A_38 : i32
    %and3A = arith.andi %ne3A, %ne3A_39 : i1
    %sub3A_40 = arith.constant 1 : i32
    %sub3A_41 = arith.subi %div3A, %sub3A_40 : i32
    %select_n3A = arith.select %and3A, %sub3A_41, %div3A : i32
    %while3A = arith.constant 0 : i32
    %while3A_42 = arith.constant 0 : i32
    %while3A_43 = arith.subi %select_n3A, %while3A : i32
    %while3A_44 = arith.addi %while3A, %while3A_43 : i32
    %while3A_45 = arith.constant 1 : i32
    %while3A_46 = arith.divsi %while3A_43, %while3A_45 : i32
    %while3A_47 = arith.muli %while3A_46, %while3A_45 : i32
    %while3A_48 = arith.addi %while3A, %while3A_47 : i32
    %while3A_49 = arith.constant 1 : i32
    %while3A_50 = scf.for %while3A_53 = %while3A to %while3A_48 step %while3A_49 iter_args(%while3A_54 = %while3A_42) -> (i32)  : i32 {
      %mul3A = arith.constant 128 : i32
      %mul3A_55 = arith.muli %while3A_53, %mul3A : i32
      %add3A_56 = arith.addi %get3A_21, %mul3A_55 : i32
      %multiple_of3A = tpu.assume_multiple %add3A_56, 128 : i32
      %eq3A = arith.constant 0 : i32
      %eq3A_57 = arith.cmpi eq, %arg1, %eq3A : i32
      %convert_element_type3A_58 = arith.extui %eq3A_57 : i1 to i32
      %cond3A = arith.constant 0 : i32
      %cond3A_59 = arith.cmpi ne, %convert_element_type3A_58, %cond3A : i32
      scf.if %cond3A_59 {
        %get3A_87 = arith.constant 0 : index
        %get3A_88 = arith.constant 0 : index
        %get3A_89 = vector.load %arg3[%get3A_87, %get3A_88] : memref<2x2048xi32, #tpu.memory_space<vmem>>, vector<1x2048xi32>
        %get3A_90 = arith.constant 1 : index
        %get3A_91 = arith.constant 0 : index
        %get3A_92 = vector.load %arg3[%get3A_90, %get3A_91] : memref<2x2048xi32, #tpu.memory_space<vmem>>, vector<1x2048xi32>
        %iota3A = tpu.iota {dimensions = array<i32: 0>} : vector<128x2048xi32>
        %add3A_93 = vector.broadcast %multiple_of3A : i32 to vector<128x2048xi32>
        %add3A_94 = arith.addi %iota3A, %add3A_93 : vector<128x2048xi32>
        %eq3A_95 = vector.broadcast %get3A_89 : vector<1x2048xi32> to vector<128x2048xi32>
        %eq3A_96 = arith.cmpi eq, %add3A_94, %eq3A_95 : vector<128x2048xi32>
        %eq3A_97 = vector.broadcast %get3A_92 : vector<1x2048xi32> to vector<128x2048xi32>
        %eq3A_98 = arith.cmpi eq, %add3A_94, %eq3A_97 : vector<128x2048xi32>
        %or3A = arith.ori %eq3A_96, %eq3A_98 : vector<128x2048xi1>
        %convert_element_type3A_99 = arith.extui %or3A : vector<128x2048xi1> to vector<128x2048xi32>
        %convert_element_type3A_100 = arith.sitofp %convert_element_type3A_99 : vector<128x2048xi32> to vector<128x2048xf32>
        %convert_element_type3A_101 = arith.truncf %convert_element_type3A_100 : vector<128x2048xf32> to vector<128x2048xbf16>
        %get3A_102 = arith.constant 0 : index
        %get3A_103 = arith.constant 0 : index
        %get3A_104 = vector.load %arg4[%get3A_102, %get3A_103] : memref<2048x768xbf16, #tpu.memory_space<vmem>>, vector<2048x768xbf16>
        %dot_general3A_105 = arith.constant dense<0.000000e+00> : vector<128x768xf32>
        %dot_general3A_106 = tpu.matmul %convert_element_type3A_101, %get3A_104, %dot_general3A_105 {dimension_numbers = #tpu.dot_dimension_numbers<[1], [0], [0], [1], [0, 0, 1, 1], [], []>, transpose_lhs_hint = false} : vector<128x2048xbf16>, vector<2048x768xbf16>, vector<128x768xf32> -> vector<128x768xf32>
        %convert_element_type3A_107 = arith.truncf %dot_general3A_106 : vector<128x768xf32> to vector<128x768xbf16>
        %swap3A = arith.index_cast %multiple_of3A : i32 to index
        %swap3A_108 = arith.constant 0 : index
        %swap3A_109 = vector.load %arg10[%swap3A, %swap3A_108] : memref<5120x768xbf16, #tpu.memory_space<vmem>>, vector<128x768xbf16>
        tpu.vector_store %arg10[%swap3A, %swap3A_108], %convert_element_type3A_107 {strides = array<i32>} : memref<5120x768xbf16, #tpu.memory_space<vmem>>, vector<128x768xbf16>,
      } else {
      }
      %get3A_60 = arith.index_cast %multiple_of3A : i32 to index
      %get3A_61 = arith.constant 0 : index
      %get3A_62 = vector.load %arg10[%get3A_60, %get3A_61] : memref<5120x768xbf16, #tpu.memory_space<vmem>>, vector<128x768xbf16>
      %dot_general3A = arith.constant dense<0.000000e+00> : vector<128x896xf32>
      %dot_general3A_63 = tpu.matmul %get3A_62, %convert_element_type3A, %dot_general3A {dimension_numbers = #tpu.dot_dimension_numbers<[1], [0], [0], [1], [0, 0, 1, 1], [], []>, transpose_lhs_hint = false} : vector<128x768xbf16>, vector<768x896xbf16>, vector<128x896xf32> -> vector<128x896xf32>
      %add3A_64 = vector.broadcast %get3A_14 : vector<1x896xf32> to vector<128x896xf32>
      %add3A_65 = arith.addf %dot_general3A_63, %add3A_64 : vector<128x896xf32>
      %max3A = arith.constant 0.000000e+00 : f32
      %max3A_66 = vector.broadcast %max3A : f32 to vector<128x896xf32>
      %max3A_67 = arith.maximumf %add3A_65, %max3A_66 : vector<128x896xf32>
      %convert_element_type3A_68 = arith.truncf %max3A_67 : vector<128x896xf32> to vector<128x896xbf16>
      %dot_general3A_69 = arith.constant dense<0.000000e+00> : vector<128x768xf32>
      %dot_general3A_70 = tpu.matmul %convert_element_type3A_68, %convert_element_type3A_9, %dot_general3A_69 {dimension_numbers = #tpu.dot_dimension_numbers<[1], [0], [0], [1], [0, 0, 1, 1], [], []>, transpose_lhs_hint = false} : vector<128x896xbf16>, vector<896x768xbf16>, vector<128x768xf32> -> vector<128x768xf32>
      %eq3A_71 = arith.constant 0 : i32
      %eq3A_72 = arith.cmpi eq, %arg1, %eq3A_71 : i32
      %convert_element_type3A_73 = arith.extui %eq3A_72 : i1 to i32
      %cond3A_74 = arith.constant 0 : i32
      %cond3A_75 = arith.cmpi ne, %convert_element_type3A_73, %cond3A_74 : i32
      scf.if %cond3A_75 {
        %swap3A = arith.index_cast %multiple_of3A : i32 to index
        %swap3A_87 = arith.constant 0 : index
        %swap3A_88 = vector.load %arg9[%swap3A, %swap3A_87] : memref<5120x768xf32, #tpu.memory_space<vmem>>, vector<128x768xf32>
        tpu.vector_store %arg9[%swap3A, %swap3A_87], %dot_general3A_70 {strides = array<i32>} : memref<5120x768xf32, #tpu.memory_space<vmem>>, vector<128x768xf32>,
      } else {
      }
      %eq3A_76 = arith.constant 1 : i32
      %eq3A_77 = arith.cmpi eq, %arg1, %eq3A_76 : i32
      %convert_element_type3A_78 = arith.extui %eq3A_77 : i1 to i32
      %cond3A_79 = arith.constant 0 : i32
      %cond3A_80 = arith.cmpi ne, %convert_element_type3A_78, %cond3A_79 : i32
      scf.if %cond3A_80 {
        %get3A_87 = arith.index_cast %multiple_of3A : i32 to index
        %get3A_88 = arith.constant 0 : index
        %get3A_89 = vector.load %arg9[%get3A_87, %get3A_88] : memref<5120x768xf32, #tpu.memory_space<vmem>>, vector<128x768xf32>
        %add3A_90 = arith.addf %get3A_89, %dot_general3A_70 : vector<128x768xf32>
        %swap3A = arith.index_cast %multiple_of3A : i32 to index
        %swap3A_91 = arith.constant 0 : index
        %swap3A_92 = vector.load %arg9[%swap3A, %swap3A_91] : memref<5120x768xf32, #tpu.memory_space<vmem>>, vector<128x768xf32>
        tpu.vector_store %arg9[%swap3A, %swap3A_91], %add3A_90 {strides = array<i32>} : memref<5120x768xf32, #tpu.memory_space<vmem>>, vector<128x768xf32>,
      } else {
      }
      %eq3A_81 = arith.constant 2 : i32
      %eq3A_82 = arith.cmpi eq, %arg1, %eq3A_81 : i32
      %convert_element_type3A_83 = arith.extui %eq3A_82 : i1 to i32
      %cond3A_84 = arith.constant 0 : i32
      %cond3A_85 = arith.cmpi ne, %convert_element_type3A_83, %cond3A_84 : i32
      scf.if %cond3A_85 {
        %get3A_87 = arith.index_cast %multiple_of3A : i32 to index
        %get3A_88 = arith.constant 0 : index
        %get3A_89 = vector.load %arg9[%get3A_87, %get3A_88] : memref<5120x768xf32, #tpu.memory_space<vmem>>, vector<128x768xf32>
        %add3A_90 = arith.addf %get3A_89, %dot_general3A_70 : vector<128x768xf32>
        %add3A_91 = vector.broadcast %get3A_19 : vector<1x768xf32> to vector<128x768xf32>
        %add3A_92 = arith.addf %add3A_90, %add3A_91 : vector<128x768xf32>
        %swap3A = arith.index_cast %multiple_of3A : i32 to index
        %swap3A_93 = arith.constant 0 : index
        %swap3A_94 = vector.load %arg9[%swap3A, %swap3A_93] : memref<5120x768xf32, #tpu.memory_space<vmem>>, vector<128x768xf32>
        tpu.vector_store %arg9[%swap3A, %swap3A_93], %add3A_92 {strides = array<i32>} : memref<5120x768xf32, #tpu.memory_space<vmem>>, vector<128x768xf32>,
      } else {
      }
      %while3A_86 = arith.constant 0 : i32
      scf.yield %while3A_86 : i32
    }
    %while3A_51 = arith.constant 1 : i32
    %while3A_52 = scf.for %while3A_53 = %while3A_48 to %while3A_44 step %while3A_51 iter_args(%while3A_54 = %while3A_50) -> (i32)  : i32 {
      %mul3A = arith.constant 128 : i32
      %mul3A_55 = arith.muli %while3A_53, %mul3A : i32
      %add3A_56 = arith.addi %get3A_21, %mul3A_55 : i32
      %multiple_of3A = tpu.assume_multiple %add3A_56, 128 : i32
      %eq3A = arith.constant 0 : i32
      %eq3A_57 = arith.cmpi eq, %arg1, %eq3A : i32
      %convert_element_type3A_58 = arith.extui %eq3A_57 : i1 to i32
      %cond3A = arith.constant 0 : i32
      %cond3A_59 = arith.cmpi ne, %convert_element_type3A_58, %cond3A : i32
      scf.if %cond3A_59 {
        %get3A_87 = arith.constant 0 : index
        %get3A_88 = arith.constant 0 : index
        %get3A_89 = vector.load %arg3[%get3A_87, %get3A_88] : memref<2x2048xi32, #tpu.memory_space<vmem>>, vector<1x2048xi32>
        %get3A_90 = arith.constant 1 : index
        %get3A_91 = arith.constant 0 : index
        %get3A_92 = vector.load %arg3[%get3A_90, %get3A_91] : memref<2x2048xi32, #tpu.memory_space<vmem>>, vector<1x2048xi32>
        %iota3A = tpu.iota {dimensions = array<i32: 0>} : vector<128x2048xi32>
        %add3A_93 = vector.broadcast %multiple_of3A : i32 to vector<128x2048xi32>
        %add3A_94 = arith.addi %iota3A, %add3A_93 : vector<128x2048xi32>
        %eq3A_95 = vector.broadcast %get3A_89 : vector<1x2048xi32> to vector<128x2048xi32>
        %eq3A_96 = arith.cmpi eq, %add3A_94, %eq3A_95 : vector<128x2048xi32>
        %eq3A_97 = vector.broadcast %get3A_92 : vector<1x2048xi32> to vector<128x2048xi32>
        %eq3A_98 = arith.cmpi eq, %add3A_94, %eq3A_97 : vector<128x2048xi32>
        %or3A = arith.ori %eq3A_96, %eq3A_98 : vector<128x2048xi1>
        %convert_element_type3A_99 = arith.extui %or3A : vector<128x2048xi1> to vector<128x2048xi32>
        %convert_element_type3A_100 = arith.sitofp %convert_element_type3A_99 : vector<128x2048xi32> to vector<128x2048xf32>
        %convert_element_type3A_101 = arith.truncf %convert_element_type3A_100 : vector<128x2048xf32> to vector<128x2048xbf16>
        %get3A_102 = arith.constant 0 : index
        %get3A_103 = arith.constant 0 : index
        %get3A_104 = vector.load %arg4[%get3A_102, %get3A_103] : memref<2048x768xbf16, #tpu.memory_space<vmem>>, vector<2048x768xbf16>
        %dot_general3A_105 = arith.constant dense<0.000000e+00> : vector<128x768xf32>
        %dot_general3A_106 = tpu.matmul %convert_element_type3A_101, %get3A_104, %dot_general3A_105 {dimension_numbers = #tpu.dot_dimension_numbers<[1], [0], [0], [1], [0, 0, 1, 1], [], []>, transpose_lhs_hint = false} : vector<128x2048xbf16>, vector<2048x768xbf16>, vector<128x768xf32> -> vector<128x768xf32>
        %convert_element_type3A_107 = arith.truncf %dot_general3A_106 : vector<128x768xf32> to vector<128x768xbf16>
        %swap3A = arith.index_cast %multiple_of3A : i32 to index
        %swap3A_108 = arith.constant 0 : index
        %swap3A_109 = vector.load %arg10[%swap3A, %swap3A_108] : memref<5120x768xbf16, #tpu.memory_space<vmem>>, vector<128x768xbf16>
        tpu.vector_store %arg10[%swap3A, %swap3A_108], %convert_element_type3A_107 {strides = array<i32>} : memref<5120x768xbf16, #tpu.memory_space<vmem>>, vector<128x768xbf16>,
      } else {
      }
      %get3A_60 = arith.index_cast %multiple_of3A : i32 to index
      %get3A_61 = arith.constant 0 : index
      %get3A_62 = vector.load %arg10[%get3A_60, %get3A_61] : memref<5120x768xbf16, #tpu.memory_space<vmem>>, vector<128x768xbf16>
      %dot_general3A = arith.constant dense<0.000000e+00> : vector<128x896xf32>
      %dot_general3A_63 = tpu.matmul %get3A_62, %convert_element_type3A, %dot_general3A {dimension_numbers = #tpu.dot_dimension_numbers<[1], [0], [0], [1], [0, 0, 1, 1], [], []>, transpose_lhs_hint = false} : vector<128x768xbf16>, vector<768x896xbf16>, vector<128x896xf32> -> vector<128x896xf32>
      %add3A_64 = vector.broadcast %get3A_14 : vector<1x896xf32> to vector<128x896xf32>
      %add3A_65 = arith.addf %dot_general3A_63, %add3A_64 : vector<128x896xf32>
      %max3A = arith.constant 0.000000e+00 : f32
      %max3A_66 = vector.broadcast %max3A : f32 to vector<128x896xf32>
      %max3A_67 = arith.maximumf %add3A_65, %max3A_66 : vector<128x896xf32>
      %convert_element_type3A_68 = arith.truncf %max3A_67 : vector<128x896xf32> to vector<128x896xbf16>
      %dot_general3A_69 = arith.constant dense<0.000000e+00> : vector<128x768xf32>
      %dot_general3A_70 = tpu.matmul %convert_element_type3A_68, %convert_element_type3A_9, %dot_general3A_69 {dimension_numbers = #tpu.dot_dimension_numbers<[1], [0], [0], [1], [0, 0, 1, 1], [], []>, transpose_lhs_hint = false} : vector<128x896xbf16>, vector<896x768xbf16>, vector<128x768xf32> -> vector<128x768xf32>
      %eq3A_71 = arith.constant 0 : i32
      %eq3A_72 = arith.cmpi eq, %arg1, %eq3A_71 : i32
      %convert_element_type3A_73 = arith.extui %eq3A_72 : i1 to i32
      %cond3A_74 = arith.constant 0 : i32
      %cond3A_75 = arith.cmpi ne, %convert_element_type3A_73, %cond3A_74 : i32
      scf.if %cond3A_75 {
        %swap3A = arith.index_cast %multiple_of3A : i32 to index
        %swap3A_87 = arith.constant 0 : index
        %swap3A_88 = vector.load %arg9[%swap3A, %swap3A_87] : memref<5120x768xf32, #tpu.memory_space<vmem>>, vector<128x768xf32>
        tpu.vector_store %arg9[%swap3A, %swap3A_87], %dot_general3A_70 {strides = array<i32>} : memref<5120x768xf32, #tpu.memory_space<vmem>>, vector<128x768xf32>,
      } else {
      }
      %eq3A_76 = arith.constant 1 : i32
      %eq3A_77 = arith.cmpi eq, %arg1, %eq3A_76 : i32
      %convert_element_type3A_78 = arith.extui %eq3A_77 : i1 to i32
      %cond3A_79 = arith.constant 0 : i32
      %cond3A_80 = arith.cmpi ne, %convert_element_type3A_78, %cond3A_79 : i32
      scf.if %cond3A_80 {
        %get3A_87 = arith.index_cast %multiple_of3A : i32 to index
        %get3A_88 = arith.constant 0 : index
        %get3A_89 = vector.load %arg9[%get3A_87, %get3A_88] : memref<5120x768xf32, #tpu.memory_space<vmem>>, vector<128x768xf32>
        %add3A_90 = arith.addf %get3A_89, %dot_general3A_70 : vector<128x768xf32>
        %swap3A = arith.index_cast %multiple_of3A : i32 to index
        %swap3A_91 = arith.constant 0 : index
        %swap3A_92 = vector.load %arg9[%swap3A, %swap3A_91] : memref<5120x768xf32, #tpu.memory_space<vmem>>, vector<128x768xf32>
        tpu.vector_store %arg9[%swap3A, %swap3A_91], %add3A_90 {strides = array<i32>} : memref<5120x768xf32, #tpu.memory_space<vmem>>, vector<128x768xf32>,
      } else {
      }
      %eq3A_81 = arith.constant 2 : i32
      %eq3A_82 = arith.cmpi eq, %arg1, %eq3A_81 : i32
      %convert_element_type3A_83 = arith.extui %eq3A_82 : i1 to i32
      %cond3A_84 = arith.constant 0 : i32
      %cond3A_85 = arith.cmpi ne, %convert_element_type3A_83, %cond3A_84 : i32
      scf.if %cond3A_85 {
        %get3A_87 = arith.index_cast %multiple_of3A : i32 to index
        %get3A_88 = arith.constant 0 : index
        %get3A_89 = vector.load %arg9[%get3A_87, %get3A_88] : memref<5120x768xf32, #tpu.memory_space<vmem>>, vector<128x768xf32>
        %add3A_90 = arith.addf %get3A_89, %dot_general3A_70 : vector<128x768xf32>
        %add3A_91 = vector.broadcast %get3A_19 : vector<1x768xf32> to vector<128x768xf32>
        %add3A_92 = arith.addf %add3A_90, %add3A_91 : vector<128x768xf32>
        %swap3A = arith.index_cast %multiple_of3A : i32 to index
        %swap3A_93 = arith.constant 0 : index
        %swap3A_94 = vector.load %arg9[%swap3A, %swap3A_93] : memref<5120x768xf32, #tpu.memory_space<vmem>>, vector<128x768xf32>
        tpu.vector_store %arg9[%swap3A, %swap3A_93], %add3A_92 {strides = array<i32>} : memref<5120x768xf32, #tpu.memory_space<vmem>>, vector<128x768xf32>,
      } else {
      }
      %while3A_86 = arith.constant 0 : i32
      scf.yield %while3A_86 : i32
    }
    return
  }
  func.func @transform_0(%arg0: i32, %arg1: i32, %arg2: memref<16xi32, #tpu.memory_space<smem>>) -> (i32, i32) {
    %c0_i32 = arith.constant 0 : i32
    %c0_i32_0 = arith.constant 0 : i32
    %c0_i32_1 = arith.constant 0 : i32
    return %c0_i32, %c0_i32_0 : i32, i32
  }
  func.func @transform_1(%arg0: i32, %arg1: i32, %arg2: memref<16xi32, #tpu.memory_space<smem>>) -> (i32, i32) {
    %c0_i32 = arith.constant 0 : i32
    %c0_i32_0 = arith.constant 0 : i32
    %c0_i32_1 = arith.constant 0 : i32
    return %c0_i32, %c0_i32_0 : i32, i32
  }
  func.func @transform_2(%arg0: i32, %arg1: i32, %arg2: memref<16xi32, #tpu.memory_space<smem>>) -> (i32, i32, i32) {
    %c0_i32 = arith.constant 0 : i32
    %c0_i32_0 = arith.constant 0 : i32
    return %arg0, %c0_i32, %arg1 : i32, i32, i32
  }
  func.func @transform_3(%arg0: i32, %arg1: i32, %arg2: memref<16xi32, #tpu.memory_space<smem>>) -> (i32, i32, i32) {
    %c0_i32 = arith.constant 0 : i32
    %c0_i32_0 = arith.constant 0 : i32
    return %arg0, %c0_i32, %arg1 : i32, i32, i32
  }
  func.func @transform_4(%arg0: i32, %arg1: i32, %arg2: memref<16xi32, #tpu.memory_space<smem>>) -> (i32, i32, i32) {
    %c0_i32 = arith.constant 0 : i32
    %c0_i32_0 = arith.constant 0 : i32
    return %arg0, %arg1, %c0_i32 : i32, i32, i32
  }
  func.func @transform_5(%arg0: i32, %arg1: i32, %arg2: memref<16xi32, #tpu.memory_space<smem>>) -> (i32, i32, i32) {
    %c0_i32 = arith.constant 0 : i32
    %c0_i32_0 = arith.constant 0 : i32
    %c0_i32_1 = arith.constant 0 : i32
    return %arg0, %c0_i32, %c0_i32_0 : i32, i32, i32
  }
  func.func @transform_6(%arg0: i32, %arg1: i32, %arg2: memref<16xi32, #tpu.memory_space<smem>>) -> (i32, i32) {
    %c0_i32 = arith.constant 0 : i32
    %c0_i32_0 = arith.constant 0 : i32
    %c0_i32_1 = arith.constant 0 : i32
    return %c0_i32, %c0_i32_0 : i32, i32
  }
}

module attributes {stable_mosaic.version = 14 : i64} {
  func.func @_combine_body(%arg0: memref<2048x768xf32, #tpu.memory_space<vmem>>, %arg1: memref<2048x8xf32, #tpu.memory_space<vmem>>, %arg2: memref<2048x768xf32, #tpu.memory_space<vmem>>, %arg3: memref<2048x768xf32, #tpu.memory_space<vmem>>, %arg4: memref<2048x768xf32, #tpu.memory_space<vmem>>) attributes {dimension_semantics = [], scalar_prefetch = 0 : i64, scratch_operands = 0 : i64, tpu.core_type = #tpu.core_type<tc>} {
    %get3A = arith.constant 0 : index
    %get3A_0 = arith.constant 0 : index
    %get3A_1 = vector.load %arg1[%get3A, %get3A_0] : memref<2048x8xf32, #tpu.memory_space<vmem>>, vector<2048x1xf32>
    %get3A_2 = arith.constant 0 : index
    %get3A_3 = arith.constant 1 : index
    %get3A_4 = vector.load %arg1[%get3A_2, %get3A_3] : memref<2048x8xf32, #tpu.memory_space<vmem>>, vector<2048x1xf32>
    %get3A_5 = arith.constant 0 : index
    %get3A_6 = arith.constant 0 : index
    %get3A_7 = vector.load %arg0[%get3A_5, %get3A_6] : memref<2048x768xf32, #tpu.memory_space<vmem>>, vector<2048x768xf32>
    %get3A_8 = arith.constant 0 : index
    %get3A_9 = arith.constant 0 : index
    %get3A_10 = vector.load %arg2[%get3A_8, %get3A_9] : memref<2048x768xf32, #tpu.memory_space<vmem>>, vector<2048x768xf32>
    %mul3A = vector.broadcast %get3A_1 : vector<2048x1xf32> to vector<2048x768xf32>
    %mul3A_11 = arith.mulf %mul3A, %get3A_10 : vector<2048x768xf32>
    %add3A = arith.addf %get3A_7, %mul3A_11 : vector<2048x768xf32>
    %get3A_12 = arith.constant 0 : index
    %get3A_13 = arith.constant 0 : index
    %get3A_14 = vector.load %arg3[%get3A_12, %get3A_13] : memref<2048x768xf32, #tpu.memory_space<vmem>>, vector<2048x768xf32>
    %mul3A_15 = vector.broadcast %get3A_4 : vector<2048x1xf32> to vector<2048x768xf32>
    %mul3A_16 = arith.mulf %mul3A_15, %get3A_14 : vector<2048x768xf32>
    %add3A_17 = arith.addf %add3A, %mul3A_16 : vector<2048x768xf32>
    %swap3A = arith.constant 0 : index
    %swap3A_18 = arith.constant 0 : index
    %swap3A_19 = vector.load %arg4[%swap3A, %swap3A_18] : memref<2048x768xf32, #tpu.memory_space<vmem>>, vector<2048x768xf32>
    tpu.vector_store %arg4[%swap3A, %swap3A_18], %add3A_17 {strides = array<i32>} : memref<2048x768xf32, #tpu.memory_space<vmem>>, vector<2048x768xf32>,
    return
  }
}

</mosaic_0001>

<sc_bundles>
// kernel: kernel.10.cloned.1.call-start
scs
__scs_entry_jumppad:
0x0: {  	(pc) =	sbr.rel $0x88, $3  }
0x1: {  	(tag) =	ssettag $0x0;
	lr =	simm.s32 $0x1  }
0x2: {  	[smem:$0x3F98] =	sst lr;
	_ =	strace $0xD0000000  }
0x3: {  	_ = 	snop  }
0x4: {  	_ = 	snop  }
0x5: {  	_ = 	snop  }
0x6: {  	_ = 	snop  }
0x7: {  	_ = 	snop  }
__scs_overlays_trampoline_lowered:
0x8: {  	[smem:$0x3FA7] =	sst s0  }
0x9: {  	[smem:$0x3FA8] =	sst s1  }
0xa: {  	[smem:$0x3FA9] =	sst s2  }
0xb: {  	[smem:$0x3FAA] =	sst s3  }
0xc: {  	[smem:$0x3FAB] =	sst s4  }
0xd: {  	[smem:$0x3FAC] =	sst s5  }
0xe: {  	[smem:$0x3FAD] =	sst s6  }
0xf: {  	[smem:$0x3FAE] =	sst s7  }
0x10: {  	[smem:$0x3FAF] =	sst s8  }
0x11: {  	[smem:$0x3FB0] =	sst s9;
	s0 =	simm.s32 @!p0 $0x0  }
0x12: {  	s1 =	sld [smem:$0x3F96];
	s0 =	simm.s32 @p0 $0x1  }
0x13: {  	[smem:$0x3FB1] =	sst s0;
	s0 =	simm.s32 @!p1 $0x0  }
0x14: {  	s2 =	sld [smem:$0x3F95];
	s0 =	simm.s32 @p1 $0x1  }
0x15: {  	[smem:$0x3FB2] =	sst s0;
	s0 =	simm.s32 @!p2 $0x0  }
0x16: {  	s3 =	sld [smem:$0x3FDB];
	s0 =	simm.s32 @p2 $0x1  }
0x17: {  	s4 =	simm.s32 $0x1BF5;
	[smem:$0x3FB4] =	sst s0  }
0x18: {  	s0 =	sld [smem:$0x3F97];
	_ =	swait.ge [sflag:s4], $0x0  }
0x19: {  	s7 =	sld [smem:$0x3F98]  }
0x1a: {  	s8 =	sadd.s32 $0xFFFFE003, lr  }
0x1b: {  	s9 =	sadd.s32 $0xFFFFFEF7, lr;
	s5 =	simm.s32 $0xFFFFFFFF;
	p2 =	slt.u32 s8, $0xFFFFF086  }
0x1c: {  	p1 =	slt.u32 s9, $0xF7A;
	s5 =	simm.s32 @!p2 $0x0  }
0x1d: {  	s5 =	simm.s32 @p1 $0x1;
	p0 =	seq.s32 s7, s2  }
0x1e: {  	s7 =	smul.u32 @!p0 $0xF7A, s2;
	p2 =	seq.s32 @!p0 s5, $0x0  }
0x1f: {  	s9 =	smul.u32 $0xF7A, s1;
	s8 =	simm.s32 @!p0 $0x1BF5;
	p2 =	por !p2, p0  }
0x20: {  	[sflag:s8] =	ssyncset.s32 @!p0 $0xFFFFF086;
	s6 =	sadd.s32 @!p0 s3, s7;
	s7 =	simm.s32 @!p0 $0x108  }
0x21: {  	s3 =	sadd.s32 s3, s9;
	s6 =	sadd.s32 @!p0 $0x88, s6;
	s7 =	simm.s32 @p2 $0x1082  }
0x22: {  	[simem:s7], [sflag:s8] =	dma.local @!p0 [hbm:s6], $0xF7A  }
0x23: {  	s9 =	sor.u32 $0xD0000000, s2;
	s6 =	simm.s32 $0x108;
	_ =	swait.ge @!p0 [sflag:s8], $0x0  }
0x24: {  	s3 =	sadd.s32 $0x88, s3;
	s6 =	simm.s32 @!p1 $0x1082;
	[sflag:s4] =	ssyncset.s32 $0xFFFFF086  }
0x25: {  	[simem:s6], [sflag:s4] =	dma.local [hbm:s3], $0xF7A  }
0x26: {  	[smem:$0x3F98] =	sst s1;
	(tag) =	ssettag s2;
	_ =	strace s9  }
0x27: {  	s1 =	sld [smem:$0x3FA8]  }
0x28: {  	s2 =	sld [smem:$0x3FA9]  }
0x29: {  	s4 =	sld [smem:$0x3FAB]  }
0x2a: {  	p0 =	seq.s32 s5, $0x0;
	s5 =	sld [smem:$0x3FAC]  }
0x2b: {  	s6 =	sld [smem:$0x3FAD]  }
0x2c: {  	s7 =	sld [smem:$0x3FAE]  }
0x2d: {  	s3 =	simm.s32 $0x108;
	s8 =	sld [smem:$0x3FAF]  }
0x2e: {  	s3 =	simm.s32 @!p0 $0x1082;
	s9 =	sld [smem:$0x3FB0]  }
0x2f: {  	lr =	sadd.s32 s0, s3;
	s0 =	sld [smem:$0x3FA7]  }
0x30: {  	s3 =	sld [smem:$0x3FAA]  }
0x31: {  	[smem:$0x3FB3] =	sst s10  }
0x32: {  	s10 =	sld [smem:$0x3FB1];
	_ =	sdelay $0x3  }
0x33: {  	p0 =	seq.s32 s10, $0x1;
	s10 =	sld [smem:$0x3FB3];
	_ =	sdelay $0x3  }
0x34: {  	[smem:$0x3FB3] =	sst s10  }
0x35: {  	s10 =	sld [smem:$0x3FB2];
	_ =	sdelay $0x3  }
0x36: {  	p1 =	seq.s32 s10, $0x1;
	s10 =	sld [smem:$0x3FB3];
	_ =	sdelay $0x3  }
0x37: {  	[smem:$0x3FB3] =	sst s10  }
0x38: {  	s10 =	sld [smem:$0x3FB4]  }
0x39: {  	_ = 	snop;
	(pc) =	sbr.ind lr, $3  }
0x3a: {  	_ = 	snop  }
0x3b: {  	_ = 	snop  }
0x3c: {  	p2 =	seq.s32 s10, $0x1;
	s10 =	sld [smem:$0x3FB3]  }
0x3d: {  	_ =	shalt  }
0x3e: {  	_ =	shalt  }
0x3f: {  	_ =	shalt  }
0x40: {  	_ =	shalt  }
0x41: {  	_ =	shalt  }
0x42: {  	_ =	shalt  }
0x43: {  	_ =	shalt  }
0x44: {  	_ =	shalt  }
0x45: {  	_ =	shalt  }
0x46: {  	_ =	shalt  }
0x47: {  	_ =	shalt  }
0x48: {  	_ =	shalt  }
0x49: {  	_ =	shalt  }
0x4a: {  	_ =	shalt  }
0x4b: {  	_ =	shalt  }
0x4c: {  	_ =	shalt  }
0x4d: {  	_ =	shalt  }
0x4e: {  	_ =	shalt  }
0x4f: {  	_ =	shalt  }
0x50: {  	_ =	shalt  }
0x51: {  	_ =	shalt  }
0x52: {  	_ =	shalt  }
0x53: {  	_ =	shalt  }
0x54: {  	_ =	shalt  }
0x55: {  	_ =	shalt  }
0x56: {  	_ =	shalt  }
0x57: {  	_ =	shalt  }
0x58: {  	_ =	shalt  }
0x59: {  	_ =	shalt  }
0x5a: {  	_ =	shalt  }
0x5b: {  	_ =	shalt  }
0x5c: {  	_ =	shalt  }
0x5d: {  	_ =	shalt  }
0x5e: {  	_ =	shalt  }
0x5f: {  	_ =	shalt  }
0x60: {  	_ =	shalt  }
0x61: {  	_ =	shalt  }
0x62: {  	_ =	shalt  }
0x63: {  	_ =	shalt  }
0x64: {  	_ =	shalt  }
0x65: {  	_ =	shalt  }
0x66: {  	_ =	shalt  }
0x67: {  	_ =	shalt  }
0x68: {  	_ =	shalt  }
0x69: {  	_ =	shalt  }
0x6a: {  	_ =	shalt  }
0x6b: {  	_ =	shalt  }
0x6c: {  	_ =	shalt  }
0x6d: {  	_ =	shalt  }
0x6e: {  	_ =	shalt  }
0x6f: {  	_ =	shalt  }
0x70: {  	_ =	shalt  }
0x71: {  	_ =	shalt  }
0x72: {  	_ =	shalt  }
0x73: {  	_ =	shalt  }
0x74: {  	_ =	shalt  }
0x75: {  	_ =	shalt  }
0x76: {  	_ =	shalt  }
0x77: {  	_ =	shalt  }
0x78: {  	_ =	shalt  }
0x79: {  	_ =	shalt  }
0x7a: {  	_ =	shalt  }
0x7b: {  	_ =	shalt  }
0x7c: {  	_ =	shalt  }
0x7d: {  	_ =	shalt  }
0x7e: {  	_ =	shalt  }
0x7f: {  	_ =	shalt  }
0x80: {  	_ =	shalt  }
0x81: {  	_ =	shalt  }
0x82: {  	_ =	shalt  }
0x83: {  	_ =	shalt  }
0x84: {  	_ =	shalt  }
0x85: {  	_ =	shalt  }
0x86: {  	_ =	shalt  }
0x87: {  	_ =	shalt  }
.Lfunc_end0:
.L_simem_size_0:
called_computation.1_lowered:
.L_overlay_start_0:
0x88: {  	s2 =	sld [smem:$0x3FD9]  }
0x89: {  	s3 =	sld [smem:$0x3FFE];
	_ =	sdelay $0x1  }
0x8a: {  	s1 =	srdreg.scid  }
0x8b: {  	s0 =	sand.u32 $0x1, s1  }
0x8c: {  	s17 =	sshll.u32 s0, $0xA;
	s2 =	sadd.s32 s3, s2  }
0x8d: {  	s2 =	sadd.s32 s2, s17  }
0x8e: {  	[smem:$0x3FBF] =	sst s2  }
0x8f: {  	_ = 	snop  }
0x90: {  	s2 =	sld [smem:$0x3FD0];
	(tm) =	ssettm $0x1  }
0x91: {  	s18 =	sld [smem:$0x3FFB];
	_ =	sdelay $0x3  }
0x92: {  	_ =	strace s18  }
0x93: {  	s3 =	sld [smem:$0x3FFC];
	_ =	sdelay $0x3  }
0x94: {  	_ =	strace s3  }
0x95: {  	s3 =	sld [smem:$0x3FFD];
	_ =	sdelay $0x3  }
0x96: {  	_ =	strace s3  }
0x97: {  	_ =	strace $0x8FFFFFFF  }
0x98: {  	s19 =	sld [smem:$0x3FDB];
	_ =	sdelay $0x1  }
0x99: {  	s4 =	simm.s32 $_scs_section_size  }
0x9a: {  	s5 =	simm.s32 $_size__tile_overlayer_lowered;
	s6 =	simm.s32 $_tile_overlayer_lowered  }
0x9b: {  	s22 =	simm.s32 $0x1BFF;
	s21 =	sshll.u32 s6, $0x1;
	s3 =	sadd.s32 s4, s19  }
0x9c: {  	s7 =	simm.s32 $0x0;
	s20 =	sshll.u32 s5, $0x1;
	s5 =	sadd.s32 s21, s3  }
0x9d: {  	[timem:s7], [sflag:s22] =	dma.local [hbm:s5], s20  }
0x9e: {  	_ =	swait.ge [sflag:s22], s20  }
0x9f: {  	s4 =	ssub.s32 $0x0, s20;
	[sflag:s22] =	ssyncset.done $0x0  }
0xa0: {  	[sflag:s22] =	ssyncadd.s32 s4;
	_ =	sdelay $0x1  }
0xa1: {  	s23 =	simm.s32 $0x1B8B  }
0xa2: {  	_ =	swait.ge [sflag:s23], $0x1  }
0xa3: {  	[sflag:s23] =	ssyncset.done $0x0  }
0xa4: {  	s25 =	simm.s32 $0x1B8E;
	s24 =	sld [smem:$0x3FFE];
	[sflag:s23] =	ssyncadd.s32 $0xFFFFFFFF  }
0xa5: {  	s26 =	simm.s32 $execute0_lowered;
	[smem:$0x3FD2] =	sst s25  }
0xa6: {  	s5 =	sshll.u32 s26, $0x1;
	_ =	strace $0x80000049;
	[dreg:$0x1] =	wrdreg $0xFFFFFFFF  }
0xa7: {  	s28 =	simm.s32 $_size_execute0_lowered;
	s3 =	sadd.s32 s3, s5;
	[dreg:$0x0] =	wrdreg $0x0  }
0xa8: {  	s5 =	sshll.u32 s28, $0x1;
	[dreg:$0x2] =	wrdreg s3  }
0xa9: {  	[dreg:$0x3] =	wrdreg s5  }
0xaa: {  	[dreg:$0x4] =	wrdreg $0xC0  }
0xab: {  	_ =	task [dreg:s7], $0x5FFFF  }
0xac: {  	[dreg:$0x1] =	wrdreg $0xFFFFFFFF  }
0xad: {  	[dreg:$0x0] =	wrdreg $0x60  }
0xae: {  	[dreg:$0x2] =	wrdreg s24  }
0xaf: {  	[dreg:$0x3] =	wrdreg s2  }
0xb0: {  	[dreg:$0x4] =	wrdreg $0x9  }
0xb1: {  	_ =	task.clear_ibuf [dreg:s7], $0x5FFFF;
	_ =	strace $0x90000049  }
0xb2: {  	s29 =	simm.s32 $0x9;
	_ =	strace $0x8000004B  }
0xb3: {  	_ =	swait.ge [sflag:s29], $0x1  }
0xb4: {  	[sflag:s29] =	ssyncadd.s32 $0xFFFFFFFF  }
0xb5: {  	_ =	strace $0x9000004B  }
0xb6: {  	_ =	sfence  }
0xb7: {  	s30 =	sld [smem:$0x0];
	_ =	sdelay $0x2  }
0xb8: {  	s31 =	sshll.u32 s1, $0xD;
	s1 =	sshrl.u32 s1, $0x2  }
0xb9: {  	s3 =	sand.u32 $0x4000, s31;
	s1 =	sadd.s32 s1, s30  }
0xba: {  	s0 =	sor.u32 s3, s0;
	s1 =	sshll.u32 s1, $0x11  }
0xbb: {  	s0 =	sor.u32 s1, s0  }
0xbc: {  	s0 =	sadd.s32 $0x8F2B, s0  }
0xbd: {  	[sflag:s0] =	ssyncadd.remote.s32 $0x1  }
0xbe: {  	_ =	sfence.sel $0xFFFF  }
0xbf: {  	[dreg:$0x0] =	wrdreg $0xFFFFFFFF;
	(pc) =	sbr.abs _section_cstart, $3  }
0xc0: {  	[dreg:$0x1] =	wrdreg $0xFFFFFFFF  }
0xc1: {  	_ =	task.clear_ibuf [dreg:s7], $0x2FFFF;
	_ =	strace $0x9FFFFFFF  }
0xc2: {  	(tm) =	ssettm $0x7FFFFFFF  }
0xc3: {  	_ =	shalt  }
tec
execute0_lowered:
.L_overlay_start_1:
0x0: {  	(tag) =	ssettag $0x1  }
0x1: {  	s2 =	srdreg.scid;
	s1 =	rddreg [dreg:$0x0]  }
0x2: {  	s3 =	rddreg [dreg:$0x1];
	s4 =	sand.u32 $0x1, s2;
	s2 =	simm.s32 $0x0  }
0x3: {  	s24 =	simm.s32 $0x80;
	[smem:$0x7FF] =	sst s2  }
0x4: {  	s25 =	simm.s32 $0x900;
	_ =	strace $0x8000004A;
	[dreg:$0x7] =	wrdreg s24  }
0x5: {  	s0 =	stileid.u32;
	s26 =	simm.s32 $0x1100;
	[dreg:$0x8] =	wrdreg s25  }
0x6: {  	s5 =	sshll.u32 s0, $0x7;
	s0 =	simm.s32 $0x1900;
	[dreg:$0x9] =	wrdreg s26  }
0x7: {  	s10 =	simm.s32 $0x4900;
	[dreg:$0xa] =	wrdreg s0  }
0x8: {  	s11 =	simm.s32 $0x5100;
	[dreg:$0x10] =	wrdreg s10  }
0x9: {  	s12 =	simm.s32 $0x5900;
	s13 =	simm.s32 $0x6100;
	[dreg:$0x11] =	wrdreg s11  }
0xa: {  	s14 =	simm.s32 $0x6900;
	s15 =	simm.s32 $0x7100;
	[dreg:$0x12] =	wrdreg s12  }
0xb: {  	s16 =	simm.s32 $0x7900;
	s17 =	simm.s32 $0x8100;
	[dreg:$0x13] =	wrdreg s13  }
0xc: {  	s18 =	simm.s32 $0x8900;
	s20 =	simm.s32 $0x9100;
	[dreg:$0x14] =	wrdreg s14  }
0xd: {  	s28 =	simm.s32 $0x15900;
	s29 =	simm.s32 $0x16100;
	[dreg:$0x15] =	wrdreg s15  }
0xe: {  	s30 =	simm.s32 $0x16900;
	s31 =	simm.s32 $0x17100;
	[dreg:$0x16] =	wrdreg s16  }
0xf: {  	s9 =	sadd.s32 $0x3600, s1;
	s6 =	sshll.u32 s4, $0x6;
	[dreg:$0x17] =	wrdreg s17  }
0x10: {  	s4 =	ssub.s32 $0x2, s4;
	s5 =	sor.u32 s6, s5;
	[dreg:$0x18] =	wrdreg s18  }
0x11: {  	s19 =	sshrl.u32 s4, $0x1;
	[dreg:$0x19] =	wrdreg s20;
	s24 =	simm.s32 $0xB100  }
0x12: {  	s25 =	simm.s32 $0xB900;
	s26 =	simm.s32 $0xC900;
	s12 =	simm.s32 $0xE100  }
0x13: {  	s13 =	simm.s32 $0xE900;
	s14 =	simm.s32 $0xF100;
	s15 =	simm.s32 $0xF900  }
0x14: {  	s16 =	simm.s32 $0x10100;
	s17 =	simm.s32 $0x10900;
	s18 =	simm.s32 $0x11100  }
0x15: {  	s7 =	sshll.u32 s5, $0x1;
	s5 =	sshrl.u32 s5, $0x3;
	[dreg:$0x1d] =	wrdreg s24  }
0x16: {  	s20 =	simm.s32 $0x12100;
	[dreg:$0x1e] =	wrdreg s25;
	s5 =	smul.u32 $0x300, s5  }
0x17: {  	[dreg:$0x1f] =	wrdreg s26;
	s24 =	simm.s32 $0x14100;
	s8 =	sand.u32 $0xF00, s7  }
0x18: {  	s25 =	simm.s32 $0x14900;
	s8 =	sor.u32 s6, s8;
	s3 =	sadd.s32 s3, s5  }
0x19: {  	s22 =	sadd.s32 s5, s1;
	s5 =	simm.s32 $0x2100;
	[dreg:$0x5] =	wrdreg s3  }
0x1a: {  	s21 =	sshrl.u32 s8, $0x3;
	s8 =	simm.s32 $0x3900;
	[dreg:$0xb] =	wrdreg s5  }
0x1b: {  	s6 =	sor.u32 s6, s7;
	s7 =	sadd.s32 s9, s21;
	[dreg:$0xe] =	wrdreg s8  }
0x1c: {  	s26 =	simm.s32 $0x15100;
	s23 =	sadd.s32 $0x7B800, s22;
	[dreg:$0x3] =	wrdreg s7  }
0x1d: {  	s6 =	sshrl.u32 s6, $0x3;
	s21 =	simm.s32 $0x9900;
	[dreg:$0x6] =	wrdreg s23  }
0x1e: {  	s6 =	sor.u32 $0x10, s6;
	s22 =	simm.s32 $0xA100;
	[dreg:$0x1a] =	wrdreg s21  }
0x1f: {  	s3 =	sadd.s32 $0x3800, s1;
	s6 =	sadd.s32 s9, s6;
	[dreg:$0x1b] =	wrdreg s22  }
0x20: {  	s5 =	sadd.s32 $0x3A00, s1;
	s7 =	simm.s32 $0x3100;
	[dreg:$0x4] =	wrdreg s6  }
0x21: {  	s8 =	simm.s32 $0x100;
	s9 =	simm.s32 $0x4100;
	[dreg:$0xd] =	wrdreg s7  }
0x22: {  	s23 =	simm.s32 $0xA900;
	s21 =	simm.s32 $0x12900;
	[dreg:$0xf] =	wrdreg s9  }
0x23: {  	s22 =	simm.s32 $0x13100;
	s6 =	simm.s32 $0x2900;
	[dreg:$0x1c] =	wrdreg s23  }
0x24: {  	v2 =	vlaneseq.u32;
	s7 =	simm.s32 $0x1;
	s9 =	simm.s32 $0xC100;
	s23 =	simm.s32 $0x13900  }
0x25: {  	vm0 =	vmmov $0xffff;
	v1 =	vshrl.u32 v2, $0x3;
	[dreg:$0xc] =	wrdreg s6;
	s6 =	ssub.s32 s4, s19;
	s4 =	sadd.s32 $0x3900, s1  }
0x26: {  	v0 =	vand.u32 $0x7, v2;
	v2 =	vor.u32 $0x8, v2;
	v1 =	vmul.u32 $0x8, v1;
	s19 =	simm.s32 $0x11900;
	s1 =	simm.s32 $0x17900;
	s6 =	smax.u32 s6, $0x1  }
.LBB2_1:
0x27: {  	s0 =	rddreg [dreg:$0x3]  }
0x28: {  	s10 =	rddreg [dreg:$0x4]  }
0x29: {  	[tilespmem:s2], [sflag:$0x1] =	stream.linear.gather [hbm4b:s0+s2], $0x40, $0x38;
	[tilespmem:$0x18100] =	vst v63  }
0x2a: {  	s11 =	rddreg [dreg:$0x7]  }
0x2b: {  	[tilespmem:s11], [sflag:$0x1] =	stream.linear.gather [hbm4b:s10+s2], $0x40, $0x38;
	[tilespmem:$0x18100] =	vst v63  }
0x2c: {  	_ =	swait.ge [sflag:s7], $0x40  }
0x2d: {  	[sflag:s7] =	ssyncset.done $0x0  }
0x2e: {  	[sflag:s7] =	ssyncadd.s32 $0xFFFFFFC0  }
0x2f: {  	_ =	swait.ge [sflag:s7], $0x40  }
0x30: {  	[sflag:s7] =	ssyncset.done $0x0  }
0x31: {  	[sflag:s7] =	ssyncadd.s32 $0xFFFFFFC0  }
0x32: {  	v3 =	vld [tilespmem:$0x0];
	_ =	sdelay $0x4  }
0x33: {  	v4 =	vshrl.u32 v3, $0x3  }
0x34: {  	v4 =	vmul.u32 $0x30, v4  }
0x35: {  	v3 =	vand.u32 $0x7, v3  }
0x36: {  	v3 =	vor.u32 v3, v4  }
0x37: {  	v4 =	vperm.xlane v3, v0;
	_ =	sdelay $0x1  }
0x38: {  	v4 =	vadd.s32 v1, v4;
	_ =	sdelay $0x3  }
0x39: {  	v3 =	vperm.xlane v3, v2  }
0x3a: {  	[tilespmem:s8], [sflag:$0x1] =	stream.indirect_vreg.gather [hbm4b:s3+s2], $0x80, v4, vm0, $0xb8;
	[tilespmem:$0x18100] =	vst v63  }
0x3b: {  	s11 =	rddreg [dreg:$0x8];
	v3 =	vadd.s32 v1, v3  }
0x3c: {  	[tilespmem:s11], [sflag:$0x1] =	stream.indirect_vreg.gather [hbm4b:s4+s2], $0x80, v4, vm0, $0xb8;
	[tilespmem:$0x18100] =	vst v63  }
0x3d: {  	s10 =	rddreg [dreg:$0x9]  }
0x3e: {  	[tilespmem:s10], [sflag:$0x1] =	stream.indirect_vreg.gather [hbm4b:s5+s2], $0x80, v4, vm0, $0xb8;
	[tilespmem:$0x18100] =	vst v63  }
0x3f: {  	s11 =	rddreg [dreg:$0xa]  }
0x40: {  	[tilespmem:s11], [sflag:$0x1] =	stream.indirect_vreg.gather [hbm4b:s3+s2], $0x80, v3, vm0, $0xb8;
	[tilespmem:$0x18100] =	vst v63  }
0x41: {  	s10 =	rddreg [dreg:$0xb]  }
0x42: {  	[tilespmem:s10], [sflag:$0x1] =	stream.indirect_vreg.gather [hbm4b:s4+s2], $0x80, v3, vm0, $0xb8;
	[tilespmem:$0x18100] =	vst v63  }
0x43: {  	s11 =	rddreg [dreg:$0xc]  }
0x44: {  	[tilespmem:s11], [sflag:$0x1] =	stream.indirect_vreg.gather [hbm4b:s5+s2], $0x80, v3, vm0, $0xb8;
	[tilespmem:$0x18100] =	vst v63  }
0x45: {  	v3 =	vld [tilespmem:$0x10];
	_ =	sdelay $0x4  }
0x46: {  	v57 =	vshrl.u32 v3, $0x3  }
0x47: {  	v4 =	vmul.u32 $0x30, v57  }
0x48: {  	v3 =	vand.u32 $0x7, v3  }
0x49: {  	v3 =	vor.u32 v3, v4  }
0x4a: {  	v4 =	vperm.xlane v3, v0;
	_ =	sdelay $0x1  }
0x4b: {  	v4 =	vadd.s32 v1, v4;
	_ =	sdelay $0x3  }
0x4c: {  	s10 =	rddreg [dreg:$0xd];
	v3 =	vperm.xlane v3, v2  }
0x4d: {  	[tilespmem:s10], [sflag:$0x1] =	stream.indirect_vreg.gather [hbm4b:s3+s2], $0x80, v4, vm0, $0xb8;
	[tilespmem:$0x18100] =	vst v63  }
0x4e: {  	s11 =	rddreg [dreg:$0xe];
	v3 =	vadd.s32 v1, v3  }
0x4f: {  	[tilespmem:s11], [sflag:$0x1] =	stream.indirect_vreg.gather [hbm4b:s4+s2], $0x80, v4, vm0, $0xb8;
	[tilespmem:$0x18100] =	vst v63  }
0x50: {  	s0 =	rddreg [dreg:$0xf]  }
0x51: {  	[tilespmem:s0], [sflag:$0x1] =	stream.indirect_vreg.gather [hbm4b:s5+s2], $0x80, v4, vm0, $0xb8;
	[tilespmem:$0x18100] =	vst v63  }
0x52: {  	s11 =	rddreg [dreg:$0x10]  }
0x53: {  	[tilespmem:s11], [sflag:$0x1] =	stream.indirect_vreg.gather [hbm4b:s3+s2], $0x80, v3, vm0, $0xb8;
	[tilespmem:$0x18100] =	vst v63  }
0x54: {  	s0 =	rddreg [dreg:$0x11]  }
0x55: {  	[tilespmem:s0], [sflag:$0x1] =	stream.indirect_vreg.gather [hbm4b:s4+s2], $0x80, v3, vm0, $0xb8;
	[tilespmem:$0x18100] =	vst v63  }
0x56: {  	s11 =	rddreg [dreg:$0x12]  }
0x57: {  	[tilespmem:s11], [sflag:$0x1] =	stream.indirect_vreg.gather [hbm4b:s5+s2], $0x80, v3, vm0, $0xb8;
	[tilespmem:$0x18100] =	vst v63  }
0x58: {  	v3 =	vld [tilespmem:$0x20];
	_ =	sdelay $0x4  }
0x59: {  	v58 =	vshrl.u32 v3, $0x3  }
0x5a: {  	v4 =	vmul.u32 $0x30, v58  }
0x5b: {  	v3 =	vand.u32 $0x7, v3  }
0x5c: {  	v3 =	vor.u32 v3, v4  }
0x5d: {  	v4 =	vperm.xlane v3, v0;
	_ =	sdelay $0x1  }
0x5e: {  	v4 =	vadd.s32 v1, v4;
	_ =	sdelay $0x3  }
0x5f: {  	s10 =	rddreg [dreg:$0x13];
	v3 =	vperm.xlane v3, v2  }
0x60: {  	[tilespmem:s10], [sflag:$0x1] =	stream.indirect_vreg.gather [hbm4b:s3+s2], $0x80, v4, vm0, $0xb8;
	[tilespmem:$0x18100] =	vst v63  }
0x61: {  	s11 =	rddreg [dreg:$0x14];
	v3 =	vadd.s32 v1, v3  }
0x62: {  	[tilespmem:s11], [sflag:$0x1] =	stream.indirect_vreg.gather [hbm4b:s4+s2], $0x80, v4, vm0, $0xb8;
	[tilespmem:$0x18100] =	vst v63  }
0x63: {  	s0 =	rddreg [dreg:$0x15]  }
0x64: {  	[tilespmem:s0], [sflag:$0x1] =	stream.indirect_vreg.gather [hbm4b:s5+s2], $0x80, v4, vm0, $0xb8;
	[tilespmem:$0x18100] =	vst v63  }
0x65: {  	s11 =	rddreg [dreg:$0x16]  }
0x66: {  	[tilespmem:s11], [sflag:$0x1] =	stream.indirect_vreg.gather [hbm4b:s3+s2], $0x80, v3, vm0, $0xb8;
	[tilespmem:$0x18100] =	vst v63  }
0x67: {  	s0 =	rddreg [dreg:$0x17]  }
0x68: {  	[tilespmem:s0], [sflag:$0x1] =	stream.indirect_vreg.gather [hbm4b:s4+s2], $0x80, v3, vm0, $0xb8;
	[tilespmem:$0x18100] =	vst v63  }
0x69: {  	s11 =	rddreg [dreg:$0x18]  }
0x6a: {  	[tilespmem:s11], [sflag:$0x1] =	stream.indirect_vreg.gather [hbm4b:s5+s2], $0x80, v3, vm0, $0xb8;
	[tilespmem:$0x18100] =	vst v63  }
0x6b: {  	v3 =	vld [tilespmem:$0x30];
	_ =	sdelay $0x4  }
0x6c: {  	v59 =	vshrl.u32 v3, $0x3  }
0x6d: {  	v4 =	vmul.u32 $0x30, v59  }
0x6e: {  	v3 =	vand.u32 $0x7, v3  }
0x6f: {  	v3 =	vor.u32 v3, v4  }
0x70: {  	v4 =	vperm.xlane v3, v0;
	_ =	sdelay $0x1  }
0x71: {  	v4 =	vadd.s32 v1, v4;
	_ =	sdelay $0x3  }
0x72: {  	s10 =	rddreg [dreg:$0x19];
	v3 =	vperm.xlane v3, v2  }
0x73: {  	[tilespmem:s10], [sflag:$0x1] =	stream.indirect_vreg.gather [hbm4b:s3+s2], $0x80, v4, vm0, $0xb8;
	[tilespmem:$0x18100] =	vst v63  }
0x74: {  	s11 =	rddreg [dreg:$0x1a];
	v3 =	vadd.s32 v1, v3  }
0x75: {  	[tilespmem:s11], [sflag:$0x1] =	stream.indirect_vreg.gather [hbm4b:s4+s2], $0x80, v4, vm0, $0xb8;
	[tilespmem:$0x18100] =	vst v63  }
0x76: {  	s0 =	rddreg [dreg:$0x1b]  }
0x77: {  	[tilespmem:s0], [sflag:$0x1] =	stream.indirect_vreg.gather [hbm4b:s5+s2], $0x80, v4, vm0, $0xb8;
	[tilespmem:$0x18100] =	vst v63  }
0x78: {  	s11 =	rddreg [dreg:$0x1c]  }
0x79: {  	[tilespmem:s11], [sflag:$0x1] =	stream.indirect_vreg.gather [hbm4b:s3+s2], $0x80, v3, vm0, $0xb8;
	[tilespmem:$0x18100] =	vst v63  }
0x7a: {  	s0 =	rddreg [dreg:$0x1d]  }
0x7b: {  	[tilespmem:s0], [sflag:$0x1] =	stream.indirect_vreg.gather [hbm4b:s4+s2], $0x80, v3, vm0, $0xb8;
	[tilespmem:$0x18100] =	vst v63  }
0x7c: {  	s11 =	rddreg [dreg:$0x1e]  }
0x7d: {  	[tilespmem:s11], [sflag:$0x1] =	stream.indirect_vreg.gather [hbm4b:s5+s2], $0x80, v3, vm0, $0xb8;
	[tilespmem:$0x18100] =	vst v63  }
0x7e: {  	v3 =	vld [tilespmem:$0x80];
	_ =	sdelay $0x4  }
0x7f: {  	v60 =	vshrl.u32 v3, $0x3  }
0x80: {  	v4 =	vmul.u32 $0x30, v60  }
0x81: {  	v3 =	vand.u32 $0x7, v3  }
0x82: {  	v3 =	vor.u32 v3, v4  }
0x83: {  	v4 =	vperm.xlane v3, v0;
	_ =	sdelay $0x1  }
0x84: {  	v4 =	vadd.s32 v1, v4;
	_ =	sdelay $0x3  }
0x85: {  	v3 =	vperm.xlane v3, v2  }
0x86: {  	[tilespmem:s9], [sflag:$0x1] =	stream.indirect_vreg.gather [hbm4b:s3+s2], $0x80, v4, vm0, $0xb8;
	[tilespmem:$0x18100] =	vst v63  }
0x87: {  	s11 =	rddreg [dreg:$0x1f];
	v3 =	vadd.s32 v1, v3  }
0x88: {  	[tilespmem:s11], [sflag:$0x1] =	stream.indirect_vreg.gather [hbm4b:s4+s2], $0x80, v4, vm0, $0xb8;
	[tilespmem:$0x18100] =	vst v63  }
0x89: {  	s10 =	simm.s32 $0xD100  }
0x8a: {  	[tilespmem:s10], [sflag:$0x1] =	stream.indirect_vreg.gather [hbm4b:s5+s2], $0x80, v4, vm0, $0xb8;
	[tilespmem:$0x18100] =	vst v63  }
0x8b: {  	s11 =	simm.s32 $0xD900  }
0x8c: {  	[tilespmem:s11], [sflag:$0x1] =	stream.indirect_vreg.gather [hbm4b:s3+s2], $0x80, v3, vm0, $0xb8;
	[tilespmem:$0x18100] =	vst v63  }
0x8d: {  	_ = 	snop  }
0x8e: {  	[tilespmem:s12], [sflag:$0x1] =	stream.indirect_vreg.gather [hbm4b:s4+s2], $0x80, v3, vm0, $0xb8;
	[tilespmem:$0x18100] =	vst v63  }
0x8f: {  	_ = 	snop  }
0x90: {  	[tilespmem:s13], [sflag:$0x1] =	stream.indirect_vreg.gather [hbm4b:s5+s2], $0x80, v3, vm0, $0xb8;
	[tilespmem:$0x18100] =	vst v63  }
0x91: {  	v3 =	vld [tilespmem:$0x90];
	_ =	sdelay $0x4  }
0x92: {  	v61 =	vshrl.u32 v3, $0x3  }
0x93: {  	v4 =	vmul.u32 $0x30, v61  }
0x94: {  	v3 =	vand.u32 $0x7, v3  }
0x95: {  	v3 =	vor.u32 v3, v4  }
0x96: {  	v4 =	vperm.xlane v3, v0;
	_ =	sdelay $0x1  }
0x97: {  	v4 =	vadd.s32 v1, v4;
	_ =	sdelay $0x3  }
0x98: {  	v3 =	vperm.xlane v3, v2  }
0x99: {  	[tilespmem:s14], [sflag:$0x1] =	stream.indirect_vreg.gather [hbm4b:s3+s2], $0x80, v4, vm0, $0xb8;
	[tilespmem:$0x18100] =	vst v63  }
0x9a: {  	v3 =	vadd.s32 v1, v3  }
0x9b: {  	[tilespmem:s15], [sflag:$0x1] =	stream.indirect_vreg.gather [hbm4b:s4+s2], $0x80, v4, vm0, $0xb8;
	[tilespmem:$0x18100] =	vst v63  }
0x9c: {  	_ = 	snop  }
0x9d: {  	[tilespmem:s16], [sflag:$0x1] =	stream.indirect_vreg.gather [hbm4b:s5+s2], $0x80, v4, vm0, $0xb8;
	[tilespmem:$0x18100] =	vst v63  }
0x9e: {  	_ = 	snop  }
0x9f: {  	[tilespmem:s17], [sflag:$0x1] =	stream.indirect_vreg.gather [hbm4b:s3+s2], $0x80, v3, vm0, $0xb8;
	[tilespmem:$0x18100] =	vst v63  }
0xa0: {  	_ = 	snop  }
0xa1: {  	[tilespmem:s18], [sflag:$0x1] =	stream.indirect_vreg.gather [hbm4b:s4+s2], $0x80, v3, vm0, $0xb8;
	[tilespmem:$0x18100] =	vst v63  }
0xa2: {  	_ = 	snop  }
0xa3: {  	[tilespmem:s19], [sflag:$0x1] =	stream.indirect_vreg.gather [hbm4b:s5+s2], $0x80, v3, vm0, $0xb8;
	[tilespmem:$0x18100] =	vst v63  }
0xa4: {  	v3 =	vld [tilespmem:$0xA0];
	_ =	sdelay $0x4  }
0xa5: {  	v62 =	vshrl.u32 v3, $0x3  }
0xa6: {  	v4 =	vmul.u32 $0x30, v62  }
0xa7: {  	v3 =	vand.u32 $0x7, v3  }
0xa8: {  	v3 =	vor.u32 v3, v4  }
0xa9: {  	v4 =	vperm.xlane v3, v0;
	_ =	sdelay $0x1  }
0xaa: {  	v4 =	vadd.s32 v1, v4;
	_ =	sdelay $0x3  }
0xab: {  	v3 =	vperm.xlane v3, v2  }
0xac: {  	[tilespmem:s20], [sflag:$0x1] =	stream.indirect_vreg.gather [hbm4b:s3+s2], $0x80, v4, vm0, $0xb8;
	[tilespmem:$0x18100] =	vst v63  }
0xad: {  	v3 =	vadd.s32 v1, v3  }
0xae: {  	[tilespmem:s21], [sflag:$0x1] =	stream.indirect_vreg.gather [hbm4b:s4+s2], $0x80, v4, vm0, $0xb8;
	[tilespmem:$0x18100] =	vst v63  }
0xaf: {  	_ = 	snop  }
0xb0: {  	[tilespmem:s22], [sflag:$0x1] =	stream.indirect_vreg.gather [hbm4b:s5+s2], $0x80, v4, vm0, $0xb8;
	[tilespmem:$0x18100] =	vst v63  }
0xb1: {  	_ = 	snop  }
0xb2: {  	[tilespmem:s23], [sflag:$0x1] =	stream.indirect_vreg.gather [hbm4b:s3+s2], $0x80, v3, vm0, $0xb8;
	[tilespmem:$0x18100] =	vst v63  }
0xb3: {  	_ = 	snop  }
0xb4: {  	[tilespmem:s24], [sflag:$0x1] =	stream.indirect_vreg.gather [hbm4b:s4+s2], $0x80, v3, vm0, $0xb8;
	[tilespmem:$0x18100] =	vst v63  }
0xb5: {  	_ = 	snop  }
0xb6: {  	[tilespmem:s25], [sflag:$0x1] =	stream.indirect_vreg.gather [hbm4b:s5+s2], $0x80, v3, vm0, $0xb8;
	[tilespmem:$0x18100] =	vst v63  }
0xb7: {  	v3 =	vld [tilespmem:$0xB0];
	_ =	sdelay $0x4  }
0xb8: {  	v63 =	vshrl.u32 v3, $0x3  }
0xb9: {  	v4 =	vmul.u32 $0x30, v63  }
0xba: {  	v3 =	vand.u32 $0x7, v3  }
0xbb: {  	v3 =	vor.u32 v3, v4  }
0xbc: {  	v4 =	vperm.xlane v3, v0;
	_ =	sdelay $0x1  }
0xbd: {  	v4 =	vadd.s32 v1, v4;
	_ =	sdelay $0x3  }
0xbe: {  	v3 =	vperm.xlane v3, v2  }
0xbf: {  	[tilespmem:s26], [sflag:$0x1] =	stream.indirect_vreg.gather [hbm4b:s3+s2], $0x80, v4, vm0, $0xb8;
	[tilespmem:$0x18100] =	vst v63  }
0xc0: {  	v3 =	vadd.s32 v1, v3  }
0xc1: {  	[tilespmem:s28], [sflag:$0x1] =	stream.indirect_vreg.gather [hbm4b:s4+s2], $0x80, v4, vm0, $0xb8;
	[tilespmem:$0x18100] =	vst v63  }
0xc2: {  	_ = 	snop  }
0xc3: {  	[tilespmem:s29], [sflag:$0x1] =	stream.indirect_vreg.gather [hbm4b:s5+s2], $0x80, v4, vm0, $0xb8;
	[tilespmem:$0x18100] =	vst v63  }
0xc4: {  	_ = 	snop  }
0xc5: {  	[tilespmem:s30], [sflag:$0x1] =	stream.indirect_vreg.gather [hbm4b:s3+s2], $0x80, v3, vm0, $0xb8;
	[tilespmem:$0x18100] =	vst v63  }
0xc6: {  	_ = 	snop  }
0xc7: {  	[tilespmem:s31], [sflag:$0x1] =	stream.indirect_vreg.gather [hbm4b:s4+s2], $0x80, v3, vm0, $0xb8;
	[tilespmem:$0x18100] =	vst v63  }
0xc8: {  	_ = 	snop  }
0xc9: {  	[tilespmem:s1], [sflag:$0x1] =	stream.indirect_vreg.gather [hbm4b:s5+s2], $0x80, v3, vm0, $0xb8;
	[tilespmem:$0x18100] =	vst v63  }
0xca: {  	_ =	swait.ge [sflag:s7], $0xC000  }
0xcb: {  	[sflag:s7] =	ssyncset.done $0x0  }
0xcc: {  	[sflag:s7] =	ssyncadd.s32 $0xFFFF4000  }
0xcd: {  	_ =	swait.ge [sflag:s7], $0xC000  }
0xce: {  	[sflag:s7] =	ssyncset.done $0x0  }
0xcf: {  	s10 =	rddreg [dreg:$0x5];
	[sflag:s7] =	ssyncadd.s32 $0xFFFF4000  }
0xd0: {  	[hbm4b:s10+s2] =	stream.linear.scatter [tilespmem:s8], [sflag:$0x1], $0xC000, $0x38;
	[tilespmem:$0x18100] =	vst v63  }
0xd1: {  	s11 =	rddreg [dreg:$0x6]  }
0xd2: {  	[hbm4b:s11+s2] =	stream.linear.scatter [tilespmem:s9], [sflag:$0x1], $0xC000, $0x38;
	[tilespmem:$0x18100] =	vst v63  }
0xd3: {  	p0 =	sne.s32 s6, $0x1;
	_ =	swait.ge [sflag:s7], $0xC000  }
.Ltmp0:
0xd4: {  	[sflag:s7] =	ssyncset.done $0x0;
	(pc) =	sbr.rel @p0 .LBB2_1-.Ltmp0, $4  }
0xd5: {  	[sflag:s7] =	ssyncadd.s32 $0xFFFF4000  }
0xd6: {  	_ =	swait.ge [sflag:s7], $0xC000  }
0xd7: {  	[sflag:s7] =	ssyncset.done $0x0  }
0xd8: {  	s6 =	sadd.s32 $0xFFFFFFFF, s6;
	[sflag:s7] =	ssyncadd.s32 $0xFFFF4000  }
0xd9: {  	_ =	sfence.sel $0x180000  }
0xda: {  	[bflag:$0x0] =	sbarrier.arrive $0xFFFF  }
0xdb: {  	_ =	strace $0x9000004A  }
0xdc: {  	s0 =	stileid.u32;
	[bflag:$0x2] =	sbarrier.arrive $0xFFFF  }
0xdd: {  	p0 =	sne.s32 s0, $0x0;
	s0 =	rddreg [dreg:$0x2]  }
0xde: {  	s0 =	sadd.s32 @!p0 $0x100000, s0  }
0xdf: {  	[sflag:s0] =	ssyncadd.tile.s32 @!p0 $0x1;
	_ =	shalt  }
.Lfunc_end2:
_tile_overlayer_lowered:
.L_overlay_start_2:
0xe0: {  	(tag) =	ssettag $0x2  }
0xe1: {  	s0 =	rddreg [dreg:$0x0];
	s2 =	stileid.u32  }
0xe2: {  	s1 =	rddreg [dreg:$0x1];
	p0 =	sne.s32 s2, $0x0  }
0xe3: {  	s3 =	rddreg [dreg:$0x2];
	[bflag:$0x3] =	sbarrier.arrive $0xFFFF;
	s2 =	simm.s32 @!p0 $0x1C02  }
0xe4: {  	[timem:s3], [sflag:s2] =	dma.local @!p0 [hbm:s0], s1  }
0xe5: {  	s0 =	simm.s32 @!p0 $0x2  }
0xe6: {  	_ =	swait.ge @!p0 [sflag:s0], s1  }
0xe7: {  	s1 =	ssub.s32 @!p0 $0x0, s1;
	[sflag:s0] =	ssyncset.done @!p0 $0x0  }
0xe8: {  	[sflag:s0] =	ssyncadd.s32 @!p0 s1  }
0xe9: {  	[bflag:$0x3] =	sbarrier.arrive $0xFFFF  }
0xea: {  	_ =	shalt  }

// kernel: kernel.7.cloned.1.call-start
scs
__scs_entry_jumppad:
0x0: {  	(pc) =	sbr.rel $0x88, $3  }
0x1: {  	(tag) =	ssettag $0x0;
	lr =	simm.s32 $0x1  }
0x2: {  	[smem:$0x3F98] =	sst lr;
	_ =	strace $0xD0000000  }
0x3: {  	_ = 	snop  }
0x4: {  	_ = 	snop  }
0x5: {  	_ = 	snop  }
0x6: {  	_ = 	snop  }
0x7: {  	_ = 	snop  }
__scs_overlays_trampoline_lowered:
0x8: {  	[smem:$0x3FA7] =	sst s0  }
0x9: {  	[smem:$0x3FA8] =	sst s1  }
0xa: {  	[smem:$0x3FA9] =	sst s2  }
0xb: {  	[smem:$0x3FAA] =	sst s3  }
0xc: {  	[smem:$0x3FAB] =	sst s4  }
0xd: {  	[smem:$0x3FAC] =	sst s5  }
0xe: {  	[smem:$0x3FAD] =	sst s6  }
0xf: {  	[smem:$0x3FAE] =	sst s7  }
0x10: {  	[smem:$0x3FAF] =	sst s8  }
0x11: {  	[smem:$0x3FB0] =	sst s9;
	s0 =	simm.s32 @!p0 $0x0  }
0x12: {  	s1 =	sld [smem:$0x3F96];
	s0 =	simm.s32 @p0 $0x1  }
0x13: {  	[smem:$0x3FB1] =	sst s0;
	s0 =	simm.s32 @!p1 $0x0  }
0x14: {  	s2 =	sld [smem:$0x3F95];
	s0 =	simm.s32 @p1 $0x1  }
0x15: {  	[smem:$0x3FB2] =	sst s0;
	s0 =	simm.s32 @!p2 $0x0  }
0x16: {  	s3 =	sld [smem:$0x3FDB];
	s0 =	simm.s32 @p2 $0x1  }
0x17: {  	s4 =	simm.s32 $0x1BF5;
	[smem:$0x3FB4] =	sst s0  }
0x18: {  	s0 =	sld [smem:$0x3F97];
	_ =	swait.ge [sflag:s4], $0x0  }
0x19: {  	s7 =	sld [smem:$0x3F98]  }
0x1a: {  	s8 =	sadd.s32 $0xFFFFE003, lr  }
0x1b: {  	s9 =	sadd.s32 $0xFFFFFEF7, lr;
	s5 =	simm.s32 $0xFFFFFFFF;
	p2 =	slt.u32 s8, $0xFFFFF086  }
0x1c: {  	p1 =	slt.u32 s9, $0xF7A;
	s5 =	simm.s32 @!p2 $0x0  }
0x1d: {  	s5 =	simm.s32 @p1 $0x1;
	p0 =	seq.s32 s7, s2  }
0x1e: {  	s7 =	smul.u32 @!p0 $0xF7A, s2;
	p2 =	seq.s32 @!p0 s5, $0x0  }
0x1f: {  	s9 =	smul.u32 $0xF7A, s1;
	s8 =	simm.s32 @!p0 $0x1BF5;
	p2 =	por !p2, p0  }
0x20: {  	[sflag:s8] =	ssyncset.s32 @!p0 $0xFFFFF086;
	s6 =	sadd.s32 @!p0 s3, s7;
	s7 =	simm.s32 @!p0 $0x108  }
0x21: {  	s3 =	sadd.s32 s3, s9;
	s6 =	sadd.s32 @!p0 $0x88, s6;
	s7 =	simm.s32 @p2 $0x1082  }
0x22: {  	[simem:s7], [sflag:s8] =	dma.local @!p0 [hbm:s6], $0xF7A  }
0x23: {  	s9 =	sor.u32 $0xD0000000, s2;
	s6 =	simm.s32 $0x108;
	_ =	swait.ge @!p0 [sflag:s8], $0x0  }
0x24: {  	s3 =	sadd.s32 $0x88, s3;
	s6 =	simm.s32 @!p1 $0x1082;
	[sflag:s4] =	ssyncset.s32 $0xFFFFF086  }
0x25: {  	[simem:s6], [sflag:s4] =	dma.local [hbm:s3], $0xF7A  }
0x26: {  	[smem:$0x3F98] =	sst s1;
	(tag) =	ssettag s2;
	_ =	strace s9  }
0x27: {  	s1 =	sld [smem:$0x3FA8]  }
0x28: {  	s2 =	sld [smem:$0x3FA9]  }
0x29: {  	s4 =	sld [smem:$0x3FAB]  }
0x2a: {  	p0 =	seq.s32 s5, $0x0;
	s5 =	sld [smem:$0x3FAC]  }
0x2b: {  	s6 =	sld [smem:$0x3FAD]  }
0x2c: {  	s7 =	sld [smem:$0x3FAE]  }
0x2d: {  	s3 =	simm.s32 $0x108;
	s8 =	sld [smem:$0x3FAF]  }
0x2e: {  	s3 =	simm.s32 @!p0 $0x1082;
	s9 =	sld [smem:$0x3FB0]  }
0x2f: {  	lr =	sadd.s32 s0, s3;
	s0 =	sld [smem:$0x3FA7]  }
0x30: {  	s3 =	sld [smem:$0x3FAA]  }
0x31: {  	[smem:$0x3FB3] =	sst s10  }
0x32: {  	s10 =	sld [smem:$0x3FB1];
	_ =	sdelay $0x3  }
0x33: {  	p0 =	seq.s32 s10, $0x1;
	s10 =	sld [smem:$0x3FB3];
	_ =	sdelay $0x3  }
0x34: {  	[smem:$0x3FB3] =	sst s10  }
0x35: {  	s10 =	sld [smem:$0x3FB2];
	_ =	sdelay $0x3  }
0x36: {  	p1 =	seq.s32 s10, $0x1;
	s10 =	sld [smem:$0x3FB3];
	_ =	sdelay $0x3  }
0x37: {  	[smem:$0x3FB3] =	sst s10  }
0x38: {  	s10 =	sld [smem:$0x3FB4]  }
0x39: {  	_ = 	snop;
	(pc) =	sbr.ind lr, $3  }
0x3a: {  	_ = 	snop  }
0x3b: {  	_ = 	snop  }
0x3c: {  	p2 =	seq.s32 s10, $0x1;
	s10 =	sld [smem:$0x3FB3]  }
0x3d: {  	_ =	shalt  }
0x3e: {  	_ =	shalt  }
0x3f: {  	_ =	shalt  }
0x40: {  	_ =	shalt  }
0x41: {  	_ =	shalt  }
0x42: {  	_ =	shalt  }
0x43: {  	_ =	shalt  }
0x44: {  	_ =	shalt  }
0x45: {  	_ =	shalt  }
0x46: {  	_ =	shalt  }
0x47: {  	_ =	shalt  }
0x48: {  	_ =	shalt  }
0x49: {  	_ =	shalt  }
0x4a: {  	_ =	shalt  }
0x4b: {  	_ =	shalt  }
0x4c: {  	_ =	shalt  }
0x4d: {  	_ =	shalt  }
0x4e: {  	_ =	shalt  }
0x4f: {  	_ =	shalt  }
0x50: {  	_ =	shalt  }
0x51: {  	_ =	shalt  }
0x52: {  	_ =	shalt  }
0x53: {  	_ =	shalt  }
0x54: {  	_ =	shalt  }
0x55: {  	_ =	shalt  }
0x56: {  	_ =	shalt  }
0x57: {  	_ =	shalt  }
0x58: {  	_ =	shalt  }
0x59: {  	_ =	shalt  }
0x5a: {  	_ =	shalt  }
0x5b: {  	_ =	shalt  }
0x5c: {  	_ =	shalt  }
0x5d: {  	_ =	shalt  }
0x5e: {  	_ =	shalt  }
0x5f: {  	_ =	shalt  }
0x60: {  	_ =	shalt  }
0x61: {  	_ =	shalt  }
0x62: {  	_ =	shalt  }
0x63: {  	_ =	shalt  }
0x64: {  	_ =	shalt  }
0x65: {  	_ =	shalt  }
0x66: {  	_ =	shalt  }
0x67: {  	_ =	shalt  }
0x68: {  	_ =	shalt  }
0x69: {  	_ =	shalt  }
0x6a: {  	_ =	shalt  }
0x6b: {  	_ =	shalt  }
0x6c: {  	_ =	shalt  }
0x6d: {  	_ =	shalt  }
0x6e: {  	_ =	shalt  }
0x6f: {  	_ =	shalt  }
0x70: {  	_ =	shalt  }
0x71: {  	_ =	shalt  }
0x72: {  	_ =	shalt  }
0x73: {  	_ =	shalt  }
0x74: {  	_ =	shalt  }
0x75: {  	_ =	shalt  }
0x76: {  	_ =	shalt  }
0x77: {  	_ =	shalt  }
0x78: {  	_ =	shalt  }
0x79: {  	_ =	shalt  }
0x7a: {  	_ =	shalt  }
0x7b: {  	_ =	shalt  }
0x7c: {  	_ =	shalt  }
0x7d: {  	_ =	shalt  }
0x7e: {  	_ =	shalt  }
0x7f: {  	_ =	shalt  }
0x80: {  	_ =	shalt  }
0x81: {  	_ =	shalt  }
0x82: {  	_ =	shalt  }
0x83: {  	_ =	shalt  }
0x84: {  	_ =	shalt  }
0x85: {  	_ =	shalt  }
0x86: {  	_ =	shalt  }
0x87: {  	_ =	shalt  }
.Lfunc_end0:
.L_simem_size_0:
called_computation_lowered:
.L_overlay_start_0:
0x88: {  	s2 =	sld [smem:$0x3FD9]  }
0x89: {  	s3 =	sld [smem:$0x3FFE];
	_ =	sdelay $0x1  }
0x8a: {  	s1 =	srdreg.scid  }
0x8b: {  	s0 =	sand.u32 $0x1, s1  }
0x8c: {  	s17 =	sshll.u32 s0, $0xA;
	s2 =	sadd.s32 s3, s2  }
0x8d: {  	s2 =	sadd.s32 s2, s17  }
0x8e: {  	[smem:$0x3FBF] =	sst s2  }
0x8f: {  	_ = 	snop  }
0x90: {  	s2 =	sld [smem:$0x3FD0];
	(tm) =	ssettm $0x1  }
0x91: {  	s18 =	sld [smem:$0x3FFB];
	_ =	sdelay $0x3  }
0x92: {  	_ =	strace s18  }
0x93: {  	s3 =	sld [smem:$0x3FFC];
	_ =	sdelay $0x3  }
0x94: {  	_ =	strace s3  }
0x95: {  	s3 =	sld [smem:$0x3FFD];
	_ =	sdelay $0x3  }
0x96: {  	_ =	strace s3  }
0x97: {  	_ =	strace $0x8FFFFFFF  }
0x98: {  	s19 =	sld [smem:$0x3FDB];
	_ =	sdelay $0x1  }
0x99: {  	s4 =	simm.s32 $_scs_section_size  }
0x9a: {  	s5 =	simm.s32 $_size__tile_overlayer_lowered;
	s6 =	simm.s32 $_tile_overlayer_lowered  }
0x9b: {  	s22 =	simm.s32 $0x1BFF;
	s21 =	sshll.u32 s6, $0x1;
	s3 =	sadd.s32 s4, s19  }
0x9c: {  	s7 =	simm.s32 $0x0;
	s20 =	sshll.u32 s5, $0x1;
	s5 =	sadd.s32 s21, s3  }
0x9d: {  	[timem:s7], [sflag:s22] =	dma.local [hbm:s5], s20  }
0x9e: {  	_ =	swait.ge [sflag:s22], s20  }
0x9f: {  	s4 =	ssub.s32 $0x0, s20;
	[sflag:s22] =	ssyncset.done $0x0  }
0xa0: {  	[sflag:s22] =	ssyncadd.s32 s4;
	_ =	sdelay $0x1  }
0xa1: {  	s23 =	simm.s32 $0x1B8B  }
0xa2: {  	_ =	swait.ge [sflag:s23], $0x1  }
0xa3: {  	[sflag:s23] =	ssyncset.done $0x0  }
0xa4: {  	s25 =	simm.s32 $0x1B8E;
	s24 =	sld [smem:$0x3FFE];
	[sflag:s23] =	ssyncadd.s32 $0xFFFFFFFF  }
0xa5: {  	s26 =	simm.s32 $execute0_lowered;
	[smem:$0x3FD2] =	sst s25  }
0xa6: {  	s5 =	sshll.u32 s26, $0x1;
	_ =	strace $0x80000046;
	[dreg:$0x1] =	wrdreg $0xFFFFFFFF  }
0xa7: {  	s28 =	simm.s32 $_size_execute0_lowered;
	s3 =	sadd.s32 s3, s5;
	[dreg:$0x0] =	wrdreg $0x0  }
0xa8: {  	s5 =	sshll.u32 s28, $0x1;
	[dreg:$0x2] =	wrdreg s3  }
0xa9: {  	[dreg:$0x3] =	wrdreg s5  }
0xaa: {  	[dreg:$0x4] =	wrdreg $0xC0  }
0xab: {  	_ =	task [dreg:s7], $0x5FFFF  }
0xac: {  	[dreg:$0x1] =	wrdreg $0xFFFFFFFF  }
0xad: {  	[dreg:$0x0] =	wrdreg $0x60  }
0xae: {  	[dreg:$0x2] =	wrdreg s2  }
0xaf: {  	[dreg:$0x3] =	wrdreg s24  }
0xb0: {  	[dreg:$0x4] =	wrdreg $0x9  }
0xb1: {  	_ =	task.clear_ibuf [dreg:s7], $0x5FFFF;
	_ =	strace $0x90000046  }
0xb2: {  	s29 =	simm.s32 $0x9;
	_ =	strace $0x80000048  }
0xb3: {  	_ =	swait.ge [sflag:s29], $0x1  }
0xb4: {  	[sflag:s29] =	ssyncadd.s32 $0xFFFFFFFF  }
0xb5: {  	_ =	strace $0x90000048  }
0xb6: {  	_ =	sfence  }
0xb7: {  	s30 =	sld [smem:$0x0];
	_ =	sdelay $0x2  }
0xb8: {  	s31 =	sshll.u32 s1, $0xD;
	s1 =	sshrl.u32 s1, $0x2  }
0xb9: {  	s3 =	sand.u32 $0x4000, s31;
	s1 =	sadd.s32 s1, s30  }
0xba: {  	s0 =	sor.u32 s3, s0;
	s1 =	sshll.u32 s1, $0x11  }
0xbb: {  	s0 =	sor.u32 s1, s0  }
0xbc: {  	s0 =	sadd.s32 $0x8F2B, s0  }
0xbd: {  	[sflag:s0] =	ssyncadd.remote.s32 $0x1  }
0xbe: {  	_ =	sfence.sel $0xFFFF  }
0xbf: {  	[dreg:$0x0] =	wrdreg $0xFFFFFFFF;
	(pc) =	sbr.abs _section_cstart, $3  }
0xc0: {  	[dreg:$0x1] =	wrdreg $0xFFFFFFFF  }
0xc1: {  	_ =	task.clear_ibuf [dreg:s7], $0x2FFFF;
	_ =	strace $0x9FFFFFFF  }
0xc2: {  	(tm) =	ssettm $0x7FFFFFFF  }
0xc3: {  	_ =	shalt  }
tec
execute0_lowered:
.L_overlay_start_1:
0x0: {  	(tag) =	ssettag $0x1  }
0x1: {  	s3 =	rddreg [dreg:$0x0]  }
0x2: {  	s4 =	rddreg [dreg:$0x1]  }
0x3: {  	s0 =	rddreg [dreg:$0x2]  }
0x4: {  	s2 =	simm.s32 $0x0;
	s5 =	srdreg.scid;
	s1 =	stileid.u32  }
0x5: {  	[smem:$0x7FF] =	sst s2;
	s6 =	sand.u32 $0x1, s5;
	s21 =	sshll.u32 s1, $0x1  }
0x6: {  	s7 =	sadd.s32 $0x3200, s4;
	s22 =	sadd.s32 $0x3400, s4;
	s4 =	sadd.s32 $0x3600, s4  }
0x7: {  	_ =	strace $0x80000047;
	s5 =	sor.u32 s6, s21;
	[dreg:$0x5] =	wrdreg s7  }
0x8: {  	s9 =	sshll.u32 s6, $0x6;
	s8 =	sshll.u32 s5, $0x7;
	s10 =	sshll.u32 s5, $0xA  }
0x9: {  	p0 =	seq.s32 s5, $0x1F;
	s11 =	sand.u32 $0xF00, s8;
	s8 =	sor.u32 s9, s8  }
0xa: {  	s3 =	sadd.s32 s3, s10;
	s23 =	sor.u32 s9, s11;
	s25 =	sshrl.u32 s8, $0x3  }
0xb: {  	[dreg:$0x3] =	wrdreg s3;
	s24 =	sshrl.u32 s23, $0x3;
	s7 =	sor.u32 $0x10, s25  }
0xc: {  	s3 =	sadd.s32 s4, s24;
	s28 =	sadd.s32 s4, s7;
	s4 =	simm.s32 @!p0 $0x0  }
0xd: {  	s4 =	simm.s32 @p0 $0x1;
	p0 =	seq.s32 s1, $0xF  }
0xe: {  	[smem:$0x7E4] =	sst s4;
	s4 =	simm.s32 @!p0 $0x0  }
0xf: {  	s4 =	simm.s32 @p0 $0x1;
	p0 =	sgt.u32 s5, $0x1C  }
0x10: {  	[smem:$0x7E5] =	sst s4;
	s4 =	simm.s32 @!p0 $0x0  }
0x11: {  	s4 =	simm.s32 @p0 $0x1;
	p0 =	sgt.u32 s1, $0xD  }
0x12: {  	[smem:$0x7E6] =	sst s4;
	s4 =	simm.s32 @!p0 $0x0  }
0x13: {  	s6 =	ssub.s32 $0x2, s6;
	s4 =	simm.s32 @p0 $0x1;
	p0 =	sgt.u32 s5, $0x1A  }
0x14: {  	s26 =	sshrl.u32 s6, $0x1;
	[smem:$0x7E7] =	sst s4;
	s4 =	simm.s32 @!p0 $0x0  }
0x15: {  	s6 =	ssub.s32 s6, s26;
	s4 =	simm.s32 @p0 $0x1;
	p0 =	sgt.u32 s1, $0xC  }
0x16: {  	[dreg:$0x7] =	wrdreg s3;
	s3 =	smax.u32 s6, $0x1;
	s6 =	simm.s32 @!p0 $0x0  }
0x17: {  	s6 =	simm.s32 @p0 $0x1;
	p0 =	sgt.u32 s5, $0x18  }
0x18: {  	[smem:$0x7E9] =	sst s6;
	s6 =	simm.s32 @!p0 $0x0  }
0x19: {  	s6 =	simm.s32 @p0 $0x1;
	p0 =	sgt.u32 s1, $0xB  }
0x1a: {  	[smem:$0x7EA] =	sst s6;
	s6 =	simm.s32 @!p0 $0x0  }
0x1b: {  	s6 =	simm.s32 @p0 $0x1;
	p0 =	sgt.u32 s5, $0x16  }
0x1c: {  	[smem:$0x7EB] =	sst s6;
	s6 =	simm.s32 @!p0 $0x0  }
0x1d: {  	s6 =	simm.s32 @p0 $0x1;
	p0 =	sgt.u32 s1, $0xA  }
0x1e: {  	[smem:$0x7EC] =	sst s6;
	s6 =	simm.s32 @!p0 $0x0  }
0x1f: {  	s6 =	simm.s32 @p0 $0x1;
	p0 =	sgt.u32 s5, $0x14  }
0x20: {  	[smem:$0x7ED] =	sst s6;
	s6 =	simm.s32 @!p0 $0x0  }
0x21: {  	s6 =	simm.s32 @p0 $0x1;
	p0 =	sgt.u32 s1, $0x9  }
0x22: {  	[smem:$0x7EE] =	sst s6;
	s6 =	simm.s32 @!p0 $0x0  }
0x23: {  	s6 =	simm.s32 @p0 $0x1;
	p0 =	sgt.u32 s5, $0x12  }
0x24: {  	[smem:$0x7EF] =	sst s6;
	s6 =	simm.s32 @!p0 $0x0  }
0x25: {  	s6 =	simm.s32 @p0 $0x1;
	p0 =	sgt.u32 s1, $0x8  }
0x26: {  	[smem:$0x7F0] =	sst s6;
	s6 =	simm.s32 @!p0 $0x0  }
0x27: {  	s6 =	simm.s32 @p0 $0x1;
	p0 =	sgt.u32 s5, $0x10  }
0x28: {  	[smem:$0x7F1] =	sst s6;
	s6 =	simm.s32 @!p0 $0x0  }
0x29: {  	s6 =	simm.s32 @p0 $0x1;
	p0 =	sgt.u32 s1, $0x7  }
0x2a: {  	[smem:$0x7F2] =	sst s6;
	s6 =	simm.s32 @!p0 $0x0  }
0x2b: {  	s6 =	simm.s32 @p0 $0x1;
	p0 =	sgt.u32 s5, $0xE  }
0x2c: {  	[smem:$0x7F3] =	sst s6;
	s6 =	simm.s32 @!p0 $0x0  }
0x2d: {  	s6 =	simm.s32 @p0 $0x1;
	p0 =	sgt.u32 s1, $0x6  }
0x2e: {  	[smem:$0x7F4] =	sst s6;
	s6 =	simm.s32 @!p0 $0x0  }
0x2f: {  	s6 =	simm.s32 @p0 $0x1;
	p0 =	sgt.u32 s5, $0xC  }
0x30: {  	[smem:$0x7F5] =	sst s6;
	s6 =	simm.s32 @!p0 $0x0  }
0x31: {  	s6 =	simm.s32 @p0 $0x1;
	p0 =	sgt.u32 s1, $0x5  }
0x32: {  	[smem:$0x7F6] =	sst s6;
	s6 =	simm.s32 @!p0 $0x0  }
0x33: {  	s29 =	simm.s32 $0x2100;
	s6 =	simm.s32 @p0 $0x1;
	p0 =	sgt.u32 s5, $0xA  }
0x34: {  	s30 =	simm.s32 $0x2000;
	[smem:$0x7F7] =	sst s6;
	s6 =	simm.s32 @!p0 $0x0  }
0x35: {  	[dreg:$0x6] =	wrdreg s22;
	s6 =	simm.s32 @p0 $0x1;
	p0 =	sgt.u32 s1, $0x4  }
0x36: {  	s31 =	simm.s32 $0x2080;
	v0 =	vlaneseq.u32;
	[smem:$0x7F8] =	sst s6;
	s6 =	simm.s32 @!p0 $0x0  }
0x37: {  	v0 =	vmul.u32 $0x80, v0;
	[dreg:$0x4] =	wrdreg s29;
	s6 =	simm.s32 @p0 $0x1;
	p0 =	sgt.u32 s5, $0x8  }
0x38: {  	p6 =	sgt.u32 s1, $0x1;
	[smem:$0x7F9] =	sst s6;
	s6 =	simm.s32 @!p0 $0x0  }
0x39: {  	[dreg:$0x8] =	wrdreg s30;
	v1 =	vor.u32 $0x800, v0;
	s6 =	simm.s32 @p0 $0x1;
	p0 =	sgt.u32 s1, $0x3  }
0x3a: {  	p1 =	seq.s32 s1, $0x0;
	[tilespmem:$0x1FF90] =	vst v1;
	v1 =	vor.u32 $0x1000, v0;
	[smem:$0x7FA] =	sst s6;
	s6 =	simm.s32 @!p0 $0x0  }
0x3b: {  	[dreg:$0xa] =	wrdreg s31;
	[tilespmem:$0x1FFA0] =	vst v1;
	v1 =	vor.u32 $0x1800, v0;
	s6 =	simm.s32 @p0 $0x1;
	p0 =	sgt.u32 s5, $0x6  }
0x3c: {  	p5 =	sgt.u32 s5, $0x4;
	[tilespmem:$0x1FFB0] =	vst v1;
	v1 =	vor.u32 $0x1, v0;
	[smem:$0x7FB] =	sst s6;
	s6 =	simm.s32 @!p0 $0x0  }
0x3d: {  	v8 =	vimm.s32 $0x0;
	vm0 =	vmmov $0xff;
	[tilespmem:$0x1FFC0] =	vst v1;
	v1 =	vor.u32 $0x801, v0;
	[dreg:$0x9] =	wrdreg s28;
	s6 =	simm.s32 @p0 $0x1;
	p0 =	sgt.u32 s1, $0x2  }
0x3e: {  	vm1 =	vmmov $0x1;
	vm3 =	vcmask $0x70C;
	p2 =	sne.s32 s5, $0x0;
	[tilespmem:$0x1FFD0] =	vst v1;
	v1 =	vor.u32 $0x1001, v0;
	[smem:$0x7FC] =	sst s6;
	s6 =	simm.s32 @!p0 $0x0  }
0x3f: {  	vm4 =	vcmask $0xB10;
	vm5 =	vcmask $0xF14;
	p3 =	seq.s32 s5, $0x0;
	[tilespmem:$0x1FFE0] =	vst v1;
	v1 =	vor.u32 $0x1801, v0;
	[smem:$0x7E8] =	sst s4;
	s6 =	simm.s32 @p0 $0x1  }
0x40: {  	vm6 =	vcmask $0x1318;
	vm7 =	vcmask $0x171C;
	vm8 =	vcmask $0x1B20;
	[tilespmem:$0x1FFF0] =	vst v1;
	s4 =	simm.s32 $0x1;
	p0 =	sgt.u32 s5, $0x2;
	[smem:$0x7FD] =	sst s6  }
.LBB2_1:
0x41: {  	s5 =	rddreg [dreg:$0x3]  }
0x42: {  	[tilespmem:s2], [sflag:$0x1] =	stream.linear.gather [hbm4b:s5+s2], $0x2000, $0x38;
	[tilespmem:$0x3180] =	vst v63  }
0x43: {  	_ =	swait.ge [sflag:s4], $0x2000  }
0x44: {  	v1 =	vld [tilespmem:$0x1FF90];
	_ =	sdelay $0x5  }
0x45: {  	[sflag:s4] =	ssyncset.done $0x0  }
0x46: {  	[sflag:s4] =	ssyncadd.s32 $0xFFFFE000  }
0x47: {  	v23 =	vld.idx.msk [tilespmem:v1+s2+$0x0], $0xffff  }
0x48: {  	v1 =	vld [tilespmem:$0x1FFA0];
	_ =	sdelay $0x7  }
0x49: {  	v34 =	vld.idx.msk [tilespmem:v1+s2+$0x0], $0xffff  }
0x4a: {  	v1 =	vld [tilespmem:$0x1FFB0];
	_ =	sdelay $0x7  }
0x4b: {  	v26 =	vld.idx.msk [tilespmem:v1+s2+$0x0], $0xffff  }
0x4c: {  	v1 =	vld [tilespmem:$0x1FFC0];
	_ =	sdelay $0x7  }
0x4d: {  	v12 =	vld.idx.msk [tilespmem:v1+s2+$0x0], $0xffff  }
0x4e: {  	v1 =	vld [tilespmem:$0x1FFD0];
	_ =	sdelay $0x7  }
0x4f: {  	v11 =	vld.idx.msk [tilespmem:v1+s2+$0x0], $0xffff  }
0x50: {  	v1 =	vld [tilespmem:$0x1FFE0];
	_ =	sdelay $0x7  }
0x51: {  	v10 =	vld.idx.msk [tilespmem:v1+s2+$0x0], $0xffff  }
0x52: {  	v1 =	vld [tilespmem:$0x1FFF0];
	_ =	sdelay $0x5  }
0x53: {  	s18 =	rddreg [dreg:$0x4]  }
0x54: {  	s6 =	rddreg [dreg:$0x5];
	v15 =	vld.idx.msk [tilespmem:v0+s2+$0x0], $0xffff  }
0x55: {  	v9 =	vld.idx.msk [tilespmem:v1+s2+$0x0], $0xffff;
	[tilespmem:s18], [sflag:$0x1] =	stream.linear.gather [hbm4b:s6+s2], $0x1000, $0x38  }
0x56: {  	_ =	swait.ge [sflag:s4], $0x1000  }
0x57: {  	[sflag:s4] =	ssyncset.done $0x0  }
0x58: {  	[sflag:s4] =	ssyncadd.s32 $0xFFFFF000  }
0x59: {  	v13 =	vld [tilespmem:$0x2100]  }
0x5a: {  	v14 =	vld [tilespmem:$0x2180]  }
0x5b: {  	v16 =	vld [tilespmem:$0x2200]  }
0x5c: {  	v17 =	vld [tilespmem:$0x2280]  }
0x5d: {  	v18 =	vld [tilespmem:$0x2300]  }
0x5e: {  	v19 =	vld [tilespmem:$0x2380]  }
0x5f: {  	v20 =	vld [tilespmem:$0x2400];
	v21 =	vadd.s32 v14, v13  }
0x60: {  	v22 =	vld [tilespmem:$0x2480];
	v21 =	vadd.s32 v16, v21  }
0x61: {  	v24 =	vld [tilespmem:$0x2500];
	v21 =	vadd.s32 v17, v21  }
0x62: {  	v25 =	vld [tilespmem:$0x2580];
	v21 =	vadd.s32 v18, v21  }
0x63: {  	v27 =	vld [tilespmem:$0x2600];
	v21 =	vadd.s32 v19, v21  }
0x64: {  	v28 =	vld [tilespmem:$0x2680];
	v21 =	vadd.s32 v20, v21  }
0x65: {  	v29 =	vld [tilespmem:$0x2700];
	v21 =	vadd.s32 v22, v21  }
0x66: {  	v30 =	vld [tilespmem:$0x2780];
	v21 =	vadd.s32 v24, v21  }
0x67: {  	v31 =	vld [tilespmem:$0x2800];
	v21 =	vadd.s32 v25, v21  }
0x68: {  	v32 =	vld [tilespmem:$0x2880];
	v21 =	vadd.s32 v27, v21  }
0x69: {  	v33 =	vld [tilespmem:$0x2900];
	v21 =	vadd.s32 v28, v21  }
0x6a: {  	v35 =	vld [tilespmem:$0x2980];
	v21 =	vadd.s32 v29, v21  }
0x6b: {  	v36 =	vld [tilespmem:$0x2A00];
	v21 =	vadd.s32 v30, v21  }
0x6c: {  	v37 =	vld [tilespmem:$0x2A80];
	v21 =	vadd.s32 v31, v21  }
0x6d: {  	s19 =	sld [smem:$0x7FD];
	v38 =	vld [tilespmem:$0x2B00];
	v21 =	vadd.s32 v32, v21  }
0x6e: {  	s20 =	sld [smem:$0x7FC];
	v39 =	vld [tilespmem:$0x2B80];
	v13 =	vpsel p3, $0x0, v13;
	v21 =	vadd.s32 v33, v21  }
0x6f: {  	s21 =	sld [smem:$0x7FB];
	v14 =	vpsel p1, $0x0, v14;
	v61 =	vpsel !p0, $0x0, v16;
	v16 =	vld [tilespmem:$0x2C00];
	v21 =	vadd.s32 v35, v21  }
0x70: {  	s22 =	sld [smem:$0x7FA];
	p4 =	seq.s32 s19, $0x1;
	v62 =	vpsel !p6, $0x0, v17;
	v63 =	vpsel !p5, $0x0, v18;
	v17 =	vld [tilespmem:$0x2C80];
	v21 =	vadd.s32 v36, v21  }
0x71: {  	s23 =	sld [smem:$0x7F9];
	v4 =	vpsel !p4, $0x0, v19;
	p4 =	seq.s32 s20, $0x1;
	v13 =	vadd.s32 v13, v14;
	v18 =	vld [tilespmem:$0x2D00];
	v21 =	vadd.s32 v37, v21  }
0x72: {  	s24 =	sld [smem:$0x7F8];
	v5 =	vpsel !p4, $0x0, v20;
	p4 =	seq.s32 s21, $0x1;
	v13 =	vadd.s32 v61, v13;
	v19 =	vld [tilespmem:$0x2D80];
	v21 =	vadd.s32 v38, v21  }
0x73: {  	s25 =	sld [smem:$0x7F7];
	v40 =	vpsel !p4, $0x0, v22;
	p4 =	seq.s32 s22, $0x1;
	v13 =	vadd.s32 v62, v13;
	v20 =	vld [tilespmem:$0x2E00];
	v21 =	vadd.s32 v39, v21  }
0x74: {  	s26 =	sld [smem:$0x7F6];
	v41 =	vld [tilespmem:$0x2E80];
	v42 =	vpsel !p4, $0x0, v24;
	p4 =	seq.s32 s23, $0x1;
	v13 =	vadd.s32 v63, v13;
	v21 =	vadd.s32 v16, v21  }
0x75: {  	s28 =	sld [smem:$0x7F5];
	v43 =	vld [tilespmem:$0x2F00];
	v44 =	vpsel !p4, $0x0, v25;
	p4 =	seq.s32 s24, $0x1;
	v13 =	vadd.s32 v4, v13;
	v21 =	vadd.s32 v17, v21  }
0x76: {  	s29 =	sld [smem:$0x7F4];
	v45 =	vld [tilespmem:$0x2F80];
	v46 =	vpsel !p4, $0x0, v27;
	p4 =	seq.s32 s25, $0x1;
	v13 =	vadd.s32 v5, v13;
	v21 =	vadd.s32 v18, v21  }
0x77: {  	s30 =	sld [smem:$0x7F3];
	v47 =	vld [tilespmem:$0x3000];
	v48 =	vpsel !p4, $0x0, v28;
	p4 =	seq.s32 s26, $0x1;
	v13 =	vadd.s32 v40, v13;
	v21 =	vadd.s32 v19, v21  }
0x78: {  	s31 =	sld [smem:$0x7F2];
	v49 =	vld [tilespmem:$0x3080];
	v50 =	vpsel !p4, $0x0, v29;
	p4 =	seq.s32 s28, $0x1;
	v13 =	vadd.s32 v42, v13;
	v21 =	vadd.s32 v20, v21  }
0x79: {  	s6 =	sld [smem:$0x7F1];
	v51 =	vpsel !p4, $0x0, v30;
	p4 =	seq.s32 s29, $0x1;
	v13 =	vadd.s32 v44, v13;
	v21 =	vadd.s32 v41, v21  }
0x7a: {  	s7 =	sld [smem:$0x7F0];
	v52 =	vpsel !p4, $0x0, v31;
	p4 =	seq.s32 s30, $0x1;
	v13 =	vadd.s32 v46, v13;
	v21 =	vadd.s32 v43, v21  }
0x7b: {  	v53 =	vpsel !p4, $0x0, v32;
	p4 =	seq.s32 s31, $0x1;
	v13 =	vadd.s32 v48, v13;
	v21 =	vadd.s32 v45, v21  }
0x7c: {  	v54 =	vpsel !p4, $0x0, v33;
	p4 =	seq.s32 s6, $0x1;
	v13 =	vadd.s32 v50, v13;
	v21 =	vadd.s32 v47, v21  }
0x7d: {  	v56 =	vpsel !p4, $0x0, v35;
	p4 =	seq.s32 s7, $0x1;
	v13 =	vadd.s32 v51, v13;
	v21 =	vadd.s32 v49, v21  }
0x7e: {  	v59 =	vpsel !p4, $0x0, v36;
	v13 =	vadd.s32 v52, v13;
	v55 =	vadd.s32 $0x7F, v21  }
0x7f: {  	s8 =	sld [smem:$0x7EF];
	v13 =	vadd.s32 v53, v13;
	v57 =	vshra.s32 v55, $0x1F;
	v58 =	vand.u32 $0x7F, v55  }
0x80: {  	s9 =	sld [smem:$0x7EE];
	vm2 =	vlt.s32 v55, $0x1;
	v28 =	vshrl.u32 v57, $0x19;
	vm9 =	vne.s32 v58, $0x0  }
0x81: {  	s10 =	sld [smem:$0x7ED];
	v13 =	vadd.s32 v54, v13;
	v14 =	vadd.s32 v28, v55;
	vm2 =	vmand vm2, vm9  }
0x82: {  	s11 =	sld [smem:$0x7EC];
	p4 =	seq.s32 s8, $0x1;
	v13 =	vadd.s32 v56, v13;
	v14 =	vshrl.u32 v14, $0x7;
	v60 =	vsel vm2, $0xFFFFFFFF, v8  }
0x83: {  	s12 =	sld [smem:$0x7EB];
	v61 =	vpsel !p4, $0x0, v37;
	p4 =	seq.s32 s9, $0x1;
	v13 =	vadd.s32 v59, v13;
	v14 =	vadd.s32 v60, v14  }
0x84: {  	s13 =	sld [smem:$0x7EA];
	v62 =	vpsel !p4, $0x0, v38;
	p4 =	seq.s32 s10, $0x1;
	v13 =	vadd.s32 v61, v13;
	v14 =	vshll.u32 v14, $0x7  }
0x85: {  	s14 =	sld [smem:$0x7E9];
	v63 =	vpsel !p4, $0x0, v39;
	p4 =	seq.s32 s11, $0x1;
	v13 =	vadd.s32 v62, v13;
	(xrf0) =	vadd.scan.msk.s32 $0xffff, v14  }
0x86: {  	s15 =	sld [smem:$0x7E8];
	v13 =	vadd.s32 v63, v13;
	v16 =	vpsel !p4, $0x0, v16;
	p4 =	seq.s32 s12, $0x1  }
0x87: {  	s16 =	sld [smem:$0x7E7];
	v13 =	vadd.s32 v16, v13;
	v4 =	vpsel !p4, $0x0, v17;
	p4 =	seq.s32 s13, $0x1  }
0x88: {  	s17 =	sld [smem:$0x7E6];
	v13 =	vadd.s32 v4, v13;
	v5 =	vpsel !p4, $0x0, v18;
	p4 =	seq.s32 s14, $0x1  }
0x89: {  	s18 =	sld [smem:$0x7E5];
	v13 =	vadd.s32 v5, v13;
	v21 =	vpsel !p4, $0x0, v19;
	p4 =	seq.s32 s15, $0x1  }
0x8a: {  	s19 =	sld [smem:$0x7E4];
	v13 =	vadd.s32 v21, v13;
	v28 =	vpsel !p4, $0x0, v20;
	p4 =	seq.s32 s16, $0x1  }
0x8b: {  	v13 =	vadd.s32 v28, v13;
	v29 =	vpsel !p4, $0x0, v41;
	p4 =	seq.s32 s17, $0x1;
	v30, _, _ =	vpop (xrf0)  }
0x8c: {  	v13 =	vadd.s32 v29, v13;
	v31 =	vpsel !p4, $0x0, v43;
	p4 =	seq.s32 s18, $0x1;
	v14 =	vsub.s32 v30, v14  }
0x8d: {  	v13 =	vadd.s32 v31, v13;
	v32 =	vpsel !p4, $0x0, v45;
	p4 =	seq.s32 s19, $0x1;
	v17 =	vsel vm0, v14, v30  }
0x8e: {  	s5 =	rddreg [dreg:$0x6];
	s6 =	simm.s32 @!p2 $0x0;
	s7 =	simm.s32 @!p2 $0x3100;
	v13 =	vadd.s32 v32, v13;
	v33 =	vpsel !p4, $0x0, v47;
	[tilespmem:$0x3100] =	vst v17  }
0x8f: {  	v13 =	vadd.s32 v33, v13;
	[hbm4b:s5+s6] =	stream.linear.scatter @!p2 [tilespmem:s7], [sflag:$0x1], $0x80, $0x38;
	[tilespmem:$0x3180] =	vst v63  }
0x90: {  	v13 =	vadd.s32 v14, v13;
	s5 =	simm.s32 @!p2 $0x1  }
0x91: {  	vm2 =	vcmask $0x308;
	v14 =	vnsel vm1, $0x0, v13;
	_ =	swait.ge @!p2 [sflag:s5], $0x80  }
0x92: {  	v35 =	vsel vm2, $0x0, v13;
	(xrf0) =	vadd.scan.msk.s32 $0xffff, v14  }
0x93: {  	v36 =	vsel vm3, $0x0, v13;
	(xrf0) =	vadd.scan.msk.s32 $0xffff, v35  }
0x94: {  	v37 =	vsel vm4, $0x0, v13;
	(xrf0) =	vadd.scan.msk.s32 $0xffff, v36  }
0x95: {  	v38 =	vsel vm5, $0x0, v13;
	(xrf0) =	vadd.scan.msk.s32 $0xffff, v37  }
0x96: {  	v39 =	vsel vm6, $0x0, v13;
	(xrf0) =	vadd.scan.msk.s32 $0xffff, v38  }
0x97: {  	v40 =	vsel vm7, $0x0, v13;
	(xrf0) =	vadd.scan.msk.s32 $0xffff, v39  }
0x98: {  	v13 =	vsel vm8, $0x0, v13;
	vm2 =	veq.s32 v15, $0x0;
	v41, _, _ =	vpop (xrf0);
	(xrf0) =	vadd.scan.msk.s32 $0xffff, v40  }
0x99: {  	vm9 =	veq.s32 v15, $0x1;
	v43 =	vsel vm2, $0x1, v8;
	(v2sf) =	vpush v41, $0xF;
	v42, _, _ =	vpop (xrf0);
	(xrf0) =	vadd.scan.msk.s32 $0xffff, v13  }
0x9a: {  	v47 =	vsel vm9, $0x1, v8;
	(v2sf) =	vpush v42, $0xF;
	v44, _, _ =	vpop (xrf0);
	(xrf0) =	vadd.scan.msk.s32 $0xffff, v43  }
0x9b: {  	v45, _, _ =	vpop (xrf0);
	(v2sf) =	vpush v44, $0xF;
	(xrf0) =	vadd.scan.msk.s32 $0xffff, v47  }
0x9c: {  	vm12 =	veq.s32 v15, $0x2;
	vm13 =	veq.s32 v15, $0x3;
	v46, _, _ =	vpop (xrf0);
	(v2sf) =	vpush v45, $0xF  }
0x9d: {  	vm14 =	veq.s32 v15, $0x4;
	vm11 =	veq.s32 v15, $0x5;
	(v2sf) =	vpush v46, $0xF;
	v48, _, _ =	vpop (xrf0)  }
0x9e: {  	vm10 =	veq.s32 v15, $0x7;
	v50 =	vsel vm12, $0x1, v8;
	(v2sf) =	vpush v48, $0xF;
	v49, _, _ =	vpop (xrf0)  }
0x9f: {  	vm15 =	veq.s32 v34, $0x7;
	v53 =	vsel vm13, $0x1, v8;
	(v2sf) =	vpush v49, $0xF;
	v51, _, _ =	vpop (xrf0);
	(xrf0) =	vadd.scan.msk.s32 $0xffff, v50  }
0xa0: {  	v61 =	vsel vm10, $0x1, v8;
	v57 =	vsel vm11, $0x1, v8;
	(v2sf) =	vpush v51, $0xF;
	v52, _, _ =	vpop (xrf0)  }
0xa1: {  	v55 =	vsel vm14, $0x1, v8;
	v16 =	vadd.s32 $0xFFFFFFFF, v41;
	(v2sf) =	vpush v52, $0xF;
	v54, _, _ =	vpop (xrf0)  }
0xa2: {  	v16 =	vbroadcast v16, $0xF;
	v14 =	vadd.s32 $0xFFFFFFFF, v42;
	(xrf0) =	vadd.scan.msk.s32 $0xffff, v53;
	(v2sf) =	vpush v54, $0xF  }
0xa3: {  	v14 =	vbroadcast v14, $0xF;
	v17 =	vadd.s32 $0xFFFFFFFF, v44;
	v18 =	vadd.s32 $0xFFFFFFFF, v45;
	(xrf0) =	vadd.scan.msk.s32 $0xffff, v55  }
0xa4: {  	v17 =	vbroadcast v17, $0xF;
	v19 =	vadd.s32 $0xFFFFFFFF, v46;
	v18 =	vbroadcast v18, $0xF  }
0xa5: {  	v19 =	vbroadcast v19, $0xF;
	v62 =	vadd.s32 $0xFFFFFFFF, v48;
	v14 =	vadd.s32 v54, v14;
	(xrf0) =	vadd.scan.msk.s32 $0xffff, v57;
	v56, _, _ =	vpop (xrf0)  }
0xa6: {  	v14 =	vnsel vm9, $0x0, v14;
	vm9 =	veq.s32 v15, $0x6;
	(v2sf) =	vpush v56, $0xF  }
0xa7: {  	v20 =	vbroadcast v62, $0xF;
	v30 =	vadd.s32 $0xFFFFFFFF, v51;
	v59 =	vsel vm9, $0x1, v8  }
0xa8: {  	v5 =	vadd.s32 $0xFFFFFFFF, v49;
	v13 =	vadd.s32 v52, v16;
	v21 =	vbroadcast v30, $0xF;
	(xrf0) =	vadd.scan.msk.s32 $0xffff, v59;
	v58, _, _ =	vpop (xrf0);
	s20 =	spop (v2sf)  }
0xa9: {  	v13 =	vnsel vm2, $0x0, v13;
	v16 =	vadd.s32 v56, v17;
	v60, _, _ =	vpop (xrf0);
	(xrf0) =	vadd.scan.msk.s32 $0xffff, v61;
	(v2sf) =	vpush v58, $0xF;
	s13 =	spop (v2sf)  }
0xaa: {  	vm2 =	veq.s32 v23, $0x6;
	v15 =	vnsel vm12, $0x0, v16;
	(v2sf) =	vpush v60, $0xF;
	s15 =	spop (v2sf)  }
0xab: {  	v17 =	vadd.s32 v58, v18;
	vm12 =	veq.s32 v23, $0x0;
	v19 =	vadd.s32 v60, v19;
	v63, _, _ =	vpop (xrf0);
	s12 =	spop (v2sf)  }
0xac: {  	v18 =	vnsel vm13, $0x0, v17;
	v28 =	vsel vm12, $0x1, v8;
	(v2sf) =	vpush v63, $0xF;
	s9 =	spop (v2sf)  }
0xad: {  	vm13 =	veq.s32 v23, $0x3;
	v16 =	vnsel vm14, $0x0, v19;
	vm14 =	veq.s32 v23, $0x1;
	s11 =	spop (v2sf)  }
0xae: {  	v4 =	vadd.s32 v63, v20;
	v20 =	vbroadcast v5, $0xF;
	v31 =	vsel vm14, $0x1, v8;
	v29, _, _ =	vpop (xrf0);
	(xrf0) =	vadd.scan.msk.s32 $0xffff, v28;
	s10 =	spop (v2sf)  }
0xaf: {  	v17 =	vnsel vm11, $0x0, v4;
	vm11 =	veq.s32 v23, $0x2;
	(v2sf) =	vpush v29, $0xF;
	v33, _, _ =	vpop (xrf0);
	(xrf0) =	vadd.scan.msk.s32 $0xffff, v31;
	s21 =	spop (v2sf)  }
0xb0: {  	v50 =	vsel vm2, $0x1, v8;
	v40 =	vsel vm13, $0x1, v8;
	v36 =	vsel vm11, $0x1, v8;
	s8 =	spop (v2sf)  }
0xb1: {  	v32 =	vadd.s32 v29, v20;
	(v2sf) =	vpush v33, $0xF;
	v20 =	vadd.s32 v33, v21;
	(xrf0) =	vadd.scan.msk.s32 $0xffff, v36;
	s8 =	sadd.s32 s8, s20;
	s22 =	spop (v2sf)  }
0xb2: {  	v19 =	vnsel vm9, $0x0, v32;
	v20 =	vnsel vm10, $0x0, v20;
	v35 =	vmov s8;
	s14 =	sadd.s32 s22, s13  }
0xb3: {  	(xrf0) =	vadd.scan.msk.s32 $0xffff, v40;
	vm10 =	veq.s32 v23, $0x4;
	v22 =	vadd.s32 $0xFFFFFFFF, v35;
	v39 =	vmov s14  }
0xb4: {  	v44 =	vsel vm10, $0x1, v8;
	v38, _, _ =	vpop (xrf0);
	v37 =	vbroadcast v22, $0x0;
	v41 =	vadd.s32 $0xFFFFFFFF, v39  }
0xb5: {  	vm9 =	veq.s32 v23, $0x5;
	(v2sf) =	vpush v38, $0xF;
	v42, _, _ =	vpop (xrf0);
	(xrf0) =	vadd.scan.msk.s32 $0xffff, v44;
	s23 =	spop (v2sf);
	v22 =	vbroadcast v41, $0x0  }
0xb6: {  	v47 =	vsel vm9, $0x1, v8;
	(v2sf) =	vpush v42, $0xF;
	s6 =	sadd.s32 s23, s15;
	v21 =	vadd.s32 v38, v37  }
0xb7: {  	v45, _, _ =	vpop (xrf0);
	(xrf0) =	vadd.scan.msk.s32 $0xffff, v47;
	v43 =	vmov s6;
	v21 =	vnsel vm12, $0x0, v21;
	v22 =	vadd.s32 v42, v22  }
0xb8: {  	s24 =	spop (v2sf);
	vm12 =	veq.s32 v23, $0x7;
	v25 =	vadd.s32 $0xFFFFFFFF, v43;
	v22 =	vnsel vm14, $0x0, v22  }
0xb9: {  	v48, _, _ =	vpop (xrf0);
	(xrf0) =	vadd.scan.msk.s32 $0xffff, v50;
	s12 =	sadd.s32 s24, s12;
	s25 =	spop (v2sf);
	(v2sf) =	vpush v45, $0xF;
	v53 =	vsel vm12, $0x1, v8;
	vm14 =	veq.s32 v34, $0x0  }
0xba: {  	v25 =	vbroadcast v25, $0x0;
	v46 =	vmov s12;
	(v2sf) =	vpush v48, $0xF  }
0xbb: {  	s9 =	sadd.s32 s25, s9;
	s26 =	spop (v2sf);
	v52, _, _ =	vpop (xrf0);
	v62 =	vsel vm14, $0x1, v8;
	v21 =	vadd.s32 v22, v21;
	v27 =	vadd.s32 $0xFFFFFFFF, v46  }
0xbc: {  	v49 =	vmov s9;
	s11 =	sadd.s32 s26, s11;
	(v2sf) =	vpush v52, $0xF;
	v25 =	vadd.s32 v45, v25  }
0xbd: {  	v55, _, _ =	vpop (xrf0);
	v27 =	vbroadcast v27, $0x0;
	v28 =	vadd.s32 $0xFFFFFFFF, v49;
	v54 =	vmov s11  }
0xbe: {  	s28 =	spop (v2sf);
	(v2sf) =	vpush v55, $0xF;
	v28 =	vbroadcast v28, $0x0;
	v25 =	vnsel vm11, $0x0, v25  }
0xbf: {  	v63, _, _ =	vpop (xrf0);
	s10 =	sadd.s32 s28, s10;
	v56 =	vadd.s32 $0xFFFFFFFF, v54;
	vm11 =	veq.s32 v34, $0x2;
	v51 =	vadd.s32 v48, v27  }
0xc0: {  	(xrf0) =	vadd.scan.msk.s32 $0xffff, v53;
	s29 =	spop (v2sf);
	v57 =	vmov s10;
	v58 =	vbroadcast v56, $0x0;
	(v2sf) =	vpush v63, $0xF  }
0xc1: {  	v40 =	vsel vm11, $0x1, v8;
	v23 =	vnsel vm13, $0x0, v51;
	v28 =	vadd.s32 v52, v28  }
0xc2: {  	s7 =	sadd.s32 s29, s21;
	v59 =	vadd.s32 $0xFFFFFFFF, v57;
	vm13 =	veq.s32 v34, $0x1;
	v57 =	vsel vm15, $0x1, v8  }
0xc3: {  	v29 =	vbroadcast v59, $0x0;
	v60 =	vmov s7;
	v27 =	vnsel vm10, $0x0, v28  }
0xc4: {  	(xrf0) =	vadd.scan.msk.s32 $0xffff, v62;
	v4 =	vsel vm13, $0x1, v8;
	vm10 =	veq.s32 v34, $0x5;
	v61 =	vadd.s32 $0xFFFFFFFF, v60  }
0xc5: {  	v24 =	vadd.s32 v55, v58;
	v48 =	vsel vm10, $0x1, v8;
	v31 =	vbroadcast v61, $0x0;
	s30 =	spop (v2sf)  }
0xc6: {  	v36, _, _ =	vpop (xrf0);
	(xrf0) =	vadd.scan.msk.s32 $0xffff, v4;
	v5 =	vadd.s32 v63, v29;
	v29 =	vnsel vm9, $0x0, v24;
	vm9 =	veq.s32 v34, $0x4;
	s13 =	sadd.s32 s30, s8  }
0xc7: {  	(xrf0) =	vadd.scan.msk.s32 $0xffff, v40;
	v28 =	vnsel vm2, $0x0, v5;
	vm2 =	veq.s32 v34, $0x3;
	s31 =	spop (v2sf);
	v38 =	vmov s13  }
0xc8: {  	v44 =	vsel vm9, $0x1, v8;
	v37 =	vadd.s32 v36, v31;
	s8 =	sadd.s32 s31, s14;
	v30 =	vadd.s32 $0xFFFFFFFF, v38  }
0xc9: {  	(v2sf) =	vpush v36, $0xF;
	v39 =	vmov s8;
	v30 =	vbroadcast v30, $0x0  }
0xca: {  	v41, _, _ =	vpop (xrf0);
	v42 =	vsel vm2, $0x1, v8;
	v24 =	vnsel vm12, $0x0, v37;
	v31 =	vadd.s32 $0xFFFFFFFF, v39  }
0xcb: {  	vm12 =	veq.s32 v26, $0x0;
	v31 =	vbroadcast v31, $0x0;
	v30 =	vadd.s32 v41, v30  }
0xcc: {  	v60 =	vsel vm12, $0x1, v8;
	v43, _, _ =	vpop (xrf0);
	(xrf0) =	vadd.scan.msk.s32 $0xffff, v42;
	s15 =	spop (v2sf);
	(v2sf) =	vpush v41, $0xF;
	v30 =	vnsel vm14, $0x0, v30  }
0xcd: {  	v47, _, _ =	vpop (xrf0);
	s15 =	sadd.s32 s15, s6;
	s16 =	spop (v2sf);
	(v2sf) =	vpush v43, $0xF;
	vm14 =	veq.s32 v26, $0x1;
	v31 =	vadd.s32 v43, v31  }
0xce: {  	(xrf0) =	vadd.scan.msk.s32 $0xffff, v44;
	s12 =	sadd.s32 s16, s12;
	v45 =	vmov s15;
	s17 =	spop (v2sf);
	(v2sf) =	vpush v47, $0xF;
	v4 =	vsel vm14, $0x1, v8  }
0xcf: {  	(xrf0) =	vadd.scan.msk.s32 $0xffff, v48;
	v31 =	vnsel vm13, $0x0, v31;
	v32 =	vadd.s32 $0xFFFFFFFF, v45;
	v46 =	vmov s12  }
0xd0: {  	s9 =	sadd.s32 s17, s9;
	vm13 =	veq.s32 v34, $0x6;
	s18 =	spop (v2sf);
	v32 =	vbroadcast v32, $0x0;
	v33 =	vadd.s32 $0xFFFFFFFF, v46  }
0xd1: {  	v50 =	vmov s9;
	v51 =	vsel vm13, $0x1, v8;
	s16 =	sadd.s32 s18, s11;
	v30 =	vadd.s32 v31, v30  }
0xd2: {  	v33 =	vbroadcast v33, $0x0;
	v49, _, _ =	vpop (xrf0);
	v53 =	vadd.s32 $0xFFFFFFFF, v50;
	v55 =	vmov s16  }
0xd3: {  	(xrf0) =	vadd.scan.msk.s32 $0xffff, v51;
	s19 =	spop (v2sf);
	v32 =	vadd.s32 v47, v32;
	(v2sf) =	vpush v49, $0xF;
	v35 =	vbroadcast v53, $0x0  }
0xd4: {  	v54, _, _ =	vpop (xrf0);
	s20 =	sadd.s32 s19, s10;
	v56 =	vadd.s32 $0xFFFFFFFF, v55;
	v52 =	vadd.s32 v49, v33;
	v33 =	vnsel vm11, $0x0, v32  }
0xd5: {  	(v2sf) =	vpush v54, $0xF;
	v58, _, _ =	vpop (xrf0);
	v34 =	vbroadcast v56, $0x0;
	v59 =	vmov s20  }
0xd6: {  	(xrf0) =	vadd.scan.msk.s32 $0xffff, v57;
	vm11 =	veq.s32 v26, $0x3;
	v32 =	vnsel vm2, $0x0, v52;
	(v2sf) =	vpush v58, $0xF  }
0xd7: {  	(xrf0) =	vadd.scan.msk.s32 $0xffff, v60;
	v35 =	vadd.s32 v54, v35;
	v39 =	vadd.s32 $0xFFFFFFFF, v59;
	v41 =	vsel vm11, $0x1, v8  }
0xd8: {  	vm2 =	veq.s32 v12, $0x1;
	v31 =	vadd.s32 v33, v30;
	v34 =	vadd.s32 v58, v34  }
0xd9: {  	v62 =	vbroadcast v39, $0x0;
	v34 =	vnsel vm10, $0x0, v34;
	vm10 =	veq.s32 v26, $0x2;
	s21 =	spop (v2sf);
	v61, _, _ =	vpop (xrf0);
	(xrf0) =	vadd.scan.msk.s32 $0xffff, v4  }
0xda: {  	v36 =	vnsel vm9, $0x0, v35;
	vm9 =	veq.s32 v26, $0x4;
	v40 =	vsel vm10, $0x1, v8;
	s22 =	sadd.s32 s21, s7  }
0xdb: {  	(v2sf) =	vpush v61, $0xF;
	v35 =	vadd.s32 v61, v62;
	v63 =	vmov s22  }
0xdc: {  	v42 =	vsel vm9, $0x1, v8;
	v44, _, _ =	vpop (xrf0);
	(xrf0) =	vadd.scan.msk.s32 $0xffff, v40;
	v35 =	vnsel vm13, $0x0, v35;
	v38 =	vadd.s32 $0xFFFFFFFF, v63;
	s23 =	spop (v2sf)  }
0xdd: {  	v46, _, _ =	vpop (xrf0);
	vm13 =	veq.s32 v26, $0x6;
	v5 =	vbroadcast v38, $0x0;
	(v2sf) =	vpush v44, $0xF;
	s17 =	sadd.s32 s23, s13;
	s24 =	spop (v2sf)  }
0xde: {  	(xrf0) =	vadd.scan.msk.s32 $0xffff, v41;
	v53 =	vsel vm13, $0x1, v8;
	(v2sf) =	vpush v46, $0xF;
	v45 =	vmov s17;
	s6 =	sadd.s32 s24, s8  }
0xdf: {  	v37 =	vadd.s32 v44, v5;
	s25 =	spop (v2sf);
	v48, _, _ =	vpop (xrf0);
	v39 =	vadd.s32 $0xFFFFFFFF, v45;
	v47 =	vmov s6  }
0xe0: {  	s26 =	sadd.s32 s25, s15;
	v37 =	vnsel vm15, $0x0, v37;
	(v2sf) =	vpush v48, $0xF;
	vm15 =	veq.s32 v12, $0x0  }
0xe1: {  	v39 =	vbroadcast v39, $0x0;
	v40 =	vadd.s32 $0xFFFFFFFF, v47;
	v49 =	vmov s26  }
0xe2: {  	v50, _, _ =	vpop (xrf0);
	v60 =	vsel vm15, $0x1, v8;
	v40 =	vbroadcast v40, $0x0;
	v41 =	vadd.s32 $0xFFFFFFFF, v49  }
0xe3: {  	(xrf0) =	vadd.scan.msk.s32 $0xffff, v42;
	s28 =	spop (v2sf);
	v38 =	vadd.s32 v46, v39;
	v41 =	vbroadcast v41, $0x0;
	(v2sf) =	vpush v50, $0xF  }
0xe4: {  	v52, _, _ =	vpop (xrf0);
	s29 =	sadd.s32 s28, s12;
	v38 =	vnsel vm12, $0x0, v38;
	v40 =	vadd.s32 v48, v40;
	s30 =	spop (v2sf);
	vm12 =	veq.s32 v26, $0x5  }
0xe5: {  	(v2sf) =	vpush v52, $0xF;
	v51 =	vmov s29;
	s31 =	sadd.s32 s30, s9;
	v44 =	vsel vm12, $0x1, v8;
	s8 =	spop (v2sf)  }
0xe6: {  	v41 =	vadd.s32 v50, v41;
	v39 =	vadd.s32 $0xFFFFFFFF, v51;
	v45 =	vmov s31;
	s7 =	sadd.s32 s8, s16  }
0xe7: {  	(xrf0) =	vadd.scan.msk.s32 $0xffff, v44;
	v43 =	vbroadcast v39, $0x0;
	v39 =	vnsel vm14, $0x0, v40;
	v57 =	vmov s7  }
0xe8: {  	v55 =	vadd.s32 $0xFFFFFFFF, v45;
	(xrf0) =	vadd.scan.msk.s32 $0xffff, v53;
	vm14 =	veq.s32 v26, $0x7;
	v40 =	vadd.s32 $0xFFFFFFFF, v57  }
0xe9: {  	v56, _, _ =	vpop (xrf0);
	v59 =	vsel vm14, $0x1, v8;
	v54 =	vadd.s32 v52, v43;
	v43 =	vbroadcast v55, $0x0  }
0xea: {  	s9 =	spop (v2sf);
	(v2sf) =	vpush v56, $0xF;
	v46 =	vbroadcast v40, $0x0;
	v40 =	vnsel vm10, $0x0, v41  }
0xeb: {  	(xrf0) =	vadd.scan.msk.s32 $0xffff, v59;
	v52 =	vsel vm2, $0x1, v8;
	vm10 =	veq.s32 v12, $0x2;
	s8 =	sadd.s32 s9, s20;
	v26 =	vnsel vm11, $0x0, v54  }
0xec: {  	v54 =	vsel vm10, $0x1, v8;
	v58 =	vmov s8;
	v43 =	vadd.s32 v56, v43  }
0xed: {  	vm11 =	veq.s32 v12, $0x4;
	v47 =	vadd.s32 $0xFFFFFFFF, v58;
	s12 =	spop (v2sf);
	v61, _, _ =	vpop (xrf0);
	v43 =	vnsel vm9, $0x0, v43  }
0xee: {  	(xrf0) =	vadd.scan.msk.s32 $0xffff, v60;
	vm9 =	veq.s32 v12, $0x5;
	v62 =	vbroadcast v47, $0x0;
	s11 =	sadd.s32 s12, s22;
	s14 =	spop (v2sf);
	(v2sf) =	vpush v61, $0xF;
	v4, _, _ =	vpop (xrf0)  }
0xef: {  	v63 =	vadd.s32 v61, v46;
	s9 =	sadd.s32 s14, s17;
	(v2sf) =	vpush v4, $0xF;
	v50 =	vmov s11  }
0xf0: {  	v5 =	vadd.s32 v4, v62;
	v41 =	vadd.s32 $0xFFFFFFFF, v50;
	v51 =	vmov s9  }
0xf1: {  	v53, _, _ =	vpop (xrf0);
	(xrf0) =	vadd.scan.msk.s32 $0xffff, v52;
	v62 =	vsel vm11, $0x1, v8;
	v42 =	vadd.s32 $0xFFFFFFFF, v51;
	v48 =	vbroadcast v41, $0x0  }
0xf2: {  	s16 =	spop (v2sf);
	v41 =	vnsel vm13, $0x0, v5;
	(v2sf) =	vpush v53, $0xF;
	vm13 =	veq.s32 v11, $0x2  }
0xf3: {  	s12 =	sadd.s32 s16, s6;
	v49 =	vbroadcast v42, $0x0;
	v42 =	vnsel vm12, $0x0, v63;
	vm12 =	veq.s32 v12, $0x3  }
0xf4: {  	v58 =	vmov s12;
	v55, _, _ =	vpop (xrf0);
	(xrf0) =	vadd.scan.msk.s32 $0xffff, v54;
	v56 =	vadd.s32 v53, v48;
	s17 =	spop (v2sf);
	v59 =	vsel vm12, $0x1, v8  }
0xf5: {  	v44 =	vadd.s32 $0xFFFFFFFF, v58;
	v57 =	vadd.s32 v55, v49;
	(v2sf) =	vpush v55, $0xF;
	s13 =	sadd.s32 s17, s26;
	(xrf0) =	vadd.scan.msk.s32 $0xffff, v59  }
0xf6: {  	v60 =	vbroadcast v44, $0x0;
	s18 =	spop (v2sf);
	v44 =	vnsel vm14, $0x0, v56;
	v61 =	vmov s13  }
0xf7: {  	vm14 =	veq.s32 v10, $0x2;
	v45 =	vnsel vm15, $0x0, v57;
	s10 =	sadd.s32 s18, s29;
	v63, _, _ =	vpop (xrf0);
	v49 =	vadd.s32 $0xFFFFFFFF, v61  }
0xf8: {  	(xrf0) =	vadd.scan.msk.s32 $0xffff, v62;
	v52 =	vmov s10;
	v4 =	vadd.s32 v63, v60;
	(v2sf) =	vpush v63, $0xF  }
0xf9: {  	v49 =	vbroadcast v49, $0x0;
	v50 =	vadd.s32 $0xFFFFFFFF, v52;
	v52 =	vsel vm9, $0x1, v8  }
0xfa: {  	v46 =	vnsel vm2, $0x0, v4;
	v53 =	vbroadcast v50, $0x0;
	vm2 =	veq.s32 v12, $0x6;
	s19 =	spop (v2sf);
	v5, _, _ =	vpop (xrf0);
	(xrf0) =	vadd.scan.msk.s32 $0xffff, v52  }
0xfb: {  	v57 =	vsel vm2, $0x1, v8;
	s6 =	sadd.s32 s19, s31;
	(v2sf) =	vpush v5, $0xF;
	v48 =	vadd.s32 v5, v49;
	v55, _, _ =	vpop (xrf0)  }
0xfc: {  	v51 =	vmov s6;
	v47 =	vadd.s32 v55, v53;
	v48 =	vnsel vm10, $0x0, v48  }
0xfd: {  	vm10 =	veq.s32 v11, $0x0;
	v54 =	vadd.s32 $0xFFFFFFFF, v51;
	v47 =	vnsel vm12, $0x0, v47;
	s20 =	spop (v2sf)  }
0xfe: {  	v56, _, _ =	vpop (xrf0);
	(xrf0) =	vadd.scan.msk.s32 $0xffff, v57;
	vm12 =	veq.s32 v12, $0x7;
	v50 =	vbroadcast v54, $0x0;
	(v2sf) =	vpush v55, $0xF;
	s21 =	sadd.s32 s20, s7  }
0xff: {  	v63 =	vsel vm10, $0x1, v8;
	v60 =	vsel vm12, $0x1, v8;
	s22 =	spop (v2sf);
	v58 =	vmov s21  }
0x100: {  	(v2sf) =	vpush v56, $0xF;
	v50 =	vadd.s32 v56, v50;
	s23 =	sadd.s32 s22, s8;
	v61, _, _ =	vpop (xrf0);
	v59 =	vadd.s32 $0xFFFFFFFF, v58  }
0x101: {  	(xrf0) =	vadd.scan.msk.s32 $0xffff, v60;
	v53 =	vmov s23;
	s24 =	spop (v2sf);
	v12 =	vnsel vm11, $0x0, v50;
	(v2sf) =	vpush v61, $0xF  }
0x102: {  	vm11 =	veq.s32 v11, $0x1;
	v62 =	vbroadcast v59, $0x0;
	v4 =	vadd.s32 $0xFFFFFFFF, v53;
	s11 =	sadd.s32 s24, s11  }
0x103: {  	(xrf0) =	vadd.scan.msk.s32 $0xffff, v63;
	v58 =	vsel vm11, $0x1, v8;
	v50 =	vbroadcast v4, $0x0;
	v57 =	vmov s11  }
0x104: {  	v59 =	vsel vm13, $0x1, v8;
	v56, _, _ =	vpop (xrf0);
	(xrf0) =	vadd.scan.msk.s32 $0xffff, v58;
	v5 =	vadd.s32 v61, v62;
	s25 =	spop (v2sf);
	v52 =	vadd.s32 $0xFFFFFFFF, v57  }
0x105: {  	(v2sf) =	vpush v56, $0xF;
	s9 =	sadd.s32 s25, s9;
	v50 =	vadd.s32 v56, v50;
	v52 =	vbroadcast v52, $0x0  }
0x106: {  	v51 =	vnsel vm9, $0x0, v5;
	vm9 =	veq.s32 v11, $0x4;
	v54 =	vmov s9  }
0x107: {  	(xrf0) =	vadd.scan.msk.s32 $0xffff, v59;
	v49 =	vnsel vm2, $0x0, v50;
	v60, _, _ =	vpop (xrf0);
	vm2 =	veq.s32 v11, $0x3;
	v61 =	vadd.s32 $0xFFFFFFFF, v54;
	s26 =	spop (v2sf)  }
0x108: {  	v58 =	vsel vm9, $0x1, v8;
	(v2sf) =	vpush v60, $0xF;
	v53 =	vbroadcast v61, $0x0;
	s28 =	sadd.s32 s26, s12  }
0x109: {  	v52 =	vadd.s32 v60, v52;
	v62, _, _ =	vpop (xrf0);
	v5 =	vsel vm2, $0x1, v8;
	v4 =	vmov s28  }
0x10a: {  	v50 =	vnsel vm12, $0x0, v52;
	v55, _, _ =	vpop (xrf0);
	(xrf0) =	vadd.scan.msk.s32 $0xffff, v5;
	s29 =	spop (v2sf);
	v63 =	vadd.s32 v62, v53;
	v53 =	vadd.s32 $0xFFFFFFFF, v4  }
0x10b: {  	(v2sf) =	vpush v62, $0xF;
	s30 =	sadd.s32 s29, s13;
	v52 =	vnsel vm10, $0x0, v63;
	v53 =	vbroadcast v53, $0x0  }
0x10c: {  	(v2sf) =	vpush v55, $0xF;
	vm10 =	veq.s32 v11, $0x5;
	v56 =	vmov s30  }
0x10d: {  	vm12 =	veq.s32 v11, $0x6;
	v60, _, _ =	vpop (xrf0);
	(xrf0) =	vadd.scan.msk.s32 $0xffff, v58;
	v62 =	vsel vm10, $0x1, v8;
	s31 =	spop (v2sf);
	v56 =	vadd.s32 $0xFFFFFFFF, v56  }
0x10e: {  	(v2sf) =	vpush v60, $0xF;
	v53 =	vadd.s32 v55, v53;
	s7 =	sadd.s32 s31, s10;
	v56 =	vbroadcast v56, $0x0  }
0x10f: {  	v4 =	vsel vm12, $0x1, v8;
	(xrf0) =	vadd.scan.msk.s32 $0xffff, v62;
	s13 =	spop (v2sf);
	v54 =	vnsel vm11, $0x0, v53;
	v57 =	vmov s7  }
0x110: {  	vm11 =	veq.s32 v11, $0x7;
	v63, _, _ =	vpop (xrf0);
	s10 =	sadd.s32 s13, s6;
	(xrf0) =	vadd.scan.msk.s32 $0xffff, v4;
	v61 =	vadd.s32 $0xFFFFFFFF, v57;
	v56 =	vadd.s32 v60, v56  }
0x111: {  	s16 =	spop (v2sf);
	(v2sf) =	vpush v63, $0xF;
	v5 =	vmov s10;
	v55 =	vbroadcast v61, $0x0  }
0x112: {  	v53 =	vnsel vm13, $0x0, v56;
	s17 =	sadd.s32 s16, s21;
	v61 =	vsel vm11, $0x1, v8;
	v62 =	vadd.s32 $0xFFFFFFFF, v5  }
0x113: {  	v4, _, _ =	vpop (xrf0);
	vm13 =	veq.s32 v10, $0x0;
	v60 =	vmov s17;
	(xrf0) =	vadd.scan.msk.s32 $0xffff, v61;
	v55 =	vadd.s32 v63, v55  }
0x114: {  	s18 =	spop (v2sf);
	v63 =	vadd.s32 $0xFFFFFFFF, v60;
	(v2sf) =	vpush v4, $0xF;
	v60 =	vsel vm13, $0x1, v8  }
0x115: {  	v5, _, _ =	vpop (xrf0);
	v11 =	vnsel vm2, $0x0, v55;
	s13 =	sadd.s32 s18, s23;
	v55 =	vbroadcast v62, $0x0;
	v56 =	vbroadcast v63, $0x0  }
0x116: {  	(v2sf) =	vpush v5, $0xF;
	vm2 =	veq.s32 v10, $0x1;
	v59 =	vmov s13;
	v58, _, _ =	vpop (xrf0)  }
0x117: {  	s19 =	spop (v2sf);
	v55 =	vadd.s32 v4, v55;
	v4 =	vadd.s32 $0xFFFFFFFF, v59;
	(v2sf) =	vpush v58, $0xF  }
0x118: {  	v56 =	vadd.s32 v5, v56;
	s14 =	sadd.s32 s19, s11;
	v57 =	vbroadcast v4, $0x0;
	v4 =	vsel vm2, $0x1, v8  }
0x119: {  	(xrf0) =	vadd.scan.msk.s32 $0xffff, v60;
	v56 =	vnsel vm10, $0x0, v56;
	vm10 =	veq.s32 v10, $0x7;
	v5 =	vmov s14;
	v61, _, _ =	vpop (xrf0)  }
0x11a: {  	(xrf0) =	vadd.scan.msk.s32 $0xffff, v4;
	v4 =	vsel vm14, $0x1, v8;
	s20 =	spop (v2sf);
	v59 =	vadd.s32 $0xFFFFFFFF, v5;
	(v2sf) =	vpush v61, $0xF  }
0x11b: {  	v58 =	vadd.s32 v58, v57;
	v57 =	vnsel vm9, $0x0, v55;
	vm9 =	veq.s32 v10, $0x4;
	s11 =	sadd.s32 s20, s9;
	s21 =	spop (v2sf)  }
0x11c: {  	(xrf0) =	vadd.scan.msk.s32 $0xffff, v4;
	v59 =	vbroadcast v59, $0x0;
	v55 =	vnsel vm12, $0x0, v58;
	v62 =	vmov s11;
	s23 =	sadd.s32 s21, s28  }
0x11d: {  	vm12 =	veq.s32 v10, $0x3;
	v5 =	vadd.s32 $0xFFFFFFFF, v62;
	s22 =	spop (v2sf);
	v58 =	vmov s23  }
0x11e: {  	v63 =	vsel vm12, $0x1, v8;
	v59 =	vadd.s32 v61, v59;
	s24 =	sadd.s32 s22, s30;
	v58 =	vadd.s32 $0xFFFFFFFF, v58  }
0x11f: {  	v60 =	vbroadcast v5, $0x0;
	v4 =	vmov s24;
	v1 =	vbroadcast v58, $0x0  }
0x120: {  	v58 =	vnsel vm11, $0x0, v59;
	vm11 =	veq.s32 v10, $0x5;
	v5, _, _ =	vpop (xrf0);
	v61 =	vadd.s32 $0xFFFFFFFF, v4  }
0x121: {  	v60 =	vadd.s32 v5, v60;
	(v2sf) =	vpush v5, $0xF;
	v5, _, _ =	vpop (xrf0);
	v61 =	vbroadcast v61, $0x0;
	(xrf0) =	vadd.scan.msk.s32 $0xffff, v63  }
0x122: {  	s25 =	spop (v2sf);
	(v2sf) =	vpush v5, $0xF;
	v59 =	vnsel vm13, $0x0, v60;
	v63, _, _ =	vpop (xrf0);
	v1 =	vadd.s32 v5, v1  }
0x123: {  	s26 =	sadd.s32 s25, s7;
	v5 =	vsel vm9, $0x1, v8;
	vm13 =	veq.s32 v9, $0x1;
	v4 =	vadd.s32 v63, v61  }
0x124: {  	v61 =	vnsel vm2, $0x0, v1;
	v1 =	vmov s26;
	s28 =	spop (v2sf);
	(v2sf) =	vpush v63, $0xF  }
0x125: {  	(xrf0) =	vadd.scan.msk.s32 $0xffff, v5;
	v60 =	vnsel vm14, $0x0, v4;
	v1 =	vadd.s32 $0xFFFFFFFF, v1;
	s29 =	sadd.s32 s28, s10;
	v4 =	vsel vm11, $0x1, v8;
	s30 =	spop (v2sf)  }
0x126: {  	vm2 =	veq.s32 v10, $0x6;
	v1 =	vbroadcast v1, $0x0;
	v2 =	vmov s29;
	(xrf0) =	vadd.scan.msk.s32 $0xffff, v4;
	s7 =	spop (v2sf)  }
0x127: {  	v5 =	vsel vm2, $0x1, v8;
	v4 =	vsel vm10, $0x1, v8;
	v2 =	vadd.s32 $0xFFFFFFFF, v2;
	v63, _, _ =	vpop (xrf0);
	s6 =	sadd.s32 s7, s13  }
0x128: {  	s31 =	sadd.s32 s30, s17;
	(xrf0) =	vadd.scan.msk.s32 $0xffff, v5;
	v1 =	vadd.s32 v63, v1;
	(v2sf) =	vpush v63, $0xF;
	v5 =	vmov s6  }
0x129: {  	v10 =	vnsel vm12, $0x0, v1;
	v1 =	vbroadcast v2, $0x0;
	v2 =	vmov s31  }
0x12a: {  	(xrf0) =	vadd.scan.msk.s32 $0xffff, v4;
	s16 =	spop (v2sf);
	v62 =	vadd.s32 $0xFFFFFFFF, v5;
	vm12 =	veq.s32 v9, $0x0;
	v2 =	vadd.s32 $0xFFFFFFFF, v2  }
0x12b: {  	v3, _, _ =	vpop (xrf0);
	s7 =	sadd.s32 s16, s14;
	v63 =	vbroadcast v62, $0x0;
	v5 =	vsel vm12, $0x1, v8;
	v2 =	vbroadcast v2, $0x0  }
0x12c: {  	v1 =	vadd.s32 v3, v1;
	v62 =	vmov s7;
	v4, _, _ =	vpop (xrf0);
	(xrf0) =	vadd.scan.msk.s32 $0xffff, v5;
	v5 =	vsel vm13, $0x1, v8  }
0x12d: {  	v62 =	vadd.s32 $0xFFFFFFFF, v62;
	v1 =	vnsel vm9, $0x0, v1;
	v2 =	vadd.s32 v4, v2  }
0x12e: {  	v6, _, _ =	vpop (xrf0);
	(xrf0) =	vadd.scan.msk.s32 $0xffff, v5;
	v5 =	vadd.s32 v14, v13;
	vm9 =	veq.s32 v9, $0x3;
	v7 =	vbroadcast v62, $0x0  }
0x12f: {  	v63 =	vadd.s32 v6, v63;
	v5 =	vadd.s32 v15, v5;
	v15 =	vadd.s32 v25, v21  }
0x130: {  	v62 =	vnsel vm11, $0x0, v2;
	v63 =	vnsel vm2, $0x0, v63;
	v5 =	vadd.s32 v18, v5;
	v2, _, _ =	vpop (xrf0);
	s17 =	spop (v2sf)  }
0x131: {  	vm2 =	veq.s32 v9, $0x2;
	v25 =	vadd.s32 v23, v15;
	s11 =	sadd.s32 s17, s11;
	v7 =	vadd.s32 v2, v7  }
0x132: {  	v5 =	vadd.s32 v16, v5;
	s18 =	spop (v2sf);
	v13 =	vnsel vm10, $0x0, v7;
	v7 =	vmov s11  }
0x133: {  	(v2sf) =	vpush v3, $0xF;
	v5 =	vadd.s32 v17, v5;
	s13 =	sadd.s32 s18, s23;
	v7 =	vadd.s32 $0xFFFFFFFF, v7  }
0x134: {  	v5 =	vadd.s32 v19, v5;
	v18 =	vmov s13;
	v7 =	vbroadcast v7, $0x0  }
0x135: {  	v3, _, _ =	vpop (xrf0);
	(v2sf) =	vpush v4, $0xF;
	v5 =	vadd.s32 v20, v5;
	v14 =	vadd.s32 $0xFFFFFFFF, v18  }
0x136: {  	v14 =	vbroadcast v14, $0x0;
	v3 =	vadd.s32 v3, v7;
	v7 =	vsel vm2, $0x1, v8  }
0x137: {  	v22, _, _ =	vpop (xrf0);
	s19 =	spop (v2sf);
	(v2sf) =	vpush v6, $0xF;
	vm10 =	veq.s32 v9, $0x5;
	v3 =	vnsel vm12, $0x0, v3;
	(xrf0) =	vadd.scan.msk.s32 $0xffff, v7  }
0x138: {  	v4 =	vadd.s32 v22, v14;
	v7 =	vsel vm9, $0x1, v8;
	v14 =	vadd.s32 v27, v25  }
0x139: {  	s9 =	sadd.s32 s19, s24;
	s20 =	spop (v2sf);
	(v2sf) =	vpush v2, $0xF;
	v4 =	vnsel vm13, $0x0, v4;
	(xrf0) =	vadd.scan.msk.s32 $0xffff, v7;
	v7 =	vadd.s32 v29, v14  }
0x13a: {  	v14 =	vadd.s32 v32, v31;
	s11 =	sadd.s32 s20, s26;
	v32 =	vmov s9;
	v7 =	vadd.s32 v28, v7  }
0x13b: {  	v14 =	vadd.s32 v36, v14;
	v15 =	vadd.s32 $0xFFFFFFFF, v32;
	v33 =	vmov s11  }
0x13c: {  	v36 =	vadd.s32 v39, v38;
	v3 =	vadd.s32 v4, v3;
	v15 =	vbroadcast v15, $0x0  }
0x13d: {  	v16 =	vadd.s32 $0xFFFFFFFF, v33;
	v17 =	vadd.s32 v40, v36;
	v14 =	vadd.s32 v34, v14;
	v6, _, _ =	vpop (xrf0)  }
0x13e: {  	v40 =	vsel vm10, $0x1, v8;
	v7 =	vadd.s32 v24, v7;
	v2 =	vadd.s32 v6, v15  }
0x13f: {  	v16 =	vbroadcast v16, $0x0;
	v2 =	vnsel vm2, $0x0, v2;
	vm2 =	veq.s32 v9, $0x4  }
0x140: {  	v17 =	vadd.s32 v26, v17;
	v14 =	vadd.s32 v35, v14;
	v38 =	vsel vm2, $0x1, v8  }
0x141: {  	v39 =	vadd.s32 v43, v17;
	v14 =	vadd.s32 v37, v14;
	v43 =	vadd.s32 v46, v45;
	v6, _, _ =	vpop (xrf0);
	(xrf0) =	vadd.scan.msk.s32 $0xffff, v38  }
0x142: {  	v46 =	vadd.s32 v54, v52;
	v6 =	vadd.s32 v6, v16;
	s21 =	spop (v2sf);
	v16 =	vadd.s32 v42, v39  }
0x143: {  	v6 =	vnsel vm9, $0x0, v6;
	v42 =	vadd.s32 v41, v16;
	s8 =	sadd.s32 s21, s29;
	v16 =	vadd.s32 v48, v43  }
0x144: {  	vm9 =	veq.s32 v9, $0x6;
	v15 =	vadd.s32 v44, v42;
	v44 =	vmov s8  }
0x145: {  	s22 =	spop (v2sf);
	v2 =	vadd.s32 v2, v3;
	v16 =	vadd.s32 v47, v16;
	(xrf0) =	vadd.scan.msk.s32 $0xffff, v40;
	v17 =	vadd.s32 $0xFFFFFFFF, v44  }
0x146: {  	s23 =	sadd.s32 s22, s31;
	v47 =	vadd.s32 v53, v46;
	v54 =	vsel vm9, $0x1, v8;
	v17 =	vbroadcast v17, $0x0  }
0x147: {  	v2 =	vadd.s32 v6, v2;
	v45 =	vmov s23;
	v12 =	vadd.s32 v12, v16;
	v48, _, _ =	vpop (xrf0)  }
0x148: {  	v11 =	vadd.s32 v11, v47;
	v18 =	vadd.s32 $0xFFFFFFFF, v45;
	v52 =	vadd.s32 v48, v17  }
0x149: {  	v12 =	vadd.s32 v51, v12;
	v16 =	vnsel vm2, $0x0, v52;
	vm2 =	veq.s32 v9, $0x7  }
0x14a: {  	(xrf0) =	vadd.scan.msk.s32 $0xffff, v54;
	v9 =	vadd.s32 v57, v11;
	v11 =	vadd.s32 v61, v59;
	v57 =	vsel vm2, $0x1, v8  }
0x14b: {  	s24 =	spop (v2sf);
	v18 =	vbroadcast v18, $0x0;
	v12 =	vadd.s32 v49, v12;
	v53, _, _ =	vpop (xrf0);
	v11 =	vadd.s32 v60, v11;
	(xrf0) =	vadd.scan.msk.s32 $0xffff, v57  }
0x14c: {  	[sflag:s5] =	ssyncset.done @!p2 $0x0;
	s6 =	sadd.s32 s24, s6;
	v12 =	vadd.s32 v50, v12;
	s25 =	spop (v2sf);
	v9 =	vadd.s32 v56, v9;
	v10 =	vadd.s32 v10, v11  }
0x14d: {  	[sflag:s5] =	ssyncadd.s32 @!p2 $0xFFFFFF80;
	s26 =	sadd.s32 s25, s7;
	v9 =	vadd.s32 v55, v9;
	v1 =	vadd.s32 v1, v10;
	v10 =	vmov s6  }
0x14e: {  	[tilespmem:$0x2000] =	vst v5;
	v59 =	vmov s26;
	v9 =	vadd.s32 v58, v9;
	v58 =	vadd.s32 $0xFFFFFFFF, v10  }
0x14f: {  	[tilespmem:$0x2010] =	vst v7;
	v17 =	vadd.s32 v53, v18;
	v60 =	vadd.s32 $0xFFFFFFFF, v59;
	v3 =	vbroadcast v58, $0x0  }
0x150: {  	[tilespmem:$0x2020] =	vst v14;
	v17 =	vnsel vm10, $0x0, v17;
	v4 =	vbroadcast v60, $0x0;
	v61, _, _ =	vpop (xrf0);
	v1 =	vadd.s32 v62, v1  }
0x151: {  	[tilespmem:$0x2030] =	vst v15;
	v2 =	vadd.s32 v16, v2;
	v1 =	vadd.s32 v63, v1;
	v3 =	vadd.s32 v61, v3;
	v63, _, _ =	vpop (xrf0)  }
0x152: {  	[tilespmem:$0x2080] =	vst v12;
	v2 =	vadd.s32 v17, v2;
	v3 =	vnsel vm9, $0x0, v3;
	v4 =	vadd.s32 v63, v4  }
0x153: {  	[tilespmem:$0x2090] =	vst v9;
	v1 =	vadd.s32 v13, v1;
	v2 =	vadd.s32 v3, v2;
	v3 =	vnsel vm2, $0x0, v4  }
0x154: {  	s28 =	rddreg [dreg:$0x7];
	[tilespmem:$0x20A0] =	vst v1;
	v1 =	vadd.s32 v3, v2  }
0x155: {  	s29 =	rddreg [dreg:$0x8];
	[tilespmem:$0x20B0] =	vst v1  }
0x156: {  	[hbm4b:s28+s2] =	stream.linear.scatter [tilespmem:s29], [sflag:$0x1], $0x40, $0x38;
	[tilespmem:$0x3180] =	vst v63  }
0x157: {  	s3 =	sadd.s32 $0xFFFFFFFF, s3;
	_ =	swait.ge [sflag:s4], $0x40  }
0x158: {  	p4 =	sne.s32 s3, $0x0;
	s30 =	rddreg [dreg:$0x9];
	[sflag:s4] =	ssyncset.done $0x0  }
.Ltmp0:
0x159: {  	s31 =	rddreg [dreg:$0xa];
	[sflag:s4] =	ssyncadd.s32 $0xFFFFFFC0;
	(pc) =	sbr.rel @p4 .LBB2_1-.Ltmp0, $4  }
0x15a: {  	[hbm4b:s30+s2] =	stream.linear.scatter [tilespmem:s31], [sflag:$0x1], $0x40, $0x38;
	[tilespmem:$0x3180] =	vst v63  }
0x15b: {  	_ =	swait.ge [sflag:s4], $0x40  }
0x15c: {  	[sflag:s4] =	ssyncset.done $0x0  }
0x15d: {  	[sflag:s4] =	ssyncadd.s32 $0xFFFFFFC0  }
0x15e: {  	_ =	sfence.sel $0x180000  }
0x15f: {  	[bflag:$0x0] =	sbarrier.arrive $0xFFFF  }
0x160: {  	p0 =	sne.s32 s1, $0x0;
	_ =	strace $0x90000047  }
0x161: {  	s0 =	sadd.s32 @!p0 $0x100000, s0;
	[bflag:$0x2] =	sbarrier.arrive $0xFFFF  }
0x162: {  	[sflag:s0] =	ssyncadd.tile.s32 @!p0 $0x1;
	_ =	shalt  }
.Lfunc_end2:
_tile_overlayer_lowered:
.L_overlay_start_2:
0x163: {  	(tag) =	ssettag $0x2  }
0x164: {  	s0 =	rddreg [dreg:$0x0];
	s2 =	stileid.u32  }
0x165: {  	s1 =	rddreg [dreg:$0x1];
	p0 =	sne.s32 s2, $0x0  }
0x166: {  	s3 =	rddreg [dreg:$0x2];
	[bflag:$0x3] =	sbarrier.arrive $0xFFFF;
	s2 =	simm.s32 @!p0 $0x1C01  }
0x167: {  	[timem:s3], [sflag:s2] =	dma.local @!p0 [hbm:s0], s1  }
0x168: {  	s0 =	simm.s32 @!p0 $0x1  }
0x169: {  	_ =	swait.ge @!p0 [sflag:s0], s1  }
0x16a: {  	s1 =	ssub.s32 @!p0 $0x0, s1;
	[sflag:s0] =	ssyncset.done @!p0 $0x0  }
0x16b: {  	[sflag:s0] =	ssyncadd.s32 @!p0 s1  }
0x16c: {  	[bflag:$0x3] =	sbarrier.arrive $0xFFFF  }
0x16d: {  	_ =	shalt  }

</sc_bundles>
